<compile_context>
chip_gen: v7x
topology: tpu7x:2x2x1
jax: 0.10.2.dev20260603
libtpu: 0.0.44.dev20260713+nightly
codegen_flags: <defaults>
</compile_context>

<pallas_src>
import functools

import jax
import jax.numpy as jnp
from jax import lax
from jax.experimental import pallas as pl
from jax.experimental.pallas import tpu as pltpu
from jax.experimental.pallas import tpu_sc as plsc

_REFILL_PROBABILITY = 0.5

_NC, _NS, _L = 2, 16, 16
_NW = _NC * _NS


def _take16(vec, idx):
    return vec.at[idx].get(mode="promise_in_bounds")


def _make_sc(B, A):
    PER_R = B // _NW
    CH_R = 8
    NCH = PER_R // CH_R
    AW = A // 4
    assert NCH >= 4 and NCH % 2 == 0 and PER_R % CH_R == 0 and A % 64 == 0

    mesh = plsc.VectorSubcoreMesh(core_axis_name="c", subcore_axis_name="s")

    def body(sup_h, cap_h, eq_h, wds_h, rand_h, tb_h, out_h,
             sup_v, cap_v, eq_v, wds_v, rand_v, out_v, tb_v,
             sin0, sin1, sot0, sot1):
        wid = lax.axis_index("c") * _NS + lax.axis_index("s")
        base = wid * PER_R
        pltpu.sync_copy(tb_h, tb_v)

        sins = (sin0, sin1)
        sots = (sot0, sot1)

        def in_copies(c, b):
            off = base + c * CH_R
            sem = sins[b]
            return (
                pltpu.make_async_copy(sup_h.at[pl.ds(off, CH_R)], sup_v.at[b], sem),
                pltpu.make_async_copy(cap_h.at[pl.ds(off, CH_R)], cap_v.at[b], sem),
                pltpu.make_async_copy(eq_h.at[pl.ds(off, CH_R)], eq_v.at[b], sem),
                pltpu.make_async_copy(rand_h.at[pl.ds(off, CH_R)], rand_v.at[b], sem),
                pltpu.make_async_copy(wds_h.at[pl.ds(off, CH_R)], wds_v.at[b], sem),
            )

        def out_copy(c, b):
            off = base + c * CH_R
            return pltpu.make_async_copy(out_v.at[b],
                                         out_h.at[pl.ds(off, CH_R)], sots[b])

        def issue_in(c, b):
            for cp in in_copies(c, b):
                cp.start()

        def wait_in(c, b):
            for cp in in_copies(c, b):
                cp.wait()

        def compute(b):
            tbv = tb_v[...]

            @plsc.parallel_loop(0, CH_R * (AW // 16), unroll=2)
            def inner(j):
                r = j >> 4
                g = j & 15
                w = wds_v[b, r, pl.ds(g * 16, 16)]
                for q in range(4):
                    col = q * AW + g * 16
                    mbit = w & (1 << (8 * q))
                    rnd = rand_v[b, r, pl.ds(col, 16)]
                    m = jnp.logical_and(mbit != 0,
                                        rnd < _REFILL_PROBABILITY)
                    bon = _take16(tbv, eq_v[b, r, pl.ds(col, 16)])
                    out_v[b, r, pl.ds(col, 16)] = jnp.where(
                        m, cap_v[b, r, pl.ds(col, 16)] + bon,
                        sup_v[b, r, pl.ds(col, 16)])

        issue_in(0, 0)
        issue_in(1, 1)
        for c in (0, 1):
            wait_in(c, c)
            compute(c)
            out_copy(c, c).start()
            issue_in(c + 2, c)

        def step(t, carry):
            j = 2 + 2 * t
            for b in range(2):
                c = j + b
                out_copy(c - 2, b).wait()
                wait_in(c, b)
                compute(b)
                out_copy(c, b).start()
                issue_in(c + 2, b)
            return carry

        if NCH > 4:
            lax.fori_loop(0, (NCH - 4) // 2, step, 0)

        for b in range(2):
            c = NCH - 2 + b
            out_copy(c - 2, b).wait()
            wait_in(c, b)
            compute(b)
            out_copy(c, b).start()
        for b in range(2):
            out_copy(NCH - 2 + b, b).wait()

    kern = functools.partial(
        pl.kernel,
        mesh=mesh,
        out_type=jax.ShapeDtypeStruct((B, A), jnp.float32),
        scratch_types=[
            pltpu.VMEM((2, CH_R, A), jnp.float32),
            pltpu.VMEM((2, CH_R, A), jnp.float32),
            pltpu.VMEM((2, CH_R, A), jnp.int32),
            pltpu.VMEM((2, CH_R, AW), jnp.int32),
            pltpu.VMEM((2, CH_R, A), jnp.float32),
            pltpu.VMEM((2, CH_R, A), jnp.float32),
            pltpu.VMEM((_L,), jnp.float32),
            pltpu.SemaphoreType.DMA,
            pltpu.SemaphoreType.DMA,
            pltpu.SemaphoreType.DMA,
            pltpu.SemaphoreType.DMA,
        ],
    )(body)
    return kern


def kernel(suppressants, capacity, equipment, refilled_suppressants,
           randomness_source, equipment_bonuses):
    B, A = suppressants.shape
    AW = A // 4
    words = (refilled_suppressants[:, :AW].astype(jnp.int32)
             | (refilled_suppressants[:, AW:2 * AW].astype(jnp.int32) << 8)
             | (refilled_suppressants[:, 2 * AW:3 * AW].astype(jnp.int32) << 16)
             | (refilled_suppressants[:, 3 * AW:].astype(jnp.int32) << 24))
    tb = jnp.concatenate(
        [equipment_bonuses.astype(jnp.float32),
         jnp.zeros((_L - equipment_bonuses.shape[0],), jnp.float32)])
    return _make_sc(B, A)(suppressants, capacity, equipment, words,
                          randomness_source, tb)

# --- scband reference (transcript-rebuilt; emitter-appended) ---
"""Pipeline reference for scband-suppressant-refill-transition-90778428768806 (READ-ONLY COPY).

The authoritative reference and input builder live on the scoring server;
editing this copy changes nothing except your own understanding.
"""

import jax, jax.numpy as jnp
import numpy as np

B, A = 16384, 1024
REFILL_PROBABILITY = 0.5
STOCHASTIC_REFILL = True


def setup_inputs(seed: int = 0) -> dict:
    key = jax.random.key(seed)
    ks = jax.random.split(key, 5)
    suppressants = jax.random.uniform(ks[0], (B, A), dtype=jnp.float32) * 5.0
    capacity = jax.random.uniform(ks[1], (B, A), dtype=jnp.float32) * 5.0 + 5.0
    equipment = jax.random.randint(ks[2], (B, A), 0, 3, dtype=jnp.int32)
    refilled_suppressants = jax.random.randint(ks[3], (B, A), 0, 2, dtype=jnp.int32) > 0
    randomness_source = jax.random.uniform(ks[4], (B, A), dtype=jnp.float32)
    # buffer from __init__ (equipment state -> bonus)
    equipment_bonuses = jnp.array([0.0, 0.25, 0.5], dtype=jnp.float32)
    return {
        "suppressants": suppressants,
        "capacity": capacity,
        "equipment": equipment,
        "refilled_suppressants": refilled_suppressants,
        "randomness_source": randomness_source,
        "equipment_bonuses": equipment_bonuses,
    }


def reference(suppressants, capacity, equipment, refilled_suppressants, randomness_source, equipment_bonuses):
    # self._reset_buffers(); self.increase_mask[refilled_suppressants] = True
    increase_mask = refilled_suppressants
    # stochastic refill gating
    if STOCHASTIC_REFILL:
        increase_mask = jnp.logical_and(increase_mask, randomness_source < REFILL_PROBABILITY)
    # equipment_states = state.equipment.flatten().unsqueeze(1)
    eq_flat = equipment.reshape(-1)
    # gather bonuses per-agent: self.equipment_bonuses[equipment_states].reshape(B, -1)
    bonuses = jnp.take(equipment_bonuses, eq_flat, axis=0).reshape(increase_mask.shape[0], -1)
    # state.suppressants[mask] = capacity[mask]; state.suppressants[mask] += bonuses[mask]
    new_suppressants = jnp.where(increase_mask, capacity + bonuses, suppressants)
    return new_suppressants

if __name__ == "__main__":
    import jax
    _d = setup_inputs()
    print(jax.jit(kernel)(*tuple(_d.values())))

</pallas_src>

<mosaic_0001>
#map = affine_map<(d0, d1) -> (0, 0)>
#map1 = affine_map<(d0, d1) -> (0)>
module attributes {stable_mosaic.version = 14 : i64} {
  func.func @body(%arg0: i32, %arg1: i32, %arg2: memref<16384x1024xf32, #tpu.memory_space<hbm>>, %arg3: memref<16384x1024xf32, #tpu.memory_space<hbm>>, %arg4: memref<16384x1024xi32, #tpu.memory_space<hbm>>, %arg5: memref<16384x256xi32, #tpu.memory_space<hbm>>, %arg6: memref<16384x1024xf32, #tpu.memory_space<hbm>>, %arg7: memref<16xf32, #tpu.memory_space<hbm>>, %arg8: memref<16384x1024xf32, #tpu.memory_space<hbm>>, %arg9: memref<2x8x1024xf32, #tpu.memory_space<vmem>>, %arg10: memref<2x8x1024xf32, #tpu.memory_space<vmem>>, %arg11: memref<2x8x1024xi32, #tpu.memory_space<vmem>>, %arg12: memref<2x8x256xi32, #tpu.memory_space<vmem>>, %arg13: memref<2x8x1024xf32, #tpu.memory_space<vmem>>, %arg14: memref<2x8x1024xf32, #tpu.memory_space<vmem>>, %arg15: memref<16xf32, #tpu.memory_space<vmem>>, %arg16: memref<!tpu.dma_semaphore, #tpu.memory_space<semaphore_mem>>, %arg17: memref<!tpu.dma_semaphore, #tpu.memory_space<semaphore_mem>>, %arg18: memref<!tpu.dma_semaphore, #tpu.memory_space<semaphore_mem>>, %arg19: memref<!tpu.dma_semaphore, #tpu.memory_space<semaphore_mem>>) attributes {dimension_semantics = [#tpu.dimension_semantics<core_parallel>, #tpu.dimension_semantics<subcore_parallel>], iteration_bounds = array<i64: 2, 16>, scalar_prefetch = 0 : i64, scratch_operands = 11 : i64, tpu.core_type = #tpu.core_type<sc_vector_subcore>, window_params = [{transform_indices = #map}, {transform_indices = #map}, {transform_indices = #map}, {transform_indices = #map}, {transform_indices = #map}, {transform_indices = #map1}, {transform_indices = #map}]} {
    %mul3A = arith.constant 16 : i32
    %mul3A_0 = arith.muli %arg0, %mul3A : i32
    %add3A = arith.addi %mul3A_0, %arg1 : i32
    %mul3A_1 = arith.constant 512 : i32
    %mul3A_2 = arith.muli %add3A, %mul3A_1 : i32
    "tpu.region"() ({
      %run_scoped3A = tpu.sem_alloc : memref<!tpu.dma_semaphore, #tpu.memory_space<semaphore_mem>>
      tpu.enqueue_dma source(%arg7 : memref<16xf32, #tpu.memory_space<hbm>>) target(%arg15 : memref<16xf32, #tpu.memory_space<vmem>>) target_semaphore(%run_scoped3A : memref<!tpu.dma_semaphore, #tpu.memory_space<semaphore_mem>>)
      tpu.wait_dma2 semaphore(%run_scoped3A : memref<!tpu.dma_semaphore, #tpu.memory_space<semaphore_mem>>) src(%arg7 : memref<16xf32, #tpu.memory_space<hbm>>) dst(%arg15 : memref<16xf32, #tpu.memory_space<vmem>>)
      tpu.yield
    }) : () -> ()
    %add3A_3 = arith.constant 0 : i32
    %add3A_4 = arith.addi %mul3A_2, %add3A_3 : i32
    %dma_start3A = arith.constant 0 : i32
    %dma_start3A_5 = arith.constant 0 : i32
    %dma_start3A_6 = arith.constant 0 : i32
    %dma_start3A_7 = tpu.memref_slice %arg9[%dma_start3A, %dma_start3A_5, %dma_start3A_6] : memref<2x8x1024xf32, #tpu.memory_space<vmem>> -> memref<1x8x1024xf32, #tpu.memory_space<vmem>>
    %dma_start3A_8 = tpu.memref_squeeze %dma_start3A_7 : memref<1x8x1024xf32, #tpu.memory_space<vmem>> -> memref<8x1024xf32, #tpu.memory_space<vmem>>
    %dma_start3A_9 = arith.constant 0 : i32
    %dma_start3A_10 = tpu.memref_slice %arg2[%add3A_4, %dma_start3A_9] : memref<16384x1024xf32, #tpu.memory_space<hbm>> -> memref<8x1024xf32, #tpu.memory_space<hbm>>
    %dma_start3A_11 = arith.constant 0 : i32
    %dma_start3A_12 = arith.constant 0 : i32
    %dma_start3A_13 = tpu.memref_slice %arg9[%dma_start3A, %dma_start3A_11, %dma_start3A_12] : memref<2x8x1024xf32, #tpu.memory_space<vmem>> -> memref<1x8x1024xf32, #tpu.memory_space<vmem>>
    %dma_start3A_14 = tpu.memref_squeeze %dma_start3A_13 : memref<1x8x1024xf32, #tpu.memory_space<vmem>> -> memref<8x1024xf32, #tpu.memory_space<vmem>>
    %dma_start3A_15 = arith.constant 0 : i32
    %dma_start3A_16 = tpu.memref_slice %arg2[%add3A_4, %dma_start3A_15] : memref<16384x1024xf32, #tpu.memory_space<hbm>> -> memref<8x1024xf32, #tpu.memory_space<hbm>>
    tpu.enqueue_dma source(%dma_start3A_16 : memref<8x1024xf32, #tpu.memory_space<hbm>>) target(%dma_start3A_14 : memref<8x1024xf32, #tpu.memory_space<vmem>>) target_semaphore(%arg16 : memref<!tpu.dma_semaphore, #tpu.memory_space<semaphore_mem>>)
    %dma_start3A_17 = arith.constant 0 : i32
    %dma_start3A_18 = arith.constant 0 : i32
    %dma_start3A_19 = arith.constant 0 : i32
    %dma_start3A_20 = tpu.memref_slice %arg10[%dma_start3A_17, %dma_start3A_18, %dma_start3A_19] : memref<2x8x1024xf32, #tpu.memory_space<vmem>> -> memref<1x8x1024xf32, #tpu.memory_space<vmem>>
    %dma_start3A_21 = tpu.memref_squeeze %dma_start3A_20 : memref<1x8x1024xf32, #tpu.memory_space<vmem>> -> memref<8x1024xf32, #tpu.memory_space<vmem>>
    %dma_start3A_22 = arith.constant 0 : i32
    %dma_start3A_23 = tpu.memref_slice %arg3[%add3A_4, %dma_start3A_22] : memref<16384x1024xf32, #tpu.memory_space<hbm>> -> memref<8x1024xf32, #tpu.memory_space<hbm>>
    %dma_start3A_24 = arith.constant 0 : i32
    %dma_start3A_25 = arith.constant 0 : i32
    %dma_start3A_26 = tpu.memref_slice %arg10[%dma_start3A_17, %dma_start3A_24, %dma_start3A_25] : memref<2x8x1024xf32, #tpu.memory_space<vmem>> -> memref<1x8x1024xf32, #tpu.memory_space<vmem>>
    %dma_start3A_27 = tpu.memref_squeeze %dma_start3A_26 : memref<1x8x1024xf32, #tpu.memory_space<vmem>> -> memref<8x1024xf32, #tpu.memory_space<vmem>>
    %dma_start3A_28 = arith.constant 0 : i32
    %dma_start3A_29 = tpu.memref_slice %arg3[%add3A_4, %dma_start3A_28] : memref<16384x1024xf32, #tpu.memory_space<hbm>> -> memref<8x1024xf32, #tpu.memory_space<hbm>>
    tpu.enqueue_dma source(%dma_start3A_29 : memref<8x1024xf32, #tpu.memory_space<hbm>>) target(%dma_start3A_27 : memref<8x1024xf32, #tpu.memory_space<vmem>>) target_semaphore(%arg16 : memref<!tpu.dma_semaphore, #tpu.memory_space<semaphore_mem>>)
    %dma_start3A_30 = arith.constant 0 : i32
    %dma_start3A_31 = arith.constant 0 : i32
    %dma_start3A_32 = arith.constant 0 : i32
    %dma_start3A_33 = tpu.memref_slice %arg11[%dma_start3A_30, %dma_start3A_31, %dma_start3A_32] : memref<2x8x1024xi32, #tpu.memory_space<vmem>> -> memref<1x8x1024xi32, #tpu.memory_space<vmem>>
    %dma_start3A_34 = tpu.memref_squeeze %dma_start3A_33 : memref<1x8x1024xi32, #tpu.memory_space<vmem>> -> memref<8x1024xi32, #tpu.memory_space<vmem>>
    %dma_start3A_35 = arith.constant 0 : i32
    %dma_start3A_36 = tpu.memref_slice %arg4[%add3A_4, %dma_start3A_35] : memref<16384x1024xi32, #tpu.memory_space<hbm>> -> memref<8x1024xi32, #tpu.memory_space<hbm>>
    %dma_start3A_37 = arith.constant 0 : i32
    %dma_start3A_38 = arith.constant 0 : i32
    %dma_start3A_39 = tpu.memref_slice %arg11[%dma_start3A_30, %dma_start3A_37, %dma_start3A_38] : memref<2x8x1024xi32, #tpu.memory_space<vmem>> -> memref<1x8x1024xi32, #tpu.memory_space<vmem>>
    %dma_start3A_40 = tpu.memref_squeeze %dma_start3A_39 : memref<1x8x1024xi32, #tpu.memory_space<vmem>> -> memref<8x1024xi32, #tpu.memory_space<vmem>>
    %dma_start3A_41 = arith.constant 0 : i32
    %dma_start3A_42 = tpu.memref_slice %arg4[%add3A_4, %dma_start3A_41] : memref<16384x1024xi32, #tpu.memory_space<hbm>> -> memref<8x1024xi32, #tpu.memory_space<hbm>>
    tpu.enqueue_dma source(%dma_start3A_42 : memref<8x1024xi32, #tpu.memory_space<hbm>>) target(%dma_start3A_40 : memref<8x1024xi32, #tpu.memory_space<vmem>>) target_semaphore(%arg16 : memref<!tpu.dma_semaphore, #tpu.memory_space<semaphore_mem>>)
    %dma_start3A_43 = arith.constant 0 : i32
    %dma_start3A_44 = arith.constant 0 : i32
    %dma_start3A_45 = arith.constant 0 : i32
    %dma_start3A_46 = tpu.memref_slice %arg13[%dma_start3A_43, %dma_start3A_44, %dma_start3A_45] : memref<2x8x1024xf32, #tpu.memory_space<vmem>> -> memref<1x8x1024xf32, #tpu.memory_space<vmem>>
    %dma_start3A_47 = tpu.memref_squeeze %dma_start3A_46 : memref<1x8x1024xf32, #tpu.memory_space<vmem>> -> memref<8x1024xf32, #tpu.memory_space<vmem>>
    %dma_start3A_48 = arith.constant 0 : i32
    %dma_start3A_49 = tpu.memref_slice %arg6[%add3A_4, %dma_start3A_48] : memref<16384x1024xf32, #tpu.memory_space<hbm>> -> memref<8x1024xf32, #tpu.memory_space<hbm>>
    %dma_start3A_50 = arith.constant 0 : i32
    %dma_start3A_51 = arith.constant 0 : i32
    %dma_start3A_52 = tpu.memref_slice %arg13[%dma_start3A_43, %dma_start3A_50, %dma_start3A_51] : memref<2x8x1024xf32, #tpu.memory_space<vmem>> -> memref<1x8x1024xf32, #tpu.memory_space<vmem>>
    %dma_start3A_53 = tpu.memref_squeeze %dma_start3A_52 : memref<1x8x1024xf32, #tpu.memory_space<vmem>> -> memref<8x1024xf32, #tpu.memory_space<vmem>>
    %dma_start3A_54 = arith.constant 0 : i32
    %dma_start3A_55 = tpu.memref_slice %arg6[%add3A_4, %dma_start3A_54] : memref<16384x1024xf32, #tpu.memory_space<hbm>> -> memref<8x1024xf32, #tpu.memory_space<hbm>>
    tpu.enqueue_dma source(%dma_start3A_55 : memref<8x1024xf32, #tpu.memory_space<hbm>>) target(%dma_start3A_53 : memref<8x1024xf32, #tpu.memory_space<vmem>>) target_semaphore(%arg16 : memref<!tpu.dma_semaphore, #tpu.memory_space<semaphore_mem>>)
    %dma_start3A_56 = arith.constant 0 : i32
    %dma_start3A_57 = arith.constant 0 : i32
    %dma_start3A_58 = arith.constant 0 : i32
    %dma_start3A_59 = tpu.memref_slice %arg12[%dma_start3A_56, %dma_start3A_57, %dma_start3A_58] : memref<2x8x256xi32, #tpu.memory_space<vmem>> -> memref<1x8x256xi32, #tpu.memory_space<vmem>>
    %dma_start3A_60 = tpu.memref_squeeze %dma_start3A_59 : memref<1x8x256xi32, #tpu.memory_space<vmem>> -> memref<8x256xi32, #tpu.memory_space<vmem>>
    %dma_start3A_61 = arith.constant 0 : i32
    %dma_start3A_62 = tpu.memref_slice %arg5[%add3A_4, %dma_start3A_61] : memref<16384x256xi32, #tpu.memory_space<hbm>> -> memref<8x256xi32, #tpu.memory_space<hbm>>
    %dma_start3A_63 = arith.constant 0 : i32
    %dma_start3A_64 = arith.constant 0 : i32
    %dma_start3A_65 = tpu.memref_slice %arg12[%dma_start3A_56, %dma_start3A_63, %dma_start3A_64] : memref<2x8x256xi32, #tpu.memory_space<vmem>> -> memref<1x8x256xi32, #tpu.memory_space<vmem>>
    %dma_start3A_66 = tpu.memref_squeeze %dma_start3A_65 : memref<1x8x256xi32, #tpu.memory_space<vmem>> -> memref<8x256xi32, #tpu.memory_space<vmem>>
    %dma_start3A_67 = arith.constant 0 : i32
    %dma_start3A_68 = tpu.memref_slice %arg5[%add3A_4, %dma_start3A_67] : memref<16384x256xi32, #tpu.memory_space<hbm>> -> memref<8x256xi32, #tpu.memory_space<hbm>>
    tpu.enqueue_dma source(%dma_start3A_68 : memref<8x256xi32, #tpu.memory_space<hbm>>) target(%dma_start3A_66 : memref<8x256xi32, #tpu.memory_space<vmem>>) target_semaphore(%arg16 : memref<!tpu.dma_semaphore, #tpu.memory_space<semaphore_mem>>)
    %add3A_69 = arith.constant 8 : i32
    %add3A_70 = arith.addi %mul3A_2, %add3A_69 : i32
    %dma_start3A_71 = arith.constant 1 : i32
    %dma_start3A_72 = arith.constant 0 : i32
    %dma_start3A_73 = arith.constant 0 : i32
    %dma_start3A_74 = tpu.memref_slice %arg9[%dma_start3A_71, %dma_start3A_72, %dma_start3A_73] : memref<2x8x1024xf32, #tpu.memory_space<vmem>> -> memref<1x8x1024xf32, #tpu.memory_space<vmem>>
    %dma_start3A_75 = tpu.memref_squeeze %dma_start3A_74 : memref<1x8x1024xf32, #tpu.memory_space<vmem>> -> memref<8x1024xf32, #tpu.memory_space<vmem>>
    %dma_start3A_76 = arith.constant 0 : i32
    %dma_start3A_77 = tpu.memref_slice %arg2[%add3A_70, %dma_start3A_76] : memref<16384x1024xf32, #tpu.memory_space<hbm>> -> memref<8x1024xf32, #tpu.memory_space<hbm>>
    %dma_start3A_78 = arith.constant 0 : i32
    %dma_start3A_79 = arith.constant 0 : i32
    %dma_start3A_80 = tpu.memref_slice %arg9[%dma_start3A_71, %dma_start3A_78, %dma_start3A_79] : memref<2x8x1024xf32, #tpu.memory_space<vmem>> -> memref<1x8x1024xf32, #tpu.memory_space<vmem>>
    %dma_start3A_81 = tpu.memref_squeeze %dma_start3A_80 : memref<1x8x1024xf32, #tpu.memory_space<vmem>> -> memref<8x1024xf32, #tpu.memory_space<vmem>>
    %dma_start3A_82 = arith.constant 0 : i32
    %dma_start3A_83 = tpu.memref_slice %arg2[%add3A_70, %dma_start3A_82] : memref<16384x1024xf32, #tpu.memory_space<hbm>> -> memref<8x1024xf32, #tpu.memory_space<hbm>>
    tpu.enqueue_dma source(%dma_start3A_83 : memref<8x1024xf32, #tpu.memory_space<hbm>>) target(%dma_start3A_81 : memref<8x1024xf32, #tpu.memory_space<vmem>>) target_semaphore(%arg17 : memref<!tpu.dma_semaphore, #tpu.memory_space<semaphore_mem>>)
    %dma_start3A_84 = arith.constant 1 : i32
    %dma_start3A_85 = arith.constant 0 : i32
    %dma_start3A_86 = arith.constant 0 : i32
    %dma_start3A_87 = tpu.memref_slice %arg10[%dma_start3A_84, %dma_start3A_85, %dma_start3A_86] : memref<2x8x1024xf32, #tpu.memory_space<vmem>> -> memref<1x8x1024xf32, #tpu.memory_space<vmem>>
    %dma_start3A_88 = tpu.memref_squeeze %dma_start3A_87 : memref<1x8x1024xf32, #tpu.memory_space<vmem>> -> memref<8x1024xf32, #tpu.memory_space<vmem>>
    %dma_start3A_89 = arith.constant 0 : i32
    %dma_start3A_90 = tpu.memref_slice %arg3[%add3A_70, %dma_start3A_89] : memref<16384x1024xf32, #tpu.memory_space<hbm>> -> memref<8x1024xf32, #tpu.memory_space<hbm>>
    %dma_start3A_91 = arith.constant 0 : i32
    %dma_start3A_92 = arith.constant 0 : i32
    %dma_start3A_93 = tpu.memref_slice %arg10[%dma_start3A_84, %dma_start3A_91, %dma_start3A_92] : memref<2x8x1024xf32, #tpu.memory_space<vmem>> -> memref<1x8x1024xf32, #tpu.memory_space<vmem>>
    %dma_start3A_94 = tpu.memref_squeeze %dma_start3A_93 : memref<1x8x1024xf32, #tpu.memory_space<vmem>> -> memref<8x1024xf32, #tpu.memory_space<vmem>>
    %dma_start3A_95 = arith.constant 0 : i32
    %dma_start3A_96 = tpu.memref_slice %arg3[%add3A_70, %dma_start3A_95] : memref<16384x1024xf32, #tpu.memory_space<hbm>> -> memref<8x1024xf32, #tpu.memory_space<hbm>>
    tpu.enqueue_dma source(%dma_start3A_96 : memref<8x1024xf32, #tpu.memory_space<hbm>>) target(%dma_start3A_94 : memref<8x1024xf32, #tpu.memory_space<vmem>>) target_semaphore(%arg17 : memref<!tpu.dma_semaphore, #tpu.memory_space<semaphore_mem>>)
    %dma_start3A_97 = arith.constant 1 : i32
    %dma_start3A_98 = arith.constant 0 : i32
    %dma_start3A_99 = arith.constant 0 : i32
    %dma_start3A_100 = tpu.memref_slice %arg11[%dma_start3A_97, %dma_start3A_98, %dma_start3A_99] : memref<2x8x1024xi32, #tpu.memory_space<vmem>> -> memref<1x8x1024xi32, #tpu.memory_space<vmem>>
    %dma_start3A_101 = tpu.memref_squeeze %dma_start3A_100 : memref<1x8x1024xi32, #tpu.memory_space<vmem>> -> memref<8x1024xi32, #tpu.memory_space<vmem>>
    %dma_start3A_102 = arith.constant 0 : i32
    %dma_start3A_103 = tpu.memref_slice %arg4[%add3A_70, %dma_start3A_102] : memref<16384x1024xi32, #tpu.memory_space<hbm>> -> memref<8x1024xi32, #tpu.memory_space<hbm>>
    %dma_start3A_104 = arith.constant 0 : i32
    %dma_start3A_105 = arith.constant 0 : i32
    %dma_start3A_106 = tpu.memref_slice %arg11[%dma_start3A_97, %dma_start3A_104, %dma_start3A_105] : memref<2x8x1024xi32, #tpu.memory_space<vmem>> -> memref<1x8x1024xi32, #tpu.memory_space<vmem>>
    %dma_start3A_107 = tpu.memref_squeeze %dma_start3A_106 : memref<1x8x1024xi32, #tpu.memory_space<vmem>> -> memref<8x1024xi32, #tpu.memory_space<vmem>>
    %dma_start3A_108 = arith.constant 0 : i32
    %dma_start3A_109 = tpu.memref_slice %arg4[%add3A_70, %dma_start3A_108] : memref<16384x1024xi32, #tpu.memory_space<hbm>> -> memref<8x1024xi32, #tpu.memory_space<hbm>>
    tpu.enqueue_dma source(%dma_start3A_109 : memref<8x1024xi32, #tpu.memory_space<hbm>>) target(%dma_start3A_107 : memref<8x1024xi32, #tpu.memory_space<vmem>>) target_semaphore(%arg17 : memref<!tpu.dma_semaphore, #tpu.memory_space<semaphore_mem>>)
    %dma_start3A_110 = arith.constant 1 : i32
    %dma_start3A_111 = arith.constant 0 : i32
    %dma_start3A_112 = arith.constant 0 : i32
    %dma_start3A_113 = tpu.memref_slice %arg13[%dma_start3A_110, %dma_start3A_111, %dma_start3A_112] : memref<2x8x1024xf32, #tpu.memory_space<vmem>> -> memref<1x8x1024xf32, #tpu.memory_space<vmem>>
    %dma_start3A_114 = tpu.memref_squeeze %dma_start3A_113 : memref<1x8x1024xf32, #tpu.memory_space<vmem>> -> memref<8x1024xf32, #tpu.memory_space<vmem>>
    %dma_start3A_115 = arith.constant 0 : i32
    %dma_start3A_116 = tpu.memref_slice %arg6[%add3A_70, %dma_start3A_115] : memref<16384x1024xf32, #tpu.memory_space<hbm>> -> memref<8x1024xf32, #tpu.memory_space<hbm>>
    %dma_start3A_117 = arith.constant 0 : i32
    %dma_start3A_118 = arith.constant 0 : i32
    %dma_start3A_119 = tpu.memref_slice %arg13[%dma_start3A_110, %dma_start3A_117, %dma_start3A_118] : memref<2x8x1024xf32, #tpu.memory_space<vmem>> -> memref<1x8x1024xf32, #tpu.memory_space<vmem>>
    %dma_start3A_120 = tpu.memref_squeeze %dma_start3A_119 : memref<1x8x1024xf32, #tpu.memory_space<vmem>> -> memref<8x1024xf32, #tpu.memory_space<vmem>>
    %dma_start3A_121 = arith.constant 0 : i32
    %dma_start3A_122 = tpu.memref_slice %arg6[%add3A_70, %dma_start3A_121] : memref<16384x1024xf32, #tpu.memory_space<hbm>> -> memref<8x1024xf32, #tpu.memory_space<hbm>>
    tpu.enqueue_dma source(%dma_start3A_122 : memref<8x1024xf32, #tpu.memory_space<hbm>>) target(%dma_start3A_120 : memref<8x1024xf32, #tpu.memory_space<vmem>>) target_semaphore(%arg17 : memref<!tpu.dma_semaphore, #tpu.memory_space<semaphore_mem>>)
    %dma_start3A_123 = arith.constant 1 : i32
    %dma_start3A_124 = arith.constant 0 : i32
    %dma_start3A_125 = arith.constant 0 : i32
    %dma_start3A_126 = tpu.memref_slice %arg12[%dma_start3A_123, %dma_start3A_124, %dma_start3A_125] : memref<2x8x256xi32, #tpu.memory_space<vmem>> -> memref<1x8x256xi32, #tpu.memory_space<vmem>>
    %dma_start3A_127 = tpu.memref_squeeze %dma_start3A_126 : memref<1x8x256xi32, #tpu.memory_space<vmem>> -> memref<8x256xi32, #tpu.memory_space<vmem>>
    %dma_start3A_128 = arith.constant 0 : i32
    %dma_start3A_129 = tpu.memref_slice %arg5[%add3A_70, %dma_start3A_128] : memref<16384x256xi32, #tpu.memory_space<hbm>> -> memref<8x256xi32, #tpu.memory_space<hbm>>
    %dma_start3A_130 = arith.constant 0 : i32
    %dma_start3A_131 = arith.constant 0 : i32
    %dma_start3A_132 = tpu.memref_slice %arg12[%dma_start3A_123, %dma_start3A_130, %dma_start3A_131] : memref<2x8x256xi32, #tpu.memory_space<vmem>> -> memref<1x8x256xi32, #tpu.memory_space<vmem>>
    %dma_start3A_133 = tpu.memref_squeeze %dma_start3A_132 : memref<1x8x256xi32, #tpu.memory_space<vmem>> -> memref<8x256xi32, #tpu.memory_space<vmem>>
    %dma_start3A_134 = arith.constant 0 : i32
    %dma_start3A_135 = tpu.memref_slice %arg5[%add3A_70, %dma_start3A_134] : memref<16384x256xi32, #tpu.memory_space<hbm>> -> memref<8x256xi32, #tpu.memory_space<hbm>>
    tpu.enqueue_dma source(%dma_start3A_135 : memref<8x256xi32, #tpu.memory_space<hbm>>) target(%dma_start3A_133 : memref<8x256xi32, #tpu.memory_space<vmem>>) target_semaphore(%arg17 : memref<!tpu.dma_semaphore, #tpu.memory_space<semaphore_mem>>)
    %add3A_136 = arith.constant 0 : i32
    %add3A_137 = arith.addi %mul3A_2, %add3A_136 : i32
    %dma_wait3A = arith.constant 0 : i32
    %dma_wait3A_138 = arith.constant 0 : i32
    %dma_wait3A_139 = arith.constant 0 : i32
    %dma_wait3A_140 = tpu.memref_slice %arg9[%dma_wait3A, %dma_wait3A_138, %dma_wait3A_139] : memref<2x8x1024xf32, #tpu.memory_space<vmem>> -> memref<1x8x1024xf32, #tpu.memory_space<vmem>>
    %dma_wait3A_141 = tpu.memref_squeeze %dma_wait3A_140 : memref<1x8x1024xf32, #tpu.memory_space<vmem>> -> memref<8x1024xf32, #tpu.memory_space<vmem>>
    %dma_wait3A_142 = arith.constant 0 : i32
    %dma_wait3A_143 = tpu.memref_slice %arg2[%add3A_137, %dma_wait3A_142] : memref<16384x1024xf32, #tpu.memory_space<hbm>> -> memref<8x1024xf32, #tpu.memory_space<hbm>>
    %dma_wait3A_144 = arith.constant 0 : i32
    %dma_wait3A_145 = arith.constant 0 : i32
    %dma_wait3A_146 = tpu.memref_slice %arg9[%dma_wait3A, %dma_wait3A_144, %dma_wait3A_145] : memref<2x8x1024xf32, #tpu.memory_space<vmem>> -> memref<1x8x1024xf32, #tpu.memory_space<vmem>>
    %dma_wait3A_147 = tpu.memref_squeeze %dma_wait3A_146 : memref<1x8x1024xf32, #tpu.memory_space<vmem>> -> memref<8x1024xf32, #tpu.memory_space<vmem>>
    %dma_wait3A_148 = arith.constant 0 : i32
    %dma_wait3A_149 = tpu.memref_slice %arg2[%add3A_137, %dma_wait3A_148] : memref<16384x1024xf32, #tpu.memory_space<hbm>> -> memref<8x1024xf32, #tpu.memory_space<hbm>>
    tpu.wait_dma2 semaphore(%arg16 : memref<!tpu.dma_semaphore, #tpu.memory_space<semaphore_mem>>) src(%dma_wait3A_149 : memref<8x1024xf32, #tpu.memory_space<hbm>>) dst(%dma_wait3A_147 : memref<8x1024xf32, #tpu.memory_space<vmem>>)
    %dma_wait3A_150 = arith.constant 0 : i32
    %dma_wait3A_151 = arith.constant 0 : i32
    %dma_wait3A_152 = arith.constant 0 : i32
    %dma_wait3A_153 = tpu.memref_slice %arg10[%dma_wait3A_150, %dma_wait3A_151, %dma_wait3A_152] : memref<2x8x1024xf32, #tpu.memory_space<vmem>> -> memref<1x8x1024xf32, #tpu.memory_space<vmem>>
    %dma_wait3A_154 = tpu.memref_squeeze %dma_wait3A_153 : memref<1x8x1024xf32, #tpu.memory_space<vmem>> -> memref<8x1024xf32, #tpu.memory_space<vmem>>
    %dma_wait3A_155 = arith.constant 0 : i32
    %dma_wait3A_156 = tpu.memref_slice %arg3[%add3A_137, %dma_wait3A_155] : memref<16384x1024xf32, #tpu.memory_space<hbm>> -> memref<8x1024xf32, #tpu.memory_space<hbm>>
    %dma_wait3A_157 = arith.constant 0 : i32
    %dma_wait3A_158 = arith.constant 0 : i32
    %dma_wait3A_159 = tpu.memref_slice %arg10[%dma_wait3A_150, %dma_wait3A_157, %dma_wait3A_158] : memref<2x8x1024xf32, #tpu.memory_space<vmem>> -> memref<1x8x1024xf32, #tpu.memory_space<vmem>>
    %dma_wait3A_160 = tpu.memref_squeeze %dma_wait3A_159 : memref<1x8x1024xf32, #tpu.memory_space<vmem>> -> memref<8x1024xf32, #tpu.memory_space<vmem>>
    %dma_wait3A_161 = arith.constant 0 : i32
    %dma_wait3A_162 = tpu.memref_slice %arg3[%add3A_137, %dma_wait3A_161] : memref<16384x1024xf32, #tpu.memory_space<hbm>> -> memref<8x1024xf32, #tpu.memory_space<hbm>>
    tpu.wait_dma2 semaphore(%arg16 : memref<!tpu.dma_semaphore, #tpu.memory_space<semaphore_mem>>) src(%dma_wait3A_162 : memref<8x1024xf32, #tpu.memory_space<hbm>>) dst(%dma_wait3A_160 : memref<8x1024xf32, #tpu.memory_space<vmem>>)
    %dma_wait3A_163 = arith.constant 0 : i32
    %dma_wait3A_164 = arith.constant 0 : i32
    %dma_wait3A_165 = arith.constant 0 : i32
    %dma_wait3A_166 = tpu.memref_slice %arg11[%dma_wait3A_163, %dma_wait3A_164, %dma_wait3A_165] : memref<2x8x1024xi32, #tpu.memory_space<vmem>> -> memref<1x8x1024xi32, #tpu.memory_space<vmem>>
    %dma_wait3A_167 = tpu.memref_squeeze %dma_wait3A_166 : memref<1x8x1024xi32, #tpu.memory_space<vmem>> -> memref<8x1024xi32, #tpu.memory_space<vmem>>
    %dma_wait3A_168 = arith.constant 0 : i32
    %dma_wait3A_169 = tpu.memref_slice %arg4[%add3A_137, %dma_wait3A_168] : memref<16384x1024xi32, #tpu.memory_space<hbm>> -> memref<8x1024xi32, #tpu.memory_space<hbm>>
    %dma_wait3A_170 = arith.constant 0 : i32
    %dma_wait3A_171 = arith.constant 0 : i32
    %dma_wait3A_172 = tpu.memref_slice %arg11[%dma_wait3A_163, %dma_wait3A_170, %dma_wait3A_171] : memref<2x8x1024xi32, #tpu.memory_space<vmem>> -> memref<1x8x1024xi32, #tpu.memory_space<vmem>>
    %dma_wait3A_173 = tpu.memref_squeeze %dma_wait3A_172 : memref<1x8x1024xi32, #tpu.memory_space<vmem>> -> memref<8x1024xi32, #tpu.memory_space<vmem>>
    %dma_wait3A_174 = arith.constant 0 : i32
    %dma_wait3A_175 = tpu.memref_slice %arg4[%add3A_137, %dma_wait3A_174] : memref<16384x1024xi32, #tpu.memory_space<hbm>> -> memref<8x1024xi32, #tpu.memory_space<hbm>>
    tpu.wait_dma2 semaphore(%arg16 : memref<!tpu.dma_semaphore, #tpu.memory_space<semaphore_mem>>) src(%dma_wait3A_175 : memref<8x1024xi32, #tpu.memory_space<hbm>>) dst(%dma_wait3A_173 : memref<8x1024xi32, #tpu.memory_space<vmem>>)
    %dma_wait3A_176 = arith.constant 0 : i32
    %dma_wait3A_177 = arith.constant 0 : i32
    %dma_wait3A_178 = arith.constant 0 : i32
    %dma_wait3A_179 = tpu.memref_slice %arg13[%dma_wait3A_176, %dma_wait3A_177, %dma_wait3A_178] : memref<2x8x1024xf32, #tpu.memory_space<vmem>> -> memref<1x8x1024xf32, #tpu.memory_space<vmem>>
    %dma_wait3A_180 = tpu.memref_squeeze %dma_wait3A_179 : memref<1x8x1024xf32, #tpu.memory_space<vmem>> -> memref<8x1024xf32, #tpu.memory_space<vmem>>
    %dma_wait3A_181 = arith.constant 0 : i32
    %dma_wait3A_182 = tpu.memref_slice %arg6[%add3A_137, %dma_wait3A_181] : memref<16384x1024xf32, #tpu.memory_space<hbm>> -> memref<8x1024xf32, #tpu.memory_space<hbm>>
    %dma_wait3A_183 = arith.constant 0 : i32
    %dma_wait3A_184 = arith.constant 0 : i32
    %dma_wait3A_185 = tpu.memref_slice %arg13[%dma_wait3A_176, %dma_wait3A_183, %dma_wait3A_184] : memref<2x8x1024xf32, #tpu.memory_space<vmem>> -> memref<1x8x1024xf32, #tpu.memory_space<vmem>>
    %dma_wait3A_186 = tpu.memref_squeeze %dma_wait3A_185 : memref<1x8x1024xf32, #tpu.memory_space<vmem>> -> memref<8x1024xf32, #tpu.memory_space<vmem>>
    %dma_wait3A_187 = arith.constant 0 : i32
    %dma_wait3A_188 = tpu.memref_slice %arg6[%add3A_137, %dma_wait3A_187] : memref<16384x1024xf32, #tpu.memory_space<hbm>> -> memref<8x1024xf32, #tpu.memory_space<hbm>>
    tpu.wait_dma2 semaphore(%arg16 : memref<!tpu.dma_semaphore, #tpu.memory_space<semaphore_mem>>) src(%dma_wait3A_188 : memref<8x1024xf32, #tpu.memory_space<hbm>>) dst(%dma_wait3A_186 : memref<8x1024xf32, #tpu.memory_space<vmem>>)
    %dma_wait3A_189 = arith.constant 0 : i32
    %dma_wait3A_190 = arith.constant 0 : i32
    %dma_wait3A_191 = arith.constant 0 : i32
    %dma_wait3A_192 = tpu.memref_slice %arg12[%dma_wait3A_189, %dma_wait3A_190, %dma_wait3A_191] : memref<2x8x256xi32, #tpu.memory_space<vmem>> -> memref<1x8x256xi32, #tpu.memory_space<vmem>>
    %dma_wait3A_193 = tpu.memref_squeeze %dma_wait3A_192 : memref<1x8x256xi32, #tpu.memory_space<vmem>> -> memref<8x256xi32, #tpu.memory_space<vmem>>
    %dma_wait3A_194 = arith.constant 0 : i32
    %dma_wait3A_195 = tpu.memref_slice %arg5[%add3A_137, %dma_wait3A_194] : memref<16384x256xi32, #tpu.memory_space<hbm>> -> memref<8x256xi32, #tpu.memory_space<hbm>>
    %dma_wait3A_196 = arith.constant 0 : i32
    %dma_wait3A_197 = arith.constant 0 : i32
    %dma_wait3A_198 = tpu.memref_slice %arg12[%dma_wait3A_189, %dma_wait3A_196, %dma_wait3A_197] : memref<2x8x256xi32, #tpu.memory_space<vmem>> -> memref<1x8x256xi32, #tpu.memory_space<vmem>>
    %dma_wait3A_199 = tpu.memref_squeeze %dma_wait3A_198 : memref<1x8x256xi32, #tpu.memory_space<vmem>> -> memref<8x256xi32, #tpu.memory_space<vmem>>
    %dma_wait3A_200 = arith.constant 0 : i32
    %dma_wait3A_201 = tpu.memref_slice %arg5[%add3A_137, %dma_wait3A_200] : memref<16384x256xi32, #tpu.memory_space<hbm>> -> memref<8x256xi32, #tpu.memory_space<hbm>>
    tpu.wait_dma2 semaphore(%arg16 : memref<!tpu.dma_semaphore, #tpu.memory_space<semaphore_mem>>) src(%dma_wait3A_201 : memref<8x256xi32, #tpu.memory_space<hbm>>) dst(%dma_wait3A_199 : memref<8x256xi32, #tpu.memory_space<vmem>>)
    %get3A = arith.constant 0 : index
    %get3A_202 = tpu.vector_load %arg15[%get3A] {strides = array<i32>} : memref<16xf32, #tpu.memory_space<vmem>>, vector<16xf32>,
    %get3A_203 = vector.shape_cast %get3A_202 : vector<16xf32> to vector<16xf32>
    %parallel_loop3A = arith.constant 0 : i32
    %parallel_loop3A_204 = arith.constant 128 : i32
    %parallel_loop3A_205 = arith.constant 1 : i32
    scf.for %parallel_loop3A_684 = %parallel_loop3A to %parallel_loop3A_204 step %parallel_loop3A_205  : i32 {
      %parallel_loop3A_685 = arith.constant 4 : i32
      %parallel_loop3A_686 = arith.shrsi %parallel_loop3A_684, %parallel_loop3A_685 : i32
      %parallel_loop3A_687 = arith.constant 15 : i32
      %parallel_loop3A_688 = arith.andi %parallel_loop3A_684, %parallel_loop3A_687 : i32
      %parallel_loop3A_689 = arith.constant 16 : i32
      %parallel_loop3A_690 = arith.muli %parallel_loop3A_688, %parallel_loop3A_689 : i32
      %parallel_loop3A_691 = arith.constant 0 : i32
      %parallel_loop3A_692 = arith.index_cast %parallel_loop3A_691 : i32 to index
      %parallel_loop3A_693 = arith.index_cast %parallel_loop3A_686 : i32 to index
      %parallel_loop3A_694 = arith.index_cast %parallel_loop3A_690 : i32 to index
      %parallel_loop3A_695 = tpu.vector_load %arg12[%parallel_loop3A_692, %parallel_loop3A_693, %parallel_loop3A_694] {strides = array<i32>} : memref<2x8x256xi32, #tpu.memory_space<vmem>>, vector<1x1x16xi32>,
      %parallel_loop3A_696 = vector.shape_cast %parallel_loop3A_695 : vector<1x1x16xi32> to vector<16xi32>
      %parallel_loop3A_697 = arith.constant 16 : i32
      %parallel_loop3A_698 = arith.muli %parallel_loop3A_688, %parallel_loop3A_697 : i32
      %parallel_loop3A_699 = arith.constant 0 : i32
      %parallel_loop3A_700 = arith.addi %parallel_loop3A_699, %parallel_loop3A_698 : i32
      %parallel_loop3A_701 = arith.constant 1 : i32
      %parallel_loop3A_702 = vector.broadcast %parallel_loop3A_701 : i32 to vector<16xi32>
      %parallel_loop3A_703 = arith.andi %parallel_loop3A_696, %parallel_loop3A_702 : vector<16xi32>
      %parallel_loop3A_704 = arith.constant 0 : i32
      %parallel_loop3A_705 = arith.index_cast %parallel_loop3A_704 : i32 to index
      %parallel_loop3A_706 = arith.index_cast %parallel_loop3A_686 : i32 to index
      %parallel_loop3A_707 = arith.index_cast %parallel_loop3A_700 : i32 to index
      %parallel_loop3A_708 = tpu.vector_load %arg13[%parallel_loop3A_705, %parallel_loop3A_706, %parallel_loop3A_707] {strides = array<i32>} : memref<2x8x1024xf32, #tpu.memory_space<vmem>>, vector<1x1x16xf32>,
      %parallel_loop3A_709 = vector.shape_cast %parallel_loop3A_708 : vector<1x1x16xf32> to vector<16xf32>
      %parallel_loop3A_710 = arith.constant 0 : i32
      %parallel_loop3A_711 = vector.broadcast %parallel_loop3A_710 : i32 to vector<16xi32>
      %parallel_loop3A_712 = arith.cmpi ne, %parallel_loop3A_703, %parallel_loop3A_711 : vector<16xi32>
      %parallel_loop3A_713 = arith.constant 5.000000e-01 : f32
      %parallel_loop3A_714 = vector.broadcast %parallel_loop3A_713 : f32 to vector<16xf32>
      %parallel_loop3A_715 = arith.cmpf olt, %parallel_loop3A_709, %parallel_loop3A_714 : vector<16xf32>
      %parallel_loop3A_716 = arith.andi %parallel_loop3A_712, %parallel_loop3A_715 : vector<16xi1>
      %parallel_loop3A_717 = arith.constant 0 : i32
      %parallel_loop3A_718 = arith.index_cast %parallel_loop3A_717 : i32 to index
      %parallel_loop3A_719 = arith.index_cast %parallel_loop3A_686 : i32 to index
      %parallel_loop3A_720 = arith.index_cast %parallel_loop3A_700 : i32 to index
      %parallel_loop3A_721 = tpu.vector_load %arg11[%parallel_loop3A_718, %parallel_loop3A_719, %parallel_loop3A_720] {strides = array<i32>} : memref<2x8x1024xi32, #tpu.memory_space<vmem>>, vector<1x1x16xi32>,
      %parallel_loop3A_722 = vector.shape_cast %parallel_loop3A_721 : vector<1x1x16xi32> to vector<16xi32>
      %parallel_loop3A_723 = arith.constant 0 : i32
      %parallel_loop3A_724 = vector.broadcast %parallel_loop3A_723 : i32 to vector<16xi32>
      %parallel_loop3A_725 = arith.cmpi slt, %parallel_loop3A_722, %parallel_loop3A_724 : vector<16xi32>
      %parallel_loop3A_726 = arith.constant 16 : i32
      %parallel_loop3A_727 = vector.broadcast %parallel_loop3A_726 : i32 to vector<16xi32>
      %parallel_loop3A_728 = arith.addi %parallel_loop3A_722, %parallel_loop3A_727 : vector<16xi32>
      %parallel_loop3A_729 = arith.select %parallel_loop3A_725, %parallel_loop3A_728, %parallel_loop3A_722 : vector<16xi1>, vector<16xi32>
      %parallel_loop3A_730 = vector.shape_cast %parallel_loop3A_729 : vector<16xi32> to vector<16x1xi32>
      %parallel_loop3A_731 = vector.shape_cast %parallel_loop3A_730 : vector<16x1xi32> to vector<16xi32>
      %parallel_loop3A_732 = tpu.dynamic_gather %get3A_203[%parallel_loop3A_731] in [0] : vector<16xf32>, vector<16xi32> -> vector<16xf32>
      %parallel_loop3A_733 = arith.constant 0 : i32
      %parallel_loop3A_734 = arith.index_cast %parallel_loop3A_733 : i32 to index
      %parallel_loop3A_735 = arith.index_cast %parallel_loop3A_686 : i32 to index
      %parallel_loop3A_736 = arith.index_cast %parallel_loop3A_700 : i32 to index
      %parallel_loop3A_737 = tpu.vector_load %arg10[%parallel_loop3A_734, %parallel_loop3A_735, %parallel_loop3A_736] {strides = array<i32>} : memref<2x8x1024xf32, #tpu.memory_space<vmem>>, vector<1x1x16xf32>,
      %parallel_loop3A_738 = vector.shape_cast %parallel_loop3A_737 : vector<1x1x16xf32> to vector<16xf32>
      %parallel_loop3A_739 = arith.addf %parallel_loop3A_738, %parallel_loop3A_732 : vector<16xf32>
      %parallel_loop3A_740 = arith.constant 0 : i32
      %parallel_loop3A_741 = arith.index_cast %parallel_loop3A_740 : i32 to index
      %parallel_loop3A_742 = arith.index_cast %parallel_loop3A_686 : i32 to index
      %parallel_loop3A_743 = arith.index_cast %parallel_loop3A_700 : i32 to index
      %parallel_loop3A_744 = tpu.vector_load %arg9[%parallel_loop3A_741, %parallel_loop3A_742, %parallel_loop3A_743] {strides = array<i32>} : memref<2x8x1024xf32, #tpu.memory_space<vmem>>, vector<1x1x16xf32>,
      %parallel_loop3A_745 = vector.shape_cast %parallel_loop3A_744 : vector<1x1x16xf32> to vector<16xf32>
      %parallel_loop3A_746 = arith.select %parallel_loop3A_716, %parallel_loop3A_739, %parallel_loop3A_745 : vector<16xi1>, vector<16xf32>
      %parallel_loop3A_747 = arith.constant 0 : i32
      %parallel_loop3A_748 = arith.index_cast %parallel_loop3A_747 : i32 to index
      %parallel_loop3A_749 = arith.index_cast %parallel_loop3A_686 : i32 to index
      %parallel_loop3A_750 = arith.index_cast %parallel_loop3A_700 : i32 to index
      %parallel_loop3A_751 = tpu.vector_load %arg14[%parallel_loop3A_748, %parallel_loop3A_749, %parallel_loop3A_750] {strides = array<i32>} : memref<2x8x1024xf32, #tpu.memory_space<vmem>>, vector<1x1x16xf32>,
      %parallel_loop3A_752 = vector.shape_cast %parallel_loop3A_751 : vector<1x1x16xf32> to vector<16xf32>
      %parallel_loop3A_753 = vector.shape_cast %parallel_loop3A_746 : vector<16xf32> to vector<1x1x16xf32>
      tpu.vector_store %arg14[%parallel_loop3A_748, %parallel_loop3A_749, %parallel_loop3A_750], %parallel_loop3A_753 {strides = array<i32>} : memref<2x8x1024xf32, #tpu.memory_space<vmem>>, vector<1x1x16xf32>,
      %parallel_loop3A_754 = arith.constant 16 : i32
      %parallel_loop3A_755 = arith.muli %parallel_loop3A_688, %parallel_loop3A_754 : i32
      %parallel_loop3A_756 = arith.constant 256 : i32
      %parallel_loop3A_757 = arith.addi %parallel_loop3A_756, %parallel_loop3A_755 : i32
      %parallel_loop3A_758 = arith.constant 256 : i32
      %parallel_loop3A_759 = vector.broadcast %parallel_loop3A_758 : i32 to vector<16xi32>
      %parallel_loop3A_760 = arith.andi %parallel_loop3A_696, %parallel_loop3A_759 : vector<16xi32>
      %parallel_loop3A_761 = arith.constant 0 : i32
      %parallel_loop3A_762 = arith.index_cast %parallel_loop3A_761 : i32 to index
      %parallel_loop3A_763 = arith.index_cast %parallel_loop3A_686 : i32 to index
      %parallel_loop3A_764 = arith.index_cast %parallel_loop3A_757 : i32 to index
      %parallel_loop3A_765 = tpu.vector_load %arg13[%parallel_loop3A_762, %parallel_loop3A_763, %parallel_loop3A_764] {strides = array<i32>} : memref<2x8x1024xf32, #tpu.memory_space<vmem>>, vector<1x1x16xf32>,
      %parallel_loop3A_766 = vector.shape_cast %parallel_loop3A_765 : vector<1x1x16xf32> to vector<16xf32>
      %parallel_loop3A_767 = arith.constant 0 : i32
      %parallel_loop3A_768 = vector.broadcast %parallel_loop3A_767 : i32 to vector<16xi32>
      %parallel_loop3A_769 = arith.cmpi ne, %parallel_loop3A_760, %parallel_loop3A_768 : vector<16xi32>
      %parallel_loop3A_770 = arith.constant 5.000000e-01 : f32
      %parallel_loop3A_771 = vector.broadcast %parallel_loop3A_770 : f32 to vector<16xf32>
      %parallel_loop3A_772 = arith.cmpf olt, %parallel_loop3A_766, %parallel_loop3A_771 : vector<16xf32>
      %parallel_loop3A_773 = arith.andi %parallel_loop3A_769, %parallel_loop3A_772 : vector<16xi1>
      %parallel_loop3A_774 = arith.constant 0 : i32
      %parallel_loop3A_775 = arith.index_cast %parallel_loop3A_774 : i32 to index
      %parallel_loop3A_776 = arith.index_cast %parallel_loop3A_686 : i32 to index
      %parallel_loop3A_777 = arith.index_cast %parallel_loop3A_757 : i32 to index
      %parallel_loop3A_778 = tpu.vector_load %arg11[%parallel_loop3A_775, %parallel_loop3A_776, %parallel_loop3A_777] {strides = array<i32>} : memref<2x8x1024xi32, #tpu.memory_space<vmem>>, vector<1x1x16xi32>,
      %parallel_loop3A_779 = vector.shape_cast %parallel_loop3A_778 : vector<1x1x16xi32> to vector<16xi32>
      %parallel_loop3A_780 = arith.constant 0 : i32
      %parallel_loop3A_781 = vector.broadcast %parallel_loop3A_780 : i32 to vector<16xi32>
      %parallel_loop3A_782 = arith.cmpi slt, %parallel_loop3A_779, %parallel_loop3A_781 : vector<16xi32>
      %parallel_loop3A_783 = arith.constant 16 : i32
      %parallel_loop3A_784 = vector.broadcast %parallel_loop3A_783 : i32 to vector<16xi32>
      %parallel_loop3A_785 = arith.addi %parallel_loop3A_779, %parallel_loop3A_784 : vector<16xi32>
      %parallel_loop3A_786 = arith.select %parallel_loop3A_782, %parallel_loop3A_785, %parallel_loop3A_779 : vector<16xi1>, vector<16xi32>
      %parallel_loop3A_787 = vector.shape_cast %parallel_loop3A_786 : vector<16xi32> to vector<16x1xi32>
      %parallel_loop3A_788 = vector.shape_cast %parallel_loop3A_787 : vector<16x1xi32> to vector<16xi32>
      %parallel_loop3A_789 = tpu.dynamic_gather %get3A_203[%parallel_loop3A_788] in [0] : vector<16xf32>, vector<16xi32> -> vector<16xf32>
      %parallel_loop3A_790 = arith.constant 0 : i32
      %parallel_loop3A_791 = arith.index_cast %parallel_loop3A_790 : i32 to index
      %parallel_loop3A_792 = arith.index_cast %parallel_loop3A_686 : i32 to index
      %parallel_loop3A_793 = arith.index_cast %parallel_loop3A_757 : i32 to index
      %parallel_loop3A_794 = tpu.vector_load %arg10[%parallel_loop3A_791, %parallel_loop3A_792, %parallel_loop3A_793] {strides = array<i32>} : memref<2x8x1024xf32, #tpu.memory_space<vmem>>, vector<1x1x16xf32>,
      %parallel_loop3A_795 = vector.shape_cast %parallel_loop3A_794 : vector<1x1x16xf32> to vector<16xf32>
      %parallel_loop3A_796 = arith.addf %parallel_loop3A_795, %parallel_loop3A_789 : vector<16xf32>
      %parallel_loop3A_797 = arith.constant 0 : i32
      %parallel_loop3A_798 = arith.index_cast %parallel_loop3A_797 : i32 to index
      %parallel_loop3A_799 = arith.index_cast %parallel_loop3A_686 : i32 to index
      %parallel_loop3A_800 = arith.index_cast %parallel_loop3A_757 : i32 to index
      %parallel_loop3A_801 = tpu.vector_load %arg9[%parallel_loop3A_798, %parallel_loop3A_799, %parallel_loop3A_800] {strides = array<i32>} : memref<2x8x1024xf32, #tpu.memory_space<vmem>>, vector<1x1x16xf32>,
      %parallel_loop3A_802 = vector.shape_cast %parallel_loop3A_801 : vector<1x1x16xf32> to vector<16xf32>
      %parallel_loop3A_803 = arith.select %parallel_loop3A_773, %parallel_loop3A_796, %parallel_loop3A_802 : vector<16xi1>, vector<16xf32>
      %parallel_loop3A_804 = arith.constant 0 : i32
      %parallel_loop3A_805 = arith.index_cast %parallel_loop3A_804 : i32 to index
      %parallel_loop3A_806 = arith.index_cast %parallel_loop3A_686 : i32 to index
      %parallel_loop3A_807 = arith.index_cast %parallel_loop3A_757 : i32 to index
      %parallel_loop3A_808 = tpu.vector_load %arg14[%parallel_loop3A_805, %parallel_loop3A_806, %parallel_loop3A_807] {strides = array<i32>} : memref<2x8x1024xf32, #tpu.memory_space<vmem>>, vector<1x1x16xf32>,
      %parallel_loop3A_809 = vector.shape_cast %parallel_loop3A_808 : vector<1x1x16xf32> to vector<16xf32>
      %parallel_loop3A_810 = vector.shape_cast %parallel_loop3A_803 : vector<16xf32> to vector<1x1x16xf32>
      tpu.vector_store %arg14[%parallel_loop3A_805, %parallel_loop3A_806, %parallel_loop3A_807], %parallel_loop3A_810 {strides = array<i32>} : memref<2x8x1024xf32, #tpu.memory_space<vmem>>, vector<1x1x16xf32>,
      %parallel_loop3A_811 = arith.constant 16 : i32
      %parallel_loop3A_812 = arith.muli %parallel_loop3A_688, %parallel_loop3A_811 : i32
      %parallel_loop3A_813 = arith.constant 512 : i32
      %parallel_loop3A_814 = arith.addi %parallel_loop3A_813, %parallel_loop3A_812 : i32
      %parallel_loop3A_815 = arith.constant 65536 : i32
      %parallel_loop3A_816 = vector.broadcast %parallel_loop3A_815 : i32 to vector<16xi32>
      %parallel_loop3A_817 = arith.andi %parallel_loop3A_696, %parallel_loop3A_816 : vector<16xi32>
      %parallel_loop3A_818 = arith.constant 0 : i32
      %parallel_loop3A_819 = arith.index_cast %parallel_loop3A_818 : i32 to index
      %parallel_loop3A_820 = arith.index_cast %parallel_loop3A_686 : i32 to index
      %parallel_loop3A_821 = arith.index_cast %parallel_loop3A_814 : i32 to index
      %parallel_loop3A_822 = tpu.vector_load %arg13[%parallel_loop3A_819, %parallel_loop3A_820, %parallel_loop3A_821] {strides = array<i32>} : memref<2x8x1024xf32, #tpu.memory_space<vmem>>, vector<1x1x16xf32>,
      %parallel_loop3A_823 = vector.shape_cast %parallel_loop3A_822 : vector<1x1x16xf32> to vector<16xf32>
      %parallel_loop3A_824 = arith.constant 0 : i32
      %parallel_loop3A_825 = vector.broadcast %parallel_loop3A_824 : i32 to vector<16xi32>
      %parallel_loop3A_826 = arith.cmpi ne, %parallel_loop3A_817, %parallel_loop3A_825 : vector<16xi32>
      %parallel_loop3A_827 = arith.constant 5.000000e-01 : f32
      %parallel_loop3A_828 = vector.broadcast %parallel_loop3A_827 : f32 to vector<16xf32>
      %parallel_loop3A_829 = arith.cmpf olt, %parallel_loop3A_823, %parallel_loop3A_828 : vector<16xf32>
      %parallel_loop3A_830 = arith.andi %parallel_loop3A_826, %parallel_loop3A_829 : vector<16xi1>
      %parallel_loop3A_831 = arith.constant 0 : i32
      %parallel_loop3A_832 = arith.index_cast %parallel_loop3A_831 : i32 to index
      %parallel_loop3A_833 = arith.index_cast %parallel_loop3A_686 : i32 to index
      %parallel_loop3A_834 = arith.index_cast %parallel_loop3A_814 : i32 to index
      %parallel_loop3A_835 = tpu.vector_load %arg11[%parallel_loop3A_832, %parallel_loop3A_833, %parallel_loop3A_834] {strides = array<i32>} : memref<2x8x1024xi32, #tpu.memory_space<vmem>>, vector<1x1x16xi32>,
      %parallel_loop3A_836 = vector.shape_cast %parallel_loop3A_835 : vector<1x1x16xi32> to vector<16xi32>
      %parallel_loop3A_837 = arith.constant 0 : i32
      %parallel_loop3A_838 = vector.broadcast %parallel_loop3A_837 : i32 to vector<16xi32>
      %parallel_loop3A_839 = arith.cmpi slt, %parallel_loop3A_836, %parallel_loop3A_838 : vector<16xi32>
      %parallel_loop3A_840 = arith.constant 16 : i32
      %parallel_loop3A_841 = vector.broadcast %parallel_loop3A_840 : i32 to vector<16xi32>
      %parallel_loop3A_842 = arith.addi %parallel_loop3A_836, %parallel_loop3A_841 : vector<16xi32>
      %parallel_loop3A_843 = arith.select %parallel_loop3A_839, %parallel_loop3A_842, %parallel_loop3A_836 : vector<16xi1>, vector<16xi32>
      %parallel_loop3A_844 = vector.shape_cast %parallel_loop3A_843 : vector<16xi32> to vector<16x1xi32>
      %parallel_loop3A_845 = vector.shape_cast %parallel_loop3A_844 : vector<16x1xi32> to vector<16xi32>
      %parallel_loop3A_846 = tpu.dynamic_gather %get3A_203[%parallel_loop3A_845] in [0] : vector<16xf32>, vector<16xi32> -> vector<16xf32>
      %parallel_loop3A_847 = arith.constant 0 : i32
      %parallel_loop3A_848 = arith.index_cast %parallel_loop3A_847 : i32 to index
      %parallel_loop3A_849 = arith.index_cast %parallel_loop3A_686 : i32 to index
      %parallel_loop3A_850 = arith.index_cast %parallel_loop3A_814 : i32 to index
      %parallel_loop3A_851 = tpu.vector_load %arg10[%parallel_loop3A_848, %parallel_loop3A_849, %parallel_loop3A_850] {strides = array<i32>} : memref<2x8x1024xf32, #tpu.memory_space<vmem>>, vector<1x1x16xf32>,
      %parallel_loop3A_852 = vector.shape_cast %parallel_loop3A_851 : vector<1x1x16xf32> to vector<16xf32>
      %parallel_loop3A_853 = arith.addf %parallel_loop3A_852, %parallel_loop3A_846 : vector<16xf32>
      %parallel_loop3A_854 = arith.constant 0 : i32
      %parallel_loop3A_855 = arith.index_cast %parallel_loop3A_854 : i32 to index
      %parallel_loop3A_856 = arith.index_cast %parallel_loop3A_686 : i32 to index
      %parallel_loop3A_857 = arith.index_cast %parallel_loop3A_814 : i32 to index
      %parallel_loop3A_858 = tpu.vector_load %arg9[%parallel_loop3A_855, %parallel_loop3A_856, %parallel_loop3A_857] {strides = array<i32>} : memref<2x8x1024xf32, #tpu.memory_space<vmem>>, vector<1x1x16xf32>,
      %parallel_loop3A_859 = vector.shape_cast %parallel_loop3A_858 : vector<1x1x16xf32> to vector<16xf32>
      %parallel_loop3A_860 = arith.select %parallel_loop3A_830, %parallel_loop3A_853, %parallel_loop3A_859 : vector<16xi1>, vector<16xf32>
      %parallel_loop3A_861 = arith.constant 0 : i32
      %parallel_loop3A_862 = arith.index_cast %parallel_loop3A_861 : i32 to index
      %parallel_loop3A_863 = arith.index_cast %parallel_loop3A_686 : i32 to index
      %parallel_loop3A_864 = arith.index_cast %parallel_loop3A_814 : i32 to index
      %parallel_loop3A_865 = tpu.vector_load %arg14[%parallel_loop3A_862, %parallel_loop3A_863, %parallel_loop3A_864] {strides = array<i32>} : memref<2x8x1024xf32, #tpu.memory_space<vmem>>, vector<1x1x16xf32>,
      %parallel_loop3A_866 = vector.shape_cast %parallel_loop3A_865 : vector<1x1x16xf32> to vector<16xf32>
      %parallel_loop3A_867 = vector.shape_cast %parallel_loop3A_860 : vector<16xf32> to vector<1x1x16xf32>
      tpu.vector_store %arg14[%parallel_loop3A_862, %parallel_loop3A_863, %parallel_loop3A_864], %parallel_loop3A_867 {strides = array<i32>} : memref<2x8x1024xf32, #tpu.memory_space<vmem>>, vector<1x1x16xf32>,
      %parallel_loop3A_868 = arith.constant 16 : i32
      %parallel_loop3A_869 = arith.muli %parallel_loop3A_688, %parallel_loop3A_868 : i32
      %parallel_loop3A_870 = arith.constant 768 : i32
      %parallel_loop3A_871 = arith.addi %parallel_loop3A_870, %parallel_loop3A_869 : i32
      %parallel_loop3A_872 = arith.constant 16777216 : i32
      %parallel_loop3A_873 = vector.broadcast %parallel_loop3A_872 : i32 to vector<16xi32>
      %parallel_loop3A_874 = arith.andi %parallel_loop3A_696, %parallel_loop3A_873 : vector<16xi32>
      %parallel_loop3A_875 = arith.constant 0 : i32
      %parallel_loop3A_876 = arith.index_cast %parallel_loop3A_875 : i32 to index
      %parallel_loop3A_877 = arith.index_cast %parallel_loop3A_686 : i32 to index
      %parallel_loop3A_878 = arith.index_cast %parallel_loop3A_871 : i32 to index
      %parallel_loop3A_879 = tpu.vector_load %arg13[%parallel_loop3A_876, %parallel_loop3A_877, %parallel_loop3A_878] {strides = array<i32>} : memref<2x8x1024xf32, #tpu.memory_space<vmem>>, vector<1x1x16xf32>,
      %parallel_loop3A_880 = vector.shape_cast %parallel_loop3A_879 : vector<1x1x16xf32> to vector<16xf32>
      %parallel_loop3A_881 = arith.constant 0 : i32
      %parallel_loop3A_882 = vector.broadcast %parallel_loop3A_881 : i32 to vector<16xi32>
      %parallel_loop3A_883 = arith.cmpi ne, %parallel_loop3A_874, %parallel_loop3A_882 : vector<16xi32>
      %parallel_loop3A_884 = arith.constant 5.000000e-01 : f32
      %parallel_loop3A_885 = vector.broadcast %parallel_loop3A_884 : f32 to vector<16xf32>
      %parallel_loop3A_886 = arith.cmpf olt, %parallel_loop3A_880, %parallel_loop3A_885 : vector<16xf32>
      %parallel_loop3A_887 = arith.andi %parallel_loop3A_883, %parallel_loop3A_886 : vector<16xi1>
      %parallel_loop3A_888 = arith.constant 0 : i32
      %parallel_loop3A_889 = arith.index_cast %parallel_loop3A_888 : i32 to index
      %parallel_loop3A_890 = arith.index_cast %parallel_loop3A_686 : i32 to index
      %parallel_loop3A_891 = arith.index_cast %parallel_loop3A_871 : i32 to index
      %parallel_loop3A_892 = tpu.vector_load %arg11[%parallel_loop3A_889, %parallel_loop3A_890, %parallel_loop3A_891] {strides = array<i32>} : memref<2x8x1024xi32, #tpu.memory_space<vmem>>, vector<1x1x16xi32>,
      %parallel_loop3A_893 = vector.shape_cast %parallel_loop3A_892 : vector<1x1x16xi32> to vector<16xi32>
      %parallel_loop3A_894 = arith.constant 0 : i32
      %parallel_loop3A_895 = vector.broadcast %parallel_loop3A_894 : i32 to vector<16xi32>
      %parallel_loop3A_896 = arith.cmpi slt, %parallel_loop3A_893, %parallel_loop3A_895 : vector<16xi32>
      %parallel_loop3A_897 = arith.constant 16 : i32
      %parallel_loop3A_898 = vector.broadcast %parallel_loop3A_897 : i32 to vector<16xi32>
      %parallel_loop3A_899 = arith.addi %parallel_loop3A_893, %parallel_loop3A_898 : vector<16xi32>
      %parallel_loop3A_900 = arith.select %parallel_loop3A_896, %parallel_loop3A_899, %parallel_loop3A_893 : vector<16xi1>, vector<16xi32>
      %parallel_loop3A_901 = vector.shape_cast %parallel_loop3A_900 : vector<16xi32> to vector<16x1xi32>
      %parallel_loop3A_902 = vector.shape_cast %parallel_loop3A_901 : vector<16x1xi32> to vector<16xi32>
      %parallel_loop3A_903 = tpu.dynamic_gather %get3A_203[%parallel_loop3A_902] in [0] : vector<16xf32>, vector<16xi32> -> vector<16xf32>
      %parallel_loop3A_904 = arith.constant 0 : i32
      %parallel_loop3A_905 = arith.index_cast %parallel_loop3A_904 : i32 to index
      %parallel_loop3A_906 = arith.index_cast %parallel_loop3A_686 : i32 to index
      %parallel_loop3A_907 = arith.index_cast %parallel_loop3A_871 : i32 to index
      %parallel_loop3A_908 = tpu.vector_load %arg10[%parallel_loop3A_905, %parallel_loop3A_906, %parallel_loop3A_907] {strides = array<i32>} : memref<2x8x1024xf32, #tpu.memory_space<vmem>>, vector<1x1x16xf32>,
      %parallel_loop3A_909 = vector.shape_cast %parallel_loop3A_908 : vector<1x1x16xf32> to vector<16xf32>
      %parallel_loop3A_910 = arith.addf %parallel_loop3A_909, %parallel_loop3A_903 : vector<16xf32>
      %parallel_loop3A_911 = arith.constant 0 : i32
      %parallel_loop3A_912 = arith.index_cast %parallel_loop3A_911 : i32 to index
      %parallel_loop3A_913 = arith.index_cast %parallel_loop3A_686 : i32 to index
      %parallel_loop3A_914 = arith.index_cast %parallel_loop3A_871 : i32 to index
      %parallel_loop3A_915 = tpu.vector_load %arg9[%parallel_loop3A_912, %parallel_loop3A_913, %parallel_loop3A_914] {strides = array<i32>} : memref<2x8x1024xf32, #tpu.memory_space<vmem>>, vector<1x1x16xf32>,
      %parallel_loop3A_916 = vector.shape_cast %parallel_loop3A_915 : vector<1x1x16xf32> to vector<16xf32>
      %parallel_loop3A_917 = arith.select %parallel_loop3A_887, %parallel_loop3A_910, %parallel_loop3A_916 : vector<16xi1>, vector<16xf32>
      %parallel_loop3A_918 = arith.constant 0 : i32
      %parallel_loop3A_919 = arith.index_cast %parallel_loop3A_918 : i32 to index
      %parallel_loop3A_920 = arith.index_cast %parallel_loop3A_686 : i32 to index
      %parallel_loop3A_921 = arith.index_cast %parallel_loop3A_871 : i32 to index
      %parallel_loop3A_922 = tpu.vector_load %arg14[%parallel_loop3A_919, %parallel_loop3A_920, %parallel_loop3A_921] {strides = array<i32>} : memref<2x8x1024xf32, #tpu.memory_space<vmem>>, vector<1x1x16xf32>,
      %parallel_loop3A_923 = vector.shape_cast %parallel_loop3A_922 : vector<1x1x16xf32> to vector<16xf32>
      %parallel_loop3A_924 = vector.shape_cast %parallel_loop3A_917 : vector<16xf32> to vector<1x1x16xf32>
      tpu.vector_store %arg14[%parallel_loop3A_919, %parallel_loop3A_920, %parallel_loop3A_921], %parallel_loop3A_924 {strides = array<i32>} : memref<2x8x1024xf32, #tpu.memory_space<vmem>>, vector<1x1x16xf32>,
    } {sc.loop_unroll_factor = 2 : i64, sc.parallel_access}
    %add3A_206 = arith.constant 0 : i32
    %add3A_207 = arith.addi %mul3A_2, %add3A_206 : i32
    %dma_start3A_208 = arith.constant 0 : i32
    %dma_start3A_209 = arith.constant 0 : i32
    %dma_start3A_210 = arith.constant 0 : i32
    %dma_start3A_211 = tpu.memref_slice %arg14[%dma_start3A_208, %dma_start3A_209, %dma_start3A_210] : memref<2x8x1024xf32, #tpu.memory_space<vmem>> -> memref<1x8x1024xf32, #tpu.memory_space<vmem>>
    %dma_start3A_212 = tpu.memref_squeeze %dma_start3A_211 : memref<1x8x1024xf32, #tpu.memory_space<vmem>> -> memref<8x1024xf32, #tpu.memory_space<vmem>>
    %dma_start3A_213 = arith.constant 0 : i32
    %dma_start3A_214 = tpu.memref_slice %arg8[%add3A_207, %dma_start3A_213] : memref<16384x1024xf32, #tpu.memory_space<hbm>> -> memref<8x1024xf32, #tpu.memory_space<hbm>>
    %dma_start3A_215 = arith.constant 0 : i32
    %dma_start3A_216 = tpu.memref_slice %arg8[%add3A_207, %dma_start3A_215] : memref<16384x1024xf32, #tpu.memory_space<hbm>> -> memref<8x1024xf32, #tpu.memory_space<hbm>>
    %dma_start3A_217 = arith.constant 0 : i32
    %dma_start3A_218 = arith.constant 0 : i32
    %dma_start3A_219 = tpu.memref_slice %arg14[%dma_start3A_208, %dma_start3A_217, %dma_start3A_218] : memref<2x8x1024xf32, #tpu.memory_space<vmem>> -> memref<1x8x1024xf32, #tpu.memory_space<vmem>>
    %dma_start3A_220 = tpu.memref_squeeze %dma_start3A_219 : memref<1x8x1024xf32, #tpu.memory_space<vmem>> -> memref<8x1024xf32, #tpu.memory_space<vmem>>
    tpu.enqueue_dma source(%dma_start3A_220 : memref<8x1024xf32, #tpu.memory_space<vmem>>) target(%dma_start3A_216 : memref<8x1024xf32, #tpu.memory_space<hbm>>) target_semaphore(%arg18 : memref<!tpu.dma_semaphore, #tpu.memory_space<semaphore_mem>>)
    %add3A_221 = arith.constant 16 : i32
    %add3A_222 = arith.addi %mul3A_2, %add3A_221 : i32
    %dma_start3A_223 = arith.constant 0 : i32
    %dma_start3A_224 = arith.constant 0 : i32
    %dma_start3A_225 = arith.constant 0 : i32
    %dma_start3A_226 = tpu.memref_slice %arg9[%dma_start3A_223, %dma_start3A_224, %dma_start3A_225] : memref<2x8x1024xf32, #tpu.memory_space<vmem>> -> memref<1x8x1024xf32, #tpu.memory_space<vmem>>
    %dma_start3A_227 = tpu.memref_squeeze %dma_start3A_226 : memref<1x8x1024xf32, #tpu.memory_space<vmem>> -> memref<8x1024xf32, #tpu.memory_space<vmem>>
    %dma_start3A_228 = arith.constant 0 : i32
    %dma_start3A_229 = tpu.memref_slice %arg2[%add3A_222, %dma_start3A_228] : memref<16384x1024xf32, #tpu.memory_space<hbm>> -> memref<8x1024xf32, #tpu.memory_space<hbm>>
    %dma_start3A_230 = arith.constant 0 : i32
    %dma_start3A_231 = arith.constant 0 : i32
    %dma_start3A_232 = tpu.memref_slice %arg9[%dma_start3A_223, %dma_start3A_230, %dma_start3A_231] : memref<2x8x1024xf32, #tpu.memory_space<vmem>> -> memref<1x8x1024xf32, #tpu.memory_space<vmem>>
    %dma_start3A_233 = tpu.memref_squeeze %dma_start3A_232 : memref<1x8x1024xf32, #tpu.memory_space<vmem>> -> memref<8x1024xf32, #tpu.memory_space<vmem>>
    %dma_start3A_234 = arith.constant 0 : i32
    %dma_start3A_235 = tpu.memref_slice %arg2[%add3A_222, %dma_start3A_234] : memref<16384x1024xf32, #tpu.memory_space<hbm>> -> memref<8x1024xf32, #tpu.memory_space<hbm>>
    tpu.enqueue_dma source(%dma_start3A_235 : memref<8x1024xf32, #tpu.memory_space<hbm>>) target(%dma_start3A_233 : memref<8x1024xf32, #tpu.memory_space<vmem>>) target_semaphore(%arg16 : memref<!tpu.dma_semaphore, #tpu.memory_space<semaphore_mem>>)
    %dma_start3A_236 = arith.constant 0 : i32
    %dma_start3A_237 = arith.constant 0 : i32
    %dma_start3A_238 = arith.constant 0 : i32
    %dma_start3A_239 = tpu.memref_slice %arg10[%dma_start3A_236, %dma_start3A_237, %dma_start3A_238] : memref<2x8x1024xf32, #tpu.memory_space<vmem>> -> memref<1x8x1024xf32, #tpu.memory_space<vmem>>
    %dma_start3A_240 = tpu.memref_squeeze %dma_start3A_239 : memref<1x8x1024xf32, #tpu.memory_space<vmem>> -> memref<8x1024xf32, #tpu.memory_space<vmem>>
    %dma_start3A_241 = arith.constant 0 : i32
    %dma_start3A_242 = tpu.memref_slice %arg3[%add3A_222, %dma_start3A_241] : memref<16384x1024xf32, #tpu.memory_space<hbm>> -> memref<8x1024xf32, #tpu.memory_space<hbm>>
    %dma_start3A_243 = arith.constant 0 : i32
    %dma_start3A_244 = arith.constant 0 : i32
    %dma_start3A_245 = tpu.memref_slice %arg10[%dma_start3A_236, %dma_start3A_243, %dma_start3A_244] : memref<2x8x1024xf32, #tpu.memory_space<vmem>> -> memref<1x8x1024xf32, #tpu.memory_space<vmem>>
    %dma_start3A_246 = tpu.memref_squeeze %dma_start3A_245 : memref<1x8x1024xf32, #tpu.memory_space<vmem>> -> memref<8x1024xf32, #tpu.memory_space<vmem>>
    %dma_start3A_247 = arith.constant 0 : i32
    %dma_start3A_248 = tpu.memref_slice %arg3[%add3A_222, %dma_start3A_247] : memref<16384x1024xf32, #tpu.memory_space<hbm>> -> memref<8x1024xf32, #tpu.memory_space<hbm>>
    tpu.enqueue_dma source(%dma_start3A_248 : memref<8x1024xf32, #tpu.memory_space<hbm>>) target(%dma_start3A_246 : memref<8x1024xf32, #tpu.memory_space<vmem>>) target_semaphore(%arg16 : memref<!tpu.dma_semaphore, #tpu.memory_space<semaphore_mem>>)
    %dma_start3A_249 = arith.constant 0 : i32
    %dma_start3A_250 = arith.constant 0 : i32
    %dma_start3A_251 = arith.constant 0 : i32
    %dma_start3A_252 = tpu.memref_slice %arg11[%dma_start3A_249, %dma_start3A_250, %dma_start3A_251] : memref<2x8x1024xi32, #tpu.memory_space<vmem>> -> memref<1x8x1024xi32, #tpu.memory_space<vmem>>
    %dma_start3A_253 = tpu.memref_squeeze %dma_start3A_252 : memref<1x8x1024xi32, #tpu.memory_space<vmem>> -> memref<8x1024xi32, #tpu.memory_space<vmem>>
    %dma_start3A_254 = arith.constant 0 : i32
    %dma_start3A_255 = tpu.memref_slice %arg4[%add3A_222, %dma_start3A_254] : memref<16384x1024xi32, #tpu.memory_space<hbm>> -> memref<8x1024xi32, #tpu.memory_space<hbm>>
    %dma_start3A_256 = arith.constant 0 : i32
    %dma_start3A_257 = arith.constant 0 : i32
    %dma_start3A_258 = tpu.memref_slice %arg11[%dma_start3A_249, %dma_start3A_256, %dma_start3A_257] : memref<2x8x1024xi32, #tpu.memory_space<vmem>> -> memref<1x8x1024xi32, #tpu.memory_space<vmem>>
    %dma_start3A_259 = tpu.memref_squeeze %dma_start3A_258 : memref<1x8x1024xi32, #tpu.memory_space<vmem>> -> memref<8x1024xi32, #tpu.memory_space<vmem>>
    %dma_start3A_260 = arith.constant 0 : i32
    %dma_start3A_261 = tpu.memref_slice %arg4[%add3A_222, %dma_start3A_260] : memref<16384x1024xi32, #tpu.memory_space<hbm>> -> memref<8x1024xi32, #tpu.memory_space<hbm>>
    tpu.enqueue_dma source(%dma_start3A_261 : memref<8x1024xi32, #tpu.memory_space<hbm>>) target(%dma_start3A_259 : memref<8x1024xi32, #tpu.memory_space<vmem>>) target_semaphore(%arg16 : memref<!tpu.dma_semaphore, #tpu.memory_space<semaphore_mem>>)
    %dma_start3A_262 = arith.constant 0 : i32
    %dma_start3A_263 = arith.constant 0 : i32
    %dma_start3A_264 = arith.constant 0 : i32
    %dma_start3A_265 = tpu.memref_slice %arg13[%dma_start3A_262, %dma_start3A_263, %dma_start3A_264] : memref<2x8x1024xf32, #tpu.memory_space<vmem>> -> memref<1x8x1024xf32, #tpu.memory_space<vmem>>
    %dma_start3A_266 = tpu.memref_squeeze %dma_start3A_265 : memref<1x8x1024xf32, #tpu.memory_space<vmem>> -> memref<8x1024xf32, #tpu.memory_space<vmem>>
    %dma_start3A_267 = arith.constant 0 : i32
    %dma_start3A_268 = tpu.memref_slice %arg6[%add3A_222, %dma_start3A_267] : memref<16384x1024xf32, #tpu.memory_space<hbm>> -> memref<8x1024xf32, #tpu.memory_space<hbm>>
    %dma_start3A_269 = arith.constant 0 : i32
    %dma_start3A_270 = arith.constant 0 : i32
    %dma_start3A_271 = tpu.memref_slice %arg13[%dma_start3A_262, %dma_start3A_269, %dma_start3A_270] : memref<2x8x1024xf32, #tpu.memory_space<vmem>> -> memref<1x8x1024xf32, #tpu.memory_space<vmem>>
    %dma_start3A_272 = tpu.memref_squeeze %dma_start3A_271 : memref<1x8x1024xf32, #tpu.memory_space<vmem>> -> memref<8x1024xf32, #tpu.memory_space<vmem>>
    %dma_start3A_273 = arith.constant 0 : i32
    %dma_start3A_274 = tpu.memref_slice %arg6[%add3A_222, %dma_start3A_273] : memref<16384x1024xf32, #tpu.memory_space<hbm>> -> memref<8x1024xf32, #tpu.memory_space<hbm>>
    tpu.enqueue_dma source(%dma_start3A_274 : memref<8x1024xf32, #tpu.memory_space<hbm>>) target(%dma_start3A_272 : memref<8x1024xf32, #tpu.memory_space<vmem>>) target_semaphore(%arg16 : memref<!tpu.dma_semaphore, #tpu.memory_space<semaphore_mem>>)
    %dma_start3A_275 = arith.constant 0 : i32
    %dma_start3A_276 = arith.constant 0 : i32
    %dma_start3A_277 = arith.constant 0 : i32
    %dma_start3A_278 = tpu.memref_slice %arg12[%dma_start3A_275, %dma_start3A_276, %dma_start3A_277] : memref<2x8x256xi32, #tpu.memory_space<vmem>> -> memref<1x8x256xi32, #tpu.memory_space<vmem>>
    %dma_start3A_279 = tpu.memref_squeeze %dma_start3A_278 : memref<1x8x256xi32, #tpu.memory_space<vmem>> -> memref<8x256xi32, #tpu.memory_space<vmem>>
    %dma_start3A_280 = arith.constant 0 : i32
    %dma_start3A_281 = tpu.memref_slice %arg5[%add3A_222, %dma_start3A_280] : memref<16384x256xi32, #tpu.memory_space<hbm>> -> memref<8x256xi32, #tpu.memory_space<hbm>>
    %dma_start3A_282 = arith.constant 0 : i32
    %dma_start3A_283 = arith.constant 0 : i32
    %dma_start3A_284 = tpu.memref_slice %arg12[%dma_start3A_275, %dma_start3A_282, %dma_start3A_283] : memref<2x8x256xi32, #tpu.memory_space<vmem>> -> memref<1x8x256xi32, #tpu.memory_space<vmem>>
    %dma_start3A_285 = tpu.memref_squeeze %dma_start3A_284 : memref<1x8x256xi32, #tpu.memory_space<vmem>> -> memref<8x256xi32, #tpu.memory_space<vmem>>
    %dma_start3A_286 = arith.constant 0 : i32
    %dma_start3A_287 = tpu.memref_slice %arg5[%add3A_222, %dma_start3A_286] : memref<16384x256xi32, #tpu.memory_space<hbm>> -> memref<8x256xi32, #tpu.memory_space<hbm>>
    tpu.enqueue_dma source(%dma_start3A_287 : memref<8x256xi32, #tpu.memory_space<hbm>>) target(%dma_start3A_285 : memref<8x256xi32, #tpu.memory_space<vmem>>) target_semaphore(%arg16 : memref<!tpu.dma_semaphore, #tpu.memory_space<semaphore_mem>>)
    %add3A_288 = arith.constant 8 : i32
    %add3A_289 = arith.addi %mul3A_2, %add3A_288 : i32
    %dma_wait3A_290 = arith.constant 1 : i32
    %dma_wait3A_291 = arith.constant 0 : i32
    %dma_wait3A_292 = arith.constant 0 : i32
    %dma_wait3A_293 = tpu.memref_slice %arg9[%dma_wait3A_290, %dma_wait3A_291, %dma_wait3A_292] : memref<2x8x1024xf32, #tpu.memory_space<vmem>> -> memref<1x8x1024xf32, #tpu.memory_space<vmem>>
    %dma_wait3A_294 = tpu.memref_squeeze %dma_wait3A_293 : memref<1x8x1024xf32, #tpu.memory_space<vmem>> -> memref<8x1024xf32, #tpu.memory_space<vmem>>
    %dma_wait3A_295 = arith.constant 0 : i32
    %dma_wait3A_296 = tpu.memref_slice %arg2[%add3A_289, %dma_wait3A_295] : memref<16384x1024xf32, #tpu.memory_space<hbm>> -> memref<8x1024xf32, #tpu.memory_space<hbm>>
    %dma_wait3A_297 = arith.constant 0 : i32
    %dma_wait3A_298 = arith.constant 0 : i32
    %dma_wait3A_299 = tpu.memref_slice %arg9[%dma_wait3A_290, %dma_wait3A_297, %dma_wait3A_298] : memref<2x8x1024xf32, #tpu.memory_space<vmem>> -> memref<1x8x1024xf32, #tpu.memory_space<vmem>>
    %dma_wait3A_300 = tpu.memref_squeeze %dma_wait3A_299 : memref<1x8x1024xf32, #tpu.memory_space<vmem>> -> memref<8x1024xf32, #tpu.memory_space<vmem>>
    %dma_wait3A_301 = arith.constant 0 : i32
    %dma_wait3A_302 = tpu.memref_slice %arg2[%add3A_289, %dma_wait3A_301] : memref<16384x1024xf32, #tpu.memory_space<hbm>> -> memref<8x1024xf32, #tpu.memory_space<hbm>>
    tpu.wait_dma2 semaphore(%arg17 : memref<!tpu.dma_semaphore, #tpu.memory_space<semaphore_mem>>) src(%dma_wait3A_302 : memref<8x1024xf32, #tpu.memory_space<hbm>>) dst(%dma_wait3A_300 : memref<8x1024xf32, #tpu.memory_space<vmem>>)
    %dma_wait3A_303 = arith.constant 1 : i32
    %dma_wait3A_304 = arith.constant 0 : i32
    %dma_wait3A_305 = arith.constant 0 : i32
    %dma_wait3A_306 = tpu.memref_slice %arg10[%dma_wait3A_303, %dma_wait3A_304, %dma_wait3A_305] : memref<2x8x1024xf32, #tpu.memory_space<vmem>> -> memref<1x8x1024xf32, #tpu.memory_space<vmem>>
    %dma_wait3A_307 = tpu.memref_squeeze %dma_wait3A_306 : memref<1x8x1024xf32, #tpu.memory_space<vmem>> -> memref<8x1024xf32, #tpu.memory_space<vmem>>
    %dma_wait3A_308 = arith.constant 0 : i32
    %dma_wait3A_309 = tpu.memref_slice %arg3[%add3A_289, %dma_wait3A_308] : memref<16384x1024xf32, #tpu.memory_space<hbm>> -> memref<8x1024xf32, #tpu.memory_space<hbm>>
    %dma_wait3A_310 = arith.constant 0 : i32
    %dma_wait3A_311 = arith.constant 0 : i32
    %dma_wait3A_312 = tpu.memref_slice %arg10[%dma_wait3A_303, %dma_wait3A_310, %dma_wait3A_311] : memref<2x8x1024xf32, #tpu.memory_space<vmem>> -> memref<1x8x1024xf32, #tpu.memory_space<vmem>>
    %dma_wait3A_313 = tpu.memref_squeeze %dma_wait3A_312 : memref<1x8x1024xf32, #tpu.memory_space<vmem>> -> memref<8x1024xf32, #tpu.memory_space<vmem>>
    %dma_wait3A_314 = arith.constant 0 : i32
    %dma_wait3A_315 = tpu.memref_slice %arg3[%add3A_289, %dma_wait3A_314] : memref<16384x1024xf32, #tpu.memory_space<hbm>> -> memref<8x1024xf32, #tpu.memory_space<hbm>>
    tpu.wait_dma2 semaphore(%arg17 : memref<!tpu.dma_semaphore, #tpu.memory_space<semaphore_mem>>) src(%dma_wait3A_315 : memref<8x1024xf32, #tpu.memory_space<hbm>>) dst(%dma_wait3A_313 : memref<8x1024xf32, #tpu.memory_space<vmem>>)
    %dma_wait3A_316 = arith.constant 1 : i32
    %dma_wait3A_317 = arith.constant 0 : i32
    %dma_wait3A_318 = arith.constant 0 : i32
    %dma_wait3A_319 = tpu.memref_slice %arg11[%dma_wait3A_316, %dma_wait3A_317, %dma_wait3A_318] : memref<2x8x1024xi32, #tpu.memory_space<vmem>> -> memref<1x8x1024xi32, #tpu.memory_space<vmem>>
    %dma_wait3A_320 = tpu.memref_squeeze %dma_wait3A_319 : memref<1x8x1024xi32, #tpu.memory_space<vmem>> -> memref<8x1024xi32, #tpu.memory_space<vmem>>
    %dma_wait3A_321 = arith.constant 0 : i32
    %dma_wait3A_322 = tpu.memref_slice %arg4[%add3A_289, %dma_wait3A_321] : memref<16384x1024xi32, #tpu.memory_space<hbm>> -> memref<8x1024xi32, #tpu.memory_space<hbm>>
    %dma_wait3A_323 = arith.constant 0 : i32
    %dma_wait3A_324 = arith.constant 0 : i32
    %dma_wait3A_325 = tpu.memref_slice %arg11[%dma_wait3A_316, %dma_wait3A_323, %dma_wait3A_324] : memref<2x8x1024xi32, #tpu.memory_space<vmem>> -> memref<1x8x1024xi32, #tpu.memory_space<vmem>>
    %dma_wait3A_326 = tpu.memref_squeeze %dma_wait3A_325 : memref<1x8x1024xi32, #tpu.memory_space<vmem>> -> memref<8x1024xi32, #tpu.memory_space<vmem>>
    %dma_wait3A_327 = arith.constant 0 : i32
    %dma_wait3A_328 = tpu.memref_slice %arg4[%add3A_289, %dma_wait3A_327] : memref<16384x1024xi32, #tpu.memory_space<hbm>> -> memref<8x1024xi32, #tpu.memory_space<hbm>>
    tpu.wait_dma2 semaphore(%arg17 : memref<!tpu.dma_semaphore, #tpu.memory_space<semaphore_mem>>) src(%dma_wait3A_328 : memref<8x1024xi32, #tpu.memory_space<hbm>>) dst(%dma_wait3A_326 : memref<8x1024xi32, #tpu.memory_space<vmem>>)
    %dma_wait3A_329 = arith.constant 1 : i32
    %dma_wait3A_330 = arith.constant 0 : i32
    %dma_wait3A_331 = arith.constant 0 : i32
    %dma_wait3A_332 = tpu.memref_slice %arg13[%dma_wait3A_329, %dma_wait3A_330, %dma_wait3A_331] : memref<2x8x1024xf32, #tpu.memory_space<vmem>> -> memref<1x8x1024xf32, #tpu.memory_space<vmem>>
    %dma_wait3A_333 = tpu.memref_squeeze %dma_wait3A_332 : memref<1x8x1024xf32, #tpu.memory_space<vmem>> -> memref<8x1024xf32, #tpu.memory_space<vmem>>
    %dma_wait3A_334 = arith.constant 0 : i32
    %dma_wait3A_335 = tpu.memref_slice %arg6[%add3A_289, %dma_wait3A_334] : memref<16384x1024xf32, #tpu.memory_space<hbm>> -> memref<8x1024xf32, #tpu.memory_space<hbm>>
    %dma_wait3A_336 = arith.constant 0 : i32
    %dma_wait3A_337 = arith.constant 0 : i32
    %dma_wait3A_338 = tpu.memref_slice %arg13[%dma_wait3A_329, %dma_wait3A_336, %dma_wait3A_337] : memref<2x8x1024xf32, #tpu.memory_space<vmem>> -> memref<1x8x1024xf32, #tpu.memory_space<vmem>>
    %dma_wait3A_339 = tpu.memref_squeeze %dma_wait3A_338 : memref<1x8x1024xf32, #tpu.memory_space<vmem>> -> memref<8x1024xf32, #tpu.memory_space<vmem>>
    %dma_wait3A_340 = arith.constant 0 : i32
    %dma_wait3A_341 = tpu.memref_slice %arg6[%add3A_289, %dma_wait3A_340] : memref<16384x1024xf32, #tpu.memory_space<hbm>> -> memref<8x1024xf32, #tpu.memory_space<hbm>>
    tpu.wait_dma2 semaphore(%arg17 : memref<!tpu.dma_semaphore, #tpu.memory_space<semaphore_mem>>) src(%dma_wait3A_341 : memref<8x1024xf32, #tpu.memory_space<hbm>>) dst(%dma_wait3A_339 : memref<8x1024xf32, #tpu.memory_space<vmem>>)
    %dma_wait3A_342 = arith.constant 1 : i32
    %dma_wait3A_343 = arith.constant 0 : i32
    %dma_wait3A_344 = arith.constant 0 : i32
    %dma_wait3A_345 = tpu.memref_slice %arg12[%dma_wait3A_342, %dma_wait3A_343, %dma_wait3A_344] : memref<2x8x256xi32, #tpu.memory_space<vmem>> -> memref<1x8x256xi32, #tpu.memory_space<vmem>>
    %dma_wait3A_346 = tpu.memref_squeeze %dma_wait3A_345 : memref<1x8x256xi32, #tpu.memory_space<vmem>> -> memref<8x256xi32, #tpu.memory_space<vmem>>
    %dma_wait3A_347 = arith.constant 0 : i32
    %dma_wait3A_348 = tpu.memref_slice %arg5[%add3A_289, %dma_wait3A_347] : memref<16384x256xi32, #tpu.memory_space<hbm>> -> memref<8x256xi32, #tpu.memory_space<hbm>>
    %dma_wait3A_349 = arith.constant 0 : i32
    %dma_wait3A_350 = arith.constant 0 : i32
    %dma_wait3A_351 = tpu.memref_slice %arg12[%dma_wait3A_342, %dma_wait3A_349, %dma_wait3A_350] : memref<2x8x256xi32, #tpu.memory_space<vmem>> -> memref<1x8x256xi32, #tpu.memory_space<vmem>>
    %dma_wait3A_352 = tpu.memref_squeeze %dma_wait3A_351 : memref<1x8x256xi32, #tpu.memory_space<vmem>> -> memref<8x256xi32, #tpu.memory_space<vmem>>
    %dma_wait3A_353 = arith.constant 0 : i32
    %dma_wait3A_354 = tpu.memref_slice %arg5[%add3A_289, %dma_wait3A_353] : memref<16384x256xi32, #tpu.memory_space<hbm>> -> memref<8x256xi32, #tpu.memory_space<hbm>>
    tpu.wait_dma2 semaphore(%arg17 : memref<!tpu.dma_semaphore, #tpu.memory_space<semaphore_mem>>) src(%dma_wait3A_354 : memref<8x256xi32, #tpu.memory_space<hbm>>) dst(%dma_wait3A_352 : memref<8x256xi32, #tpu.memory_space<vmem>>)
    %get3A_355 = arith.constant 0 : index
    %get3A_356 = tpu.vector_load %arg15[%get3A_355] {strides = array<i32>} : memref<16xf32, #tpu.memory_space<vmem>>, vector<16xf32>,
    %get3A_357 = vector.shape_cast %get3A_356 : vector<16xf32> to vector<16xf32>
    %parallel_loop3A_358 = arith.constant 0 : i32
    %parallel_loop3A_359 = arith.constant 128 : i32
    %parallel_loop3A_360 = arith.constant 1 : i32
    scf.for %parallel_loop3A_684 = %parallel_loop3A_358 to %parallel_loop3A_359 step %parallel_loop3A_360  : i32 {
      %parallel_loop3A_685 = arith.constant 4 : i32
      %parallel_loop3A_686 = arith.shrsi %parallel_loop3A_684, %parallel_loop3A_685 : i32
      %parallel_loop3A_687 = arith.constant 15 : i32
      %parallel_loop3A_688 = arith.andi %parallel_loop3A_684, %parallel_loop3A_687 : i32
      %parallel_loop3A_689 = arith.constant 16 : i32
      %parallel_loop3A_690 = arith.muli %parallel_loop3A_688, %parallel_loop3A_689 : i32
      %parallel_loop3A_691 = arith.constant 1 : i32
      %parallel_loop3A_692 = arith.index_cast %parallel_loop3A_691 : i32 to index
      %parallel_loop3A_693 = arith.index_cast %parallel_loop3A_686 : i32 to index
      %parallel_loop3A_694 = arith.index_cast %parallel_loop3A_690 : i32 to index
      %parallel_loop3A_695 = tpu.vector_load %arg12[%parallel_loop3A_692, %parallel_loop3A_693, %parallel_loop3A_694] {strides = array<i32>} : memref<2x8x256xi32, #tpu.memory_space<vmem>>, vector<1x1x16xi32>,
      %parallel_loop3A_696 = vector.shape_cast %parallel_loop3A_695 : vector<1x1x16xi32> to vector<16xi32>
      %parallel_loop3A_697 = arith.constant 16 : i32
      %parallel_loop3A_698 = arith.muli %parallel_loop3A_688, %parallel_loop3A_697 : i32
      %parallel_loop3A_699 = arith.constant 0 : i32
      %parallel_loop3A_700 = arith.addi %parallel_loop3A_699, %parallel_loop3A_698 : i32
      %parallel_loop3A_701 = arith.constant 1 : i32
      %parallel_loop3A_702 = vector.broadcast %parallel_loop3A_701 : i32 to vector<16xi32>
      %parallel_loop3A_703 = arith.andi %parallel_loop3A_696, %parallel_loop3A_702 : vector<16xi32>
      %parallel_loop3A_704 = arith.constant 1 : i32
      %parallel_loop3A_705 = arith.index_cast %parallel_loop3A_704 : i32 to index
      %parallel_loop3A_706 = arith.index_cast %parallel_loop3A_686 : i32 to index
      %parallel_loop3A_707 = arith.index_cast %parallel_loop3A_700 : i32 to index
      %parallel_loop3A_708 = tpu.vector_load %arg13[%parallel_loop3A_705, %parallel_loop3A_706, %parallel_loop3A_707] {strides = array<i32>} : memref<2x8x1024xf32, #tpu.memory_space<vmem>>, vector<1x1x16xf32>,
      %parallel_loop3A_709 = vector.shape_cast %parallel_loop3A_708 : vector<1x1x16xf32> to vector<16xf32>
      %parallel_loop3A_710 = arith.constant 0 : i32
      %parallel_loop3A_711 = vector.broadcast %parallel_loop3A_710 : i32 to vector<16xi32>
      %parallel_loop3A_712 = arith.cmpi ne, %parallel_loop3A_703, %parallel_loop3A_711 : vector<16xi32>
      %parallel_loop3A_713 = arith.constant 5.000000e-01 : f32
      %parallel_loop3A_714 = vector.broadcast %parallel_loop3A_713 : f32 to vector<16xf32>
      %parallel_loop3A_715 = arith.cmpf olt, %parallel_loop3A_709, %parallel_loop3A_714 : vector<16xf32>
      %parallel_loop3A_716 = arith.andi %parallel_loop3A_712, %parallel_loop3A_715 : vector<16xi1>
      %parallel_loop3A_717 = arith.constant 1 : i32
      %parallel_loop3A_718 = arith.index_cast %parallel_loop3A_717 : i32 to index
      %parallel_loop3A_719 = arith.index_cast %parallel_loop3A_686 : i32 to index
      %parallel_loop3A_720 = arith.index_cast %parallel_loop3A_700 : i32 to index
      %parallel_loop3A_721 = tpu.vector_load %arg11[%parallel_loop3A_718, %parallel_loop3A_719, %parallel_loop3A_720] {strides = array<i32>} : memref<2x8x1024xi32, #tpu.memory_space<vmem>>, vector<1x1x16xi32>,
      %parallel_loop3A_722 = vector.shape_cast %parallel_loop3A_721 : vector<1x1x16xi32> to vector<16xi32>
      %parallel_loop3A_723 = arith.constant 0 : i32
      %parallel_loop3A_724 = vector.broadcast %parallel_loop3A_723 : i32 to vector<16xi32>
      %parallel_loop3A_725 = arith.cmpi slt, %parallel_loop3A_722, %parallel_loop3A_724 : vector<16xi32>
      %parallel_loop3A_726 = arith.constant 16 : i32
      %parallel_loop3A_727 = vector.broadcast %parallel_loop3A_726 : i32 to vector<16xi32>
      %parallel_loop3A_728 = arith.addi %parallel_loop3A_722, %parallel_loop3A_727 : vector<16xi32>
      %parallel_loop3A_729 = arith.select %parallel_loop3A_725, %parallel_loop3A_728, %parallel_loop3A_722 : vector<16xi1>, vector<16xi32>
      %parallel_loop3A_730 = vector.shape_cast %parallel_loop3A_729 : vector<16xi32> to vector<16x1xi32>
      %parallel_loop3A_731 = vector.shape_cast %parallel_loop3A_730 : vector<16x1xi32> to vector<16xi32>
      %parallel_loop3A_732 = tpu.dynamic_gather %get3A_357[%parallel_loop3A_731] in [0] : vector<16xf32>, vector<16xi32> -> vector<16xf32>
      %parallel_loop3A_733 = arith.constant 1 : i32
      %parallel_loop3A_734 = arith.index_cast %parallel_loop3A_733 : i32 to index
      %parallel_loop3A_735 = arith.index_cast %parallel_loop3A_686 : i32 to index
      %parallel_loop3A_736 = arith.index_cast %parallel_loop3A_700 : i32 to index
      %parallel_loop3A_737 = tpu.vector_load %arg10[%parallel_loop3A_734, %parallel_loop3A_735, %parallel_loop3A_736] {strides = array<i32>} : memref<2x8x1024xf32, #tpu.memory_space<vmem>>, vector<1x1x16xf32>,
      %parallel_loop3A_738 = vector.shape_cast %parallel_loop3A_737 : vector<1x1x16xf32> to vector<16xf32>
      %parallel_loop3A_739 = arith.addf %parallel_loop3A_738, %parallel_loop3A_732 : vector<16xf32>
      %parallel_loop3A_740 = arith.constant 1 : i32
      %parallel_loop3A_741 = arith.index_cast %parallel_loop3A_740 : i32 to index
      %parallel_loop3A_742 = arith.index_cast %parallel_loop3A_686 : i32 to index
      %parallel_loop3A_743 = arith.index_cast %parallel_loop3A_700 : i32 to index
      %parallel_loop3A_744 = tpu.vector_load %arg9[%parallel_loop3A_741, %parallel_loop3A_742, %parallel_loop3A_743] {strides = array<i32>} : memref<2x8x1024xf32, #tpu.memory_space<vmem>>, vector<1x1x16xf32>,
      %parallel_loop3A_745 = vector.shape_cast %parallel_loop3A_744 : vector<1x1x16xf32> to vector<16xf32>
      %parallel_loop3A_746 = arith.select %parallel_loop3A_716, %parallel_loop3A_739, %parallel_loop3A_745 : vector<16xi1>, vector<16xf32>
      %parallel_loop3A_747 = arith.constant 1 : i32
      %parallel_loop3A_748 = arith.index_cast %parallel_loop3A_747 : i32 to index
      %parallel_loop3A_749 = arith.index_cast %parallel_loop3A_686 : i32 to index
      %parallel_loop3A_750 = arith.index_cast %parallel_loop3A_700 : i32 to index
      %parallel_loop3A_751 = tpu.vector_load %arg14[%parallel_loop3A_748, %parallel_loop3A_749, %parallel_loop3A_750] {strides = array<i32>} : memref<2x8x1024xf32, #tpu.memory_space<vmem>>, vector<1x1x16xf32>,
      %parallel_loop3A_752 = vector.shape_cast %parallel_loop3A_751 : vector<1x1x16xf32> to vector<16xf32>
      %parallel_loop3A_753 = vector.shape_cast %parallel_loop3A_746 : vector<16xf32> to vector<1x1x16xf32>
      tpu.vector_store %arg14[%parallel_loop3A_748, %parallel_loop3A_749, %parallel_loop3A_750], %parallel_loop3A_753 {strides = array<i32>} : memref<2x8x1024xf32, #tpu.memory_space<vmem>>, vector<1x1x16xf32>,
      %parallel_loop3A_754 = arith.constant 16 : i32
      %parallel_loop3A_755 = arith.muli %parallel_loop3A_688, %parallel_loop3A_754 : i32
      %parallel_loop3A_756 = arith.constant 256 : i32
      %parallel_loop3A_757 = arith.addi %parallel_loop3A_756, %parallel_loop3A_755 : i32
      %parallel_loop3A_758 = arith.constant 256 : i32
      %parallel_loop3A_759 = vector.broadcast %parallel_loop3A_758 : i32 to vector<16xi32>
      %parallel_loop3A_760 = arith.andi %parallel_loop3A_696, %parallel_loop3A_759 : vector<16xi32>
      %parallel_loop3A_761 = arith.constant 1 : i32
      %parallel_loop3A_762 = arith.index_cast %parallel_loop3A_761 : i32 to index
      %parallel_loop3A_763 = arith.index_cast %parallel_loop3A_686 : i32 to index
      %parallel_loop3A_764 = arith.index_cast %parallel_loop3A_757 : i32 to index
      %parallel_loop3A_765 = tpu.vector_load %arg13[%parallel_loop3A_762, %parallel_loop3A_763, %parallel_loop3A_764] {strides = array<i32>} : memref<2x8x1024xf32, #tpu.memory_space<vmem>>, vector<1x1x16xf32>,
      %parallel_loop3A_766 = vector.shape_cast %parallel_loop3A_765 : vector<1x1x16xf32> to vector<16xf32>
      %parallel_loop3A_767 = arith.constant 0 : i32
      %parallel_loop3A_768 = vector.broadcast %parallel_loop3A_767 : i32 to vector<16xi32>
      %parallel_loop3A_769 = arith.cmpi ne, %parallel_loop3A_760, %parallel_loop3A_768 : vector<16xi32>
      %parallel_loop3A_770 = arith.constant 5.000000e-01 : f32
      %parallel_loop3A_771 = vector.broadcast %parallel_loop3A_770 : f32 to vector<16xf32>
      %parallel_loop3A_772 = arith.cmpf olt, %parallel_loop3A_766, %parallel_loop3A_771 : vector<16xf32>
      %parallel_loop3A_773 = arith.andi %parallel_loop3A_769, %parallel_loop3A_772 : vector<16xi1>
      %parallel_loop3A_774 = arith.constant 1 : i32
      %parallel_loop3A_775 = arith.index_cast %parallel_loop3A_774 : i32 to index
      %parallel_loop3A_776 = arith.index_cast %parallel_loop3A_686 : i32 to index
      %parallel_loop3A_777 = arith.index_cast %parallel_loop3A_757 : i32 to index
      %parallel_loop3A_778 = tpu.vector_load %arg11[%parallel_loop3A_775, %parallel_loop3A_776, %parallel_loop3A_777] {strides = array<i32>} : memref<2x8x1024xi32, #tpu.memory_space<vmem>>, vector<1x1x16xi32>,
      %parallel_loop3A_779 = vector.shape_cast %parallel_loop3A_778 : vector<1x1x16xi32> to vector<16xi32>
      %parallel_loop3A_780 = arith.constant 0 : i32
      %parallel_loop3A_781 = vector.broadcast %parallel_loop3A_780 : i32 to vector<16xi32>
      %parallel_loop3A_782 = arith.cmpi slt, %parallel_loop3A_779, %parallel_loop3A_781 : vector<16xi32>
      %parallel_loop3A_783 = arith.constant 16 : i32
      %parallel_loop3A_784 = vector.broadcast %parallel_loop3A_783 : i32 to vector<16xi32>
      %parallel_loop3A_785 = arith.addi %parallel_loop3A_779, %parallel_loop3A_784 : vector<16xi32>
      %parallel_loop3A_786 = arith.select %parallel_loop3A_782, %parallel_loop3A_785, %parallel_loop3A_779 : vector<16xi1>, vector<16xi32>
      %parallel_loop3A_787 = vector.shape_cast %parallel_loop3A_786 : vector<16xi32> to vector<16x1xi32>
      %parallel_loop3A_788 = vector.shape_cast %parallel_loop3A_787 : vector<16x1xi32> to vector<16xi32>
      %parallel_loop3A_789 = tpu.dynamic_gather %get3A_357[%parallel_loop3A_788] in [0] : vector<16xf32>, vector<16xi32> -> vector<16xf32>
      %parallel_loop3A_790 = arith.constant 1 : i32
      %parallel_loop3A_791 = arith.index_cast %parallel_loop3A_790 : i32 to index
      %parallel_loop3A_792 = arith.index_cast %parallel_loop3A_686 : i32 to index
      %parallel_loop3A_793 = arith.index_cast %parallel_loop3A_757 : i32 to index
      %parallel_loop3A_794 = tpu.vector_load %arg10[%parallel_loop3A_791, %parallel_loop3A_792, %parallel_loop3A_793] {strides = array<i32>} : memref<2x8x1024xf32, #tpu.memory_space<vmem>>, vector<1x1x16xf32>,
      %parallel_loop3A_795 = vector.shape_cast %parallel_loop3A_794 : vector<1x1x16xf32> to vector<16xf32>
      %parallel_loop3A_796 = arith.addf %parallel_loop3A_795, %parallel_loop3A_789 : vector<16xf32>
      %parallel_loop3A_797 = arith.constant 1 : i32
      %parallel_loop3A_798 = arith.index_cast %parallel_loop3A_797 : i32 to index
      %parallel_loop3A_799 = arith.index_cast %parallel_loop3A_686 : i32 to index
      %parallel_loop3A_800 = arith.index_cast %parallel_loop3A_757 : i32 to index
      %parallel_loop3A_801 = tpu.vector_load %arg9[%parallel_loop3A_798, %parallel_loop3A_799, %parallel_loop3A_800] {strides = array<i32>} : memref<2x8x1024xf32, #tpu.memory_space<vmem>>, vector<1x1x16xf32>,
      %parallel_loop3A_802 = vector.shape_cast %parallel_loop3A_801 : vector<1x1x16xf32> to vector<16xf32>
      %parallel_loop3A_803 = arith.select %parallel_loop3A_773, %parallel_loop3A_796, %parallel_loop3A_802 : vector<16xi1>, vector<16xf32>
      %parallel_loop3A_804 = arith.constant 1 : i32
      %parallel_loop3A_805 = arith.index_cast %parallel_loop3A_804 : i32 to index
      %parallel_loop3A_806 = arith.index_cast %parallel_loop3A_686 : i32 to index
      %parallel_loop3A_807 = arith.index_cast %parallel_loop3A_757 : i32 to index
      %parallel_loop3A_808 = tpu.vector_load %arg14[%parallel_loop3A_805, %parallel_loop3A_806, %parallel_loop3A_807] {strides = array<i32>} : memref<2x8x1024xf32, #tpu.memory_space<vmem>>, vector<1x1x16xf32>,
      %parallel_loop3A_809 = vector.shape_cast %parallel_loop3A_808 : vector<1x1x16xf32> to vector<16xf32>
      %parallel_loop3A_810 = vector.shape_cast %parallel_loop3A_803 : vector<16xf32> to vector<1x1x16xf32>
      tpu.vector_store %arg14[%parallel_loop3A_805, %parallel_loop3A_806, %parallel_loop3A_807], %parallel_loop3A_810 {strides = array<i32>} : memref<2x8x1024xf32, #tpu.memory_space<vmem>>, vector<1x1x16xf32>,
      %parallel_loop3A_811 = arith.constant 16 : i32
      %parallel_loop3A_812 = arith.muli %parallel_loop3A_688, %parallel_loop3A_811 : i32
      %parallel_loop3A_813 = arith.constant 512 : i32
      %parallel_loop3A_814 = arith.addi %parallel_loop3A_813, %parallel_loop3A_812 : i32
      %parallel_loop3A_815 = arith.constant 65536 : i32
      %parallel_loop3A_816 = vector.broadcast %parallel_loop3A_815 : i32 to vector<16xi32>
      %parallel_loop3A_817 = arith.andi %parallel_loop3A_696, %parallel_loop3A_816 : vector<16xi32>
      %parallel_loop3A_818 = arith.constant 1 : i32
      %parallel_loop3A_819 = arith.index_cast %parallel_loop3A_818 : i32 to index
      %parallel_loop3A_820 = arith.index_cast %parallel_loop3A_686 : i32 to index
      %parallel_loop3A_821 = arith.index_cast %parallel_loop3A_814 : i32 to index
      %parallel_loop3A_822 = tpu.vector_load %arg13[%parallel_loop3A_819, %parallel_loop3A_820, %parallel_loop3A_821] {strides = array<i32>} : memref<2x8x1024xf32, #tpu.memory_space<vmem>>, vector<1x1x16xf32>,
      %parallel_loop3A_823 = vector.shape_cast %parallel_loop3A_822 : vector<1x1x16xf32> to vector<16xf32>
      %parallel_loop3A_824 = arith.constant 0 : i32
      %parallel_loop3A_825 = vector.broadcast %parallel_loop3A_824 : i32 to vector<16xi32>
      %parallel_loop3A_826 = arith.cmpi ne, %parallel_loop3A_817, %parallel_loop3A_825 : vector<16xi32>
      %parallel_loop3A_827 = arith.constant 5.000000e-01 : f32
      %parallel_loop3A_828 = vector.broadcast %parallel_loop3A_827 : f32 to vector<16xf32>
      %parallel_loop3A_829 = arith.cmpf olt, %parallel_loop3A_823, %parallel_loop3A_828 : vector<16xf32>
      %parallel_loop3A_830 = arith.andi %parallel_loop3A_826, %parallel_loop3A_829 : vector<16xi1>
      %parallel_loop3A_831 = arith.constant 1 : i32
      %parallel_loop3A_832 = arith.index_cast %parallel_loop3A_831 : i32 to index
      %parallel_loop3A_833 = arith.index_cast %parallel_loop3A_686 : i32 to index
      %parallel_loop3A_834 = arith.index_cast %parallel_loop3A_814 : i32 to index
      %parallel_loop3A_835 = tpu.vector_load %arg11[%parallel_loop3A_832, %parallel_loop3A_833, %parallel_loop3A_834] {strides = array<i32>} : memref<2x8x1024xi32, #tpu.memory_space<vmem>>, vector<1x1x16xi32>,
      %parallel_loop3A_836 = vector.shape_cast %parallel_loop3A_835 : vector<1x1x16xi32> to vector<16xi32>
      %parallel_loop3A_837 = arith.constant 0 : i32
      %parallel_loop3A_838 = vector.broadcast %parallel_loop3A_837 : i32 to vector<16xi32>
      %parallel_loop3A_839 = arith.cmpi slt, %parallel_loop3A_836, %parallel_loop3A_838 : vector<16xi32>
      %parallel_loop3A_840 = arith.constant 16 : i32
      %parallel_loop3A_841 = vector.broadcast %parallel_loop3A_840 : i32 to vector<16xi32>
      %parallel_loop3A_842 = arith.addi %parallel_loop3A_836, %parallel_loop3A_841 : vector<16xi32>
      %parallel_loop3A_843 = arith.select %parallel_loop3A_839, %parallel_loop3A_842, %parallel_loop3A_836 : vector<16xi1>, vector<16xi32>
      %parallel_loop3A_844 = vector.shape_cast %parallel_loop3A_843 : vector<16xi32> to vector<16x1xi32>
      %parallel_loop3A_845 = vector.shape_cast %parallel_loop3A_844 : vector<16x1xi32> to vector<16xi32>
      %parallel_loop3A_846 = tpu.dynamic_gather %get3A_357[%parallel_loop3A_845] in [0] : vector<16xf32>, vector<16xi32> -> vector<16xf32>
      %parallel_loop3A_847 = arith.constant 1 : i32
      %parallel_loop3A_848 = arith.index_cast %parallel_loop3A_847 : i32 to index
      %parallel_loop3A_849 = arith.index_cast %parallel_loop3A_686 : i32 to index
      %parallel_loop3A_850 = arith.index_cast %parallel_loop3A_814 : i32 to index
      %parallel_loop3A_851 = tpu.vector_load %arg10[%parallel_loop3A_848, %parallel_loop3A_849, %parallel_loop3A_850] {strides = array<i32>} : memref<2x8x1024xf32, #tpu.memory_space<vmem>>, vector<1x1x16xf32>,
      %parallel_loop3A_852 = vector.shape_cast %parallel_loop3A_851 : vector<1x1x16xf32> to vector<16xf32>
      %parallel_loop3A_853 = arith.addf %parallel_loop3A_852, %parallel_loop3A_846 : vector<16xf32>
      %parallel_loop3A_854 = arith.constant 1 : i32
      %parallel_loop3A_855 = arith.index_cast %parallel_loop3A_854 : i32 to index
      %parallel_loop3A_856 = arith.index_cast %parallel_loop3A_686 : i32 to index
      %parallel_loop3A_857 = arith.index_cast %parallel_loop3A_814 : i32 to index
      %parallel_loop3A_858 = tpu.vector_load %arg9[%parallel_loop3A_855, %parallel_loop3A_856, %parallel_loop3A_857] {strides = array<i32>} : memref<2x8x1024xf32, #tpu.memory_space<vmem>>, vector<1x1x16xf32>,
      %parallel_loop3A_859 = vector.shape_cast %parallel_loop3A_858 : vector<1x1x16xf32> to vector<16xf32>
      %parallel_loop3A_860 = arith.select %parallel_loop3A_830, %parallel_loop3A_853, %parallel_loop3A_859 : vector<16xi1>, vector<16xf32>
      %parallel_loop3A_861 = arith.constant 1 : i32
      %parallel_loop3A_862 = arith.index_cast %parallel_loop3A_861 : i32 to index
      %parallel_loop3A_863 = arith.index_cast %parallel_loop3A_686 : i32 to index
      %parallel_loop3A_864 = arith.index_cast %parallel_loop3A_814 : i32 to index
      %parallel_loop3A_865 = tpu.vector_load %arg14[%parallel_loop3A_862, %parallel_loop3A_863, %parallel_loop3A_864] {strides = array<i32>} : memref<2x8x1024xf32, #tpu.memory_space<vmem>>, vector<1x1x16xf32>,
      %parallel_loop3A_866 = vector.shape_cast %parallel_loop3A_865 : vector<1x1x16xf32> to vector<16xf32>
      %parallel_loop3A_867 = vector.shape_cast %parallel_loop3A_860 : vector<16xf32> to vector<1x1x16xf32>
      tpu.vector_store %arg14[%parallel_loop3A_862, %parallel_loop3A_863, %parallel_loop3A_864], %parallel_loop3A_867 {strides = array<i32>} : memref<2x8x1024xf32, #tpu.memory_space<vmem>>, vector<1x1x16xf32>,
      %parallel_loop3A_868 = arith.constant 16 : i32
      %parallel_loop3A_869 = arith.muli %parallel_loop3A_688, %parallel_loop3A_868 : i32
      %parallel_loop3A_870 = arith.constant 768 : i32
      %parallel_loop3A_871 = arith.addi %parallel_loop3A_870, %parallel_loop3A_869 : i32
      %parallel_loop3A_872 = arith.constant 16777216 : i32
      %parallel_loop3A_873 = vector.broadcast %parallel_loop3A_872 : i32 to vector<16xi32>
      %parallel_loop3A_874 = arith.andi %parallel_loop3A_696, %parallel_loop3A_873 : vector<16xi32>
      %parallel_loop3A_875 = arith.constant 1 : i32
      %parallel_loop3A_876 = arith.index_cast %parallel_loop3A_875 : i32 to index
      %parallel_loop3A_877 = arith.index_cast %parallel_loop3A_686 : i32 to index
      %parallel_loop3A_878 = arith.index_cast %parallel_loop3A_871 : i32 to index
      %parallel_loop3A_879 = tpu.vector_load %arg13[%parallel_loop3A_876, %parallel_loop3A_877, %parallel_loop3A_878] {strides = array<i32>} : memref<2x8x1024xf32, #tpu.memory_space<vmem>>, vector<1x1x16xf32>,
      %parallel_loop3A_880 = vector.shape_cast %parallel_loop3A_879 : vector<1x1x16xf32> to vector<16xf32>
      %parallel_loop3A_881 = arith.constant 0 : i32
      %parallel_loop3A_882 = vector.broadcast %parallel_loop3A_881 : i32 to vector<16xi32>
      %parallel_loop3A_883 = arith.cmpi ne, %parallel_loop3A_874, %parallel_loop3A_882 : vector<16xi32>
      %parallel_loop3A_884 = arith.constant 5.000000e-01 : f32
      %parallel_loop3A_885 = vector.broadcast %parallel_loop3A_884 : f32 to vector<16xf32>
      %parallel_loop3A_886 = arith.cmpf olt, %parallel_loop3A_880, %parallel_loop3A_885 : vector<16xf32>
      %parallel_loop3A_887 = arith.andi %parallel_loop3A_883, %parallel_loop3A_886 : vector<16xi1>
      %parallel_loop3A_888 = arith.constant 1 : i32
      %parallel_loop3A_889 = arith.index_cast %parallel_loop3A_888 : i32 to index
      %parallel_loop3A_890 = arith.index_cast %parallel_loop3A_686 : i32 to index
      %parallel_loop3A_891 = arith.index_cast %parallel_loop3A_871 : i32 to index
      %parallel_loop3A_892 = tpu.vector_load %arg11[%parallel_loop3A_889, %parallel_loop3A_890, %parallel_loop3A_891] {strides = array<i32>} : memref<2x8x1024xi32, #tpu.memory_space<vmem>>, vector<1x1x16xi32>,
      %parallel_loop3A_893 = vector.shape_cast %parallel_loop3A_892 : vector<1x1x16xi32> to vector<16xi32>
      %parallel_loop3A_894 = arith.constant 0 : i32
      %parallel_loop3A_895 = vector.broadcast %parallel_loop3A_894 : i32 to vector<16xi32>
      %parallel_loop3A_896 = arith.cmpi slt, %parallel_loop3A_893, %parallel_loop3A_895 : vector<16xi32>
      %parallel_loop3A_897 = arith.constant 16 : i32
      %parallel_loop3A_898 = vector.broadcast %parallel_loop3A_897 : i32 to vector<16xi32>
      %parallel_loop3A_899 = arith.addi %parallel_loop3A_893, %parallel_loop3A_898 : vector<16xi32>
      %parallel_loop3A_900 = arith.select %parallel_loop3A_896, %parallel_loop3A_899, %parallel_loop3A_893 : vector<16xi1>, vector<16xi32>
      %parallel_loop3A_901 = vector.shape_cast %parallel_loop3A_900 : vector<16xi32> to vector<16x1xi32>
      %parallel_loop3A_902 = vector.shape_cast %parallel_loop3A_901 : vector<16x1xi32> to vector<16xi32>
      %parallel_loop3A_903 = tpu.dynamic_gather %get3A_357[%parallel_loop3A_902] in [0] : vector<16xf32>, vector<16xi32> -> vector<16xf32>
      %parallel_loop3A_904 = arith.constant 1 : i32
      %parallel_loop3A_905 = arith.index_cast %parallel_loop3A_904 : i32 to index
      %parallel_loop3A_906 = arith.index_cast %parallel_loop3A_686 : i32 to index
      %parallel_loop3A_907 = arith.index_cast %parallel_loop3A_871 : i32 to index
      %parallel_loop3A_908 = tpu.vector_load %arg10[%parallel_loop3A_905, %parallel_loop3A_906, %parallel_loop3A_907] {strides = array<i32>} : memref<2x8x1024xf32, #tpu.memory_space<vmem>>, vector<1x1x16xf32>,
      %parallel_loop3A_909 = vector.shape_cast %parallel_loop3A_908 : vector<1x1x16xf32> to vector<16xf32>
      %parallel_loop3A_910 = arith.addf %parallel_loop3A_909, %parallel_loop3A_903 : vector<16xf32>
      %parallel_loop3A_911 = arith.constant 1 : i32
      %parallel_loop3A_912 = arith.index_cast %parallel_loop3A_911 : i32 to index
      %parallel_loop3A_913 = arith.index_cast %parallel_loop3A_686 : i32 to index
      %parallel_loop3A_914 = arith.index_cast %parallel_loop3A_871 : i32 to index
      %parallel_loop3A_915 = tpu.vector_load %arg9[%parallel_loop3A_912, %parallel_loop3A_913, %parallel_loop3A_914] {strides = array<i32>} : memref<2x8x1024xf32, #tpu.memory_space<vmem>>, vector<1x1x16xf32>,
      %parallel_loop3A_916 = vector.shape_cast %parallel_loop3A_915 : vector<1x1x16xf32> to vector<16xf32>
      %parallel_loop3A_917 = arith.select %parallel_loop3A_887, %parallel_loop3A_910, %parallel_loop3A_916 : vector<16xi1>, vector<16xf32>
      %parallel_loop3A_918 = arith.constant 1 : i32
      %parallel_loop3A_919 = arith.index_cast %parallel_loop3A_918 : i32 to index
      %parallel_loop3A_920 = arith.index_cast %parallel_loop3A_686 : i32 to index
      %parallel_loop3A_921 = arith.index_cast %parallel_loop3A_871 : i32 to index
      %parallel_loop3A_922 = tpu.vector_load %arg14[%parallel_loop3A_919, %parallel_loop3A_920, %parallel_loop3A_921] {strides = array<i32>} : memref<2x8x1024xf32, #tpu.memory_space<vmem>>, vector<1x1x16xf32>,
      %parallel_loop3A_923 = vector.shape_cast %parallel_loop3A_922 : vector<1x1x16xf32> to vector<16xf32>
      %parallel_loop3A_924 = vector.shape_cast %parallel_loop3A_917 : vector<16xf32> to vector<1x1x16xf32>
      tpu.vector_store %arg14[%parallel_loop3A_919, %parallel_loop3A_920, %parallel_loop3A_921], %parallel_loop3A_924 {strides = array<i32>} : memref<2x8x1024xf32, #tpu.memory_space<vmem>>, vector<1x1x16xf32>,
    } {sc.loop_unroll_factor = 2 : i64, sc.parallel_access}
    %add3A_361 = arith.constant 8 : i32
    %add3A_362 = arith.addi %mul3A_2, %add3A_361 : i32
    %dma_start3A_363 = arith.constant 1 : i32
    %dma_start3A_364 = arith.constant 0 : i32
    %dma_start3A_365 = arith.constant 0 : i32
    %dma_start3A_366 = tpu.memref_slice %arg14[%dma_start3A_363, %dma_start3A_364, %dma_start3A_365] : memref<2x8x1024xf32, #tpu.memory_space<vmem>> -> memref<1x8x1024xf32, #tpu.memory_space<vmem>>
    %dma_start3A_367 = tpu.memref_squeeze %dma_start3A_366 : memref<1x8x1024xf32, #tpu.memory_space<vmem>> -> memref<8x1024xf32, #tpu.memory_space<vmem>>
    %dma_start3A_368 = arith.constant 0 : i32
    %dma_start3A_369 = tpu.memref_slice %arg8[%add3A_362, %dma_start3A_368] : memref<16384x1024xf32, #tpu.memory_space<hbm>> -> memref<8x1024xf32, #tpu.memory_space<hbm>>
    %dma_start3A_370 = arith.constant 0 : i32
    %dma_start3A_371 = tpu.memref_slice %arg8[%add3A_362, %dma_start3A_370] : memref<16384x1024xf32, #tpu.memory_space<hbm>> -> memref<8x1024xf32, #tpu.memory_space<hbm>>
    %dma_start3A_372 = arith.constant 0 : i32
    %dma_start3A_373 = arith.constant 0 : i32
    %dma_start3A_374 = tpu.memref_slice %arg14[%dma_start3A_363, %dma_start3A_372, %dma_start3A_373] : memref<2x8x1024xf32, #tpu.memory_space<vmem>> -> memref<1x8x1024xf32, #tpu.memory_space<vmem>>
    %dma_start3A_375 = tpu.memref_squeeze %dma_start3A_374 : memref<1x8x1024xf32, #tpu.memory_space<vmem>> -> memref<8x1024xf32, #tpu.memory_space<vmem>>
    tpu.enqueue_dma source(%dma_start3A_375 : memref<8x1024xf32, #tpu.memory_space<vmem>>) target(%dma_start3A_371 : memref<8x1024xf32, #tpu.memory_space<hbm>>) target_semaphore(%arg19 : memref<!tpu.dma_semaphore, #tpu.memory_space<semaphore_mem>>)
    %add3A_376 = arith.constant 24 : i32
    %add3A_377 = arith.addi %mul3A_2, %add3A_376 : i32
    %dma_start3A_378 = arith.constant 1 : i32
    %dma_start3A_379 = arith.constant 0 : i32
    %dma_start3A_380 = arith.constant 0 : i32
    %dma_start3A_381 = tpu.memref_slice %arg9[%dma_start3A_378, %dma_start3A_379, %dma_start3A_380] : memref<2x8x1024xf32, #tpu.memory_space<vmem>> -> memref<1x8x1024xf32, #tpu.memory_space<vmem>>
    %dma_start3A_382 = tpu.memref_squeeze %dma_start3A_381 : memref<1x8x1024xf32, #tpu.memory_space<vmem>> -> memref<8x1024xf32, #tpu.memory_space<vmem>>
    %dma_start3A_383 = arith.constant 0 : i32
    %dma_start3A_384 = tpu.memref_slice %arg2[%add3A_377, %dma_start3A_383] : memref<16384x1024xf32, #tpu.memory_space<hbm>> -> memref<8x1024xf32, #tpu.memory_space<hbm>>
    %dma_start3A_385 = arith.constant 0 : i32
    %dma_start3A_386 = arith.constant 0 : i32
    %dma_start3A_387 = tpu.memref_slice %arg9[%dma_start3A_378, %dma_start3A_385, %dma_start3A_386] : memref<2x8x1024xf32, #tpu.memory_space<vmem>> -> memref<1x8x1024xf32, #tpu.memory_space<vmem>>
    %dma_start3A_388 = tpu.memref_squeeze %dma_start3A_387 : memref<1x8x1024xf32, #tpu.memory_space<vmem>> -> memref<8x1024xf32, #tpu.memory_space<vmem>>
    %dma_start3A_389 = arith.constant 0 : i32
    %dma_start3A_390 = tpu.memref_slice %arg2[%add3A_377, %dma_start3A_389] : memref<16384x1024xf32, #tpu.memory_space<hbm>> -> memref<8x1024xf32, #tpu.memory_space<hbm>>
    tpu.enqueue_dma source(%dma_start3A_390 : memref<8x1024xf32, #tpu.memory_space<hbm>>) target(%dma_start3A_388 : memref<8x1024xf32, #tpu.memory_space<vmem>>) target_semaphore(%arg17 : memref<!tpu.dma_semaphore, #tpu.memory_space<semaphore_mem>>)
    %dma_start3A_391 = arith.constant 1 : i32
    %dma_start3A_392 = arith.constant 0 : i32
    %dma_start3A_393 = arith.constant 0 : i32
    %dma_start3A_394 = tpu.memref_slice %arg10[%dma_start3A_391, %dma_start3A_392, %dma_start3A_393] : memref<2x8x1024xf32, #tpu.memory_space<vmem>> -> memref<1x8x1024xf32, #tpu.memory_space<vmem>>
    %dma_start3A_395 = tpu.memref_squeeze %dma_start3A_394 : memref<1x8x1024xf32, #tpu.memory_space<vmem>> -> memref<8x1024xf32, #tpu.memory_space<vmem>>
    %dma_start3A_396 = arith.constant 0 : i32
    %dma_start3A_397 = tpu.memref_slice %arg3[%add3A_377, %dma_start3A_396] : memref<16384x1024xf32, #tpu.memory_space<hbm>> -> memref<8x1024xf32, #tpu.memory_space<hbm>>
    %dma_start3A_398 = arith.constant 0 : i32
    %dma_start3A_399 = arith.constant 0 : i32
    %dma_start3A_400 = tpu.memref_slice %arg10[%dma_start3A_391, %dma_start3A_398, %dma_start3A_399] : memref<2x8x1024xf32, #tpu.memory_space<vmem>> -> memref<1x8x1024xf32, #tpu.memory_space<vmem>>
    %dma_start3A_401 = tpu.memref_squeeze %dma_start3A_400 : memref<1x8x1024xf32, #tpu.memory_space<vmem>> -> memref<8x1024xf32, #tpu.memory_space<vmem>>
    %dma_start3A_402 = arith.constant 0 : i32
    %dma_start3A_403 = tpu.memref_slice %arg3[%add3A_377, %dma_start3A_402] : memref<16384x1024xf32, #tpu.memory_space<hbm>> -> memref<8x1024xf32, #tpu.memory_space<hbm>>
    tpu.enqueue_dma source(%dma_start3A_403 : memref<8x1024xf32, #tpu.memory_space<hbm>>) target(%dma_start3A_401 : memref<8x1024xf32, #tpu.memory_space<vmem>>) target_semaphore(%arg17 : memref<!tpu.dma_semaphore, #tpu.memory_space<semaphore_mem>>)
    %dma_start3A_404 = arith.constant 1 : i32
    %dma_start3A_405 = arith.constant 0 : i32
    %dma_start3A_406 = arith.constant 0 : i32
    %dma_start3A_407 = tpu.memref_slice %arg11[%dma_start3A_404, %dma_start3A_405, %dma_start3A_406] : memref<2x8x1024xi32, #tpu.memory_space<vmem>> -> memref<1x8x1024xi32, #tpu.memory_space<vmem>>
    %dma_start3A_408 = tpu.memref_squeeze %dma_start3A_407 : memref<1x8x1024xi32, #tpu.memory_space<vmem>> -> memref<8x1024xi32, #tpu.memory_space<vmem>>
    %dma_start3A_409 = arith.constant 0 : i32
    %dma_start3A_410 = tpu.memref_slice %arg4[%add3A_377, %dma_start3A_409] : memref<16384x1024xi32, #tpu.memory_space<hbm>> -> memref<8x1024xi32, #tpu.memory_space<hbm>>
    %dma_start3A_411 = arith.constant 0 : i32
    %dma_start3A_412 = arith.constant 0 : i32
    %dma_start3A_413 = tpu.memref_slice %arg11[%dma_start3A_404, %dma_start3A_411, %dma_start3A_412] : memref<2x8x1024xi32, #tpu.memory_space<vmem>> -> memref<1x8x1024xi32, #tpu.memory_space<vmem>>
    %dma_start3A_414 = tpu.memref_squeeze %dma_start3A_413 : memref<1x8x1024xi32, #tpu.memory_space<vmem>> -> memref<8x1024xi32, #tpu.memory_space<vmem>>
    %dma_start3A_415 = arith.constant 0 : i32
    %dma_start3A_416 = tpu.memref_slice %arg4[%add3A_377, %dma_start3A_415] : memref<16384x1024xi32, #tpu.memory_space<hbm>> -> memref<8x1024xi32, #tpu.memory_space<hbm>>
    tpu.enqueue_dma source(%dma_start3A_416 : memref<8x1024xi32, #tpu.memory_space<hbm>>) target(%dma_start3A_414 : memref<8x1024xi32, #tpu.memory_space<vmem>>) target_semaphore(%arg17 : memref<!tpu.dma_semaphore, #tpu.memory_space<semaphore_mem>>)
    %dma_start3A_417 = arith.constant 1 : i32
    %dma_start3A_418 = arith.constant 0 : i32
    %dma_start3A_419 = arith.constant 0 : i32
    %dma_start3A_420 = tpu.memref_slice %arg13[%dma_start3A_417, %dma_start3A_418, %dma_start3A_419] : memref<2x8x1024xf32, #tpu.memory_space<vmem>> -> memref<1x8x1024xf32, #tpu.memory_space<vmem>>
    %dma_start3A_421 = tpu.memref_squeeze %dma_start3A_420 : memref<1x8x1024xf32, #tpu.memory_space<vmem>> -> memref<8x1024xf32, #tpu.memory_space<vmem>>
    %dma_start3A_422 = arith.constant 0 : i32
    %dma_start3A_423 = tpu.memref_slice %arg6[%add3A_377, %dma_start3A_422] : memref<16384x1024xf32, #tpu.memory_space<hbm>> -> memref<8x1024xf32, #tpu.memory_space<hbm>>
    %dma_start3A_424 = arith.constant 0 : i32
    %dma_start3A_425 = arith.constant 0 : i32
    %dma_start3A_426 = tpu.memref_slice %arg13[%dma_start3A_417, %dma_start3A_424, %dma_start3A_425] : memref<2x8x1024xf32, #tpu.memory_space<vmem>> -> memref<1x8x1024xf32, #tpu.memory_space<vmem>>
    %dma_start3A_427 = tpu.memref_squeeze %dma_start3A_426 : memref<1x8x1024xf32, #tpu.memory_space<vmem>> -> memref<8x1024xf32, #tpu.memory_space<vmem>>
    %dma_start3A_428 = arith.constant 0 : i32
    %dma_start3A_429 = tpu.memref_slice %arg6[%add3A_377, %dma_start3A_428] : memref<16384x1024xf32, #tpu.memory_space<hbm>> -> memref<8x1024xf32, #tpu.memory_space<hbm>>
    tpu.enqueue_dma source(%dma_start3A_429 : memref<8x1024xf32, #tpu.memory_space<hbm>>) target(%dma_start3A_427 : memref<8x1024xf32, #tpu.memory_space<vmem>>) target_semaphore(%arg17 : memref<!tpu.dma_semaphore, #tpu.memory_space<semaphore_mem>>)
    %dma_start3A_430 = arith.constant 1 : i32
    %dma_start3A_431 = arith.constant 0 : i32
    %dma_start3A_432 = arith.constant 0 : i32
    %dma_start3A_433 = tpu.memref_slice %arg12[%dma_start3A_430, %dma_start3A_431, %dma_start3A_432] : memref<2x8x256xi32, #tpu.memory_space<vmem>> -> memref<1x8x256xi32, #tpu.memory_space<vmem>>
    %dma_start3A_434 = tpu.memref_squeeze %dma_start3A_433 : memref<1x8x256xi32, #tpu.memory_space<vmem>> -> memref<8x256xi32, #tpu.memory_space<vmem>>
    %dma_start3A_435 = arith.constant 0 : i32
    %dma_start3A_436 = tpu.memref_slice %arg5[%add3A_377, %dma_start3A_435] : memref<16384x256xi32, #tpu.memory_space<hbm>> -> memref<8x256xi32, #tpu.memory_space<hbm>>
    %dma_start3A_437 = arith.constant 0 : i32
    %dma_start3A_438 = arith.constant 0 : i32
    %dma_start3A_439 = tpu.memref_slice %arg12[%dma_start3A_430, %dma_start3A_437, %dma_start3A_438] : memref<2x8x256xi32, #tpu.memory_space<vmem>> -> memref<1x8x256xi32, #tpu.memory_space<vmem>>
    %dma_start3A_440 = tpu.memref_squeeze %dma_start3A_439 : memref<1x8x256xi32, #tpu.memory_space<vmem>> -> memref<8x256xi32, #tpu.memory_space<vmem>>
    %dma_start3A_441 = arith.constant 0 : i32
    %dma_start3A_442 = tpu.memref_slice %arg5[%add3A_377, %dma_start3A_441] : memref<16384x256xi32, #tpu.memory_space<hbm>> -> memref<8x256xi32, #tpu.memory_space<hbm>>
    tpu.enqueue_dma source(%dma_start3A_442 : memref<8x256xi32, #tpu.memory_space<hbm>>) target(%dma_start3A_440 : memref<8x256xi32, #tpu.memory_space<vmem>>) target_semaphore(%arg17 : memref<!tpu.dma_semaphore, #tpu.memory_space<semaphore_mem>>)
    %scan3A = arith.constant 0 : i32
    %scan3A_443 = arith.constant 0 : i32
    %scan3A_444 = arith.constant 30 : i32
    %scan3A_445 = arith.addi %scan3A_443, %scan3A_444 : i32
    %scan3A_446 = arith.constant 1 : i32
    scf.for %scan3A_684 = %scan3A_443 to %scan3A_445 step %scan3A_446  : i32 {
      %mul3A_685 = arith.constant 2 : i32
      %mul3A_686 = arith.muli %mul3A_685, %scan3A_684 : i32
      %add3A_687 = arith.constant 2 : i32
      %add3A_688 = arith.addi %add3A_687, %mul3A_686 : i32
      %add3A_689 = arith.constant 0 : i32
      %add3A_690 = arith.addi %add3A_688, %add3A_689 : i32
      %sub3A = arith.constant 2 : i32
      %sub3A_691 = arith.subi %add3A_690, %sub3A : i32
      %mul3A_692 = arith.constant 8 : i32
      %mul3A_693 = arith.muli %sub3A_691, %mul3A_692 : i32
      %add3A_694 = arith.addi %mul3A_2, %mul3A_693 : i32
      %dma_wait3A_695 = arith.constant 0 : i32
      %dma_wait3A_696 = arith.constant 0 : i32
      %dma_wait3A_697 = arith.constant 0 : i32
      %dma_wait3A_698 = tpu.memref_slice %arg14[%dma_wait3A_695, %dma_wait3A_696, %dma_wait3A_697] : memref<2x8x1024xf32, #tpu.memory_space<vmem>> -> memref<1x8x1024xf32, #tpu.memory_space<vmem>>
      %dma_wait3A_699 = tpu.memref_squeeze %dma_wait3A_698 : memref<1x8x1024xf32, #tpu.memory_space<vmem>> -> memref<8x1024xf32, #tpu.memory_space<vmem>>
      %dma_wait3A_700 = arith.constant 0 : i32
      %dma_wait3A_701 = tpu.memref_slice %arg8[%add3A_694, %dma_wait3A_700] : memref<16384x1024xf32, #tpu.memory_space<hbm>> -> memref<8x1024xf32, #tpu.memory_space<hbm>>
      %dma_wait3A_702 = arith.constant 0 : i32
      %dma_wait3A_703 = tpu.memref_slice %arg8[%add3A_694, %dma_wait3A_702] : memref<16384x1024xf32, #tpu.memory_space<hbm>> -> memref<8x1024xf32, #tpu.memory_space<hbm>>
      %dma_wait3A_704 = arith.constant 0 : i32
      %dma_wait3A_705 = arith.constant 0 : i32
      %dma_wait3A_706 = tpu.memref_slice %arg14[%dma_wait3A_695, %dma_wait3A_704, %dma_wait3A_705] : memref<2x8x1024xf32, #tpu.memory_space<vmem>> -> memref<1x8x1024xf32, #tpu.memory_space<vmem>>
      %dma_wait3A_707 = tpu.memref_squeeze %dma_wait3A_706 : memref<1x8x1024xf32, #tpu.memory_space<vmem>> -> memref<8x1024xf32, #tpu.memory_space<vmem>>
      tpu.wait_dma2 semaphore(%arg18 : memref<!tpu.dma_semaphore, #tpu.memory_space<semaphore_mem>>) src(%dma_wait3A_707 : memref<8x1024xf32, #tpu.memory_space<vmem>>) dst(%dma_wait3A_703 : memref<8x1024xf32, #tpu.memory_space<hbm>>)
      %mul3A_708 = arith.constant 8 : i32
      %mul3A_709 = arith.muli %add3A_690, %mul3A_708 : i32
      %add3A_710 = arith.addi %mul3A_2, %mul3A_709 : i32
      %dma_wait3A_711 = arith.constant 0 : i32
      %dma_wait3A_712 = arith.constant 0 : i32
      %dma_wait3A_713 = arith.constant 0 : i32
      %dma_wait3A_714 = tpu.memref_slice %arg9[%dma_wait3A_711, %dma_wait3A_712, %dma_wait3A_713] : memref<2x8x1024xf32, #tpu.memory_space<vmem>> -> memref<1x8x1024xf32, #tpu.memory_space<vmem>>
      %dma_wait3A_715 = tpu.memref_squeeze %dma_wait3A_714 : memref<1x8x1024xf32, #tpu.memory_space<vmem>> -> memref<8x1024xf32, #tpu.memory_space<vmem>>
      %dma_wait3A_716 = arith.constant 0 : i32
      %dma_wait3A_717 = tpu.memref_slice %arg2[%add3A_710, %dma_wait3A_716] : memref<16384x1024xf32, #tpu.memory_space<hbm>> -> memref<8x1024xf32, #tpu.memory_space<hbm>>
      %dma_wait3A_718 = arith.constant 0 : i32
      %dma_wait3A_719 = arith.constant 0 : i32
      %dma_wait3A_720 = tpu.memref_slice %arg9[%dma_wait3A_711, %dma_wait3A_718, %dma_wait3A_719] : memref<2x8x1024xf32, #tpu.memory_space<vmem>> -> memref<1x8x1024xf32, #tpu.memory_space<vmem>>
      %dma_wait3A_721 = tpu.memref_squeeze %dma_wait3A_720 : memref<1x8x1024xf32, #tpu.memory_space<vmem>> -> memref<8x1024xf32, #tpu.memory_space<vmem>>
      %dma_wait3A_722 = arith.constant 0 : i32
      %dma_wait3A_723 = tpu.memref_slice %arg2[%add3A_710, %dma_wait3A_722] : memref<16384x1024xf32, #tpu.memory_space<hbm>> -> memref<8x1024xf32, #tpu.memory_space<hbm>>
      tpu.wait_dma2 semaphore(%arg16 : memref<!tpu.dma_semaphore, #tpu.memory_space<semaphore_mem>>) src(%dma_wait3A_723 : memref<8x1024xf32, #tpu.memory_space<hbm>>) dst(%dma_wait3A_721 : memref<8x1024xf32, #tpu.memory_space<vmem>>)
      %dma_wait3A_724 = arith.constant 0 : i32
      %dma_wait3A_725 = arith.constant 0 : i32
      %dma_wait3A_726 = arith.constant 0 : i32
      %dma_wait3A_727 = tpu.memref_slice %arg10[%dma_wait3A_724, %dma_wait3A_725, %dma_wait3A_726] : memref<2x8x1024xf32, #tpu.memory_space<vmem>> -> memref<1x8x1024xf32, #tpu.memory_space<vmem>>
      %dma_wait3A_728 = tpu.memref_squeeze %dma_wait3A_727 : memref<1x8x1024xf32, #tpu.memory_space<vmem>> -> memref<8x1024xf32, #tpu.memory_space<vmem>>
      %dma_wait3A_729 = arith.constant 0 : i32
      %dma_wait3A_730 = tpu.memref_slice %arg3[%add3A_710, %dma_wait3A_729] : memref<16384x1024xf32, #tpu.memory_space<hbm>> -> memref<8x1024xf32, #tpu.memory_space<hbm>>
      %dma_wait3A_731 = arith.constant 0 : i32
      %dma_wait3A_732 = arith.constant 0 : i32
      %dma_wait3A_733 = tpu.memref_slice %arg10[%dma_wait3A_724, %dma_wait3A_731, %dma_wait3A_732] : memref<2x8x1024xf32, #tpu.memory_space<vmem>> -> memref<1x8x1024xf32, #tpu.memory_space<vmem>>
      %dma_wait3A_734 = tpu.memref_squeeze %dma_wait3A_733 : memref<1x8x1024xf32, #tpu.memory_space<vmem>> -> memref<8x1024xf32, #tpu.memory_space<vmem>>
      %dma_wait3A_735 = arith.constant 0 : i32
      %dma_wait3A_736 = tpu.memref_slice %arg3[%add3A_710, %dma_wait3A_735] : memref<16384x1024xf32, #tpu.memory_space<hbm>> -> memref<8x1024xf32, #tpu.memory_space<hbm>>
      tpu.wait_dma2 semaphore(%arg16 : memref<!tpu.dma_semaphore, #tpu.memory_space<semaphore_mem>>) src(%dma_wait3A_736 : memref<8x1024xf32, #tpu.memory_space<hbm>>) dst(%dma_wait3A_734 : memref<8x1024xf32, #tpu.memory_space<vmem>>)
      %dma_wait3A_737 = arith.constant 0 : i32
      %dma_wait3A_738 = arith.constant 0 : i32
      %dma_wait3A_739 = arith.constant 0 : i32
      %dma_wait3A_740 = tpu.memref_slice %arg11[%dma_wait3A_737, %dma_wait3A_738, %dma_wait3A_739] : memref<2x8x1024xi32, #tpu.memory_space<vmem>> -> memref<1x8x1024xi32, #tpu.memory_space<vmem>>
      %dma_wait3A_741 = tpu.memref_squeeze %dma_wait3A_740 : memref<1x8x1024xi32, #tpu.memory_space<vmem>> -> memref<8x1024xi32, #tpu.memory_space<vmem>>
      %dma_wait3A_742 = arith.constant 0 : i32
      %dma_wait3A_743 = tpu.memref_slice %arg4[%add3A_710, %dma_wait3A_742] : memref<16384x1024xi32, #tpu.memory_space<hbm>> -> memref<8x1024xi32, #tpu.memory_space<hbm>>
      %dma_wait3A_744 = arith.constant 0 : i32
      %dma_wait3A_745 = arith.constant 0 : i32
      %dma_wait3A_746 = tpu.memref_slice %arg11[%dma_wait3A_737, %dma_wait3A_744, %dma_wait3A_745] : memref<2x8x1024xi32, #tpu.memory_space<vmem>> -> memref<1x8x1024xi32, #tpu.memory_space<vmem>>
      %dma_wait3A_747 = tpu.memref_squeeze %dma_wait3A_746 : memref<1x8x1024xi32, #tpu.memory_space<vmem>> -> memref<8x1024xi32, #tpu.memory_space<vmem>>
      %dma_wait3A_748 = arith.constant 0 : i32
      %dma_wait3A_749 = tpu.memref_slice %arg4[%add3A_710, %dma_wait3A_748] : memref<16384x1024xi32, #tpu.memory_space<hbm>> -> memref<8x1024xi32, #tpu.memory_space<hbm>>
      tpu.wait_dma2 semaphore(%arg16 : memref<!tpu.dma_semaphore, #tpu.memory_space<semaphore_mem>>) src(%dma_wait3A_749 : memref<8x1024xi32, #tpu.memory_space<hbm>>) dst(%dma_wait3A_747 : memref<8x1024xi32, #tpu.memory_space<vmem>>)
      %dma_wait3A_750 = arith.constant 0 : i32
      %dma_wait3A_751 = arith.constant 0 : i32
      %dma_wait3A_752 = arith.constant 0 : i32
      %dma_wait3A_753 = tpu.memref_slice %arg13[%dma_wait3A_750, %dma_wait3A_751, %dma_wait3A_752] : memref<2x8x1024xf32, #tpu.memory_space<vmem>> -> memref<1x8x1024xf32, #tpu.memory_space<vmem>>
      %dma_wait3A_754 = tpu.memref_squeeze %dma_wait3A_753 : memref<1x8x1024xf32, #tpu.memory_space<vmem>> -> memref<8x1024xf32, #tpu.memory_space<vmem>>
      %dma_wait3A_755 = arith.constant 0 : i32
      %dma_wait3A_756 = tpu.memref_slice %arg6[%add3A_710, %dma_wait3A_755] : memref<16384x1024xf32, #tpu.memory_space<hbm>> -> memref<8x1024xf32, #tpu.memory_space<hbm>>
      %dma_wait3A_757 = arith.constant 0 : i32
      %dma_wait3A_758 = arith.constant 0 : i32
      %dma_wait3A_759 = tpu.memref_slice %arg13[%dma_wait3A_750, %dma_wait3A_757, %dma_wait3A_758] : memref<2x8x1024xf32, #tpu.memory_space<vmem>> -> memref<1x8x1024xf32, #tpu.memory_space<vmem>>
      %dma_wait3A_760 = tpu.memref_squeeze %dma_wait3A_759 : memref<1x8x1024xf32, #tpu.memory_space<vmem>> -> memref<8x1024xf32, #tpu.memory_space<vmem>>
      %dma_wait3A_761 = arith.constant 0 : i32
      %dma_wait3A_762 = tpu.memref_slice %arg6[%add3A_710, %dma_wait3A_761] : memref<16384x1024xf32, #tpu.memory_space<hbm>> -> memref<8x1024xf32, #tpu.memory_space<hbm>>
      tpu.wait_dma2 semaphore(%arg16 : memref<!tpu.dma_semaphore, #tpu.memory_space<semaphore_mem>>) src(%dma_wait3A_762 : memref<8x1024xf32, #tpu.memory_space<hbm>>) dst(%dma_wait3A_760 : memref<8x1024xf32, #tpu.memory_space<vmem>>)
      %dma_wait3A_763 = arith.constant 0 : i32
      %dma_wait3A_764 = arith.constant 0 : i32
      %dma_wait3A_765 = arith.constant 0 : i32
      %dma_wait3A_766 = tpu.memref_slice %arg12[%dma_wait3A_763, %dma_wait3A_764, %dma_wait3A_765] : memref<2x8x256xi32, #tpu.memory_space<vmem>> -> memref<1x8x256xi32, #tpu.memory_space<vmem>>
      %dma_wait3A_767 = tpu.memref_squeeze %dma_wait3A_766 : memref<1x8x256xi32, #tpu.memory_space<vmem>> -> memref<8x256xi32, #tpu.memory_space<vmem>>
      %dma_wait3A_768 = arith.constant 0 : i32
      %dma_wait3A_769 = tpu.memref_slice %arg5[%add3A_710, %dma_wait3A_768] : memref<16384x256xi32, #tpu.memory_space<hbm>> -> memref<8x256xi32, #tpu.memory_space<hbm>>
      %dma_wait3A_770 = arith.constant 0 : i32
      %dma_wait3A_771 = arith.constant 0 : i32
      %dma_wait3A_772 = tpu.memref_slice %arg12[%dma_wait3A_763, %dma_wait3A_770, %dma_wait3A_771] : memref<2x8x256xi32, #tpu.memory_space<vmem>> -> memref<1x8x256xi32, #tpu.memory_space<vmem>>
      %dma_wait3A_773 = tpu.memref_squeeze %dma_wait3A_772 : memref<1x8x256xi32, #tpu.memory_space<vmem>> -> memref<8x256xi32, #tpu.memory_space<vmem>>
      %dma_wait3A_774 = arith.constant 0 : i32
      %dma_wait3A_775 = tpu.memref_slice %arg5[%add3A_710, %dma_wait3A_774] : memref<16384x256xi32, #tpu.memory_space<hbm>> -> memref<8x256xi32, #tpu.memory_space<hbm>>
      tpu.wait_dma2 semaphore(%arg16 : memref<!tpu.dma_semaphore, #tpu.memory_space<semaphore_mem>>) src(%dma_wait3A_775 : memref<8x256xi32, #tpu.memory_space<hbm>>) dst(%dma_wait3A_773 : memref<8x256xi32, #tpu.memory_space<vmem>>)
      %get3A_776 = arith.constant 0 : index
      %get3A_777 = tpu.vector_load %arg15[%get3A_776] {strides = array<i32>} : memref<16xf32, #tpu.memory_space<vmem>>, vector<16xf32>,
      %get3A_778 = vector.shape_cast %get3A_777 : vector<16xf32> to vector<16xf32>
      %parallel_loop3A_779 = arith.constant 0 : i32
      %parallel_loop3A_780 = arith.constant 128 : i32
      %parallel_loop3A_781 = arith.constant 1 : i32
      scf.for %parallel_loop3A_1048 = %parallel_loop3A_779 to %parallel_loop3A_780 step %parallel_loop3A_781  : i32 {
        %parallel_loop3A_1049 = arith.constant 4 : i32
        %parallel_loop3A_1050 = arith.shrsi %parallel_loop3A_1048, %parallel_loop3A_1049 : i32
        %parallel_loop3A_1051 = arith.constant 15 : i32
        %parallel_loop3A_1052 = arith.andi %parallel_loop3A_1048, %parallel_loop3A_1051 : i32
        %parallel_loop3A_1053 = arith.constant 16 : i32
        %parallel_loop3A_1054 = arith.muli %parallel_loop3A_1052, %parallel_loop3A_1053 : i32
        %parallel_loop3A_1055 = arith.constant 0 : i32
        %parallel_loop3A_1056 = arith.index_cast %parallel_loop3A_1055 : i32 to index
        %parallel_loop3A_1057 = arith.index_cast %parallel_loop3A_1050 : i32 to index
        %parallel_loop3A_1058 = arith.index_cast %parallel_loop3A_1054 : i32 to index
        %parallel_loop3A_1059 = tpu.vector_load %arg12[%parallel_loop3A_1056, %parallel_loop3A_1057, %parallel_loop3A_1058] {strides = array<i32>} : memref<2x8x256xi32, #tpu.memory_space<vmem>>, vector<1x1x16xi32>,
        %parallel_loop3A_1060 = vector.shape_cast %parallel_loop3A_1059 : vector<1x1x16xi32> to vector<16xi32>
        %parallel_loop3A_1061 = arith.constant 16 : i32
        %parallel_loop3A_1062 = arith.muli %parallel_loop3A_1052, %parallel_loop3A_1061 : i32
        %parallel_loop3A_1063 = arith.constant 0 : i32
        %parallel_loop3A_1064 = arith.addi %parallel_loop3A_1063, %parallel_loop3A_1062 : i32
        %parallel_loop3A_1065 = arith.constant 1 : i32
        %parallel_loop3A_1066 = vector.broadcast %parallel_loop3A_1065 : i32 to vector<16xi32>
        %parallel_loop3A_1067 = arith.andi %parallel_loop3A_1060, %parallel_loop3A_1066 : vector<16xi32>
        %parallel_loop3A_1068 = arith.constant 0 : i32
        %parallel_loop3A_1069 = arith.index_cast %parallel_loop3A_1068 : i32 to index
        %parallel_loop3A_1070 = arith.index_cast %parallel_loop3A_1050 : i32 to index
        %parallel_loop3A_1071 = arith.index_cast %parallel_loop3A_1064 : i32 to index
        %parallel_loop3A_1072 = tpu.vector_load %arg13[%parallel_loop3A_1069, %parallel_loop3A_1070, %parallel_loop3A_1071] {strides = array<i32>} : memref<2x8x1024xf32, #tpu.memory_space<vmem>>, vector<1x1x16xf32>,
        %parallel_loop3A_1073 = vector.shape_cast %parallel_loop3A_1072 : vector<1x1x16xf32> to vector<16xf32>
        %parallel_loop3A_1074 = arith.constant 0 : i32
        %parallel_loop3A_1075 = vector.broadcast %parallel_loop3A_1074 : i32 to vector<16xi32>
        %parallel_loop3A_1076 = arith.cmpi ne, %parallel_loop3A_1067, %parallel_loop3A_1075 : vector<16xi32>
        %parallel_loop3A_1077 = arith.constant 5.000000e-01 : f32
        %parallel_loop3A_1078 = vector.broadcast %parallel_loop3A_1077 : f32 to vector<16xf32>
        %parallel_loop3A_1079 = arith.cmpf olt, %parallel_loop3A_1073, %parallel_loop3A_1078 : vector<16xf32>
        %parallel_loop3A_1080 = arith.andi %parallel_loop3A_1076, %parallel_loop3A_1079 : vector<16xi1>
        %parallel_loop3A_1081 = arith.constant 0 : i32
        %parallel_loop3A_1082 = arith.index_cast %parallel_loop3A_1081 : i32 to index
        %parallel_loop3A_1083 = arith.index_cast %parallel_loop3A_1050 : i32 to index
        %parallel_loop3A_1084 = arith.index_cast %parallel_loop3A_1064 : i32 to index
        %parallel_loop3A_1085 = tpu.vector_load %arg11[%parallel_loop3A_1082, %parallel_loop3A_1083, %parallel_loop3A_1084] {strides = array<i32>} : memref<2x8x1024xi32, #tpu.memory_space<vmem>>, vector<1x1x16xi32>,
        %parallel_loop3A_1086 = vector.shape_cast %parallel_loop3A_1085 : vector<1x1x16xi32> to vector<16xi32>
        %parallel_loop3A_1087 = arith.constant 0 : i32
        %parallel_loop3A_1088 = vector.broadcast %parallel_loop3A_1087 : i32 to vector<16xi32>
        %parallel_loop3A_1089 = arith.cmpi slt, %parallel_loop3A_1086, %parallel_loop3A_1088 : vector<16xi32>
        %parallel_loop3A_1090 = arith.constant 16 : i32
        %parallel_loop3A_1091 = vector.broadcast %parallel_loop3A_1090 : i32 to vector<16xi32>
        %parallel_loop3A_1092 = arith.addi %parallel_loop3A_1086, %parallel_loop3A_1091 : vector<16xi32>
        %parallel_loop3A_1093 = arith.select %parallel_loop3A_1089, %parallel_loop3A_1092, %parallel_loop3A_1086 : vector<16xi1>, vector<16xi32>
        %parallel_loop3A_1094 = vector.shape_cast %parallel_loop3A_1093 : vector<16xi32> to vector<16x1xi32>
        %parallel_loop3A_1095 = vector.shape_cast %parallel_loop3A_1094 : vector<16x1xi32> to vector<16xi32>
        %parallel_loop3A_1096 = tpu.dynamic_gather %get3A_778[%parallel_loop3A_1095] in [0] : vector<16xf32>, vector<16xi32> -> vector<16xf32>
        %parallel_loop3A_1097 = arith.constant 0 : i32
        %parallel_loop3A_1098 = arith.index_cast %parallel_loop3A_1097 : i32 to index
        %parallel_loop3A_1099 = arith.index_cast %parallel_loop3A_1050 : i32 to index
        %parallel_loop3A_1100 = arith.index_cast %parallel_loop3A_1064 : i32 to index
        %parallel_loop3A_1101 = tpu.vector_load %arg10[%parallel_loop3A_1098, %parallel_loop3A_1099, %parallel_loop3A_1100] {strides = array<i32>} : memref<2x8x1024xf32, #tpu.memory_space<vmem>>, vector<1x1x16xf32>,
        %parallel_loop3A_1102 = vector.shape_cast %parallel_loop3A_1101 : vector<1x1x16xf32> to vector<16xf32>
        %parallel_loop3A_1103 = arith.addf %parallel_loop3A_1102, %parallel_loop3A_1096 : vector<16xf32>
        %parallel_loop3A_1104 = arith.constant 0 : i32
        %parallel_loop3A_1105 = arith.index_cast %parallel_loop3A_1104 : i32 to index
        %parallel_loop3A_1106 = arith.index_cast %parallel_loop3A_1050 : i32 to index
        %parallel_loop3A_1107 = arith.index_cast %parallel_loop3A_1064 : i32 to index
        %parallel_loop3A_1108 = tpu.vector_load %arg9[%parallel_loop3A_1105, %parallel_loop3A_1106, %parallel_loop3A_1107] {strides = array<i32>} : memref<2x8x1024xf32, #tpu.memory_space<vmem>>, vector<1x1x16xf32>,
        %parallel_loop3A_1109 = vector.shape_cast %parallel_loop3A_1108 : vector<1x1x16xf32> to vector<16xf32>
        %parallel_loop3A_1110 = arith.select %parallel_loop3A_1080, %parallel_loop3A_1103, %parallel_loop3A_1109 : vector<16xi1>, vector<16xf32>
        %parallel_loop3A_1111 = arith.constant 0 : i32
        %parallel_loop3A_1112 = arith.index_cast %parallel_loop3A_1111 : i32 to index
        %parallel_loop3A_1113 = arith.index_cast %parallel_loop3A_1050 : i32 to index
        %parallel_loop3A_1114 = arith.index_cast %parallel_loop3A_1064 : i32 to index
        %parallel_loop3A_1115 = tpu.vector_load %arg14[%parallel_loop3A_1112, %parallel_loop3A_1113, %parallel_loop3A_1114] {strides = array<i32>} : memref<2x8x1024xf32, #tpu.memory_space<vmem>>, vector<1x1x16xf32>,
        %parallel_loop3A_1116 = vector.shape_cast %parallel_loop3A_1115 : vector<1x1x16xf32> to vector<16xf32>
        %parallel_loop3A_1117 = vector.shape_cast %parallel_loop3A_1110 : vector<16xf32> to vector<1x1x16xf32>
        tpu.vector_store %arg14[%parallel_loop3A_1112, %parallel_loop3A_1113, %parallel_loop3A_1114], %parallel_loop3A_1117 {strides = array<i32>} : memref<2x8x1024xf32, #tpu.memory_space<vmem>>, vector<1x1x16xf32>,
        %parallel_loop3A_1118 = arith.constant 16 : i32
        %parallel_loop3A_1119 = arith.muli %parallel_loop3A_1052, %parallel_loop3A_1118 : i32
        %parallel_loop3A_1120 = arith.constant 256 : i32
        %parallel_loop3A_1121 = arith.addi %parallel_loop3A_1120, %parallel_loop3A_1119 : i32
        %parallel_loop3A_1122 = arith.constant 256 : i32
        %parallel_loop3A_1123 = vector.broadcast %parallel_loop3A_1122 : i32 to vector<16xi32>
        %parallel_loop3A_1124 = arith.andi %parallel_loop3A_1060, %parallel_loop3A_1123 : vector<16xi32>
        %parallel_loop3A_1125 = arith.constant 0 : i32
        %parallel_loop3A_1126 = arith.index_cast %parallel_loop3A_1125 : i32 to index
        %parallel_loop3A_1127 = arith.index_cast %parallel_loop3A_1050 : i32 to index
        %parallel_loop3A_1128 = arith.index_cast %parallel_loop3A_1121 : i32 to index
        %parallel_loop3A_1129 = tpu.vector_load %arg13[%parallel_loop3A_1126, %parallel_loop3A_1127, %parallel_loop3A_1128] {strides = array<i32>} : memref<2x8x1024xf32, #tpu.memory_space<vmem>>, vector<1x1x16xf32>,
        %parallel_loop3A_1130 = vector.shape_cast %parallel_loop3A_1129 : vector<1x1x16xf32> to vector<16xf32>
        %parallel_loop3A_1131 = arith.constant 0 : i32
        %parallel_loop3A_1132 = vector.broadcast %parallel_loop3A_1131 : i32 to vector<16xi32>
        %parallel_loop3A_1133 = arith.cmpi ne, %parallel_loop3A_1124, %parallel_loop3A_1132 : vector<16xi32>
        %parallel_loop3A_1134 = arith.constant 5.000000e-01 : f32
        %parallel_loop3A_1135 = vector.broadcast %parallel_loop3A_1134 : f32 to vector<16xf32>
        %parallel_loop3A_1136 = arith.cmpf olt, %parallel_loop3A_1130, %parallel_loop3A_1135 : vector<16xf32>
        %parallel_loop3A_1137 = arith.andi %parallel_loop3A_1133, %parallel_loop3A_1136 : vector<16xi1>
        %parallel_loop3A_1138 = arith.constant 0 : i32
        %parallel_loop3A_1139 = arith.index_cast %parallel_loop3A_1138 : i32 to index
        %parallel_loop3A_1140 = arith.index_cast %parallel_loop3A_1050 : i32 to index
        %parallel_loop3A_1141 = arith.index_cast %parallel_loop3A_1121 : i32 to index
        %parallel_loop3A_1142 = tpu.vector_load %arg11[%parallel_loop3A_1139, %parallel_loop3A_1140, %parallel_loop3A_1141] {strides = array<i32>} : memref<2x8x1024xi32, #tpu.memory_space<vmem>>, vector<1x1x16xi32>,
        %parallel_loop3A_1143 = vector.shape_cast %parallel_loop3A_1142 : vector<1x1x16xi32> to vector<16xi32>
        %parallel_loop3A_1144 = arith.constant 0 : i32
        %parallel_loop3A_1145 = vector.broadcast %parallel_loop3A_1144 : i32 to vector<16xi32>
        %parallel_loop3A_1146 = arith.cmpi slt, %parallel_loop3A_1143, %parallel_loop3A_1145 : vector<16xi32>
        %parallel_loop3A_1147 = arith.constant 16 : i32
        %parallel_loop3A_1148 = vector.broadcast %parallel_loop3A_1147 : i32 to vector<16xi32>
        %parallel_loop3A_1149 = arith.addi %parallel_loop3A_1143, %parallel_loop3A_1148 : vector<16xi32>
        %parallel_loop3A_1150 = arith.select %parallel_loop3A_1146, %parallel_loop3A_1149, %parallel_loop3A_1143 : vector<16xi1>, vector<16xi32>
        %parallel_loop3A_1151 = vector.shape_cast %parallel_loop3A_1150 : vector<16xi32> to vector<16x1xi32>
        %parallel_loop3A_1152 = vector.shape_cast %parallel_loop3A_1151 : vector<16x1xi32> to vector<16xi32>
        %parallel_loop3A_1153 = tpu.dynamic_gather %get3A_778[%parallel_loop3A_1152] in [0] : vector<16xf32>, vector<16xi32> -> vector<16xf32>
        %parallel_loop3A_1154 = arith.constant 0 : i32
        %parallel_loop3A_1155 = arith.index_cast %parallel_loop3A_1154 : i32 to index
        %parallel_loop3A_1156 = arith.index_cast %parallel_loop3A_1050 : i32 to index
        %parallel_loop3A_1157 = arith.index_cast %parallel_loop3A_1121 : i32 to index
        %parallel_loop3A_1158 = tpu.vector_load %arg10[%parallel_loop3A_1155, %parallel_loop3A_1156, %parallel_loop3A_1157] {strides = array<i32>} : memref<2x8x1024xf32, #tpu.memory_space<vmem>>, vector<1x1x16xf32>,
        %parallel_loop3A_1159 = vector.shape_cast %parallel_loop3A_1158 : vector<1x1x16xf32> to vector<16xf32>
        %parallel_loop3A_1160 = arith.addf %parallel_loop3A_1159, %parallel_loop3A_1153 : vector<16xf32>
        %parallel_loop3A_1161 = arith.constant 0 : i32
        %parallel_loop3A_1162 = arith.index_cast %parallel_loop3A_1161 : i32 to index
        %parallel_loop3A_1163 = arith.index_cast %parallel_loop3A_1050 : i32 to index
        %parallel_loop3A_1164 = arith.index_cast %parallel_loop3A_1121 : i32 to index
        %parallel_loop3A_1165 = tpu.vector_load %arg9[%parallel_loop3A_1162, %parallel_loop3A_1163, %parallel_loop3A_1164] {strides = array<i32>} : memref<2x8x1024xf32, #tpu.memory_space<vmem>>, vector<1x1x16xf32>,
        %parallel_loop3A_1166 = vector.shape_cast %parallel_loop3A_1165 : vector<1x1x16xf32> to vector<16xf32>
        %parallel_loop3A_1167 = arith.select %parallel_loop3A_1137, %parallel_loop3A_1160, %parallel_loop3A_1166 : vector<16xi1>, vector<16xf32>
        %parallel_loop3A_1168 = arith.constant 0 : i32
        %parallel_loop3A_1169 = arith.index_cast %parallel_loop3A_1168 : i32 to index
        %parallel_loop3A_1170 = arith.index_cast %parallel_loop3A_1050 : i32 to index
        %parallel_loop3A_1171 = arith.index_cast %parallel_loop3A_1121 : i32 to index
        %parallel_loop3A_1172 = tpu.vector_load %arg14[%parallel_loop3A_1169, %parallel_loop3A_1170, %parallel_loop3A_1171] {strides = array<i32>} : memref<2x8x1024xf32, #tpu.memory_space<vmem>>, vector<1x1x16xf32>,
        %parallel_loop3A_1173 = vector.shape_cast %parallel_loop3A_1172 : vector<1x1x16xf32> to vector<16xf32>
        %parallel_loop3A_1174 = vector.shape_cast %parallel_loop3A_1167 : vector<16xf32> to vector<1x1x16xf32>
        tpu.vector_store %arg14[%parallel_loop3A_1169, %parallel_loop3A_1170, %parallel_loop3A_1171], %parallel_loop3A_1174 {strides = array<i32>} : memref<2x8x1024xf32, #tpu.memory_space<vmem>>, vector<1x1x16xf32>,
        %parallel_loop3A_1175 = arith.constant 16 : i32
        %parallel_loop3A_1176 = arith.muli %parallel_loop3A_1052, %parallel_loop3A_1175 : i32
        %parallel_loop3A_1177 = arith.constant 512 : i32
        %parallel_loop3A_1178 = arith.addi %parallel_loop3A_1177, %parallel_loop3A_1176 : i32
        %parallel_loop3A_1179 = arith.constant 65536 : i32
        %parallel_loop3A_1180 = vector.broadcast %parallel_loop3A_1179 : i32 to vector<16xi32>
        %parallel_loop3A_1181 = arith.andi %parallel_loop3A_1060, %parallel_loop3A_1180 : vector<16xi32>
        %parallel_loop3A_1182 = arith.constant 0 : i32
        %parallel_loop3A_1183 = arith.index_cast %parallel_loop3A_1182 : i32 to index
        %parallel_loop3A_1184 = arith.index_cast %parallel_loop3A_1050 : i32 to index
        %parallel_loop3A_1185 = arith.index_cast %parallel_loop3A_1178 : i32 to index
        %parallel_loop3A_1186 = tpu.vector_load %arg13[%parallel_loop3A_1183, %parallel_loop3A_1184, %parallel_loop3A_1185] {strides = array<i32>} : memref<2x8x1024xf32, #tpu.memory_space<vmem>>, vector<1x1x16xf32>,
        %parallel_loop3A_1187 = vector.shape_cast %parallel_loop3A_1186 : vector<1x1x16xf32> to vector<16xf32>
        %parallel_loop3A_1188 = arith.constant 0 : i32
        %parallel_loop3A_1189 = vector.broadcast %parallel_loop3A_1188 : i32 to vector<16xi32>
        %parallel_loop3A_1190 = arith.cmpi ne, %parallel_loop3A_1181, %parallel_loop3A_1189 : vector<16xi32>
        %parallel_loop3A_1191 = arith.constant 5.000000e-01 : f32
        %parallel_loop3A_1192 = vector.broadcast %parallel_loop3A_1191 : f32 to vector<16xf32>
        %parallel_loop3A_1193 = arith.cmpf olt, %parallel_loop3A_1187, %parallel_loop3A_1192 : vector<16xf32>
        %parallel_loop3A_1194 = arith.andi %parallel_loop3A_1190, %parallel_loop3A_1193 : vector<16xi1>
        %parallel_loop3A_1195 = arith.constant 0 : i32
        %parallel_loop3A_1196 = arith.index_cast %parallel_loop3A_1195 : i32 to index
        %parallel_loop3A_1197 = arith.index_cast %parallel_loop3A_1050 : i32 to index
        %parallel_loop3A_1198 = arith.index_cast %parallel_loop3A_1178 : i32 to index
        %parallel_loop3A_1199 = tpu.vector_load %arg11[%parallel_loop3A_1196, %parallel_loop3A_1197, %parallel_loop3A_1198] {strides = array<i32>} : memref<2x8x1024xi32, #tpu.memory_space<vmem>>, vector<1x1x16xi32>,
        %parallel_loop3A_1200 = vector.shape_cast %parallel_loop3A_1199 : vector<1x1x16xi32> to vector<16xi32>
        %parallel_loop3A_1201 = arith.constant 0 : i32
        %parallel_loop3A_1202 = vector.broadcast %parallel_loop3A_1201 : i32 to vector<16xi32>
        %parallel_loop3A_1203 = arith.cmpi slt, %parallel_loop3A_1200, %parallel_loop3A_1202 : vector<16xi32>
        %parallel_loop3A_1204 = arith.constant 16 : i32
        %parallel_loop3A_1205 = vector.broadcast %parallel_loop3A_1204 : i32 to vector<16xi32>
        %parallel_loop3A_1206 = arith.addi %parallel_loop3A_1200, %parallel_loop3A_1205 : vector<16xi32>
        %parallel_loop3A_1207 = arith.select %parallel_loop3A_1203, %parallel_loop3A_1206, %parallel_loop3A_1200 : vector<16xi1>, vector<16xi32>
        %parallel_loop3A_1208 = vector.shape_cast %parallel_loop3A_1207 : vector<16xi32> to vector<16x1xi32>
        %parallel_loop3A_1209 = vector.shape_cast %parallel_loop3A_1208 : vector<16x1xi32> to vector<16xi32>
        %parallel_loop3A_1210 = tpu.dynamic_gather %get3A_778[%parallel_loop3A_1209] in [0] : vector<16xf32>, vector<16xi32> -> vector<16xf32>
        %parallel_loop3A_1211 = arith.constant 0 : i32
        %parallel_loop3A_1212 = arith.index_cast %parallel_loop3A_1211 : i32 to index
        %parallel_loop3A_1213 = arith.index_cast %parallel_loop3A_1050 : i32 to index
        %parallel_loop3A_1214 = arith.index_cast %parallel_loop3A_1178 : i32 to index
        %parallel_loop3A_1215 = tpu.vector_load %arg10[%parallel_loop3A_1212, %parallel_loop3A_1213, %parallel_loop3A_1214] {strides = array<i32>} : memref<2x8x1024xf32, #tpu.memory_space<vmem>>, vector<1x1x16xf32>,
        %parallel_loop3A_1216 = vector.shape_cast %parallel_loop3A_1215 : vector<1x1x16xf32> to vector<16xf32>
        %parallel_loop3A_1217 = arith.addf %parallel_loop3A_1216, %parallel_loop3A_1210 : vector<16xf32>
        %parallel_loop3A_1218 = arith.constant 0 : i32
        %parallel_loop3A_1219 = arith.index_cast %parallel_loop3A_1218 : i32 to index
        %parallel_loop3A_1220 = arith.index_cast %parallel_loop3A_1050 : i32 to index
        %parallel_loop3A_1221 = arith.index_cast %parallel_loop3A_1178 : i32 to index
        %parallel_loop3A_1222 = tpu.vector_load %arg9[%parallel_loop3A_1219, %parallel_loop3A_1220, %parallel_loop3A_1221] {strides = array<i32>} : memref<2x8x1024xf32, #tpu.memory_space<vmem>>, vector<1x1x16xf32>,
        %parallel_loop3A_1223 = vector.shape_cast %parallel_loop3A_1222 : vector<1x1x16xf32> to vector<16xf32>
        %parallel_loop3A_1224 = arith.select %parallel_loop3A_1194, %parallel_loop3A_1217, %parallel_loop3A_1223 : vector<16xi1>, vector<16xf32>
        %parallel_loop3A_1225 = arith.constant 0 : i32
        %parallel_loop3A_1226 = arith.index_cast %parallel_loop3A_1225 : i32 to index
        %parallel_loop3A_1227 = arith.index_cast %parallel_loop3A_1050 : i32 to index
        %parallel_loop3A_1228 = arith.index_cast %parallel_loop3A_1178 : i32 to index
        %parallel_loop3A_1229 = tpu.vector_load %arg14[%parallel_loop3A_1226, %parallel_loop3A_1227, %parallel_loop3A_1228] {strides = array<i32>} : memref<2x8x1024xf32, #tpu.memory_space<vmem>>, vector<1x1x16xf32>,
        %parallel_loop3A_1230 = vector.shape_cast %parallel_loop3A_1229 : vector<1x1x16xf32> to vector<16xf32>
        %parallel_loop3A_1231 = vector.shape_cast %parallel_loop3A_1224 : vector<16xf32> to vector<1x1x16xf32>
        tpu.vector_store %arg14[%parallel_loop3A_1226, %parallel_loop3A_1227, %parallel_loop3A_1228], %parallel_loop3A_1231 {strides = array<i32>} : memref<2x8x1024xf32, #tpu.memory_space<vmem>>, vector<1x1x16xf32>,
        %parallel_loop3A_1232 = arith.constant 16 : i32
        %parallel_loop3A_1233 = arith.muli %parallel_loop3A_1052, %parallel_loop3A_1232 : i32
        %parallel_loop3A_1234 = arith.constant 768 : i32
        %parallel_loop3A_1235 = arith.addi %parallel_loop3A_1234, %parallel_loop3A_1233 : i32
        %parallel_loop3A_1236 = arith.constant 16777216 : i32
        %parallel_loop3A_1237 = vector.broadcast %parallel_loop3A_1236 : i32 to vector<16xi32>
        %parallel_loop3A_1238 = arith.andi %parallel_loop3A_1060, %parallel_loop3A_1237 : vector<16xi32>
        %parallel_loop3A_1239 = arith.constant 0 : i32
        %parallel_loop3A_1240 = arith.index_cast %parallel_loop3A_1239 : i32 to index
        %parallel_loop3A_1241 = arith.index_cast %parallel_loop3A_1050 : i32 to index
        %parallel_loop3A_1242 = arith.index_cast %parallel_loop3A_1235 : i32 to index
        %parallel_loop3A_1243 = tpu.vector_load %arg13[%parallel_loop3A_1240, %parallel_loop3A_1241, %parallel_loop3A_1242] {strides = array<i32>} : memref<2x8x1024xf32, #tpu.memory_space<vmem>>, vector<1x1x16xf32>,
        %parallel_loop3A_1244 = vector.shape_cast %parallel_loop3A_1243 : vector<1x1x16xf32> to vector<16xf32>
        %parallel_loop3A_1245 = arith.constant 0 : i32
        %parallel_loop3A_1246 = vector.broadcast %parallel_loop3A_1245 : i32 to vector<16xi32>
        %parallel_loop3A_1247 = arith.cmpi ne, %parallel_loop3A_1238, %parallel_loop3A_1246 : vector<16xi32>
        %parallel_loop3A_1248 = arith.constant 5.000000e-01 : f32
        %parallel_loop3A_1249 = vector.broadcast %parallel_loop3A_1248 : f32 to vector<16xf32>
        %parallel_loop3A_1250 = arith.cmpf olt, %parallel_loop3A_1244, %parallel_loop3A_1249 : vector<16xf32>
        %parallel_loop3A_1251 = arith.andi %parallel_loop3A_1247, %parallel_loop3A_1250 : vector<16xi1>
        %parallel_loop3A_1252 = arith.constant 0 : i32
        %parallel_loop3A_1253 = arith.index_cast %parallel_loop3A_1252 : i32 to index
        %parallel_loop3A_1254 = arith.index_cast %parallel_loop3A_1050 : i32 to index
        %parallel_loop3A_1255 = arith.index_cast %parallel_loop3A_1235 : i32 to index
        %parallel_loop3A_1256 = tpu.vector_load %arg11[%parallel_loop3A_1253, %parallel_loop3A_1254, %parallel_loop3A_1255] {strides = array<i32>} : memref<2x8x1024xi32, #tpu.memory_space<vmem>>, vector<1x1x16xi32>,
        %parallel_loop3A_1257 = vector.shape_cast %parallel_loop3A_1256 : vector<1x1x16xi32> to vector<16xi32>
        %parallel_loop3A_1258 = arith.constant 0 : i32
        %parallel_loop3A_1259 = vector.broadcast %parallel_loop3A_1258 : i32 to vector<16xi32>
        %parallel_loop3A_1260 = arith.cmpi slt, %parallel_loop3A_1257, %parallel_loop3A_1259 : vector<16xi32>
        %parallel_loop3A_1261 = arith.constant 16 : i32
        %parallel_loop3A_1262 = vector.broadcast %parallel_loop3A_1261 : i32 to vector<16xi32>
        %parallel_loop3A_1263 = arith.addi %parallel_loop3A_1257, %parallel_loop3A_1262 : vector<16xi32>
        %parallel_loop3A_1264 = arith.select %parallel_loop3A_1260, %parallel_loop3A_1263, %parallel_loop3A_1257 : vector<16xi1>, vector<16xi32>
        %parallel_loop3A_1265 = vector.shape_cast %parallel_loop3A_1264 : vector<16xi32> to vector<16x1xi32>
        %parallel_loop3A_1266 = vector.shape_cast %parallel_loop3A_1265 : vector<16x1xi32> to vector<16xi32>
        %parallel_loop3A_1267 = tpu.dynamic_gather %get3A_778[%parallel_loop3A_1266] in [0] : vector<16xf32>, vector<16xi32> -> vector<16xf32>
        %parallel_loop3A_1268 = arith.constant 0 : i32
        %parallel_loop3A_1269 = arith.index_cast %parallel_loop3A_1268 : i32 to index
        %parallel_loop3A_1270 = arith.index_cast %parallel_loop3A_1050 : i32 to index
        %parallel_loop3A_1271 = arith.index_cast %parallel_loop3A_1235 : i32 to index
        %parallel_loop3A_1272 = tpu.vector_load %arg10[%parallel_loop3A_1269, %parallel_loop3A_1270, %parallel_loop3A_1271] {strides = array<i32>} : memref<2x8x1024xf32, #tpu.memory_space<vmem>>, vector<1x1x16xf32>,
        %parallel_loop3A_1273 = vector.shape_cast %parallel_loop3A_1272 : vector<1x1x16xf32> to vector<16xf32>
        %parallel_loop3A_1274 = arith.addf %parallel_loop3A_1273, %parallel_loop3A_1267 : vector<16xf32>
        %parallel_loop3A_1275 = arith.constant 0 : i32
        %parallel_loop3A_1276 = arith.index_cast %parallel_loop3A_1275 : i32 to index
        %parallel_loop3A_1277 = arith.index_cast %parallel_loop3A_1050 : i32 to index
        %parallel_loop3A_1278 = arith.index_cast %parallel_loop3A_1235 : i32 to index
        %parallel_loop3A_1279 = tpu.vector_load %arg9[%parallel_loop3A_1276, %parallel_loop3A_1277, %parallel_loop3A_1278] {strides = array<i32>} : memref<2x8x1024xf32, #tpu.memory_space<vmem>>, vector<1x1x16xf32>,
        %parallel_loop3A_1280 = vector.shape_cast %parallel_loop3A_1279 : vector<1x1x16xf32> to vector<16xf32>
        %parallel_loop3A_1281 = arith.select %parallel_loop3A_1251, %parallel_loop3A_1274, %parallel_loop3A_1280 : vector<16xi1>, vector<16xf32>
        %parallel_loop3A_1282 = arith.constant 0 : i32
        %parallel_loop3A_1283 = arith.index_cast %parallel_loop3A_1282 : i32 to index
        %parallel_loop3A_1284 = arith.index_cast %parallel_loop3A_1050 : i32 to index
        %parallel_loop3A_1285 = arith.index_cast %parallel_loop3A_1235 : i32 to index
        %parallel_loop3A_1286 = tpu.vector_load %arg14[%parallel_loop3A_1283, %parallel_loop3A_1284, %parallel_loop3A_1285] {strides = array<i32>} : memref<2x8x1024xf32, #tpu.memory_space<vmem>>, vector<1x1x16xf32>,
        %parallel_loop3A_1287 = vector.shape_cast %parallel_loop3A_1286 : vector<1x1x16xf32> to vector<16xf32>
        %parallel_loop3A_1288 = vector.shape_cast %parallel_loop3A_1281 : vector<16xf32> to vector<1x1x16xf32>
        tpu.vector_store %arg14[%parallel_loop3A_1283, %parallel_loop3A_1284, %parallel_loop3A_1285], %parallel_loop3A_1288 {strides = array<i32>} : memref<2x8x1024xf32, #tpu.memory_space<vmem>>, vector<1x1x16xf32>,
      } {sc.loop_unroll_factor = 2 : i64, sc.parallel_access}
      %mul3A_782 = arith.constant 8 : i32
      %mul3A_783 = arith.muli %add3A_690, %mul3A_782 : i32
      %add3A_784 = arith.addi %mul3A_2, %mul3A_783 : i32
      %dma_start3A_785 = arith.constant 0 : i32
      %dma_start3A_786 = arith.constant 0 : i32
      %dma_start3A_787 = arith.constant 0 : i32
      %dma_start3A_788 = tpu.memref_slice %arg14[%dma_start3A_785, %dma_start3A_786, %dma_start3A_787] : memref<2x8x1024xf32, #tpu.memory_space<vmem>> -> memref<1x8x1024xf32, #tpu.memory_space<vmem>>
      %dma_start3A_789 = tpu.memref_squeeze %dma_start3A_788 : memref<1x8x1024xf32, #tpu.memory_space<vmem>> -> memref<8x1024xf32, #tpu.memory_space<vmem>>
      %dma_start3A_790 = arith.constant 0 : i32
      %dma_start3A_791 = tpu.memref_slice %arg8[%add3A_784, %dma_start3A_790] : memref<16384x1024xf32, #tpu.memory_space<hbm>> -> memref<8x1024xf32, #tpu.memory_space<hbm>>
      %dma_start3A_792 = arith.constant 0 : i32
      %dma_start3A_793 = tpu.memref_slice %arg8[%add3A_784, %dma_start3A_792] : memref<16384x1024xf32, #tpu.memory_space<hbm>> -> memref<8x1024xf32, #tpu.memory_space<hbm>>
      %dma_start3A_794 = arith.constant 0 : i32
      %dma_start3A_795 = arith.constant 0 : i32
      %dma_start3A_796 = tpu.memref_slice %arg14[%dma_start3A_785, %dma_start3A_794, %dma_start3A_795] : memref<2x8x1024xf32, #tpu.memory_space<vmem>> -> memref<1x8x1024xf32, #tpu.memory_space<vmem>>
      %dma_start3A_797 = tpu.memref_squeeze %dma_start3A_796 : memref<1x8x1024xf32, #tpu.memory_space<vmem>> -> memref<8x1024xf32, #tpu.memory_space<vmem>>
      tpu.enqueue_dma source(%dma_start3A_797 : memref<8x1024xf32, #tpu.memory_space<vmem>>) target(%dma_start3A_793 : memref<8x1024xf32, #tpu.memory_space<hbm>>) target_semaphore(%arg18 : memref<!tpu.dma_semaphore, #tpu.memory_space<semaphore_mem>>)
      %add3A_798 = arith.constant 2 : i32
      %add3A_799 = arith.addi %add3A_690, %add3A_798 : i32
      %mul3A_800 = arith.constant 8 : i32
      %mul3A_801 = arith.muli %add3A_799, %mul3A_800 : i32
      %add3A_802 = arith.addi %mul3A_2, %mul3A_801 : i32
      %dma_start3A_803 = arith.constant 0 : i32
      %dma_start3A_804 = arith.constant 0 : i32
      %dma_start3A_805 = arith.constant 0 : i32
      %dma_start3A_806 = tpu.memref_slice %arg9[%dma_start3A_803, %dma_start3A_804, %dma_start3A_805] : memref<2x8x1024xf32, #tpu.memory_space<vmem>> -> memref<1x8x1024xf32, #tpu.memory_space<vmem>>
      %dma_start3A_807 = tpu.memref_squeeze %dma_start3A_806 : memref<1x8x1024xf32, #tpu.memory_space<vmem>> -> memref<8x1024xf32, #tpu.memory_space<vmem>>
      %dma_start3A_808 = arith.constant 0 : i32
      %dma_start3A_809 = tpu.memref_slice %arg2[%add3A_802, %dma_start3A_808] : memref<16384x1024xf32, #tpu.memory_space<hbm>> -> memref<8x1024xf32, #tpu.memory_space<hbm>>
      %dma_start3A_810 = arith.constant 0 : i32
      %dma_start3A_811 = arith.constant 0 : i32
      %dma_start3A_812 = tpu.memref_slice %arg9[%dma_start3A_803, %dma_start3A_810, %dma_start3A_811] : memref<2x8x1024xf32, #tpu.memory_space<vmem>> -> memref<1x8x1024xf32, #tpu.memory_space<vmem>>
      %dma_start3A_813 = tpu.memref_squeeze %dma_start3A_812 : memref<1x8x1024xf32, #tpu.memory_space<vmem>> -> memref<8x1024xf32, #tpu.memory_space<vmem>>
      %dma_start3A_814 = arith.constant 0 : i32
      %dma_start3A_815 = tpu.memref_slice %arg2[%add3A_802, %dma_start3A_814] : memref<16384x1024xf32, #tpu.memory_space<hbm>> -> memref<8x1024xf32, #tpu.memory_space<hbm>>
      tpu.enqueue_dma source(%dma_start3A_815 : memref<8x1024xf32, #tpu.memory_space<hbm>>) target(%dma_start3A_813 : memref<8x1024xf32, #tpu.memory_space<vmem>>) target_semaphore(%arg16 : memref<!tpu.dma_semaphore, #tpu.memory_space<semaphore_mem>>)
      %dma_start3A_816 = arith.constant 0 : i32
      %dma_start3A_817 = arith.constant 0 : i32
      %dma_start3A_818 = arith.constant 0 : i32
      %dma_start3A_819 = tpu.memref_slice %arg10[%dma_start3A_816, %dma_start3A_817, %dma_start3A_818] : memref<2x8x1024xf32, #tpu.memory_space<vmem>> -> memref<1x8x1024xf32, #tpu.memory_space<vmem>>
      %dma_start3A_820 = tpu.memref_squeeze %dma_start3A_819 : memref<1x8x1024xf32, #tpu.memory_space<vmem>> -> memref<8x1024xf32, #tpu.memory_space<vmem>>
      %dma_start3A_821 = arith.constant 0 : i32
      %dma_start3A_822 = tpu.memref_slice %arg3[%add3A_802, %dma_start3A_821] : memref<16384x1024xf32, #tpu.memory_space<hbm>> -> memref<8x1024xf32, #tpu.memory_space<hbm>>
      %dma_start3A_823 = arith.constant 0 : i32
      %dma_start3A_824 = arith.constant 0 : i32
      %dma_start3A_825 = tpu.memref_slice %arg10[%dma_start3A_816, %dma_start3A_823, %dma_start3A_824] : memref<2x8x1024xf32, #tpu.memory_space<vmem>> -> memref<1x8x1024xf32, #tpu.memory_space<vmem>>
      %dma_start3A_826 = tpu.memref_squeeze %dma_start3A_825 : memref<1x8x1024xf32, #tpu.memory_space<vmem>> -> memref<8x1024xf32, #tpu.memory_space<vmem>>
      %dma_start3A_827 = arith.constant 0 : i32
      %dma_start3A_828 = tpu.memref_slice %arg3[%add3A_802, %dma_start3A_827] : memref<16384x1024xf32, #tpu.memory_space<hbm>> -> memref<8x1024xf32, #tpu.memory_space<hbm>>
      tpu.enqueue_dma source(%dma_start3A_828 : memref<8x1024xf32, #tpu.memory_space<hbm>>) target(%dma_start3A_826 : memref<8x1024xf32, #tpu.memory_space<vmem>>) target_semaphore(%arg16 : memref<!tpu.dma_semaphore, #tpu.memory_space<semaphore_mem>>)
      %dma_start3A_829 = arith.constant 0 : i32
      %dma_start3A_830 = arith.constant 0 : i32
      %dma_start3A_831 = arith.constant 0 : i32
      %dma_start3A_832 = tpu.memref_slice %arg11[%dma_start3A_829, %dma_start3A_830, %dma_start3A_831] : memref<2x8x1024xi32, #tpu.memory_space<vmem>> -> memref<1x8x1024xi32, #tpu.memory_space<vmem>>
      %dma_start3A_833 = tpu.memref_squeeze %dma_start3A_832 : memref<1x8x1024xi32, #tpu.memory_space<vmem>> -> memref<8x1024xi32, #tpu.memory_space<vmem>>
      %dma_start3A_834 = arith.constant 0 : i32
      %dma_start3A_835 = tpu.memref_slice %arg4[%add3A_802, %dma_start3A_834] : memref<16384x1024xi32, #tpu.memory_space<hbm>> -> memref<8x1024xi32, #tpu.memory_space<hbm>>
      %dma_start3A_836 = arith.constant 0 : i32
      %dma_start3A_837 = arith.constant 0 : i32
      %dma_start3A_838 = tpu.memref_slice %arg11[%dma_start3A_829, %dma_start3A_836, %dma_start3A_837] : memref<2x8x1024xi32, #tpu.memory_space<vmem>> -> memref<1x8x1024xi32, #tpu.memory_space<vmem>>
      %dma_start3A_839 = tpu.memref_squeeze %dma_start3A_838 : memref<1x8x1024xi32, #tpu.memory_space<vmem>> -> memref<8x1024xi32, #tpu.memory_space<vmem>>
      %dma_start3A_840 = arith.constant 0 : i32
      %dma_start3A_841 = tpu.memref_slice %arg4[%add3A_802, %dma_start3A_840] : memref<16384x1024xi32, #tpu.memory_space<hbm>> -> memref<8x1024xi32, #tpu.memory_space<hbm>>
      tpu.enqueue_dma source(%dma_start3A_841 : memref<8x1024xi32, #tpu.memory_space<hbm>>) target(%dma_start3A_839 : memref<8x1024xi32, #tpu.memory_space<vmem>>) target_semaphore(%arg16 : memref<!tpu.dma_semaphore, #tpu.memory_space<semaphore_mem>>)
      %dma_start3A_842 = arith.constant 0 : i32
      %dma_start3A_843 = arith.constant 0 : i32
      %dma_start3A_844 = arith.constant 0 : i32
      %dma_start3A_845 = tpu.memref_slice %arg13[%dma_start3A_842, %dma_start3A_843, %dma_start3A_844] : memref<2x8x1024xf32, #tpu.memory_space<vmem>> -> memref<1x8x1024xf32, #tpu.memory_space<vmem>>
      %dma_start3A_846 = tpu.memref_squeeze %dma_start3A_845 : memref<1x8x1024xf32, #tpu.memory_space<vmem>> -> memref<8x1024xf32, #tpu.memory_space<vmem>>
      %dma_start3A_847 = arith.constant 0 : i32
      %dma_start3A_848 = tpu.memref_slice %arg6[%add3A_802, %dma_start3A_847] : memref<16384x1024xf32, #tpu.memory_space<hbm>> -> memref<8x1024xf32, #tpu.memory_space<hbm>>
      %dma_start3A_849 = arith.constant 0 : i32
      %dma_start3A_850 = arith.constant 0 : i32
      %dma_start3A_851 = tpu.memref_slice %arg13[%dma_start3A_842, %dma_start3A_849, %dma_start3A_850] : memref<2x8x1024xf32, #tpu.memory_space<vmem>> -> memref<1x8x1024xf32, #tpu.memory_space<vmem>>
      %dma_start3A_852 = tpu.memref_squeeze %dma_start3A_851 : memref<1x8x1024xf32, #tpu.memory_space<vmem>> -> memref<8x1024xf32, #tpu.memory_space<vmem>>
      %dma_start3A_853 = arith.constant 0 : i32
      %dma_start3A_854 = tpu.memref_slice %arg6[%add3A_802, %dma_start3A_853] : memref<16384x1024xf32, #tpu.memory_space<hbm>> -> memref<8x1024xf32, #tpu.memory_space<hbm>>
      tpu.enqueue_dma source(%dma_start3A_854 : memref<8x1024xf32, #tpu.memory_space<hbm>>) target(%dma_start3A_852 : memref<8x1024xf32, #tpu.memory_space<vmem>>) target_semaphore(%arg16 : memref<!tpu.dma_semaphore, #tpu.memory_space<semaphore_mem>>)
      %dma_start3A_855 = arith.constant 0 : i32
      %dma_start3A_856 = arith.constant 0 : i32
      %dma_start3A_857 = arith.constant 0 : i32
      %dma_start3A_858 = tpu.memref_slice %arg12[%dma_start3A_855, %dma_start3A_856, %dma_start3A_857] : memref<2x8x256xi32, #tpu.memory_space<vmem>> -> memref<1x8x256xi32, #tpu.memory_space<vmem>>
      %dma_start3A_859 = tpu.memref_squeeze %dma_start3A_858 : memref<1x8x256xi32, #tpu.memory_space<vmem>> -> memref<8x256xi32, #tpu.memory_space<vmem>>
      %dma_start3A_860 = arith.constant 0 : i32
      %dma_start3A_861 = tpu.memref_slice %arg5[%add3A_802, %dma_start3A_860] : memref<16384x256xi32, #tpu.memory_space<hbm>> -> memref<8x256xi32, #tpu.memory_space<hbm>>
      %dma_start3A_862 = arith.constant 0 : i32
      %dma_start3A_863 = arith.constant 0 : i32
      %dma_start3A_864 = tpu.memref_slice %arg12[%dma_start3A_855, %dma_start3A_862, %dma_start3A_863] : memref<2x8x256xi32, #tpu.memory_space<vmem>> -> memref<1x8x256xi32, #tpu.memory_space<vmem>>
      %dma_start3A_865 = tpu.memref_squeeze %dma_start3A_864 : memref<1x8x256xi32, #tpu.memory_space<vmem>> -> memref<8x256xi32, #tpu.memory_space<vmem>>
      %dma_start3A_866 = arith.constant 0 : i32
      %dma_start3A_867 = tpu.memref_slice %arg5[%add3A_802, %dma_start3A_866] : memref<16384x256xi32, #tpu.memory_space<hbm>> -> memref<8x256xi32, #tpu.memory_space<hbm>>
      tpu.enqueue_dma source(%dma_start3A_867 : memref<8x256xi32, #tpu.memory_space<hbm>>) target(%dma_start3A_865 : memref<8x256xi32, #tpu.memory_space<vmem>>) target_semaphore(%arg16 : memref<!tpu.dma_semaphore, #tpu.memory_space<semaphore_mem>>)
      %add3A_868 = arith.constant 1 : i32
      %add3A_869 = arith.addi %add3A_688, %add3A_868 : i32
      %sub3A_870 = arith.constant 2 : i32
      %sub3A_871 = arith.subi %add3A_869, %sub3A_870 : i32
      %mul3A_872 = arith.constant 8 : i32
      %mul3A_873 = arith.muli %sub3A_871, %mul3A_872 : i32
      %add3A_874 = arith.addi %mul3A_2, %mul3A_873 : i32
      %dma_wait3A_875 = arith.constant 1 : i32
      %dma_wait3A_876 = arith.constant 0 : i32
      %dma_wait3A_877 = arith.constant 0 : i32
      %dma_wait3A_878 = tpu.memref_slice %arg14[%dma_wait3A_875, %dma_wait3A_876, %dma_wait3A_877] : memref<2x8x1024xf32, #tpu.memory_space<vmem>> -> memref<1x8x1024xf32, #tpu.memory_space<vmem>>
      %dma_wait3A_879 = tpu.memref_squeeze %dma_wait3A_878 : memref<1x8x1024xf32, #tpu.memory_space<vmem>> -> memref<8x1024xf32, #tpu.memory_space<vmem>>
      %dma_wait3A_880 = arith.constant 0 : i32
      %dma_wait3A_881 = tpu.memref_slice %arg8[%add3A_874, %dma_wait3A_880] : memref<16384x1024xf32, #tpu.memory_space<hbm>> -> memref<8x1024xf32, #tpu.memory_space<hbm>>
      %dma_wait3A_882 = arith.constant 0 : i32
      %dma_wait3A_883 = tpu.memref_slice %arg8[%add3A_874, %dma_wait3A_882] : memref<16384x1024xf32, #tpu.memory_space<hbm>> -> memref<8x1024xf32, #tpu.memory_space<hbm>>
      %dma_wait3A_884 = arith.constant 0 : i32
      %dma_wait3A_885 = arith.constant 0 : i32
      %dma_wait3A_886 = tpu.memref_slice %arg14[%dma_wait3A_875, %dma_wait3A_884, %dma_wait3A_885] : memref<2x8x1024xf32, #tpu.memory_space<vmem>> -> memref<1x8x1024xf32, #tpu.memory_space<vmem>>
      %dma_wait3A_887 = tpu.memref_squeeze %dma_wait3A_886 : memref<1x8x1024xf32, #tpu.memory_space<vmem>> -> memref<8x1024xf32, #tpu.memory_space<vmem>>
      tpu.wait_dma2 semaphore(%arg19 : memref<!tpu.dma_semaphore, #tpu.memory_space<semaphore_mem>>) src(%dma_wait3A_887 : memref<8x1024xf32, #tpu.memory_space<vmem>>) dst(%dma_wait3A_883 : memref<8x1024xf32, #tpu.memory_space<hbm>>)
      %mul3A_888 = arith.constant 8 : i32
      %mul3A_889 = arith.muli %add3A_869, %mul3A_888 : i32
      %add3A_890 = arith.addi %mul3A_2, %mul3A_889 : i32
      %dma_wait3A_891 = arith.constant 1 : i32
      %dma_wait3A_892 = arith.constant 0 : i32
      %dma_wait3A_893 = arith.constant 0 : i32
      %dma_wait3A_894 = tpu.memref_slice %arg9[%dma_wait3A_891, %dma_wait3A_892, %dma_wait3A_893] : memref<2x8x1024xf32, #tpu.memory_space<vmem>> -> memref<1x8x1024xf32, #tpu.memory_space<vmem>>
      %dma_wait3A_895 = tpu.memref_squeeze %dma_wait3A_894 : memref<1x8x1024xf32, #tpu.memory_space<vmem>> -> memref<8x1024xf32, #tpu.memory_space<vmem>>
      %dma_wait3A_896 = arith.constant 0 : i32
      %dma_wait3A_897 = tpu.memref_slice %arg2[%add3A_890, %dma_wait3A_896] : memref<16384x1024xf32, #tpu.memory_space<hbm>> -> memref<8x1024xf32, #tpu.memory_space<hbm>>
      %dma_wait3A_898 = arith.constant 0 : i32
      %dma_wait3A_899 = arith.constant 0 : i32
      %dma_wait3A_900 = tpu.memref_slice %arg9[%dma_wait3A_891, %dma_wait3A_898, %dma_wait3A_899] : memref<2x8x1024xf32, #tpu.memory_space<vmem>> -> memref<1x8x1024xf32, #tpu.memory_space<vmem>>
      %dma_wait3A_901 = tpu.memref_squeeze %dma_wait3A_900 : memref<1x8x1024xf32, #tpu.memory_space<vmem>> -> memref<8x1024xf32, #tpu.memory_space<vmem>>
      %dma_wait3A_902 = arith.constant 0 : i32
      %dma_wait3A_903 = tpu.memref_slice %arg2[%add3A_890, %dma_wait3A_902] : memref<16384x1024xf32, #tpu.memory_space<hbm>> -> memref<8x1024xf32, #tpu.memory_space<hbm>>
      tpu.wait_dma2 semaphore(%arg17 : memref<!tpu.dma_semaphore, #tpu.memory_space<semaphore_mem>>) src(%dma_wait3A_903 : memref<8x1024xf32, #tpu.memory_space<hbm>>) dst(%dma_wait3A_901 : memref<8x1024xf32, #tpu.memory_space<vmem>>)
      %dma_wait3A_904 = arith.constant 1 : i32
      %dma_wait3A_905 = arith.constant 0 : i32
      %dma_wait3A_906 = arith.constant 0 : i32
      %dma_wait3A_907 = tpu.memref_slice %arg10[%dma_wait3A_904, %dma_wait3A_905, %dma_wait3A_906] : memref<2x8x1024xf32, #tpu.memory_space<vmem>> -> memref<1x8x1024xf32, #tpu.memory_space<vmem>>
      %dma_wait3A_908 = tpu.memref_squeeze %dma_wait3A_907 : memref<1x8x1024xf32, #tpu.memory_space<vmem>> -> memref<8x1024xf32, #tpu.memory_space<vmem>>
      %dma_wait3A_909 = arith.constant 0 : i32
      %dma_wait3A_910 = tpu.memref_slice %arg3[%add3A_890, %dma_wait3A_909] : memref<16384x1024xf32, #tpu.memory_space<hbm>> -> memref<8x1024xf32, #tpu.memory_space<hbm>>
      %dma_wait3A_911 = arith.constant 0 : i32
      %dma_wait3A_912 = arith.constant 0 : i32
      %dma_wait3A_913 = tpu.memref_slice %arg10[%dma_wait3A_904, %dma_wait3A_911, %dma_wait3A_912] : memref<2x8x1024xf32, #tpu.memory_space<vmem>> -> memref<1x8x1024xf32, #tpu.memory_space<vmem>>
      %dma_wait3A_914 = tpu.memref_squeeze %dma_wait3A_913 : memref<1x8x1024xf32, #tpu.memory_space<vmem>> -> memref<8x1024xf32, #tpu.memory_space<vmem>>
      %dma_wait3A_915 = arith.constant 0 : i32
      %dma_wait3A_916 = tpu.memref_slice %arg3[%add3A_890, %dma_wait3A_915] : memref<16384x1024xf32, #tpu.memory_space<hbm>> -> memref<8x1024xf32, #tpu.memory_space<hbm>>
      tpu.wait_dma2 semaphore(%arg17 : memref<!tpu.dma_semaphore, #tpu.memory_space<semaphore_mem>>) src(%dma_wait3A_916 : memref<8x1024xf32, #tpu.memory_space<hbm>>) dst(%dma_wait3A_914 : memref<8x1024xf32, #tpu.memory_space<vmem>>)
      %dma_wait3A_917 = arith.constant 1 : i32
      %dma_wait3A_918 = arith.constant 0 : i32
      %dma_wait3A_919 = arith.constant 0 : i32
      %dma_wait3A_920 = tpu.memref_slice %arg11[%dma_wait3A_917, %dma_wait3A_918, %dma_wait3A_919] : memref<2x8x1024xi32, #tpu.memory_space<vmem>> -> memref<1x8x1024xi32, #tpu.memory_space<vmem>>
      %dma_wait3A_921 = tpu.memref_squeeze %dma_wait3A_920 : memref<1x8x1024xi32, #tpu.memory_space<vmem>> -> memref<8x1024xi32, #tpu.memory_space<vmem>>
      %dma_wait3A_922 = arith.constant 0 : i32
      %dma_wait3A_923 = tpu.memref_slice %arg4[%add3A_890, %dma_wait3A_922] : memref<16384x1024xi32, #tpu.memory_space<hbm>> -> memref<8x1024xi32, #tpu.memory_space<hbm>>
      %dma_wait3A_924 = arith.constant 0 : i32
      %dma_wait3A_925 = arith.constant 0 : i32
      %dma_wait3A_926 = tpu.memref_slice %arg11[%dma_wait3A_917, %dma_wait3A_924, %dma_wait3A_925] : memref<2x8x1024xi32, #tpu.memory_space<vmem>> -> memref<1x8x1024xi32, #tpu.memory_space<vmem>>
      %dma_wait3A_927 = tpu.memref_squeeze %dma_wait3A_926 : memref<1x8x1024xi32, #tpu.memory_space<vmem>> -> memref<8x1024xi32, #tpu.memory_space<vmem>>
      %dma_wait3A_928 = arith.constant 0 : i32
      %dma_wait3A_929 = tpu.memref_slice %arg4[%add3A_890, %dma_wait3A_928] : memref<16384x1024xi32, #tpu.memory_space<hbm>> -> memref<8x1024xi32, #tpu.memory_space<hbm>>
      tpu.wait_dma2 semaphore(%arg17 : memref<!tpu.dma_semaphore, #tpu.memory_space<semaphore_mem>>) src(%dma_wait3A_929 : memref<8x1024xi32, #tpu.memory_space<hbm>>) dst(%dma_wait3A_927 : memref<8x1024xi32, #tpu.memory_space<vmem>>)
      %dma_wait3A_930 = arith.constant 1 : i32
      %dma_wait3A_931 = arith.constant 0 : i32
      %dma_wait3A_932 = arith.constant 0 : i32
      %dma_wait3A_933 = tpu.memref_slice %arg13[%dma_wait3A_930, %dma_wait3A_931, %dma_wait3A_932] : memref<2x8x1024xf32, #tpu.memory_space<vmem>> -> memref<1x8x1024xf32, #tpu.memory_space<vmem>>
      %dma_wait3A_934 = tpu.memref_squeeze %dma_wait3A_933 : memref<1x8x1024xf32, #tpu.memory_space<vmem>> -> memref<8x1024xf32, #tpu.memory_space<vmem>>
      %dma_wait3A_935 = arith.constant 0 : i32
      %dma_wait3A_936 = tpu.memref_slice %arg6[%add3A_890, %dma_wait3A_935] : memref<16384x1024xf32, #tpu.memory_space<hbm>> -> memref<8x1024xf32, #tpu.memory_space<hbm>>
      %dma_wait3A_937 = arith.constant 0 : i32
      %dma_wait3A_938 = arith.constant 0 : i32
      %dma_wait3A_939 = tpu.memref_slice %arg13[%dma_wait3A_930, %dma_wait3A_937, %dma_wait3A_938] : memref<2x8x1024xf32, #tpu.memory_space<vmem>> -> memref<1x8x1024xf32, #tpu.memory_space<vmem>>
      %dma_wait3A_940 = tpu.memref_squeeze %dma_wait3A_939 : memref<1x8x1024xf32, #tpu.memory_space<vmem>> -> memref<8x1024xf32, #tpu.memory_space<vmem>>
      %dma_wait3A_941 = arith.constant 0 : i32
      %dma_wait3A_942 = tpu.memref_slice %arg6[%add3A_890, %dma_wait3A_941] : memref<16384x1024xf32, #tpu.memory_space<hbm>> -> memref<8x1024xf32, #tpu.memory_space<hbm>>
      tpu.wait_dma2 semaphore(%arg17 : memref<!tpu.dma_semaphore, #tpu.memory_space<semaphore_mem>>) src(%dma_wait3A_942 : memref<8x1024xf32, #tpu.memory_space<hbm>>) dst(%dma_wait3A_940 : memref<8x1024xf32, #tpu.memory_space<vmem>>)
      %dma_wait3A_943 = arith.constant 1 : i32
      %dma_wait3A_944 = arith.constant 0 : i32
      %dma_wait3A_945 = arith.constant 0 : i32
      %dma_wait3A_946 = tpu.memref_slice %arg12[%dma_wait3A_943, %dma_wait3A_944, %dma_wait3A_945] : memref<2x8x256xi32, #tpu.memory_space<vmem>> -> memref<1x8x256xi32, #tpu.memory_space<vmem>>
      %dma_wait3A_947 = tpu.memref_squeeze %dma_wait3A_946 : memref<1x8x256xi32, #tpu.memory_space<vmem>> -> memref<8x256xi32, #tpu.memory_space<vmem>>
      %dma_wait3A_948 = arith.constant 0 : i32
      %dma_wait3A_949 = tpu.memref_slice %arg5[%add3A_890, %dma_wait3A_948] : memref<16384x256xi32, #tpu.memory_space<hbm>> -> memref<8x256xi32, #tpu.memory_space<hbm>>
      %dma_wait3A_950 = arith.constant 0 : i32
      %dma_wait3A_951 = arith.constant 0 : i32
      %dma_wait3A_952 = tpu.memref_slice %arg12[%dma_wait3A_943, %dma_wait3A_950, %dma_wait3A_951] : memref<2x8x256xi32, #tpu.memory_space<vmem>> -> memref<1x8x256xi32, #tpu.memory_space<vmem>>
      %dma_wait3A_953 = tpu.memref_squeeze %dma_wait3A_952 : memref<1x8x256xi32, #tpu.memory_space<vmem>> -> memref<8x256xi32, #tpu.memory_space<vmem>>
      %dma_wait3A_954 = arith.constant 0 : i32
      %dma_wait3A_955 = tpu.memref_slice %arg5[%add3A_890, %dma_wait3A_954] : memref<16384x256xi32, #tpu.memory_space<hbm>> -> memref<8x256xi32, #tpu.memory_space<hbm>>
      tpu.wait_dma2 semaphore(%arg17 : memref<!tpu.dma_semaphore, #tpu.memory_space<semaphore_mem>>) src(%dma_wait3A_955 : memref<8x256xi32, #tpu.memory_space<hbm>>) dst(%dma_wait3A_953 : memref<8x256xi32, #tpu.memory_space<vmem>>)
      %get3A_956 = arith.constant 0 : index
      %get3A_957 = tpu.vector_load %arg15[%get3A_956] {strides = array<i32>} : memref<16xf32, #tpu.memory_space<vmem>>, vector<16xf32>,
      %get3A_958 = vector.shape_cast %get3A_957 : vector<16xf32> to vector<16xf32>
      %parallel_loop3A_959 = arith.constant 0 : i32
      %parallel_loop3A_960 = arith.constant 128 : i32
      %parallel_loop3A_961 = arith.constant 1 : i32
      scf.for %parallel_loop3A_1048 = %parallel_loop3A_959 to %parallel_loop3A_960 step %parallel_loop3A_961  : i32 {
        %parallel_loop3A_1049 = arith.constant 4 : i32
        %parallel_loop3A_1050 = arith.shrsi %parallel_loop3A_1048, %parallel_loop3A_1049 : i32
        %parallel_loop3A_1051 = arith.constant 15 : i32
        %parallel_loop3A_1052 = arith.andi %parallel_loop3A_1048, %parallel_loop3A_1051 : i32
        %parallel_loop3A_1053 = arith.constant 16 : i32
        %parallel_loop3A_1054 = arith.muli %parallel_loop3A_1052, %parallel_loop3A_1053 : i32
        %parallel_loop3A_1055 = arith.constant 1 : i32
        %parallel_loop3A_1056 = arith.index_cast %parallel_loop3A_1055 : i32 to index
        %parallel_loop3A_1057 = arith.index_cast %parallel_loop3A_1050 : i32 to index
        %parallel_loop3A_1058 = arith.index_cast %parallel_loop3A_1054 : i32 to index
        %parallel_loop3A_1059 = tpu.vector_load %arg12[%parallel_loop3A_1056, %parallel_loop3A_1057, %parallel_loop3A_1058] {strides = array<i32>} : memref<2x8x256xi32, #tpu.memory_space<vmem>>, vector<1x1x16xi32>,
        %parallel_loop3A_1060 = vector.shape_cast %parallel_loop3A_1059 : vector<1x1x16xi32> to vector<16xi32>
        %parallel_loop3A_1061 = arith.constant 16 : i32
        %parallel_loop3A_1062 = arith.muli %parallel_loop3A_1052, %parallel_loop3A_1061 : i32
        %parallel_loop3A_1063 = arith.constant 0 : i32
        %parallel_loop3A_1064 = arith.addi %parallel_loop3A_1063, %parallel_loop3A_1062 : i32
        %parallel_loop3A_1065 = arith.constant 1 : i32
        %parallel_loop3A_1066 = vector.broadcast %parallel_loop3A_1065 : i32 to vector<16xi32>
        %parallel_loop3A_1067 = arith.andi %parallel_loop3A_1060, %parallel_loop3A_1066 : vector<16xi32>
        %parallel_loop3A_1068 = arith.constant 1 : i32
        %parallel_loop3A_1069 = arith.index_cast %parallel_loop3A_1068 : i32 to index
        %parallel_loop3A_1070 = arith.index_cast %parallel_loop3A_1050 : i32 to index
        %parallel_loop3A_1071 = arith.index_cast %parallel_loop3A_1064 : i32 to index
        %parallel_loop3A_1072 = tpu.vector_load %arg13[%parallel_loop3A_1069, %parallel_loop3A_1070, %parallel_loop3A_1071] {strides = array<i32>} : memref<2x8x1024xf32, #tpu.memory_space<vmem>>, vector<1x1x16xf32>,
        %parallel_loop3A_1073 = vector.shape_cast %parallel_loop3A_1072 : vector<1x1x16xf32> to vector<16xf32>
        %parallel_loop3A_1074 = arith.constant 0 : i32
        %parallel_loop3A_1075 = vector.broadcast %parallel_loop3A_1074 : i32 to vector<16xi32>
        %parallel_loop3A_1076 = arith.cmpi ne, %parallel_loop3A_1067, %parallel_loop3A_1075 : vector<16xi32>
        %parallel_loop3A_1077 = arith.constant 5.000000e-01 : f32
        %parallel_loop3A_1078 = vector.broadcast %parallel_loop3A_1077 : f32 to vector<16xf32>
        %parallel_loop3A_1079 = arith.cmpf olt, %parallel_loop3A_1073, %parallel_loop3A_1078 : vector<16xf32>
        %parallel_loop3A_1080 = arith.andi %parallel_loop3A_1076, %parallel_loop3A_1079 : vector<16xi1>
        %parallel_loop3A_1081 = arith.constant 1 : i32
        %parallel_loop3A_1082 = arith.index_cast %parallel_loop3A_1081 : i32 to index
        %parallel_loop3A_1083 = arith.index_cast %parallel_loop3A_1050 : i32 to index
        %parallel_loop3A_1084 = arith.index_cast %parallel_loop3A_1064 : i32 to index
        %parallel_loop3A_1085 = tpu.vector_load %arg11[%parallel_loop3A_1082, %parallel_loop3A_1083, %parallel_loop3A_1084] {strides = array<i32>} : memref<2x8x1024xi32, #tpu.memory_space<vmem>>, vector<1x1x16xi32>,
        %parallel_loop3A_1086 = vector.shape_cast %parallel_loop3A_1085 : vector<1x1x16xi32> to vector<16xi32>
        %parallel_loop3A_1087 = arith.constant 0 : i32
        %parallel_loop3A_1088 = vector.broadcast %parallel_loop3A_1087 : i32 to vector<16xi32>
        %parallel_loop3A_1089 = arith.cmpi slt, %parallel_loop3A_1086, %parallel_loop3A_1088 : vector<16xi32>
        %parallel_loop3A_1090 = arith.constant 16 : i32
        %parallel_loop3A_1091 = vector.broadcast %parallel_loop3A_1090 : i32 to vector<16xi32>
        %parallel_loop3A_1092 = arith.addi %parallel_loop3A_1086, %parallel_loop3A_1091 : vector<16xi32>
        %parallel_loop3A_1093 = arith.select %parallel_loop3A_1089, %parallel_loop3A_1092, %parallel_loop3A_1086 : vector<16xi1>, vector<16xi32>
        %parallel_loop3A_1094 = vector.shape_cast %parallel_loop3A_1093 : vector<16xi32> to vector<16x1xi32>
        %parallel_loop3A_1095 = vector.shape_cast %parallel_loop3A_1094 : vector<16x1xi32> to vector<16xi32>
        %parallel_loop3A_1096 = tpu.dynamic_gather %get3A_958[%parallel_loop3A_1095] in [0] : vector<16xf32>, vector<16xi32> -> vector<16xf32>
        %parallel_loop3A_1097 = arith.constant 1 : i32
        %parallel_loop3A_1098 = arith.index_cast %parallel_loop3A_1097 : i32 to index
        %parallel_loop3A_1099 = arith.index_cast %parallel_loop3A_1050 : i32 to index
        %parallel_loop3A_1100 = arith.index_cast %parallel_loop3A_1064 : i32 to index
        %parallel_loop3A_1101 = tpu.vector_load %arg10[%parallel_loop3A_1098, %parallel_loop3A_1099, %parallel_loop3A_1100] {strides = array<i32>} : memref<2x8x1024xf32, #tpu.memory_space<vmem>>, vector<1x1x16xf32>,
        %parallel_loop3A_1102 = vector.shape_cast %parallel_loop3A_1101 : vector<1x1x16xf32> to vector<16xf32>
        %parallel_loop3A_1103 = arith.addf %parallel_loop3A_1102, %parallel_loop3A_1096 : vector<16xf32>
        %parallel_loop3A_1104 = arith.constant 1 : i32
        %parallel_loop3A_1105 = arith.index_cast %parallel_loop3A_1104 : i32 to index
        %parallel_loop3A_1106 = arith.index_cast %parallel_loop3A_1050 : i32 to index
        %parallel_loop3A_1107 = arith.index_cast %parallel_loop3A_1064 : i32 to index
        %parallel_loop3A_1108 = tpu.vector_load %arg9[%parallel_loop3A_1105, %parallel_loop3A_1106, %parallel_loop3A_1107] {strides = array<i32>} : memref<2x8x1024xf32, #tpu.memory_space<vmem>>, vector<1x1x16xf32>,
        %parallel_loop3A_1109 = vector.shape_cast %parallel_loop3A_1108 : vector<1x1x16xf32> to vector<16xf32>
        %parallel_loop3A_1110 = arith.select %parallel_loop3A_1080, %parallel_loop3A_1103, %parallel_loop3A_1109 : vector<16xi1>, vector<16xf32>
        %parallel_loop3A_1111 = arith.constant 1 : i32
        %parallel_loop3A_1112 = arith.index_cast %parallel_loop3A_1111 : i32 to index
        %parallel_loop3A_1113 = arith.index_cast %parallel_loop3A_1050 : i32 to index
        %parallel_loop3A_1114 = arith.index_cast %parallel_loop3A_1064 : i32 to index
        %parallel_loop3A_1115 = tpu.vector_load %arg14[%parallel_loop3A_1112, %parallel_loop3A_1113, %parallel_loop3A_1114] {strides = array<i32>} : memref<2x8x1024xf32, #tpu.memory_space<vmem>>, vector<1x1x16xf32>,
        %parallel_loop3A_1116 = vector.shape_cast %parallel_loop3A_1115 : vector<1x1x16xf32> to vector<16xf32>
        %parallel_loop3A_1117 = vector.shape_cast %parallel_loop3A_1110 : vector<16xf32> to vector<1x1x16xf32>
        tpu.vector_store %arg14[%parallel_loop3A_1112, %parallel_loop3A_1113, %parallel_loop3A_1114], %parallel_loop3A_1117 {strides = array<i32>} : memref<2x8x1024xf32, #tpu.memory_space<vmem>>, vector<1x1x16xf32>,
        %parallel_loop3A_1118 = arith.constant 16 : i32
        %parallel_loop3A_1119 = arith.muli %parallel_loop3A_1052, %parallel_loop3A_1118 : i32
        %parallel_loop3A_1120 = arith.constant 256 : i32
        %parallel_loop3A_1121 = arith.addi %parallel_loop3A_1120, %parallel_loop3A_1119 : i32
        %parallel_loop3A_1122 = arith.constant 256 : i32
        %parallel_loop3A_1123 = vector.broadcast %parallel_loop3A_1122 : i32 to vector<16xi32>
        %parallel_loop3A_1124 = arith.andi %parallel_loop3A_1060, %parallel_loop3A_1123 : vector<16xi32>
        %parallel_loop3A_1125 = arith.constant 1 : i32
        %parallel_loop3A_1126 = arith.index_cast %parallel_loop3A_1125 : i32 to index
        %parallel_loop3A_1127 = arith.index_cast %parallel_loop3A_1050 : i32 to index
        %parallel_loop3A_1128 = arith.index_cast %parallel_loop3A_1121 : i32 to index
        %parallel_loop3A_1129 = tpu.vector_load %arg13[%parallel_loop3A_1126, %parallel_loop3A_1127, %parallel_loop3A_1128] {strides = array<i32>} : memref<2x8x1024xf32, #tpu.memory_space<vmem>>, vector<1x1x16xf32>,
        %parallel_loop3A_1130 = vector.shape_cast %parallel_loop3A_1129 : vector<1x1x16xf32> to vector<16xf32>
        %parallel_loop3A_1131 = arith.constant 0 : i32
        %parallel_loop3A_1132 = vector.broadcast %parallel_loop3A_1131 : i32 to vector<16xi32>
        %parallel_loop3A_1133 = arith.cmpi ne, %parallel_loop3A_1124, %parallel_loop3A_1132 : vector<16xi32>
        %parallel_loop3A_1134 = arith.constant 5.000000e-01 : f32
        %parallel_loop3A_1135 = vector.broadcast %parallel_loop3A_1134 : f32 to vector<16xf32>
        %parallel_loop3A_1136 = arith.cmpf olt, %parallel_loop3A_1130, %parallel_loop3A_1135 : vector<16xf32>
        %parallel_loop3A_1137 = arith.andi %parallel_loop3A_1133, %parallel_loop3A_1136 : vector<16xi1>
        %parallel_loop3A_1138 = arith.constant 1 : i32
        %parallel_loop3A_1139 = arith.index_cast %parallel_loop3A_1138 : i32 to index
        %parallel_loop3A_1140 = arith.index_cast %parallel_loop3A_1050 : i32 to index
        %parallel_loop3A_1141 = arith.index_cast %parallel_loop3A_1121 : i32 to index
        %parallel_loop3A_1142 = tpu.vector_load %arg11[%parallel_loop3A_1139, %parallel_loop3A_1140, %parallel_loop3A_1141] {strides = array<i32>} : memref<2x8x1024xi32, #tpu.memory_space<vmem>>, vector<1x1x16xi32>,
        %parallel_loop3A_1143 = vector.shape_cast %parallel_loop3A_1142 : vector<1x1x16xi32> to vector<16xi32>
        %parallel_loop3A_1144 = arith.constant 0 : i32
        %parallel_loop3A_1145 = vector.broadcast %parallel_loop3A_1144 : i32 to vector<16xi32>
        %parallel_loop3A_1146 = arith.cmpi slt, %parallel_loop3A_1143, %parallel_loop3A_1145 : vector<16xi32>
        %parallel_loop3A_1147 = arith.constant 16 : i32
        %parallel_loop3A_1148 = vector.broadcast %parallel_loop3A_1147 : i32 to vector<16xi32>
        %parallel_loop3A_1149 = arith.addi %parallel_loop3A_1143, %parallel_loop3A_1148 : vector<16xi32>
        %parallel_loop3A_1150 = arith.select %parallel_loop3A_1146, %parallel_loop3A_1149, %parallel_loop3A_1143 : vector<16xi1>, vector<16xi32>
        %parallel_loop3A_1151 = vector.shape_cast %parallel_loop3A_1150 : vector<16xi32> to vector<16x1xi32>
        %parallel_loop3A_1152 = vector.shape_cast %parallel_loop3A_1151 : vector<16x1xi32> to vector<16xi32>
        %parallel_loop3A_1153 = tpu.dynamic_gather %get3A_958[%parallel_loop3A_1152] in [0] : vector<16xf32>, vector<16xi32> -> vector<16xf32>
        %parallel_loop3A_1154 = arith.constant 1 : i32
        %parallel_loop3A_1155 = arith.index_cast %parallel_loop3A_1154 : i32 to index
        %parallel_loop3A_1156 = arith.index_cast %parallel_loop3A_1050 : i32 to index
        %parallel_loop3A_1157 = arith.index_cast %parallel_loop3A_1121 : i32 to index
        %parallel_loop3A_1158 = tpu.vector_load %arg10[%parallel_loop3A_1155, %parallel_loop3A_1156, %parallel_loop3A_1157] {strides = array<i32>} : memref<2x8x1024xf32, #tpu.memory_space<vmem>>, vector<1x1x16xf32>,
        %parallel_loop3A_1159 = vector.shape_cast %parallel_loop3A_1158 : vector<1x1x16xf32> to vector<16xf32>
        %parallel_loop3A_1160 = arith.addf %parallel_loop3A_1159, %parallel_loop3A_1153 : vector<16xf32>
        %parallel_loop3A_1161 = arith.constant 1 : i32
        %parallel_loop3A_1162 = arith.index_cast %parallel_loop3A_1161 : i32 to index
        %parallel_loop3A_1163 = arith.index_cast %parallel_loop3A_1050 : i32 to index
        %parallel_loop3A_1164 = arith.index_cast %parallel_loop3A_1121 : i32 to index
        %parallel_loop3A_1165 = tpu.vector_load %arg9[%parallel_loop3A_1162, %parallel_loop3A_1163, %parallel_loop3A_1164] {strides = array<i32>} : memref<2x8x1024xf32, #tpu.memory_space<vmem>>, vector<1x1x16xf32>,
        %parallel_loop3A_1166 = vector.shape_cast %parallel_loop3A_1165 : vector<1x1x16xf32> to vector<16xf32>
        %parallel_loop3A_1167 = arith.select %parallel_loop3A_1137, %parallel_loop3A_1160, %parallel_loop3A_1166 : vector<16xi1>, vector<16xf32>
        %parallel_loop3A_1168 = arith.constant 1 : i32
        %parallel_loop3A_1169 = arith.index_cast %parallel_loop3A_1168 : i32 to index
        %parallel_loop3A_1170 = arith.index_cast %parallel_loop3A_1050 : i32 to index
        %parallel_loop3A_1171 = arith.index_cast %parallel_loop3A_1121 : i32 to index
        %parallel_loop3A_1172 = tpu.vector_load %arg14[%parallel_loop3A_1169, %parallel_loop3A_1170, %parallel_loop3A_1171] {strides = array<i32>} : memref<2x8x1024xf32, #tpu.memory_space<vmem>>, vector<1x1x16xf32>,
        %parallel_loop3A_1173 = vector.shape_cast %parallel_loop3A_1172 : vector<1x1x16xf32> to vector<16xf32>
        %parallel_loop3A_1174 = vector.shape_cast %parallel_loop3A_1167 : vector<16xf32> to vector<1x1x16xf32>
        tpu.vector_store %arg14[%parallel_loop3A_1169, %parallel_loop3A_1170, %parallel_loop3A_1171], %parallel_loop3A_1174 {strides = array<i32>} : memref<2x8x1024xf32, #tpu.memory_space<vmem>>, vector<1x1x16xf32>,
        %parallel_loop3A_1175 = arith.constant 16 : i32
        %parallel_loop3A_1176 = arith.muli %parallel_loop3A_1052, %parallel_loop3A_1175 : i32
        %parallel_loop3A_1177 = arith.constant 512 : i32
        %parallel_loop3A_1178 = arith.addi %parallel_loop3A_1177, %parallel_loop3A_1176 : i32
        %parallel_loop3A_1179 = arith.constant 65536 : i32
        %parallel_loop3A_1180 = vector.broadcast %parallel_loop3A_1179 : i32 to vector<16xi32>
        %parallel_loop3A_1181 = arith.andi %parallel_loop3A_1060, %parallel_loop3A_1180 : vector<16xi32>
        %parallel_loop3A_1182 = arith.constant 1 : i32
        %parallel_loop3A_1183 = arith.index_cast %parallel_loop3A_1182 : i32 to index
        %parallel_loop3A_1184 = arith.index_cast %parallel_loop3A_1050 : i32 to index
        %parallel_loop3A_1185 = arith.index_cast %parallel_loop3A_1178 : i32 to index
        %parallel_loop3A_1186 = tpu.vector_load %arg13[%parallel_loop3A_1183, %parallel_loop3A_1184, %parallel_loop3A_1185] {strides = array<i32>} : memref<2x8x1024xf32, #tpu.memory_space<vmem>>, vector<1x1x16xf32>,
        %parallel_loop3A_1187 = vector.shape_cast %parallel_loop3A_1186 : vector<1x1x16xf32> to vector<16xf32>
        %parallel_loop3A_1188 = arith.constant 0 : i32
        %parallel_loop3A_1189 = vector.broadcast %parallel_loop3A_1188 : i32 to vector<16xi32>
        %parallel_loop3A_1190 = arith.cmpi ne, %parallel_loop3A_1181, %parallel_loop3A_1189 : vector<16xi32>
        %parallel_loop3A_1191 = arith.constant 5.000000e-01 : f32
        %parallel_loop3A_1192 = vector.broadcast %parallel_loop3A_1191 : f32 to vector<16xf32>
        %parallel_loop3A_1193 = arith.cmpf olt, %parallel_loop3A_1187, %parallel_loop3A_1192 : vector<16xf32>
        %parallel_loop3A_1194 = arith.andi %parallel_loop3A_1190, %parallel_loop3A_1193 : vector<16xi1>
        %parallel_loop3A_1195 = arith.constant 1 : i32
        %parallel_loop3A_1196 = arith.index_cast %parallel_loop3A_1195 : i32 to index
        %parallel_loop3A_1197 = arith.index_cast %parallel_loop3A_1050 : i32 to index
        %parallel_loop3A_1198 = arith.index_cast %parallel_loop3A_1178 : i32 to index
        %parallel_loop3A_1199 = tpu.vector_load %arg11[%parallel_loop3A_1196, %parallel_loop3A_1197, %parallel_loop3A_1198] {strides = array<i32>} : memref<2x8x1024xi32, #tpu.memory_space<vmem>>, vector<1x1x16xi32>,
        %parallel_loop3A_1200 = vector.shape_cast %parallel_loop3A_1199 : vector<1x1x16xi32> to vector<16xi32>
        %parallel_loop3A_1201 = arith.constant 0 : i32
        %parallel_loop3A_1202 = vector.broadcast %parallel_loop3A_1201 : i32 to vector<16xi32>
        %parallel_loop3A_1203 = arith.cmpi slt, %parallel_loop3A_1200, %parallel_loop3A_1202 : vector<16xi32>
        %parallel_loop3A_1204 = arith.constant 16 : i32
        %parallel_loop3A_1205 = vector.broadcast %parallel_loop3A_1204 : i32 to vector<16xi32>
        %parallel_loop3A_1206 = arith.addi %parallel_loop3A_1200, %parallel_loop3A_1205 : vector<16xi32>
        %parallel_loop3A_1207 = arith.select %parallel_loop3A_1203, %parallel_loop3A_1206, %parallel_loop3A_1200 : vector<16xi1>, vector<16xi32>
        %parallel_loop3A_1208 = vector.shape_cast %parallel_loop3A_1207 : vector<16xi32> to vector<16x1xi32>
        %parallel_loop3A_1209 = vector.shape_cast %parallel_loop3A_1208 : vector<16x1xi32> to vector<16xi32>
        %parallel_loop3A_1210 = tpu.dynamic_gather %get3A_958[%parallel_loop3A_1209] in [0] : vector<16xf32>, vector<16xi32> -> vector<16xf32>
        %parallel_loop3A_1211 = arith.constant 1 : i32
        %parallel_loop3A_1212 = arith.index_cast %parallel_loop3A_1211 : i32 to index
        %parallel_loop3A_1213 = arith.index_cast %parallel_loop3A_1050 : i32 to index
        %parallel_loop3A_1214 = arith.index_cast %parallel_loop3A_1178 : i32 to index
        %parallel_loop3A_1215 = tpu.vector_load %arg10[%parallel_loop3A_1212, %parallel_loop3A_1213, %parallel_loop3A_1214] {strides = array<i32>} : memref<2x8x1024xf32, #tpu.memory_space<vmem>>, vector<1x1x16xf32>,
        %parallel_loop3A_1216 = vector.shape_cast %parallel_loop3A_1215 : vector<1x1x16xf32> to vector<16xf32>
        %parallel_loop3A_1217 = arith.addf %parallel_loop3A_1216, %parallel_loop3A_1210 : vector<16xf32>
        %parallel_loop3A_1218 = arith.constant 1 : i32
        %parallel_loop3A_1219 = arith.index_cast %parallel_loop3A_1218 : i32 to index
        %parallel_loop3A_1220 = arith.index_cast %parallel_loop3A_1050 : i32 to index
        %parallel_loop3A_1221 = arith.index_cast %parallel_loop3A_1178 : i32 to index
        %parallel_loop3A_1222 = tpu.vector_load %arg9[%parallel_loop3A_1219, %parallel_loop3A_1220, %parallel_loop3A_1221] {strides = array<i32>} : memref<2x8x1024xf32, #tpu.memory_space<vmem>>, vector<1x1x16xf32>,
        %parallel_loop3A_1223 = vector.shape_cast %parallel_loop3A_1222 : vector<1x1x16xf32> to vector<16xf32>
        %parallel_loop3A_1224 = arith.select %parallel_loop3A_1194, %parallel_loop3A_1217, %parallel_loop3A_1223 : vector<16xi1>, vector<16xf32>
        %parallel_loop3A_1225 = arith.constant 1 : i32
        %parallel_loop3A_1226 = arith.index_cast %parallel_loop3A_1225 : i32 to index
        %parallel_loop3A_1227 = arith.index_cast %parallel_loop3A_1050 : i32 to index
        %parallel_loop3A_1228 = arith.index_cast %parallel_loop3A_1178 : i32 to index
        %parallel_loop3A_1229 = tpu.vector_load %arg14[%parallel_loop3A_1226, %parallel_loop3A_1227, %parallel_loop3A_1228] {strides = array<i32>} : memref<2x8x1024xf32, #tpu.memory_space<vmem>>, vector<1x1x16xf32>,
        %parallel_loop3A_1230 = vector.shape_cast %parallel_loop3A_1229 : vector<1x1x16xf32> to vector<16xf32>
        %parallel_loop3A_1231 = vector.shape_cast %parallel_loop3A_1224 : vector<16xf32> to vector<1x1x16xf32>
        tpu.vector_store %arg14[%parallel_loop3A_1226, %parallel_loop3A_1227, %parallel_loop3A_1228], %parallel_loop3A_1231 {strides = array<i32>} : memref<2x8x1024xf32, #tpu.memory_space<vmem>>, vector<1x1x16xf32>,
        %parallel_loop3A_1232 = arith.constant 16 : i32
        %parallel_loop3A_1233 = arith.muli %parallel_loop3A_1052, %parallel_loop3A_1232 : i32
        %parallel_loop3A_1234 = arith.constant 768 : i32
        %parallel_loop3A_1235 = arith.addi %parallel_loop3A_1234, %parallel_loop3A_1233 : i32
        %parallel_loop3A_1236 = arith.constant 16777216 : i32
        %parallel_loop3A_1237 = vector.broadcast %parallel_loop3A_1236 : i32 to vector<16xi32>
        %parallel_loop3A_1238 = arith.andi %parallel_loop3A_1060, %parallel_loop3A_1237 : vector<16xi32>
        %parallel_loop3A_1239 = arith.constant 1 : i32
        %parallel_loop3A_1240 = arith.index_cast %parallel_loop3A_1239 : i32 to index
        %parallel_loop3A_1241 = arith.index_cast %parallel_loop3A_1050 : i32 to index
        %parallel_loop3A_1242 = arith.index_cast %parallel_loop3A_1235 : i32 to index
        %parallel_loop3A_1243 = tpu.vector_load %arg13[%parallel_loop3A_1240, %parallel_loop3A_1241, %parallel_loop3A_1242] {strides = array<i32>} : memref<2x8x1024xf32, #tpu.memory_space<vmem>>, vector<1x1x16xf32>,
        %parallel_loop3A_1244 = vector.shape_cast %parallel_loop3A_1243 : vector<1x1x16xf32> to vector<16xf32>
        %parallel_loop3A_1245 = arith.constant 0 : i32
        %parallel_loop3A_1246 = vector.broadcast %parallel_loop3A_1245 : i32 to vector<16xi32>
        %parallel_loop3A_1247 = arith.cmpi ne, %parallel_loop3A_1238, %parallel_loop3A_1246 : vector<16xi32>
        %parallel_loop3A_1248 = arith.constant 5.000000e-01 : f32
        %parallel_loop3A_1249 = vector.broadcast %parallel_loop3A_1248 : f32 to vector<16xf32>
        %parallel_loop3A_1250 = arith.cmpf olt, %parallel_loop3A_1244, %parallel_loop3A_1249 : vector<16xf32>
        %parallel_loop3A_1251 = arith.andi %parallel_loop3A_1247, %parallel_loop3A_1250 : vector<16xi1>
        %parallel_loop3A_1252 = arith.constant 1 : i32
        %parallel_loop3A_1253 = arith.index_cast %parallel_loop3A_1252 : i32 to index
        %parallel_loop3A_1254 = arith.index_cast %parallel_loop3A_1050 : i32 to index
        %parallel_loop3A_1255 = arith.index_cast %parallel_loop3A_1235 : i32 to index
        %parallel_loop3A_1256 = tpu.vector_load %arg11[%parallel_loop3A_1253, %parallel_loop3A_1254, %parallel_loop3A_1255] {strides = array<i32>} : memref<2x8x1024xi32, #tpu.memory_space<vmem>>, vector<1x1x16xi32>,
        %parallel_loop3A_1257 = vector.shape_cast %parallel_loop3A_1256 : vector<1x1x16xi32> to vector<16xi32>
        %parallel_loop3A_1258 = arith.constant 0 : i32
        %parallel_loop3A_1259 = vector.broadcast %parallel_loop3A_1258 : i32 to vector<16xi32>
        %parallel_loop3A_1260 = arith.cmpi slt, %parallel_loop3A_1257, %parallel_loop3A_1259 : vector<16xi32>
        %parallel_loop3A_1261 = arith.constant 16 : i32
        %parallel_loop3A_1262 = vector.broadcast %parallel_loop3A_1261 : i32 to vector<16xi32>
        %parallel_loop3A_1263 = arith.addi %parallel_loop3A_1257, %parallel_loop3A_1262 : vector<16xi32>
        %parallel_loop3A_1264 = arith.select %parallel_loop3A_1260, %parallel_loop3A_1263, %parallel_loop3A_1257 : vector<16xi1>, vector<16xi32>
        %parallel_loop3A_1265 = vector.shape_cast %parallel_loop3A_1264 : vector<16xi32> to vector<16x1xi32>
        %parallel_loop3A_1266 = vector.shape_cast %parallel_loop3A_1265 : vector<16x1xi32> to vector<16xi32>
        %parallel_loop3A_1267 = tpu.dynamic_gather %get3A_958[%parallel_loop3A_1266] in [0] : vector<16xf32>, vector<16xi32> -> vector<16xf32>
        %parallel_loop3A_1268 = arith.constant 1 : i32
        %parallel_loop3A_1269 = arith.index_cast %parallel_loop3A_1268 : i32 to index
        %parallel_loop3A_1270 = arith.index_cast %parallel_loop3A_1050 : i32 to index
        %parallel_loop3A_1271 = arith.index_cast %parallel_loop3A_1235 : i32 to index
        %parallel_loop3A_1272 = tpu.vector_load %arg10[%parallel_loop3A_1269, %parallel_loop3A_1270, %parallel_loop3A_1271] {strides = array<i32>} : memref<2x8x1024xf32, #tpu.memory_space<vmem>>, vector<1x1x16xf32>,
        %parallel_loop3A_1273 = vector.shape_cast %parallel_loop3A_1272 : vector<1x1x16xf32> to vector<16xf32>
        %parallel_loop3A_1274 = arith.addf %parallel_loop3A_1273, %parallel_loop3A_1267 : vector<16xf32>
        %parallel_loop3A_1275 = arith.constant 1 : i32
        %parallel_loop3A_1276 = arith.index_cast %parallel_loop3A_1275 : i32 to index
        %parallel_loop3A_1277 = arith.index_cast %parallel_loop3A_1050 : i32 to index
        %parallel_loop3A_1278 = arith.index_cast %parallel_loop3A_1235 : i32 to index
        %parallel_loop3A_1279 = tpu.vector_load %arg9[%parallel_loop3A_1276, %parallel_loop3A_1277, %parallel_loop3A_1278] {strides = array<i32>} : memref<2x8x1024xf32, #tpu.memory_space<vmem>>, vector<1x1x16xf32>,
        %parallel_loop3A_1280 = vector.shape_cast %parallel_loop3A_1279 : vector<1x1x16xf32> to vector<16xf32>
        %parallel_loop3A_1281 = arith.select %parallel_loop3A_1251, %parallel_loop3A_1274, %parallel_loop3A_1280 : vector<16xi1>, vector<16xf32>
        %parallel_loop3A_1282 = arith.constant 1 : i32
        %parallel_loop3A_1283 = arith.index_cast %parallel_loop3A_1282 : i32 to index
        %parallel_loop3A_1284 = arith.index_cast %parallel_loop3A_1050 : i32 to index
        %parallel_loop3A_1285 = arith.index_cast %parallel_loop3A_1235 : i32 to index
        %parallel_loop3A_1286 = tpu.vector_load %arg14[%parallel_loop3A_1283, %parallel_loop3A_1284, %parallel_loop3A_1285] {strides = array<i32>} : memref<2x8x1024xf32, #tpu.memory_space<vmem>>, vector<1x1x16xf32>,
        %parallel_loop3A_1287 = vector.shape_cast %parallel_loop3A_1286 : vector<1x1x16xf32> to vector<16xf32>
        %parallel_loop3A_1288 = vector.shape_cast %parallel_loop3A_1281 : vector<16xf32> to vector<1x1x16xf32>
        tpu.vector_store %arg14[%parallel_loop3A_1283, %parallel_loop3A_1284, %parallel_loop3A_1285], %parallel_loop3A_1288 {strides = array<i32>} : memref<2x8x1024xf32, #tpu.memory_space<vmem>>, vector<1x1x16xf32>,
      } {sc.loop_unroll_factor = 2 : i64, sc.parallel_access}
      %mul3A_962 = arith.constant 8 : i32
      %mul3A_963 = arith.muli %add3A_869, %mul3A_962 : i32
      %add3A_964 = arith.addi %mul3A_2, %mul3A_963 : i32
      %dma_start3A_965 = arith.constant 1 : i32
      %dma_start3A_966 = arith.constant 0 : i32
      %dma_start3A_967 = arith.constant 0 : i32
      %dma_start3A_968 = tpu.memref_slice %arg14[%dma_start3A_965, %dma_start3A_966, %dma_start3A_967] : memref<2x8x1024xf32, #tpu.memory_space<vmem>> -> memref<1x8x1024xf32, #tpu.memory_space<vmem>>
      %dma_start3A_969 = tpu.memref_squeeze %dma_start3A_968 : memref<1x8x1024xf32, #tpu.memory_space<vmem>> -> memref<8x1024xf32, #tpu.memory_space<vmem>>
      %dma_start3A_970 = arith.constant 0 : i32
      %dma_start3A_971 = tpu.memref_slice %arg8[%add3A_964, %dma_start3A_970] : memref<16384x1024xf32, #tpu.memory_space<hbm>> -> memref<8x1024xf32, #tpu.memory_space<hbm>>
      %dma_start3A_972 = arith.constant 0 : i32
      %dma_start3A_973 = tpu.memref_slice %arg8[%add3A_964, %dma_start3A_972] : memref<16384x1024xf32, #tpu.memory_space<hbm>> -> memref<8x1024xf32, #tpu.memory_space<hbm>>
      %dma_start3A_974 = arith.constant 0 : i32
      %dma_start3A_975 = arith.constant 0 : i32
      %dma_start3A_976 = tpu.memref_slice %arg14[%dma_start3A_965, %dma_start3A_974, %dma_start3A_975] : memref<2x8x1024xf32, #tpu.memory_space<vmem>> -> memref<1x8x1024xf32, #tpu.memory_space<vmem>>
      %dma_start3A_977 = tpu.memref_squeeze %dma_start3A_976 : memref<1x8x1024xf32, #tpu.memory_space<vmem>> -> memref<8x1024xf32, #tpu.memory_space<vmem>>
      tpu.enqueue_dma source(%dma_start3A_977 : memref<8x1024xf32, #tpu.memory_space<vmem>>) target(%dma_start3A_973 : memref<8x1024xf32, #tpu.memory_space<hbm>>) target_semaphore(%arg19 : memref<!tpu.dma_semaphore, #tpu.memory_space<semaphore_mem>>)
      %add3A_978 = arith.constant 2 : i32
      %add3A_979 = arith.addi %add3A_869, %add3A_978 : i32
      %mul3A_980 = arith.constant 8 : i32
      %mul3A_981 = arith.muli %add3A_979, %mul3A_980 : i32
      %add3A_982 = arith.addi %mul3A_2, %mul3A_981 : i32
      %dma_start3A_983 = arith.constant 1 : i32
      %dma_start3A_984 = arith.constant 0 : i32
      %dma_start3A_985 = arith.constant 0 : i32
      %dma_start3A_986 = tpu.memref_slice %arg9[%dma_start3A_983, %dma_start3A_984, %dma_start3A_985] : memref<2x8x1024xf32, #tpu.memory_space<vmem>> -> memref<1x8x1024xf32, #tpu.memory_space<vmem>>
      %dma_start3A_987 = tpu.memref_squeeze %dma_start3A_986 : memref<1x8x1024xf32, #tpu.memory_space<vmem>> -> memref<8x1024xf32, #tpu.memory_space<vmem>>
      %dma_start3A_988 = arith.constant 0 : i32
      %dma_start3A_989 = tpu.memref_slice %arg2[%add3A_982, %dma_start3A_988] : memref<16384x1024xf32, #tpu.memory_space<hbm>> -> memref<8x1024xf32, #tpu.memory_space<hbm>>
      %dma_start3A_990 = arith.constant 0 : i32
      %dma_start3A_991 = arith.constant 0 : i32
      %dma_start3A_992 = tpu.memref_slice %arg9[%dma_start3A_983, %dma_start3A_990, %dma_start3A_991] : memref<2x8x1024xf32, #tpu.memory_space<vmem>> -> memref<1x8x1024xf32, #tpu.memory_space<vmem>>
      %dma_start3A_993 = tpu.memref_squeeze %dma_start3A_992 : memref<1x8x1024xf32, #tpu.memory_space<vmem>> -> memref<8x1024xf32, #tpu.memory_space<vmem>>
      %dma_start3A_994 = arith.constant 0 : i32
      %dma_start3A_995 = tpu.memref_slice %arg2[%add3A_982, %dma_start3A_994] : memref<16384x1024xf32, #tpu.memory_space<hbm>> -> memref<8x1024xf32, #tpu.memory_space<hbm>>
      tpu.enqueue_dma source(%dma_start3A_995 : memref<8x1024xf32, #tpu.memory_space<hbm>>) target(%dma_start3A_993 : memref<8x1024xf32, #tpu.memory_space<vmem>>) target_semaphore(%arg17 : memref<!tpu.dma_semaphore, #tpu.memory_space<semaphore_mem>>)
      %dma_start3A_996 = arith.constant 1 : i32
      %dma_start3A_997 = arith.constant 0 : i32
      %dma_start3A_998 = arith.constant 0 : i32
      %dma_start3A_999 = tpu.memref_slice %arg10[%dma_start3A_996, %dma_start3A_997, %dma_start3A_998] : memref<2x8x1024xf32, #tpu.memory_space<vmem>> -> memref<1x8x1024xf32, #tpu.memory_space<vmem>>
      %dma_start3A_1000 = tpu.memref_squeeze %dma_start3A_999 : memref<1x8x1024xf32, #tpu.memory_space<vmem>> -> memref<8x1024xf32, #tpu.memory_space<vmem>>
      %dma_start3A_1001 = arith.constant 0 : i32
      %dma_start3A_1002 = tpu.memref_slice %arg3[%add3A_982, %dma_start3A_1001] : memref<16384x1024xf32, #tpu.memory_space<hbm>> -> memref<8x1024xf32, #tpu.memory_space<hbm>>
      %dma_start3A_1003 = arith.constant 0 : i32
      %dma_start3A_1004 = arith.constant 0 : i32
      %dma_start3A_1005 = tpu.memref_slice %arg10[%dma_start3A_996, %dma_start3A_1003, %dma_start3A_1004] : memref<2x8x1024xf32, #tpu.memory_space<vmem>> -> memref<1x8x1024xf32, #tpu.memory_space<vmem>>
      %dma_start3A_1006 = tpu.memref_squeeze %dma_start3A_1005 : memref<1x8x1024xf32, #tpu.memory_space<vmem>> -> memref<8x1024xf32, #tpu.memory_space<vmem>>
      %dma_start3A_1007 = arith.constant 0 : i32
      %dma_start3A_1008 = tpu.memref_slice %arg3[%add3A_982, %dma_start3A_1007] : memref<16384x1024xf32, #tpu.memory_space<hbm>> -> memref<8x1024xf32, #tpu.memory_space<hbm>>
      tpu.enqueue_dma source(%dma_start3A_1008 : memref<8x1024xf32, #tpu.memory_space<hbm>>) target(%dma_start3A_1006 : memref<8x1024xf32, #tpu.memory_space<vmem>>) target_semaphore(%arg17 : memref<!tpu.dma_semaphore, #tpu.memory_space<semaphore_mem>>)
      %dma_start3A_1009 = arith.constant 1 : i32
      %dma_start3A_1010 = arith.constant 0 : i32
      %dma_start3A_1011 = arith.constant 0 : i32
      %dma_start3A_1012 = tpu.memref_slice %arg11[%dma_start3A_1009, %dma_start3A_1010, %dma_start3A_1011] : memref<2x8x1024xi32, #tpu.memory_space<vmem>> -> memref<1x8x1024xi32, #tpu.memory_space<vmem>>
      %dma_start3A_1013 = tpu.memref_squeeze %dma_start3A_1012 : memref<1x8x1024xi32, #tpu.memory_space<vmem>> -> memref<8x1024xi32, #tpu.memory_space<vmem>>
      %dma_start3A_1014 = arith.constant 0 : i32
      %dma_start3A_1015 = tpu.memref_slice %arg4[%add3A_982, %dma_start3A_1014] : memref<16384x1024xi32, #tpu.memory_space<hbm>> -> memref<8x1024xi32, #tpu.memory_space<hbm>>
      %dma_start3A_1016 = arith.constant 0 : i32
      %dma_start3A_1017 = arith.constant 0 : i32
      %dma_start3A_1018 = tpu.memref_slice %arg11[%dma_start3A_1009, %dma_start3A_1016, %dma_start3A_1017] : memref<2x8x1024xi32, #tpu.memory_space<vmem>> -> memref<1x8x1024xi32, #tpu.memory_space<vmem>>
      %dma_start3A_1019 = tpu.memref_squeeze %dma_start3A_1018 : memref<1x8x1024xi32, #tpu.memory_space<vmem>> -> memref<8x1024xi32, #tpu.memory_space<vmem>>
      %dma_start3A_1020 = arith.constant 0 : i32
      %dma_start3A_1021 = tpu.memref_slice %arg4[%add3A_982, %dma_start3A_1020] : memref<16384x1024xi32, #tpu.memory_space<hbm>> -> memref<8x1024xi32, #tpu.memory_space<hbm>>
      tpu.enqueue_dma source(%dma_start3A_1021 : memref<8x1024xi32, #tpu.memory_space<hbm>>) target(%dma_start3A_1019 : memref<8x1024xi32, #tpu.memory_space<vmem>>) target_semaphore(%arg17 : memref<!tpu.dma_semaphore, #tpu.memory_space<semaphore_mem>>)
      %dma_start3A_1022 = arith.constant 1 : i32
      %dma_start3A_1023 = arith.constant 0 : i32
      %dma_start3A_1024 = arith.constant 0 : i32
      %dma_start3A_1025 = tpu.memref_slice %arg13[%dma_start3A_1022, %dma_start3A_1023, %dma_start3A_1024] : memref<2x8x1024xf32, #tpu.memory_space<vmem>> -> memref<1x8x1024xf32, #tpu.memory_space<vmem>>
      %dma_start3A_1026 = tpu.memref_squeeze %dma_start3A_1025 : memref<1x8x1024xf32, #tpu.memory_space<vmem>> -> memref<8x1024xf32, #tpu.memory_space<vmem>>
      %dma_start3A_1027 = arith.constant 0 : i32
      %dma_start3A_1028 = tpu.memref_slice %arg6[%add3A_982, %dma_start3A_1027] : memref<16384x1024xf32, #tpu.memory_space<hbm>> -> memref<8x1024xf32, #tpu.memory_space<hbm>>
      %dma_start3A_1029 = arith.constant 0 : i32
      %dma_start3A_1030 = arith.constant 0 : i32
      %dma_start3A_1031 = tpu.memref_slice %arg13[%dma_start3A_1022, %dma_start3A_1029, %dma_start3A_1030] : memref<2x8x1024xf32, #tpu.memory_space<vmem>> -> memref<1x8x1024xf32, #tpu.memory_space<vmem>>
      %dma_start3A_1032 = tpu.memref_squeeze %dma_start3A_1031 : memref<1x8x1024xf32, #tpu.memory_space<vmem>> -> memref<8x1024xf32, #tpu.memory_space<vmem>>
      %dma_start3A_1033 = arith.constant 0 : i32
      %dma_start3A_1034 = tpu.memref_slice %arg6[%add3A_982, %dma_start3A_1033] : memref<16384x1024xf32, #tpu.memory_space<hbm>> -> memref<8x1024xf32, #tpu.memory_space<hbm>>
      tpu.enqueue_dma source(%dma_start3A_1034 : memref<8x1024xf32, #tpu.memory_space<hbm>>) target(%dma_start3A_1032 : memref<8x1024xf32, #tpu.memory_space<vmem>>) target_semaphore(%arg17 : memref<!tpu.dma_semaphore, #tpu.memory_space<semaphore_mem>>)
      %dma_start3A_1035 = arith.constant 1 : i32
      %dma_start3A_1036 = arith.constant 0 : i32
      %dma_start3A_1037 = arith.constant 0 : i32
      %dma_start3A_1038 = tpu.memref_slice %arg12[%dma_start3A_1035, %dma_start3A_1036, %dma_start3A_1037] : memref<2x8x256xi32, #tpu.memory_space<vmem>> -> memref<1x8x256xi32, #tpu.memory_space<vmem>>
      %dma_start3A_1039 = tpu.memref_squeeze %dma_start3A_1038 : memref<1x8x256xi32, #tpu.memory_space<vmem>> -> memref<8x256xi32, #tpu.memory_space<vmem>>
      %dma_start3A_1040 = arith.constant 0 : i32
      %dma_start3A_1041 = tpu.memref_slice %arg5[%add3A_982, %dma_start3A_1040] : memref<16384x256xi32, #tpu.memory_space<hbm>> -> memref<8x256xi32, #tpu.memory_space<hbm>>
      %dma_start3A_1042 = arith.constant 0 : i32
      %dma_start3A_1043 = arith.constant 0 : i32
      %dma_start3A_1044 = tpu.memref_slice %arg12[%dma_start3A_1035, %dma_start3A_1042, %dma_start3A_1043] : memref<2x8x256xi32, #tpu.memory_space<vmem>> -> memref<1x8x256xi32, #tpu.memory_space<vmem>>
      %dma_start3A_1045 = tpu.memref_squeeze %dma_start3A_1044 : memref<1x8x256xi32, #tpu.memory_space<vmem>> -> memref<8x256xi32, #tpu.memory_space<vmem>>
      %dma_start3A_1046 = arith.constant 0 : i32
      %dma_start3A_1047 = tpu.memref_slice %arg5[%add3A_982, %dma_start3A_1046] : memref<16384x256xi32, #tpu.memory_space<hbm>> -> memref<8x256xi32, #tpu.memory_space<hbm>>
      tpu.enqueue_dma source(%dma_start3A_1047 : memref<8x256xi32, #tpu.memory_space<hbm>>) target(%dma_start3A_1045 : memref<8x256xi32, #tpu.memory_space<vmem>>) target_semaphore(%arg17 : memref<!tpu.dma_semaphore, #tpu.memory_space<semaphore_mem>>)
    }
    %scan3A_447 = arith.constant 30 : i32
    %add3A_448 = arith.constant 480 : i32
    %add3A_449 = arith.addi %mul3A_2, %add3A_448 : i32
    %dma_wait3A_450 = arith.constant 0 : i32
    %dma_wait3A_451 = arith.constant 0 : i32
    %dma_wait3A_452 = arith.constant 0 : i32
    %dma_wait3A_453 = tpu.memref_slice %arg14[%dma_wait3A_450, %dma_wait3A_451, %dma_wait3A_452] : memref<2x8x1024xf32, #tpu.memory_space<vmem>> -> memref<1x8x1024xf32, #tpu.memory_space<vmem>>
    %dma_wait3A_454 = tpu.memref_squeeze %dma_wait3A_453 : memref<1x8x1024xf32, #tpu.memory_space<vmem>> -> memref<8x1024xf32, #tpu.memory_space<vmem>>
    %dma_wait3A_455 = arith.constant 0 : i32
    %dma_wait3A_456 = tpu.memref_slice %arg8[%add3A_449, %dma_wait3A_455] : memref<16384x1024xf32, #tpu.memory_space<hbm>> -> memref<8x1024xf32, #tpu.memory_space<hbm>>
    %dma_wait3A_457 = arith.constant 0 : i32
    %dma_wait3A_458 = tpu.memref_slice %arg8[%add3A_449, %dma_wait3A_457] : memref<16384x1024xf32, #tpu.memory_space<hbm>> -> memref<8x1024xf32, #tpu.memory_space<hbm>>
    %dma_wait3A_459 = arith.constant 0 : i32
    %dma_wait3A_460 = arith.constant 0 : i32
    %dma_wait3A_461 = tpu.memref_slice %arg14[%dma_wait3A_450, %dma_wait3A_459, %dma_wait3A_460] : memref<2x8x1024xf32, #tpu.memory_space<vmem>> -> memref<1x8x1024xf32, #tpu.memory_space<vmem>>
    %dma_wait3A_462 = tpu.memref_squeeze %dma_wait3A_461 : memref<1x8x1024xf32, #tpu.memory_space<vmem>> -> memref<8x1024xf32, #tpu.memory_space<vmem>>
    tpu.wait_dma2 semaphore(%arg18 : memref<!tpu.dma_semaphore, #tpu.memory_space<semaphore_mem>>) src(%dma_wait3A_462 : memref<8x1024xf32, #tpu.memory_space<vmem>>) dst(%dma_wait3A_458 : memref<8x1024xf32, #tpu.memory_space<hbm>>)
    %add3A_463 = arith.constant 496 : i32
    %add3A_464 = arith.addi %mul3A_2, %add3A_463 : i32
    %dma_wait3A_465 = arith.constant 0 : i32
    %dma_wait3A_466 = arith.constant 0 : i32
    %dma_wait3A_467 = arith.constant 0 : i32
    %dma_wait3A_468 = tpu.memref_slice %arg9[%dma_wait3A_465, %dma_wait3A_466, %dma_wait3A_467] : memref<2x8x1024xf32, #tpu.memory_space<vmem>> -> memref<1x8x1024xf32, #tpu.memory_space<vmem>>
    %dma_wait3A_469 = tpu.memref_squeeze %dma_wait3A_468 : memref<1x8x1024xf32, #tpu.memory_space<vmem>> -> memref<8x1024xf32, #tpu.memory_space<vmem>>
    %dma_wait3A_470 = arith.constant 0 : i32
    %dma_wait3A_471 = tpu.memref_slice %arg2[%add3A_464, %dma_wait3A_470] : memref<16384x1024xf32, #tpu.memory_space<hbm>> -> memref<8x1024xf32, #tpu.memory_space<hbm>>
    %dma_wait3A_472 = arith.constant 0 : i32
    %dma_wait3A_473 = arith.constant 0 : i32
    %dma_wait3A_474 = tpu.memref_slice %arg9[%dma_wait3A_465, %dma_wait3A_472, %dma_wait3A_473] : memref<2x8x1024xf32, #tpu.memory_space<vmem>> -> memref<1x8x1024xf32, #tpu.memory_space<vmem>>
    %dma_wait3A_475 = tpu.memref_squeeze %dma_wait3A_474 : memref<1x8x1024xf32, #tpu.memory_space<vmem>> -> memref<8x1024xf32, #tpu.memory_space<vmem>>
    %dma_wait3A_476 = arith.constant 0 : i32
    %dma_wait3A_477 = tpu.memref_slice %arg2[%add3A_464, %dma_wait3A_476] : memref<16384x1024xf32, #tpu.memory_space<hbm>> -> memref<8x1024xf32, #tpu.memory_space<hbm>>
    tpu.wait_dma2 semaphore(%arg16 : memref<!tpu.dma_semaphore, #tpu.memory_space<semaphore_mem>>) src(%dma_wait3A_477 : memref<8x1024xf32, #tpu.memory_space<hbm>>) dst(%dma_wait3A_475 : memref<8x1024xf32, #tpu.memory_space<vmem>>)
    %dma_wait3A_478 = arith.constant 0 : i32
    %dma_wait3A_479 = arith.constant 0 : i32
    %dma_wait3A_480 = arith.constant 0 : i32
    %dma_wait3A_481 = tpu.memref_slice %arg10[%dma_wait3A_478, %dma_wait3A_479, %dma_wait3A_480] : memref<2x8x1024xf32, #tpu.memory_space<vmem>> -> memref<1x8x1024xf32, #tpu.memory_space<vmem>>
    %dma_wait3A_482 = tpu.memref_squeeze %dma_wait3A_481 : memref<1x8x1024xf32, #tpu.memory_space<vmem>> -> memref<8x1024xf32, #tpu.memory_space<vmem>>
    %dma_wait3A_483 = arith.constant 0 : i32
    %dma_wait3A_484 = tpu.memref_slice %arg3[%add3A_464, %dma_wait3A_483] : memref<16384x1024xf32, #tpu.memory_space<hbm>> -> memref<8x1024xf32, #tpu.memory_space<hbm>>
    %dma_wait3A_485 = arith.constant 0 : i32
    %dma_wait3A_486 = arith.constant 0 : i32
    %dma_wait3A_487 = tpu.memref_slice %arg10[%dma_wait3A_478, %dma_wait3A_485, %dma_wait3A_486] : memref<2x8x1024xf32, #tpu.memory_space<vmem>> -> memref<1x8x1024xf32, #tpu.memory_space<vmem>>
    %dma_wait3A_488 = tpu.memref_squeeze %dma_wait3A_487 : memref<1x8x1024xf32, #tpu.memory_space<vmem>> -> memref<8x1024xf32, #tpu.memory_space<vmem>>
    %dma_wait3A_489 = arith.constant 0 : i32
    %dma_wait3A_490 = tpu.memref_slice %arg3[%add3A_464, %dma_wait3A_489] : memref<16384x1024xf32, #tpu.memory_space<hbm>> -> memref<8x1024xf32, #tpu.memory_space<hbm>>
    tpu.wait_dma2 semaphore(%arg16 : memref<!tpu.dma_semaphore, #tpu.memory_space<semaphore_mem>>) src(%dma_wait3A_490 : memref<8x1024xf32, #tpu.memory_space<hbm>>) dst(%dma_wait3A_488 : memref<8x1024xf32, #tpu.memory_space<vmem>>)
    %dma_wait3A_491 = arith.constant 0 : i32
    %dma_wait3A_492 = arith.constant 0 : i32
    %dma_wait3A_493 = arith.constant 0 : i32
    %dma_wait3A_494 = tpu.memref_slice %arg11[%dma_wait3A_491, %dma_wait3A_492, %dma_wait3A_493] : memref<2x8x1024xi32, #tpu.memory_space<vmem>> -> memref<1x8x1024xi32, #tpu.memory_space<vmem>>
    %dma_wait3A_495 = tpu.memref_squeeze %dma_wait3A_494 : memref<1x8x1024xi32, #tpu.memory_space<vmem>> -> memref<8x1024xi32, #tpu.memory_space<vmem>>
    %dma_wait3A_496 = arith.constant 0 : i32
    %dma_wait3A_497 = tpu.memref_slice %arg4[%add3A_464, %dma_wait3A_496] : memref<16384x1024xi32, #tpu.memory_space<hbm>> -> memref<8x1024xi32, #tpu.memory_space<hbm>>
    %dma_wait3A_498 = arith.constant 0 : i32
    %dma_wait3A_499 = arith.constant 0 : i32
    %dma_wait3A_500 = tpu.memref_slice %arg11[%dma_wait3A_491, %dma_wait3A_498, %dma_wait3A_499] : memref<2x8x1024xi32, #tpu.memory_space<vmem>> -> memref<1x8x1024xi32, #tpu.memory_space<vmem>>
    %dma_wait3A_501 = tpu.memref_squeeze %dma_wait3A_500 : memref<1x8x1024xi32, #tpu.memory_space<vmem>> -> memref<8x1024xi32, #tpu.memory_space<vmem>>
    %dma_wait3A_502 = arith.constant 0 : i32
    %dma_wait3A_503 = tpu.memref_slice %arg4[%add3A_464, %dma_wait3A_502] : memref<16384x1024xi32, #tpu.memory_space<hbm>> -> memref<8x1024xi32, #tpu.memory_space<hbm>>
    tpu.wait_dma2 semaphore(%arg16 : memref<!tpu.dma_semaphore, #tpu.memory_space<semaphore_mem>>) src(%dma_wait3A_503 : memref<8x1024xi32, #tpu.memory_space<hbm>>) dst(%dma_wait3A_501 : memref<8x1024xi32, #tpu.memory_space<vmem>>)
    %dma_wait3A_504 = arith.constant 0 : i32
    %dma_wait3A_505 = arith.constant 0 : i32
    %dma_wait3A_506 = arith.constant 0 : i32
    %dma_wait3A_507 = tpu.memref_slice %arg13[%dma_wait3A_504, %dma_wait3A_505, %dma_wait3A_506] : memref<2x8x1024xf32, #tpu.memory_space<vmem>> -> memref<1x8x1024xf32, #tpu.memory_space<vmem>>
    %dma_wait3A_508 = tpu.memref_squeeze %dma_wait3A_507 : memref<1x8x1024xf32, #tpu.memory_space<vmem>> -> memref<8x1024xf32, #tpu.memory_space<vmem>>
    %dma_wait3A_509 = arith.constant 0 : i32
    %dma_wait3A_510 = tpu.memref_slice %arg6[%add3A_464, %dma_wait3A_509] : memref<16384x1024xf32, #tpu.memory_space<hbm>> -> memref<8x1024xf32, #tpu.memory_space<hbm>>
    %dma_wait3A_511 = arith.constant 0 : i32
    %dma_wait3A_512 = arith.constant 0 : i32
    %dma_wait3A_513 = tpu.memref_slice %arg13[%dma_wait3A_504, %dma_wait3A_511, %dma_wait3A_512] : memref<2x8x1024xf32, #tpu.memory_space<vmem>> -> memref<1x8x1024xf32, #tpu.memory_space<vmem>>
    %dma_wait3A_514 = tpu.memref_squeeze %dma_wait3A_513 : memref<1x8x1024xf32, #tpu.memory_space<vmem>> -> memref<8x1024xf32, #tpu.memory_space<vmem>>
    %dma_wait3A_515 = arith.constant 0 : i32
    %dma_wait3A_516 = tpu.memref_slice %arg6[%add3A_464, %dma_wait3A_515] : memref<16384x1024xf32, #tpu.memory_space<hbm>> -> memref<8x1024xf32, #tpu.memory_space<hbm>>
    tpu.wait_dma2 semaphore(%arg16 : memref<!tpu.dma_semaphore, #tpu.memory_space<semaphore_mem>>) src(%dma_wait3A_516 : memref<8x1024xf32, #tpu.memory_space<hbm>>) dst(%dma_wait3A_514 : memref<8x1024xf32, #tpu.memory_space<vmem>>)
    %dma_wait3A_517 = arith.constant 0 : i32
    %dma_wait3A_518 = arith.constant 0 : i32
    %dma_wait3A_519 = arith.constant 0 : i32
    %dma_wait3A_520 = tpu.memref_slice %arg12[%dma_wait3A_517, %dma_wait3A_518, %dma_wait3A_519] : memref<2x8x256xi32, #tpu.memory_space<vmem>> -> memref<1x8x256xi32, #tpu.memory_space<vmem>>
    %dma_wait3A_521 = tpu.memref_squeeze %dma_wait3A_520 : memref<1x8x256xi32, #tpu.memory_space<vmem>> -> memref<8x256xi32, #tpu.memory_space<vmem>>
    %dma_wait3A_522 = arith.constant 0 : i32
    %dma_wait3A_523 = tpu.memref_slice %arg5[%add3A_464, %dma_wait3A_522] : memref<16384x256xi32, #tpu.memory_space<hbm>> -> memref<8x256xi32, #tpu.memory_space<hbm>>
    %dma_wait3A_524 = arith.constant 0 : i32
    %dma_wait3A_525 = arith.constant 0 : i32
    %dma_wait3A_526 = tpu.memref_slice %arg12[%dma_wait3A_517, %dma_wait3A_524, %dma_wait3A_525] : memref<2x8x256xi32, #tpu.memory_space<vmem>> -> memref<1x8x256xi32, #tpu.memory_space<vmem>>
    %dma_wait3A_527 = tpu.memref_squeeze %dma_wait3A_526 : memref<1x8x256xi32, #tpu.memory_space<vmem>> -> memref<8x256xi32, #tpu.memory_space<vmem>>
    %dma_wait3A_528 = arith.constant 0 : i32
    %dma_wait3A_529 = tpu.memref_slice %arg5[%add3A_464, %dma_wait3A_528] : memref<16384x256xi32, #tpu.memory_space<hbm>> -> memref<8x256xi32, #tpu.memory_space<hbm>>
    tpu.wait_dma2 semaphore(%arg16 : memref<!tpu.dma_semaphore, #tpu.memory_space<semaphore_mem>>) src(%dma_wait3A_529 : memref<8x256xi32, #tpu.memory_space<hbm>>) dst(%dma_wait3A_527 : memref<8x256xi32, #tpu.memory_space<vmem>>)
    %get3A_530 = arith.constant 0 : index
    %get3A_531 = tpu.vector_load %arg15[%get3A_530] {strides = array<i32>} : memref<16xf32, #tpu.memory_space<vmem>>, vector<16xf32>,
    %get3A_532 = vector.shape_cast %get3A_531 : vector<16xf32> to vector<16xf32>
    %parallel_loop3A_533 = arith.constant 0 : i32
    %parallel_loop3A_534 = arith.constant 128 : i32
    %parallel_loop3A_535 = arith.constant 1 : i32
    scf.for %parallel_loop3A_684 = %parallel_loop3A_533 to %parallel_loop3A_534 step %parallel_loop3A_535  : i32 {
      %parallel_loop3A_685 = arith.constant 4 : i32
      %parallel_loop3A_686 = arith.shrsi %parallel_loop3A_684, %parallel_loop3A_685 : i32
      %parallel_loop3A_687 = arith.constant 15 : i32
      %parallel_loop3A_688 = arith.andi %parallel_loop3A_684, %parallel_loop3A_687 : i32
      %parallel_loop3A_689 = arith.constant 16 : i32
      %parallel_loop3A_690 = arith.muli %parallel_loop3A_688, %parallel_loop3A_689 : i32
      %parallel_loop3A_691 = arith.constant 0 : i32
      %parallel_loop3A_692 = arith.index_cast %parallel_loop3A_691 : i32 to index
      %parallel_loop3A_693 = arith.index_cast %parallel_loop3A_686 : i32 to index
      %parallel_loop3A_694 = arith.index_cast %parallel_loop3A_690 : i32 to index
      %parallel_loop3A_695 = tpu.vector_load %arg12[%parallel_loop3A_692, %parallel_loop3A_693, %parallel_loop3A_694] {strides = array<i32>} : memref<2x8x256xi32, #tpu.memory_space<vmem>>, vector<1x1x16xi32>,
      %parallel_loop3A_696 = vector.shape_cast %parallel_loop3A_695 : vector<1x1x16xi32> to vector<16xi32>
      %parallel_loop3A_697 = arith.constant 16 : i32
      %parallel_loop3A_698 = arith.muli %parallel_loop3A_688, %parallel_loop3A_697 : i32
      %parallel_loop3A_699 = arith.constant 0 : i32
      %parallel_loop3A_700 = arith.addi %parallel_loop3A_699, %parallel_loop3A_698 : i32
      %parallel_loop3A_701 = arith.constant 1 : i32
      %parallel_loop3A_702 = vector.broadcast %parallel_loop3A_701 : i32 to vector<16xi32>
      %parallel_loop3A_703 = arith.andi %parallel_loop3A_696, %parallel_loop3A_702 : vector<16xi32>
      %parallel_loop3A_704 = arith.constant 0 : i32
      %parallel_loop3A_705 = arith.index_cast %parallel_loop3A_704 : i32 to index
      %parallel_loop3A_706 = arith.index_cast %parallel_loop3A_686 : i32 to index
      %parallel_loop3A_707 = arith.index_cast %parallel_loop3A_700 : i32 to index
      %parallel_loop3A_708 = tpu.vector_load %arg13[%parallel_loop3A_705, %parallel_loop3A_706, %parallel_loop3A_707] {strides = array<i32>} : memref<2x8x1024xf32, #tpu.memory_space<vmem>>, vector<1x1x16xf32>,
      %parallel_loop3A_709 = vector.shape_cast %parallel_loop3A_708 : vector<1x1x16xf32> to vector<16xf32>
      %parallel_loop3A_710 = arith.constant 0 : i32
      %parallel_loop3A_711 = vector.broadcast %parallel_loop3A_710 : i32 to vector<16xi32>
      %parallel_loop3A_712 = arith.cmpi ne, %parallel_loop3A_703, %parallel_loop3A_711 : vector<16xi32>
      %parallel_loop3A_713 = arith.constant 5.000000e-01 : f32
      %parallel_loop3A_714 = vector.broadcast %parallel_loop3A_713 : f32 to vector<16xf32>
      %parallel_loop3A_715 = arith.cmpf olt, %parallel_loop3A_709, %parallel_loop3A_714 : vector<16xf32>
      %parallel_loop3A_716 = arith.andi %parallel_loop3A_712, %parallel_loop3A_715 : vector<16xi1>
      %parallel_loop3A_717 = arith.constant 0 : i32
      %parallel_loop3A_718 = arith.index_cast %parallel_loop3A_717 : i32 to index
      %parallel_loop3A_719 = arith.index_cast %parallel_loop3A_686 : i32 to index
      %parallel_loop3A_720 = arith.index_cast %parallel_loop3A_700 : i32 to index
      %parallel_loop3A_721 = tpu.vector_load %arg11[%parallel_loop3A_718, %parallel_loop3A_719, %parallel_loop3A_720] {strides = array<i32>} : memref<2x8x1024xi32, #tpu.memory_space<vmem>>, vector<1x1x16xi32>,
      %parallel_loop3A_722 = vector.shape_cast %parallel_loop3A_721 : vector<1x1x16xi32> to vector<16xi32>
      %parallel_loop3A_723 = arith.constant 0 : i32
      %parallel_loop3A_724 = vector.broadcast %parallel_loop3A_723 : i32 to vector<16xi32>
      %parallel_loop3A_725 = arith.cmpi slt, %parallel_loop3A_722, %parallel_loop3A_724 : vector<16xi32>
      %parallel_loop3A_726 = arith.constant 16 : i32
      %parallel_loop3A_727 = vector.broadcast %parallel_loop3A_726 : i32 to vector<16xi32>
      %parallel_loop3A_728 = arith.addi %parallel_loop3A_722, %parallel_loop3A_727 : vector<16xi32>
      %parallel_loop3A_729 = arith.select %parallel_loop3A_725, %parallel_loop3A_728, %parallel_loop3A_722 : vector<16xi1>, vector<16xi32>
      %parallel_loop3A_730 = vector.shape_cast %parallel_loop3A_729 : vector<16xi32> to vector<16x1xi32>
      %parallel_loop3A_731 = vector.shape_cast %parallel_loop3A_730 : vector<16x1xi32> to vector<16xi32>
      %parallel_loop3A_732 = tpu.dynamic_gather %get3A_532[%parallel_loop3A_731] in [0] : vector<16xf32>, vector<16xi32> -> vector<16xf32>
      %parallel_loop3A_733 = arith.constant 0 : i32
      %parallel_loop3A_734 = arith.index_cast %parallel_loop3A_733 : i32 to index
      %parallel_loop3A_735 = arith.index_cast %parallel_loop3A_686 : i32 to index
      %parallel_loop3A_736 = arith.index_cast %parallel_loop3A_700 : i32 to index
      %parallel_loop3A_737 = tpu.vector_load %arg10[%parallel_loop3A_734, %parallel_loop3A_735, %parallel_loop3A_736] {strides = array<i32>} : memref<2x8x1024xf32, #tpu.memory_space<vmem>>, vector<1x1x16xf32>,
      %parallel_loop3A_738 = vector.shape_cast %parallel_loop3A_737 : vector<1x1x16xf32> to vector<16xf32>
      %parallel_loop3A_739 = arith.addf %parallel_loop3A_738, %parallel_loop3A_732 : vector<16xf32>
      %parallel_loop3A_740 = arith.constant 0 : i32
      %parallel_loop3A_741 = arith.index_cast %parallel_loop3A_740 : i32 to index
      %parallel_loop3A_742 = arith.index_cast %parallel_loop3A_686 : i32 to index
      %parallel_loop3A_743 = arith.index_cast %parallel_loop3A_700 : i32 to index
      %parallel_loop3A_744 = tpu.vector_load %arg9[%parallel_loop3A_741, %parallel_loop3A_742, %parallel_loop3A_743] {strides = array<i32>} : memref<2x8x1024xf32, #tpu.memory_space<vmem>>, vector<1x1x16xf32>,
      %parallel_loop3A_745 = vector.shape_cast %parallel_loop3A_744 : vector<1x1x16xf32> to vector<16xf32>
      %parallel_loop3A_746 = arith.select %parallel_loop3A_716, %parallel_loop3A_739, %parallel_loop3A_745 : vector<16xi1>, vector<16xf32>
      %parallel_loop3A_747 = arith.constant 0 : i32
      %parallel_loop3A_748 = arith.index_cast %parallel_loop3A_747 : i32 to index
      %parallel_loop3A_749 = arith.index_cast %parallel_loop3A_686 : i32 to index
      %parallel_loop3A_750 = arith.index_cast %parallel_loop3A_700 : i32 to index
      %parallel_loop3A_751 = tpu.vector_load %arg14[%parallel_loop3A_748, %parallel_loop3A_749, %parallel_loop3A_750] {strides = array<i32>} : memref<2x8x1024xf32, #tpu.memory_space<vmem>>, vector<1x1x16xf32>,
      %parallel_loop3A_752 = vector.shape_cast %parallel_loop3A_751 : vector<1x1x16xf32> to vector<16xf32>
      %parallel_loop3A_753 = vector.shape_cast %parallel_loop3A_746 : vector<16xf32> to vector<1x1x16xf32>
      tpu.vector_store %arg14[%parallel_loop3A_748, %parallel_loop3A_749, %parallel_loop3A_750], %parallel_loop3A_753 {strides = array<i32>} : memref<2x8x1024xf32, #tpu.memory_space<vmem>>, vector<1x1x16xf32>,
      %parallel_loop3A_754 = arith.constant 16 : i32
      %parallel_loop3A_755 = arith.muli %parallel_loop3A_688, %parallel_loop3A_754 : i32
      %parallel_loop3A_756 = arith.constant 256 : i32
      %parallel_loop3A_757 = arith.addi %parallel_loop3A_756, %parallel_loop3A_755 : i32
      %parallel_loop3A_758 = arith.constant 256 : i32
      %parallel_loop3A_759 = vector.broadcast %parallel_loop3A_758 : i32 to vector<16xi32>
      %parallel_loop3A_760 = arith.andi %parallel_loop3A_696, %parallel_loop3A_759 : vector<16xi32>
      %parallel_loop3A_761 = arith.constant 0 : i32
      %parallel_loop3A_762 = arith.index_cast %parallel_loop3A_761 : i32 to index
      %parallel_loop3A_763 = arith.index_cast %parallel_loop3A_686 : i32 to index
      %parallel_loop3A_764 = arith.index_cast %parallel_loop3A_757 : i32 to index
      %parallel_loop3A_765 = tpu.vector_load %arg13[%parallel_loop3A_762, %parallel_loop3A_763, %parallel_loop3A_764] {strides = array<i32>} : memref<2x8x1024xf32, #tpu.memory_space<vmem>>, vector<1x1x16xf32>,
      %parallel_loop3A_766 = vector.shape_cast %parallel_loop3A_765 : vector<1x1x16xf32> to vector<16xf32>
      %parallel_loop3A_767 = arith.constant 0 : i32
      %parallel_loop3A_768 = vector.broadcast %parallel_loop3A_767 : i32 to vector<16xi32>
      %parallel_loop3A_769 = arith.cmpi ne, %parallel_loop3A_760, %parallel_loop3A_768 : vector<16xi32>
      %parallel_loop3A_770 = arith.constant 5.000000e-01 : f32
      %parallel_loop3A_771 = vector.broadcast %parallel_loop3A_770 : f32 to vector<16xf32>
      %parallel_loop3A_772 = arith.cmpf olt, %parallel_loop3A_766, %parallel_loop3A_771 : vector<16xf32>
      %parallel_loop3A_773 = arith.andi %parallel_loop3A_769, %parallel_loop3A_772 : vector<16xi1>
      %parallel_loop3A_774 = arith.constant 0 : i32
      %parallel_loop3A_775 = arith.index_cast %parallel_loop3A_774 : i32 to index
      %parallel_loop3A_776 = arith.index_cast %parallel_loop3A_686 : i32 to index
      %parallel_loop3A_777 = arith.index_cast %parallel_loop3A_757 : i32 to index
      %parallel_loop3A_778 = tpu.vector_load %arg11[%parallel_loop3A_775, %parallel_loop3A_776, %parallel_loop3A_777] {strides = array<i32>} : memref<2x8x1024xi32, #tpu.memory_space<vmem>>, vector<1x1x16xi32>,
      %parallel_loop3A_779 = vector.shape_cast %parallel_loop3A_778 : vector<1x1x16xi32> to vector<16xi32>
      %parallel_loop3A_780 = arith.constant 0 : i32
      %parallel_loop3A_781 = vector.broadcast %parallel_loop3A_780 : i32 to vector<16xi32>
      %parallel_loop3A_782 = arith.cmpi slt, %parallel_loop3A_779, %parallel_loop3A_781 : vector<16xi32>
      %parallel_loop3A_783 = arith.constant 16 : i32
      %parallel_loop3A_784 = vector.broadcast %parallel_loop3A_783 : i32 to vector<16xi32>
      %parallel_loop3A_785 = arith.addi %parallel_loop3A_779, %parallel_loop3A_784 : vector<16xi32>
      %parallel_loop3A_786 = arith.select %parallel_loop3A_782, %parallel_loop3A_785, %parallel_loop3A_779 : vector<16xi1>, vector<16xi32>
      %parallel_loop3A_787 = vector.shape_cast %parallel_loop3A_786 : vector<16xi32> to vector<16x1xi32>
      %parallel_loop3A_788 = vector.shape_cast %parallel_loop3A_787 : vector<16x1xi32> to vector<16xi32>
      %parallel_loop3A_789 = tpu.dynamic_gather %get3A_532[%parallel_loop3A_788] in [0] : vector<16xf32>, vector<16xi32> -> vector<16xf32>
      %parallel_loop3A_790 = arith.constant 0 : i32
      %parallel_loop3A_791 = arith.index_cast %parallel_loop3A_790 : i32 to index
      %parallel_loop3A_792 = arith.index_cast %parallel_loop3A_686 : i32 to index
      %parallel_loop3A_793 = arith.index_cast %parallel_loop3A_757 : i32 to index
      %parallel_loop3A_794 = tpu.vector_load %arg10[%parallel_loop3A_791, %parallel_loop3A_792, %parallel_loop3A_793] {strides = array<i32>} : memref<2x8x1024xf32, #tpu.memory_space<vmem>>, vector<1x1x16xf32>,
      %parallel_loop3A_795 = vector.shape_cast %parallel_loop3A_794 : vector<1x1x16xf32> to vector<16xf32>
      %parallel_loop3A_796 = arith.addf %parallel_loop3A_795, %parallel_loop3A_789 : vector<16xf32>
      %parallel_loop3A_797 = arith.constant 0 : i32
      %parallel_loop3A_798 = arith.index_cast %parallel_loop3A_797 : i32 to index
      %parallel_loop3A_799 = arith.index_cast %parallel_loop3A_686 : i32 to index
      %parallel_loop3A_800 = arith.index_cast %parallel_loop3A_757 : i32 to index
      %parallel_loop3A_801 = tpu.vector_load %arg9[%parallel_loop3A_798, %parallel_loop3A_799, %parallel_loop3A_800] {strides = array<i32>} : memref<2x8x1024xf32, #tpu.memory_space<vmem>>, vector<1x1x16xf32>,
      %parallel_loop3A_802 = vector.shape_cast %parallel_loop3A_801 : vector<1x1x16xf32> to vector<16xf32>
      %parallel_loop3A_803 = arith.select %parallel_loop3A_773, %parallel_loop3A_796, %parallel_loop3A_802 : vector<16xi1>, vector<16xf32>
      %parallel_loop3A_804 = arith.constant 0 : i32
      %parallel_loop3A_805 = arith.index_cast %parallel_loop3A_804 : i32 to index
      %parallel_loop3A_806 = arith.index_cast %parallel_loop3A_686 : i32 to index
      %parallel_loop3A_807 = arith.index_cast %parallel_loop3A_757 : i32 to index
      %parallel_loop3A_808 = tpu.vector_load %arg14[%parallel_loop3A_805, %parallel_loop3A_806, %parallel_loop3A_807] {strides = array<i32>} : memref<2x8x1024xf32, #tpu.memory_space<vmem>>, vector<1x1x16xf32>,
      %parallel_loop3A_809 = vector.shape_cast %parallel_loop3A_808 : vector<1x1x16xf32> to vector<16xf32>
      %parallel_loop3A_810 = vector.shape_cast %parallel_loop3A_803 : vector<16xf32> to vector<1x1x16xf32>
      tpu.vector_store %arg14[%parallel_loop3A_805, %parallel_loop3A_806, %parallel_loop3A_807], %parallel_loop3A_810 {strides = array<i32>} : memref<2x8x1024xf32, #tpu.memory_space<vmem>>, vector<1x1x16xf32>,
      %parallel_loop3A_811 = arith.constant 16 : i32
      %parallel_loop3A_812 = arith.muli %parallel_loop3A_688, %parallel_loop3A_811 : i32
      %parallel_loop3A_813 = arith.constant 512 : i32
      %parallel_loop3A_814 = arith.addi %parallel_loop3A_813, %parallel_loop3A_812 : i32
      %parallel_loop3A_815 = arith.constant 65536 : i32
      %parallel_loop3A_816 = vector.broadcast %parallel_loop3A_815 : i32 to vector<16xi32>
      %parallel_loop3A_817 = arith.andi %parallel_loop3A_696, %parallel_loop3A_816 : vector<16xi32>
      %parallel_loop3A_818 = arith.constant 0 : i32
      %parallel_loop3A_819 = arith.index_cast %parallel_loop3A_818 : i32 to index
      %parallel_loop3A_820 = arith.index_cast %parallel_loop3A_686 : i32 to index
      %parallel_loop3A_821 = arith.index_cast %parallel_loop3A_814 : i32 to index
      %parallel_loop3A_822 = tpu.vector_load %arg13[%parallel_loop3A_819, %parallel_loop3A_820, %parallel_loop3A_821] {strides = array<i32>} : memref<2x8x1024xf32, #tpu.memory_space<vmem>>, vector<1x1x16xf32>,
      %parallel_loop3A_823 = vector.shape_cast %parallel_loop3A_822 : vector<1x1x16xf32> to vector<16xf32>
      %parallel_loop3A_824 = arith.constant 0 : i32
      %parallel_loop3A_825 = vector.broadcast %parallel_loop3A_824 : i32 to vector<16xi32>
      %parallel_loop3A_826 = arith.cmpi ne, %parallel_loop3A_817, %parallel_loop3A_825 : vector<16xi32>
      %parallel_loop3A_827 = arith.constant 5.000000e-01 : f32
      %parallel_loop3A_828 = vector.broadcast %parallel_loop3A_827 : f32 to vector<16xf32>
      %parallel_loop3A_829 = arith.cmpf olt, %parallel_loop3A_823, %parallel_loop3A_828 : vector<16xf32>
      %parallel_loop3A_830 = arith.andi %parallel_loop3A_826, %parallel_loop3A_829 : vector<16xi1>
      %parallel_loop3A_831 = arith.constant 0 : i32
      %parallel_loop3A_832 = arith.index_cast %parallel_loop3A_831 : i32 to index
      %parallel_loop3A_833 = arith.index_cast %parallel_loop3A_686 : i32 to index
      %parallel_loop3A_834 = arith.index_cast %parallel_loop3A_814 : i32 to index
      %parallel_loop3A_835 = tpu.vector_load %arg11[%parallel_loop3A_832, %parallel_loop3A_833, %parallel_loop3A_834] {strides = array<i32>} : memref<2x8x1024xi32, #tpu.memory_space<vmem>>, vector<1x1x16xi32>,
      %parallel_loop3A_836 = vector.shape_cast %parallel_loop3A_835 : vector<1x1x16xi32> to vector<16xi32>
      %parallel_loop3A_837 = arith.constant 0 : i32
      %parallel_loop3A_838 = vector.broadcast %parallel_loop3A_837 : i32 to vector<16xi32>
      %parallel_loop3A_839 = arith.cmpi slt, %parallel_loop3A_836, %parallel_loop3A_838 : vector<16xi32>
      %parallel_loop3A_840 = arith.constant 16 : i32
      %parallel_loop3A_841 = vector.broadcast %parallel_loop3A_840 : i32 to vector<16xi32>
      %parallel_loop3A_842 = arith.addi %parallel_loop3A_836, %parallel_loop3A_841 : vector<16xi32>
      %parallel_loop3A_843 = arith.select %parallel_loop3A_839, %parallel_loop3A_842, %parallel_loop3A_836 : vector<16xi1>, vector<16xi32>
      %parallel_loop3A_844 = vector.shape_cast %parallel_loop3A_843 : vector<16xi32> to vector<16x1xi32>
      %parallel_loop3A_845 = vector.shape_cast %parallel_loop3A_844 : vector<16x1xi32> to vector<16xi32>
      %parallel_loop3A_846 = tpu.dynamic_gather %get3A_532[%parallel_loop3A_845] in [0] : vector<16xf32>, vector<16xi32> -> vector<16xf32>
      %parallel_loop3A_847 = arith.constant 0 : i32
      %parallel_loop3A_848 = arith.index_cast %parallel_loop3A_847 : i32 to index
      %parallel_loop3A_849 = arith.index_cast %parallel_loop3A_686 : i32 to index
      %parallel_loop3A_850 = arith.index_cast %parallel_loop3A_814 : i32 to index
      %parallel_loop3A_851 = tpu.vector_load %arg10[%parallel_loop3A_848, %parallel_loop3A_849, %parallel_loop3A_850] {strides = array<i32>} : memref<2x8x1024xf32, #tpu.memory_space<vmem>>, vector<1x1x16xf32>,
      %parallel_loop3A_852 = vector.shape_cast %parallel_loop3A_851 : vector<1x1x16xf32> to vector<16xf32>
      %parallel_loop3A_853 = arith.addf %parallel_loop3A_852, %parallel_loop3A_846 : vector<16xf32>
      %parallel_loop3A_854 = arith.constant 0 : i32
      %parallel_loop3A_855 = arith.index_cast %parallel_loop3A_854 : i32 to index
      %parallel_loop3A_856 = arith.index_cast %parallel_loop3A_686 : i32 to index
      %parallel_loop3A_857 = arith.index_cast %parallel_loop3A_814 : i32 to index
      %parallel_loop3A_858 = tpu.vector_load %arg9[%parallel_loop3A_855, %parallel_loop3A_856, %parallel_loop3A_857] {strides = array<i32>} : memref<2x8x1024xf32, #tpu.memory_space<vmem>>, vector<1x1x16xf32>,
      %parallel_loop3A_859 = vector.shape_cast %parallel_loop3A_858 : vector<1x1x16xf32> to vector<16xf32>
      %parallel_loop3A_860 = arith.select %parallel_loop3A_830, %parallel_loop3A_853, %parallel_loop3A_859 : vector<16xi1>, vector<16xf32>
      %parallel_loop3A_861 = arith.constant 0 : i32
      %parallel_loop3A_862 = arith.index_cast %parallel_loop3A_861 : i32 to index
      %parallel_loop3A_863 = arith.index_cast %parallel_loop3A_686 : i32 to index
      %parallel_loop3A_864 = arith.index_cast %parallel_loop3A_814 : i32 to index
      %parallel_loop3A_865 = tpu.vector_load %arg14[%parallel_loop3A_862, %parallel_loop3A_863, %parallel_loop3A_864] {strides = array<i32>} : memref<2x8x1024xf32, #tpu.memory_space<vmem>>, vector<1x1x16xf32>,
      %parallel_loop3A_866 = vector.shape_cast %parallel_loop3A_865 : vector<1x1x16xf32> to vector<16xf32>
      %parallel_loop3A_867 = vector.shape_cast %parallel_loop3A_860 : vector<16xf32> to vector<1x1x16xf32>
      tpu.vector_store %arg14[%parallel_loop3A_862, %parallel_loop3A_863, %parallel_loop3A_864], %parallel_loop3A_867 {strides = array<i32>} : memref<2x8x1024xf32, #tpu.memory_space<vmem>>, vector<1x1x16xf32>,
      %parallel_loop3A_868 = arith.constant 16 : i32
      %parallel_loop3A_869 = arith.muli %parallel_loop3A_688, %parallel_loop3A_868 : i32
      %parallel_loop3A_870 = arith.constant 768 : i32
      %parallel_loop3A_871 = arith.addi %parallel_loop3A_870, %parallel_loop3A_869 : i32
      %parallel_loop3A_872 = arith.constant 16777216 : i32
      %parallel_loop3A_873 = vector.broadcast %parallel_loop3A_872 : i32 to vector<16xi32>
      %parallel_loop3A_874 = arith.andi %parallel_loop3A_696, %parallel_loop3A_873 : vector<16xi32>
      %parallel_loop3A_875 = arith.constant 0 : i32
      %parallel_loop3A_876 = arith.index_cast %parallel_loop3A_875 : i32 to index
      %parallel_loop3A_877 = arith.index_cast %parallel_loop3A_686 : i32 to index
      %parallel_loop3A_878 = arith.index_cast %parallel_loop3A_871 : i32 to index
      %parallel_loop3A_879 = tpu.vector_load %arg13[%parallel_loop3A_876, %parallel_loop3A_877, %parallel_loop3A_878] {strides = array<i32>} : memref<2x8x1024xf32, #tpu.memory_space<vmem>>, vector<1x1x16xf32>,
      %parallel_loop3A_880 = vector.shape_cast %parallel_loop3A_879 : vector<1x1x16xf32> to vector<16xf32>
      %parallel_loop3A_881 = arith.constant 0 : i32
      %parallel_loop3A_882 = vector.broadcast %parallel_loop3A_881 : i32 to vector<16xi32>
      %parallel_loop3A_883 = arith.cmpi ne, %parallel_loop3A_874, %parallel_loop3A_882 : vector<16xi32>
      %parallel_loop3A_884 = arith.constant 5.000000e-01 : f32
      %parallel_loop3A_885 = vector.broadcast %parallel_loop3A_884 : f32 to vector<16xf32>
      %parallel_loop3A_886 = arith.cmpf olt, %parallel_loop3A_880, %parallel_loop3A_885 : vector<16xf32>
      %parallel_loop3A_887 = arith.andi %parallel_loop3A_883, %parallel_loop3A_886 : vector<16xi1>
      %parallel_loop3A_888 = arith.constant 0 : i32
      %parallel_loop3A_889 = arith.index_cast %parallel_loop3A_888 : i32 to index
      %parallel_loop3A_890 = arith.index_cast %parallel_loop3A_686 : i32 to index
      %parallel_loop3A_891 = arith.index_cast %parallel_loop3A_871 : i32 to index
      %parallel_loop3A_892 = tpu.vector_load %arg11[%parallel_loop3A_889, %parallel_loop3A_890, %parallel_loop3A_891] {strides = array<i32>} : memref<2x8x1024xi32, #tpu.memory_space<vmem>>, vector<1x1x16xi32>,
      %parallel_loop3A_893 = vector.shape_cast %parallel_loop3A_892 : vector<1x1x16xi32> to vector<16xi32>
      %parallel_loop3A_894 = arith.constant 0 : i32
      %parallel_loop3A_895 = vector.broadcast %parallel_loop3A_894 : i32 to vector<16xi32>
      %parallel_loop3A_896 = arith.cmpi slt, %parallel_loop3A_893, %parallel_loop3A_895 : vector<16xi32>
      %parallel_loop3A_897 = arith.constant 16 : i32
      %parallel_loop3A_898 = vector.broadcast %parallel_loop3A_897 : i32 to vector<16xi32>
      %parallel_loop3A_899 = arith.addi %parallel_loop3A_893, %parallel_loop3A_898 : vector<16xi32>
      %parallel_loop3A_900 = arith.select %parallel_loop3A_896, %parallel_loop3A_899, %parallel_loop3A_893 : vector<16xi1>, vector<16xi32>
      %parallel_loop3A_901 = vector.shape_cast %parallel_loop3A_900 : vector<16xi32> to vector<16x1xi32>
      %parallel_loop3A_902 = vector.shape_cast %parallel_loop3A_901 : vector<16x1xi32> to vector<16xi32>
      %parallel_loop3A_903 = tpu.dynamic_gather %get3A_532[%parallel_loop3A_902] in [0] : vector<16xf32>, vector<16xi32> -> vector<16xf32>
      %parallel_loop3A_904 = arith.constant 0 : i32
      %parallel_loop3A_905 = arith.index_cast %parallel_loop3A_904 : i32 to index
      %parallel_loop3A_906 = arith.index_cast %parallel_loop3A_686 : i32 to index
      %parallel_loop3A_907 = arith.index_cast %parallel_loop3A_871 : i32 to index
      %parallel_loop3A_908 = tpu.vector_load %arg10[%parallel_loop3A_905, %parallel_loop3A_906, %parallel_loop3A_907] {strides = array<i32>} : memref<2x8x1024xf32, #tpu.memory_space<vmem>>, vector<1x1x16xf32>,
      %parallel_loop3A_909 = vector.shape_cast %parallel_loop3A_908 : vector<1x1x16xf32> to vector<16xf32>
      %parallel_loop3A_910 = arith.addf %parallel_loop3A_909, %parallel_loop3A_903 : vector<16xf32>
      %parallel_loop3A_911 = arith.constant 0 : i32
      %parallel_loop3A_912 = arith.index_cast %parallel_loop3A_911 : i32 to index
      %parallel_loop3A_913 = arith.index_cast %parallel_loop3A_686 : i32 to index
      %parallel_loop3A_914 = arith.index_cast %parallel_loop3A_871 : i32 to index
      %parallel_loop3A_915 = tpu.vector_load %arg9[%parallel_loop3A_912, %parallel_loop3A_913, %parallel_loop3A_914] {strides = array<i32>} : memref<2x8x1024xf32, #tpu.memory_space<vmem>>, vector<1x1x16xf32>,
      %parallel_loop3A_916 = vector.shape_cast %parallel_loop3A_915 : vector<1x1x16xf32> to vector<16xf32>
      %parallel_loop3A_917 = arith.select %parallel_loop3A_887, %parallel_loop3A_910, %parallel_loop3A_916 : vector<16xi1>, vector<16xf32>
      %parallel_loop3A_918 = arith.constant 0 : i32
      %parallel_loop3A_919 = arith.index_cast %parallel_loop3A_918 : i32 to index
      %parallel_loop3A_920 = arith.index_cast %parallel_loop3A_686 : i32 to index
      %parallel_loop3A_921 = arith.index_cast %parallel_loop3A_871 : i32 to index
      %parallel_loop3A_922 = tpu.vector_load %arg14[%parallel_loop3A_919, %parallel_loop3A_920, %parallel_loop3A_921] {strides = array<i32>} : memref<2x8x1024xf32, #tpu.memory_space<vmem>>, vector<1x1x16xf32>,
      %parallel_loop3A_923 = vector.shape_cast %parallel_loop3A_922 : vector<1x1x16xf32> to vector<16xf32>
      %parallel_loop3A_924 = vector.shape_cast %parallel_loop3A_917 : vector<16xf32> to vector<1x1x16xf32>
      tpu.vector_store %arg14[%parallel_loop3A_919, %parallel_loop3A_920, %parallel_loop3A_921], %parallel_loop3A_924 {strides = array<i32>} : memref<2x8x1024xf32, #tpu.memory_space<vmem>>, vector<1x1x16xf32>,
    } {sc.loop_unroll_factor = 2 : i64, sc.parallel_access}
    %add3A_536 = arith.constant 496 : i32
    %add3A_537 = arith.addi %mul3A_2, %add3A_536 : i32
    %dma_start3A_538 = arith.constant 0 : i32
    %dma_start3A_539 = arith.constant 0 : i32
    %dma_start3A_540 = arith.constant 0 : i32
    %dma_start3A_541 = tpu.memref_slice %arg14[%dma_start3A_538, %dma_start3A_539, %dma_start3A_540] : memref<2x8x1024xf32, #tpu.memory_space<vmem>> -> memref<1x8x1024xf32, #tpu.memory_space<vmem>>
    %dma_start3A_542 = tpu.memref_squeeze %dma_start3A_541 : memref<1x8x1024xf32, #tpu.memory_space<vmem>> -> memref<8x1024xf32, #tpu.memory_space<vmem>>
    %dma_start3A_543 = arith.constant 0 : i32
    %dma_start3A_544 = tpu.memref_slice %arg8[%add3A_537, %dma_start3A_543] : memref<16384x1024xf32, #tpu.memory_space<hbm>> -> memref<8x1024xf32, #tpu.memory_space<hbm>>
    %dma_start3A_545 = arith.constant 0 : i32
    %dma_start3A_546 = tpu.memref_slice %arg8[%add3A_537, %dma_start3A_545] : memref<16384x1024xf32, #tpu.memory_space<hbm>> -> memref<8x1024xf32, #tpu.memory_space<hbm>>
    %dma_start3A_547 = arith.constant 0 : i32
    %dma_start3A_548 = arith.constant 0 : i32
    %dma_start3A_549 = tpu.memref_slice %arg14[%dma_start3A_538, %dma_start3A_547, %dma_start3A_548] : memref<2x8x1024xf32, #tpu.memory_space<vmem>> -> memref<1x8x1024xf32, #tpu.memory_space<vmem>>
    %dma_start3A_550 = tpu.memref_squeeze %dma_start3A_549 : memref<1x8x1024xf32, #tpu.memory_space<vmem>> -> memref<8x1024xf32, #tpu.memory_space<vmem>>
    tpu.enqueue_dma source(%dma_start3A_550 : memref<8x1024xf32, #tpu.memory_space<vmem>>) target(%dma_start3A_546 : memref<8x1024xf32, #tpu.memory_space<hbm>>) target_semaphore(%arg18 : memref<!tpu.dma_semaphore, #tpu.memory_space<semaphore_mem>>)
    %add3A_551 = arith.constant 488 : i32
    %add3A_552 = arith.addi %mul3A_2, %add3A_551 : i32
    %dma_wait3A_553 = arith.constant 1 : i32
    %dma_wait3A_554 = arith.constant 0 : i32
    %dma_wait3A_555 = arith.constant 0 : i32
    %dma_wait3A_556 = tpu.memref_slice %arg14[%dma_wait3A_553, %dma_wait3A_554, %dma_wait3A_555] : memref<2x8x1024xf32, #tpu.memory_space<vmem>> -> memref<1x8x1024xf32, #tpu.memory_space<vmem>>
    %dma_wait3A_557 = tpu.memref_squeeze %dma_wait3A_556 : memref<1x8x1024xf32, #tpu.memory_space<vmem>> -> memref<8x1024xf32, #tpu.memory_space<vmem>>
    %dma_wait3A_558 = arith.constant 0 : i32
    %dma_wait3A_559 = tpu.memref_slice %arg8[%add3A_552, %dma_wait3A_558] : memref<16384x1024xf32, #tpu.memory_space<hbm>> -> memref<8x1024xf32, #tpu.memory_space<hbm>>
    %dma_wait3A_560 = arith.constant 0 : i32
    %dma_wait3A_561 = tpu.memref_slice %arg8[%add3A_552, %dma_wait3A_560] : memref<16384x1024xf32, #tpu.memory_space<hbm>> -> memref<8x1024xf32, #tpu.memory_space<hbm>>
    %dma_wait3A_562 = arith.constant 0 : i32
    %dma_wait3A_563 = arith.constant 0 : i32
    %dma_wait3A_564 = tpu.memref_slice %arg14[%dma_wait3A_553, %dma_wait3A_562, %dma_wait3A_563] : memref<2x8x1024xf32, #tpu.memory_space<vmem>> -> memref<1x8x1024xf32, #tpu.memory_space<vmem>>
    %dma_wait3A_565 = tpu.memref_squeeze %dma_wait3A_564 : memref<1x8x1024xf32, #tpu.memory_space<vmem>> -> memref<8x1024xf32, #tpu.memory_space<vmem>>
    tpu.wait_dma2 semaphore(%arg19 : memref<!tpu.dma_semaphore, #tpu.memory_space<semaphore_mem>>) src(%dma_wait3A_565 : memref<8x1024xf32, #tpu.memory_space<vmem>>) dst(%dma_wait3A_561 : memref<8x1024xf32, #tpu.memory_space<hbm>>)
    %add3A_566 = arith.constant 504 : i32
    %add3A_567 = arith.addi %mul3A_2, %add3A_566 : i32
    %dma_wait3A_568 = arith.constant 1 : i32
    %dma_wait3A_569 = arith.constant 0 : i32
    %dma_wait3A_570 = arith.constant 0 : i32
    %dma_wait3A_571 = tpu.memref_slice %arg9[%dma_wait3A_568, %dma_wait3A_569, %dma_wait3A_570] : memref<2x8x1024xf32, #tpu.memory_space<vmem>> -> memref<1x8x1024xf32, #tpu.memory_space<vmem>>
    %dma_wait3A_572 = tpu.memref_squeeze %dma_wait3A_571 : memref<1x8x1024xf32, #tpu.memory_space<vmem>> -> memref<8x1024xf32, #tpu.memory_space<vmem>>
    %dma_wait3A_573 = arith.constant 0 : i32
    %dma_wait3A_574 = tpu.memref_slice %arg2[%add3A_567, %dma_wait3A_573] : memref<16384x1024xf32, #tpu.memory_space<hbm>> -> memref<8x1024xf32, #tpu.memory_space<hbm>>
    %dma_wait3A_575 = arith.constant 0 : i32
    %dma_wait3A_576 = arith.constant 0 : i32
    %dma_wait3A_577 = tpu.memref_slice %arg9[%dma_wait3A_568, %dma_wait3A_575, %dma_wait3A_576] : memref<2x8x1024xf32, #tpu.memory_space<vmem>> -> memref<1x8x1024xf32, #tpu.memory_space<vmem>>
    %dma_wait3A_578 = tpu.memref_squeeze %dma_wait3A_577 : memref<1x8x1024xf32, #tpu.memory_space<vmem>> -> memref<8x1024xf32, #tpu.memory_space<vmem>>
    %dma_wait3A_579 = arith.constant 0 : i32
    %dma_wait3A_580 = tpu.memref_slice %arg2[%add3A_567, %dma_wait3A_579] : memref<16384x1024xf32, #tpu.memory_space<hbm>> -> memref<8x1024xf32, #tpu.memory_space<hbm>>
    tpu.wait_dma2 semaphore(%arg17 : memref<!tpu.dma_semaphore, #tpu.memory_space<semaphore_mem>>) src(%dma_wait3A_580 : memref<8x1024xf32, #tpu.memory_space<hbm>>) dst(%dma_wait3A_578 : memref<8x1024xf32, #tpu.memory_space<vmem>>)
    %dma_wait3A_581 = arith.constant 1 : i32
    %dma_wait3A_582 = arith.constant 0 : i32
    %dma_wait3A_583 = arith.constant 0 : i32
    %dma_wait3A_584 = tpu.memref_slice %arg10[%dma_wait3A_581, %dma_wait3A_582, %dma_wait3A_583] : memref<2x8x1024xf32, #tpu.memory_space<vmem>> -> memref<1x8x1024xf32, #tpu.memory_space<vmem>>
    %dma_wait3A_585 = tpu.memref_squeeze %dma_wait3A_584 : memref<1x8x1024xf32, #tpu.memory_space<vmem>> -> memref<8x1024xf32, #tpu.memory_space<vmem>>
    %dma_wait3A_586 = arith.constant 0 : i32
    %dma_wait3A_587 = tpu.memref_slice %arg3[%add3A_567, %dma_wait3A_586] : memref<16384x1024xf32, #tpu.memory_space<hbm>> -> memref<8x1024xf32, #tpu.memory_space<hbm>>
    %dma_wait3A_588 = arith.constant 0 : i32
    %dma_wait3A_589 = arith.constant 0 : i32
    %dma_wait3A_590 = tpu.memref_slice %arg10[%dma_wait3A_581, %dma_wait3A_588, %dma_wait3A_589] : memref<2x8x1024xf32, #tpu.memory_space<vmem>> -> memref<1x8x1024xf32, #tpu.memory_space<vmem>>
    %dma_wait3A_591 = tpu.memref_squeeze %dma_wait3A_590 : memref<1x8x1024xf32, #tpu.memory_space<vmem>> -> memref<8x1024xf32, #tpu.memory_space<vmem>>
    %dma_wait3A_592 = arith.constant 0 : i32
    %dma_wait3A_593 = tpu.memref_slice %arg3[%add3A_567, %dma_wait3A_592] : memref<16384x1024xf32, #tpu.memory_space<hbm>> -> memref<8x1024xf32, #tpu.memory_space<hbm>>
    tpu.wait_dma2 semaphore(%arg17 : memref<!tpu.dma_semaphore, #tpu.memory_space<semaphore_mem>>) src(%dma_wait3A_593 : memref<8x1024xf32, #tpu.memory_space<hbm>>) dst(%dma_wait3A_591 : memref<8x1024xf32, #tpu.memory_space<vmem>>)
    %dma_wait3A_594 = arith.constant 1 : i32
    %dma_wait3A_595 = arith.constant 0 : i32
    %dma_wait3A_596 = arith.constant 0 : i32
    %dma_wait3A_597 = tpu.memref_slice %arg11[%dma_wait3A_594, %dma_wait3A_595, %dma_wait3A_596] : memref<2x8x1024xi32, #tpu.memory_space<vmem>> -> memref<1x8x1024xi32, #tpu.memory_space<vmem>>
    %dma_wait3A_598 = tpu.memref_squeeze %dma_wait3A_597 : memref<1x8x1024xi32, #tpu.memory_space<vmem>> -> memref<8x1024xi32, #tpu.memory_space<vmem>>
    %dma_wait3A_599 = arith.constant 0 : i32
    %dma_wait3A_600 = tpu.memref_slice %arg4[%add3A_567, %dma_wait3A_599] : memref<16384x1024xi32, #tpu.memory_space<hbm>> -> memref<8x1024xi32, #tpu.memory_space<hbm>>
    %dma_wait3A_601 = arith.constant 0 : i32
    %dma_wait3A_602 = arith.constant 0 : i32
    %dma_wait3A_603 = tpu.memref_slice %arg11[%dma_wait3A_594, %dma_wait3A_601, %dma_wait3A_602] : memref<2x8x1024xi32, #tpu.memory_space<vmem>> -> memref<1x8x1024xi32, #tpu.memory_space<vmem>>
    %dma_wait3A_604 = tpu.memref_squeeze %dma_wait3A_603 : memref<1x8x1024xi32, #tpu.memory_space<vmem>> -> memref<8x1024xi32, #tpu.memory_space<vmem>>
    %dma_wait3A_605 = arith.constant 0 : i32
    %dma_wait3A_606 = tpu.memref_slice %arg4[%add3A_567, %dma_wait3A_605] : memref<16384x1024xi32, #tpu.memory_space<hbm>> -> memref<8x1024xi32, #tpu.memory_space<hbm>>
    tpu.wait_dma2 semaphore(%arg17 : memref<!tpu.dma_semaphore, #tpu.memory_space<semaphore_mem>>) src(%dma_wait3A_606 : memref<8x1024xi32, #tpu.memory_space<hbm>>) dst(%dma_wait3A_604 : memref<8x1024xi32, #tpu.memory_space<vmem>>)
    %dma_wait3A_607 = arith.constant 1 : i32
    %dma_wait3A_608 = arith.constant 0 : i32
    %dma_wait3A_609 = arith.constant 0 : i32
    %dma_wait3A_610 = tpu.memref_slice %arg13[%dma_wait3A_607, %dma_wait3A_608, %dma_wait3A_609] : memref<2x8x1024xf32, #tpu.memory_space<vmem>> -> memref<1x8x1024xf32, #tpu.memory_space<vmem>>
    %dma_wait3A_611 = tpu.memref_squeeze %dma_wait3A_610 : memref<1x8x1024xf32, #tpu.memory_space<vmem>> -> memref<8x1024xf32, #tpu.memory_space<vmem>>
    %dma_wait3A_612 = arith.constant 0 : i32
    %dma_wait3A_613 = tpu.memref_slice %arg6[%add3A_567, %dma_wait3A_612] : memref<16384x1024xf32, #tpu.memory_space<hbm>> -> memref<8x1024xf32, #tpu.memory_space<hbm>>
    %dma_wait3A_614 = arith.constant 0 : i32
    %dma_wait3A_615 = arith.constant 0 : i32
    %dma_wait3A_616 = tpu.memref_slice %arg13[%dma_wait3A_607, %dma_wait3A_614, %dma_wait3A_615] : memref<2x8x1024xf32, #tpu.memory_space<vmem>> -> memref<1x8x1024xf32, #tpu.memory_space<vmem>>
    %dma_wait3A_617 = tpu.memref_squeeze %dma_wait3A_616 : memref<1x8x1024xf32, #tpu.memory_space<vmem>> -> memref<8x1024xf32, #tpu.memory_space<vmem>>
    %dma_wait3A_618 = arith.constant 0 : i32
    %dma_wait3A_619 = tpu.memref_slice %arg6[%add3A_567, %dma_wait3A_618] : memref<16384x1024xf32, #tpu.memory_space<hbm>> -> memref<8x1024xf32, #tpu.memory_space<hbm>>
    tpu.wait_dma2 semaphore(%arg17 : memref<!tpu.dma_semaphore, #tpu.memory_space<semaphore_mem>>) src(%dma_wait3A_619 : memref<8x1024xf32, #tpu.memory_space<hbm>>) dst(%dma_wait3A_617 : memref<8x1024xf32, #tpu.memory_space<vmem>>)
    %dma_wait3A_620 = arith.constant 1 : i32
    %dma_wait3A_621 = arith.constant 0 : i32
    %dma_wait3A_622 = arith.constant 0 : i32
    %dma_wait3A_623 = tpu.memref_slice %arg12[%dma_wait3A_620, %dma_wait3A_621, %dma_wait3A_622] : memref<2x8x256xi32, #tpu.memory_space<vmem>> -> memref<1x8x256xi32, #tpu.memory_space<vmem>>
    %dma_wait3A_624 = tpu.memref_squeeze %dma_wait3A_623 : memref<1x8x256xi32, #tpu.memory_space<vmem>> -> memref<8x256xi32, #tpu.memory_space<vmem>>
    %dma_wait3A_625 = arith.constant 0 : i32
    %dma_wait3A_626 = tpu.memref_slice %arg5[%add3A_567, %dma_wait3A_625] : memref<16384x256xi32, #tpu.memory_space<hbm>> -> memref<8x256xi32, #tpu.memory_space<hbm>>
    %dma_wait3A_627 = arith.constant 0 : i32
    %dma_wait3A_628 = arith.constant 0 : i32
    %dma_wait3A_629 = tpu.memref_slice %arg12[%dma_wait3A_620, %dma_wait3A_627, %dma_wait3A_628] : memref<2x8x256xi32, #tpu.memory_space<vmem>> -> memref<1x8x256xi32, #tpu.memory_space<vmem>>
    %dma_wait3A_630 = tpu.memref_squeeze %dma_wait3A_629 : memref<1x8x256xi32, #tpu.memory_space<vmem>> -> memref<8x256xi32, #tpu.memory_space<vmem>>
    %dma_wait3A_631 = arith.constant 0 : i32
    %dma_wait3A_632 = tpu.memref_slice %arg5[%add3A_567, %dma_wait3A_631] : memref<16384x256xi32, #tpu.memory_space<hbm>> -> memref<8x256xi32, #tpu.memory_space<hbm>>
    tpu.wait_dma2 semaphore(%arg17 : memref<!tpu.dma_semaphore, #tpu.memory_space<semaphore_mem>>) src(%dma_wait3A_632 : memref<8x256xi32, #tpu.memory_space<hbm>>) dst(%dma_wait3A_630 : memref<8x256xi32, #tpu.memory_space<vmem>>)
    %get3A_633 = arith.constant 0 : index
    %get3A_634 = tpu.vector_load %arg15[%get3A_633] {strides = array<i32>} : memref<16xf32, #tpu.memory_space<vmem>>, vector<16xf32>,
    %get3A_635 = vector.shape_cast %get3A_634 : vector<16xf32> to vector<16xf32>
    %parallel_loop3A_636 = arith.constant 0 : i32
    %parallel_loop3A_637 = arith.constant 128 : i32
    %parallel_loop3A_638 = arith.constant 1 : i32
    scf.for %parallel_loop3A_684 = %parallel_loop3A_636 to %parallel_loop3A_637 step %parallel_loop3A_638  : i32 {
      %parallel_loop3A_685 = arith.constant 4 : i32
      %parallel_loop3A_686 = arith.shrsi %parallel_loop3A_684, %parallel_loop3A_685 : i32
      %parallel_loop3A_687 = arith.constant 15 : i32
      %parallel_loop3A_688 = arith.andi %parallel_loop3A_684, %parallel_loop3A_687 : i32
      %parallel_loop3A_689 = arith.constant 16 : i32
      %parallel_loop3A_690 = arith.muli %parallel_loop3A_688, %parallel_loop3A_689 : i32
      %parallel_loop3A_691 = arith.constant 1 : i32
      %parallel_loop3A_692 = arith.index_cast %parallel_loop3A_691 : i32 to index
      %parallel_loop3A_693 = arith.index_cast %parallel_loop3A_686 : i32 to index
      %parallel_loop3A_694 = arith.index_cast %parallel_loop3A_690 : i32 to index
      %parallel_loop3A_695 = tpu.vector_load %arg12[%parallel_loop3A_692, %parallel_loop3A_693, %parallel_loop3A_694] {strides = array<i32>} : memref<2x8x256xi32, #tpu.memory_space<vmem>>, vector<1x1x16xi32>,
      %parallel_loop3A_696 = vector.shape_cast %parallel_loop3A_695 : vector<1x1x16xi32> to vector<16xi32>
      %parallel_loop3A_697 = arith.constant 16 : i32
      %parallel_loop3A_698 = arith.muli %parallel_loop3A_688, %parallel_loop3A_697 : i32
      %parallel_loop3A_699 = arith.constant 0 : i32
      %parallel_loop3A_700 = arith.addi %parallel_loop3A_699, %parallel_loop3A_698 : i32
      %parallel_loop3A_701 = arith.constant 1 : i32
      %parallel_loop3A_702 = vector.broadcast %parallel_loop3A_701 : i32 to vector<16xi32>
      %parallel_loop3A_703 = arith.andi %parallel_loop3A_696, %parallel_loop3A_702 : vector<16xi32>
      %parallel_loop3A_704 = arith.constant 1 : i32
      %parallel_loop3A_705 = arith.index_cast %parallel_loop3A_704 : i32 to index
      %parallel_loop3A_706 = arith.index_cast %parallel_loop3A_686 : i32 to index
      %parallel_loop3A_707 = arith.index_cast %parallel_loop3A_700 : i32 to index
      %parallel_loop3A_708 = tpu.vector_load %arg13[%parallel_loop3A_705, %parallel_loop3A_706, %parallel_loop3A_707] {strides = array<i32>} : memref<2x8x1024xf32, #tpu.memory_space<vmem>>, vector<1x1x16xf32>,
      %parallel_loop3A_709 = vector.shape_cast %parallel_loop3A_708 : vector<1x1x16xf32> to vector<16xf32>
      %parallel_loop3A_710 = arith.constant 0 : i32
      %parallel_loop3A_711 = vector.broadcast %parallel_loop3A_710 : i32 to vector<16xi32>
      %parallel_loop3A_712 = arith.cmpi ne, %parallel_loop3A_703, %parallel_loop3A_711 : vector<16xi32>
      %parallel_loop3A_713 = arith.constant 5.000000e-01 : f32
      %parallel_loop3A_714 = vector.broadcast %parallel_loop3A_713 : f32 to vector<16xf32>
      %parallel_loop3A_715 = arith.cmpf olt, %parallel_loop3A_709, %parallel_loop3A_714 : vector<16xf32>
      %parallel_loop3A_716 = arith.andi %parallel_loop3A_712, %parallel_loop3A_715 : vector<16xi1>
      %parallel_loop3A_717 = arith.constant 1 : i32
      %parallel_loop3A_718 = arith.index_cast %parallel_loop3A_717 : i32 to index
      %parallel_loop3A_719 = arith.index_cast %parallel_loop3A_686 : i32 to index
      %parallel_loop3A_720 = arith.index_cast %parallel_loop3A_700 : i32 to index
      %parallel_loop3A_721 = tpu.vector_load %arg11[%parallel_loop3A_718, %parallel_loop3A_719, %parallel_loop3A_720] {strides = array<i32>} : memref<2x8x1024xi32, #tpu.memory_space<vmem>>, vector<1x1x16xi32>,
      %parallel_loop3A_722 = vector.shape_cast %parallel_loop3A_721 : vector<1x1x16xi32> to vector<16xi32>
      %parallel_loop3A_723 = arith.constant 0 : i32
      %parallel_loop3A_724 = vector.broadcast %parallel_loop3A_723 : i32 to vector<16xi32>
      %parallel_loop3A_725 = arith.cmpi slt, %parallel_loop3A_722, %parallel_loop3A_724 : vector<16xi32>
      %parallel_loop3A_726 = arith.constant 16 : i32
      %parallel_loop3A_727 = vector.broadcast %parallel_loop3A_726 : i32 to vector<16xi32>
      %parallel_loop3A_728 = arith.addi %parallel_loop3A_722, %parallel_loop3A_727 : vector<16xi32>
      %parallel_loop3A_729 = arith.select %parallel_loop3A_725, %parallel_loop3A_728, %parallel_loop3A_722 : vector<16xi1>, vector<16xi32>
      %parallel_loop3A_730 = vector.shape_cast %parallel_loop3A_729 : vector<16xi32> to vector<16x1xi32>
      %parallel_loop3A_731 = vector.shape_cast %parallel_loop3A_730 : vector<16x1xi32> to vector<16xi32>
      %parallel_loop3A_732 = tpu.dynamic_gather %get3A_635[%parallel_loop3A_731] in [0] : vector<16xf32>, vector<16xi32> -> vector<16xf32>
      %parallel_loop3A_733 = arith.constant 1 : i32
      %parallel_loop3A_734 = arith.index_cast %parallel_loop3A_733 : i32 to index
      %parallel_loop3A_735 = arith.index_cast %parallel_loop3A_686 : i32 to index
      %parallel_loop3A_736 = arith.index_cast %parallel_loop3A_700 : i32 to index
      %parallel_loop3A_737 = tpu.vector_load %arg10[%parallel_loop3A_734, %parallel_loop3A_735, %parallel_loop3A_736] {strides = array<i32>} : memref<2x8x1024xf32, #tpu.memory_space<vmem>>, vector<1x1x16xf32>,
      %parallel_loop3A_738 = vector.shape_cast %parallel_loop3A_737 : vector<1x1x16xf32> to vector<16xf32>
      %parallel_loop3A_739 = arith.addf %parallel_loop3A_738, %parallel_loop3A_732 : vector<16xf32>
      %parallel_loop3A_740 = arith.constant 1 : i32
      %parallel_loop3A_741 = arith.index_cast %parallel_loop3A_740 : i32 to index
      %parallel_loop3A_742 = arith.index_cast %parallel_loop3A_686 : i32 to index
      %parallel_loop3A_743 = arith.index_cast %parallel_loop3A_700 : i32 to index
      %parallel_loop3A_744 = tpu.vector_load %arg9[%parallel_loop3A_741, %parallel_loop3A_742, %parallel_loop3A_743] {strides = array<i32>} : memref<2x8x1024xf32, #tpu.memory_space<vmem>>, vector<1x1x16xf32>,
      %parallel_loop3A_745 = vector.shape_cast %parallel_loop3A_744 : vector<1x1x16xf32> to vector<16xf32>
      %parallel_loop3A_746 = arith.select %parallel_loop3A_716, %parallel_loop3A_739, %parallel_loop3A_745 : vector<16xi1>, vector<16xf32>
      %parallel_loop3A_747 = arith.constant 1 : i32
      %parallel_loop3A_748 = arith.index_cast %parallel_loop3A_747 : i32 to index
      %parallel_loop3A_749 = arith.index_cast %parallel_loop3A_686 : i32 to index
      %parallel_loop3A_750 = arith.index_cast %parallel_loop3A_700 : i32 to index
      %parallel_loop3A_751 = tpu.vector_load %arg14[%parallel_loop3A_748, %parallel_loop3A_749, %parallel_loop3A_750] {strides = array<i32>} : memref<2x8x1024xf32, #tpu.memory_space<vmem>>, vector<1x1x16xf32>,
      %parallel_loop3A_752 = vector.shape_cast %parallel_loop3A_751 : vector<1x1x16xf32> to vector<16xf32>
      %parallel_loop3A_753 = vector.shape_cast %parallel_loop3A_746 : vector<16xf32> to vector<1x1x16xf32>
      tpu.vector_store %arg14[%parallel_loop3A_748, %parallel_loop3A_749, %parallel_loop3A_750], %parallel_loop3A_753 {strides = array<i32>} : memref<2x8x1024xf32, #tpu.memory_space<vmem>>, vector<1x1x16xf32>,
      %parallel_loop3A_754 = arith.constant 16 : i32
      %parallel_loop3A_755 = arith.muli %parallel_loop3A_688, %parallel_loop3A_754 : i32
      %parallel_loop3A_756 = arith.constant 256 : i32
      %parallel_loop3A_757 = arith.addi %parallel_loop3A_756, %parallel_loop3A_755 : i32
      %parallel_loop3A_758 = arith.constant 256 : i32
      %parallel_loop3A_759 = vector.broadcast %parallel_loop3A_758 : i32 to vector<16xi32>
      %parallel_loop3A_760 = arith.andi %parallel_loop3A_696, %parallel_loop3A_759 : vector<16xi32>
      %parallel_loop3A_761 = arith.constant 1 : i32
      %parallel_loop3A_762 = arith.index_cast %parallel_loop3A_761 : i32 to index
      %parallel_loop3A_763 = arith.index_cast %parallel_loop3A_686 : i32 to index
      %parallel_loop3A_764 = arith.index_cast %parallel_loop3A_757 : i32 to index
      %parallel_loop3A_765 = tpu.vector_load %arg13[%parallel_loop3A_762, %parallel_loop3A_763, %parallel_loop3A_764] {strides = array<i32>} : memref<2x8x1024xf32, #tpu.memory_space<vmem>>, vector<1x1x16xf32>,
      %parallel_loop3A_766 = vector.shape_cast %parallel_loop3A_765 : vector<1x1x16xf32> to vector<16xf32>
      %parallel_loop3A_767 = arith.constant 0 : i32
      %parallel_loop3A_768 = vector.broadcast %parallel_loop3A_767 : i32 to vector<16xi32>
      %parallel_loop3A_769 = arith.cmpi ne, %parallel_loop3A_760, %parallel_loop3A_768 : vector<16xi32>
      %parallel_loop3A_770 = arith.constant 5.000000e-01 : f32
      %parallel_loop3A_771 = vector.broadcast %parallel_loop3A_770 : f32 to vector<16xf32>
      %parallel_loop3A_772 = arith.cmpf olt, %parallel_loop3A_766, %parallel_loop3A_771 : vector<16xf32>
      %parallel_loop3A_773 = arith.andi %parallel_loop3A_769, %parallel_loop3A_772 : vector<16xi1>
      %parallel_loop3A_774 = arith.constant 1 : i32
      %parallel_loop3A_775 = arith.index_cast %parallel_loop3A_774 : i32 to index
      %parallel_loop3A_776 = arith.index_cast %parallel_loop3A_686 : i32 to index
      %parallel_loop3A_777 = arith.index_cast %parallel_loop3A_757 : i32 to index
      %parallel_loop3A_778 = tpu.vector_load %arg11[%parallel_loop3A_775, %parallel_loop3A_776, %parallel_loop3A_777] {strides = array<i32>} : memref<2x8x1024xi32, #tpu.memory_space<vmem>>, vector<1x1x16xi32>,
      %parallel_loop3A_779 = vector.shape_cast %parallel_loop3A_778 : vector<1x1x16xi32> to vector<16xi32>
      %parallel_loop3A_780 = arith.constant 0 : i32
      %parallel_loop3A_781 = vector.broadcast %parallel_loop3A_780 : i32 to vector<16xi32>
      %parallel_loop3A_782 = arith.cmpi slt, %parallel_loop3A_779, %parallel_loop3A_781 : vector<16xi32>
      %parallel_loop3A_783 = arith.constant 16 : i32
      %parallel_loop3A_784 = vector.broadcast %parallel_loop3A_783 : i32 to vector<16xi32>
      %parallel_loop3A_785 = arith.addi %parallel_loop3A_779, %parallel_loop3A_784 : vector<16xi32>
      %parallel_loop3A_786 = arith.select %parallel_loop3A_782, %parallel_loop3A_785, %parallel_loop3A_779 : vector<16xi1>, vector<16xi32>
      %parallel_loop3A_787 = vector.shape_cast %parallel_loop3A_786 : vector<16xi32> to vector<16x1xi32>
      %parallel_loop3A_788 = vector.shape_cast %parallel_loop3A_787 : vector<16x1xi32> to vector<16xi32>
      %parallel_loop3A_789 = tpu.dynamic_gather %get3A_635[%parallel_loop3A_788] in [0] : vector<16xf32>, vector<16xi32> -> vector<16xf32>
      %parallel_loop3A_790 = arith.constant 1 : i32
      %parallel_loop3A_791 = arith.index_cast %parallel_loop3A_790 : i32 to index
      %parallel_loop3A_792 = arith.index_cast %parallel_loop3A_686 : i32 to index
      %parallel_loop3A_793 = arith.index_cast %parallel_loop3A_757 : i32 to index
      %parallel_loop3A_794 = tpu.vector_load %arg10[%parallel_loop3A_791, %parallel_loop3A_792, %parallel_loop3A_793] {strides = array<i32>} : memref<2x8x1024xf32, #tpu.memory_space<vmem>>, vector<1x1x16xf32>,
      %parallel_loop3A_795 = vector.shape_cast %parallel_loop3A_794 : vector<1x1x16xf32> to vector<16xf32>
      %parallel_loop3A_796 = arith.addf %parallel_loop3A_795, %parallel_loop3A_789 : vector<16xf32>
      %parallel_loop3A_797 = arith.constant 1 : i32
      %parallel_loop3A_798 = arith.index_cast %parallel_loop3A_797 : i32 to index
      %parallel_loop3A_799 = arith.index_cast %parallel_loop3A_686 : i32 to index
      %parallel_loop3A_800 = arith.index_cast %parallel_loop3A_757 : i32 to index
      %parallel_loop3A_801 = tpu.vector_load %arg9[%parallel_loop3A_798, %parallel_loop3A_799, %parallel_loop3A_800] {strides = array<i32>} : memref<2x8x1024xf32, #tpu.memory_space<vmem>>, vector<1x1x16xf32>,
      %parallel_loop3A_802 = vector.shape_cast %parallel_loop3A_801 : vector<1x1x16xf32> to vector<16xf32>
      %parallel_loop3A_803 = arith.select %parallel_loop3A_773, %parallel_loop3A_796, %parallel_loop3A_802 : vector<16xi1>, vector<16xf32>
      %parallel_loop3A_804 = arith.constant 1 : i32
      %parallel_loop3A_805 = arith.index_cast %parallel_loop3A_804 : i32 to index
      %parallel_loop3A_806 = arith.index_cast %parallel_loop3A_686 : i32 to index
      %parallel_loop3A_807 = arith.index_cast %parallel_loop3A_757 : i32 to index
      %parallel_loop3A_808 = tpu.vector_load %arg14[%parallel_loop3A_805, %parallel_loop3A_806, %parallel_loop3A_807] {strides = array<i32>} : memref<2x8x1024xf32, #tpu.memory_space<vmem>>, vector<1x1x16xf32>,
      %parallel_loop3A_809 = vector.shape_cast %parallel_loop3A_808 : vector<1x1x16xf32> to vector<16xf32>
      %parallel_loop3A_810 = vector.shape_cast %parallel_loop3A_803 : vector<16xf32> to vector<1x1x16xf32>
      tpu.vector_store %arg14[%parallel_loop3A_805, %parallel_loop3A_806, %parallel_loop3A_807], %parallel_loop3A_810 {strides = array<i32>} : memref<2x8x1024xf32, #tpu.memory_space<vmem>>, vector<1x1x16xf32>,
      %parallel_loop3A_811 = arith.constant 16 : i32
      %parallel_loop3A_812 = arith.muli %parallel_loop3A_688, %parallel_loop3A_811 : i32
      %parallel_loop3A_813 = arith.constant 512 : i32
      %parallel_loop3A_814 = arith.addi %parallel_loop3A_813, %parallel_loop3A_812 : i32
      %parallel_loop3A_815 = arith.constant 65536 : i32
      %parallel_loop3A_816 = vector.broadcast %parallel_loop3A_815 : i32 to vector<16xi32>
      %parallel_loop3A_817 = arith.andi %parallel_loop3A_696, %parallel_loop3A_816 : vector<16xi32>
      %parallel_loop3A_818 = arith.constant 1 : i32
      %parallel_loop3A_819 = arith.index_cast %parallel_loop3A_818 : i32 to index
      %parallel_loop3A_820 = arith.index_cast %parallel_loop3A_686 : i32 to index
      %parallel_loop3A_821 = arith.index_cast %parallel_loop3A_814 : i32 to index
      %parallel_loop3A_822 = tpu.vector_load %arg13[%parallel_loop3A_819, %parallel_loop3A_820, %parallel_loop3A_821] {strides = array<i32>} : memref<2x8x1024xf32, #tpu.memory_space<vmem>>, vector<1x1x16xf32>,
      %parallel_loop3A_823 = vector.shape_cast %parallel_loop3A_822 : vector<1x1x16xf32> to vector<16xf32>
      %parallel_loop3A_824 = arith.constant 0 : i32
      %parallel_loop3A_825 = vector.broadcast %parallel_loop3A_824 : i32 to vector<16xi32>
      %parallel_loop3A_826 = arith.cmpi ne, %parallel_loop3A_817, %parallel_loop3A_825 : vector<16xi32>
      %parallel_loop3A_827 = arith.constant 5.000000e-01 : f32
      %parallel_loop3A_828 = vector.broadcast %parallel_loop3A_827 : f32 to vector<16xf32>
      %parallel_loop3A_829 = arith.cmpf olt, %parallel_loop3A_823, %parallel_loop3A_828 : vector<16xf32>
      %parallel_loop3A_830 = arith.andi %parallel_loop3A_826, %parallel_loop3A_829 : vector<16xi1>
      %parallel_loop3A_831 = arith.constant 1 : i32
      %parallel_loop3A_832 = arith.index_cast %parallel_loop3A_831 : i32 to index
      %parallel_loop3A_833 = arith.index_cast %parallel_loop3A_686 : i32 to index
      %parallel_loop3A_834 = arith.index_cast %parallel_loop3A_814 : i32 to index
      %parallel_loop3A_835 = tpu.vector_load %arg11[%parallel_loop3A_832, %parallel_loop3A_833, %parallel_loop3A_834] {strides = array<i32>} : memref<2x8x1024xi32, #tpu.memory_space<vmem>>, vector<1x1x16xi32>,
      %parallel_loop3A_836 = vector.shape_cast %parallel_loop3A_835 : vector<1x1x16xi32> to vector<16xi32>
      %parallel_loop3A_837 = arith.constant 0 : i32
      %parallel_loop3A_838 = vector.broadcast %parallel_loop3A_837 : i32 to vector<16xi32>
      %parallel_loop3A_839 = arith.cmpi slt, %parallel_loop3A_836, %parallel_loop3A_838 : vector<16xi32>
      %parallel_loop3A_840 = arith.constant 16 : i32
      %parallel_loop3A_841 = vector.broadcast %parallel_loop3A_840 : i32 to vector<16xi32>
      %parallel_loop3A_842 = arith.addi %parallel_loop3A_836, %parallel_loop3A_841 : vector<16xi32>
      %parallel_loop3A_843 = arith.select %parallel_loop3A_839, %parallel_loop3A_842, %parallel_loop3A_836 : vector<16xi1>, vector<16xi32>
      %parallel_loop3A_844 = vector.shape_cast %parallel_loop3A_843 : vector<16xi32> to vector<16x1xi32>
      %parallel_loop3A_845 = vector.shape_cast %parallel_loop3A_844 : vector<16x1xi32> to vector<16xi32>
      %parallel_loop3A_846 = tpu.dynamic_gather %get3A_635[%parallel_loop3A_845] in [0] : vector<16xf32>, vector<16xi32> -> vector<16xf32>
      %parallel_loop3A_847 = arith.constant 1 : i32
      %parallel_loop3A_848 = arith.index_cast %parallel_loop3A_847 : i32 to index
      %parallel_loop3A_849 = arith.index_cast %parallel_loop3A_686 : i32 to index
      %parallel_loop3A_850 = arith.index_cast %parallel_loop3A_814 : i32 to index
      %parallel_loop3A_851 = tpu.vector_load %arg10[%parallel_loop3A_848, %parallel_loop3A_849, %parallel_loop3A_850] {strides = array<i32>} : memref<2x8x1024xf32, #tpu.memory_space<vmem>>, vector<1x1x16xf32>,
      %parallel_loop3A_852 = vector.shape_cast %parallel_loop3A_851 : vector<1x1x16xf32> to vector<16xf32>
      %parallel_loop3A_853 = arith.addf %parallel_loop3A_852, %parallel_loop3A_846 : vector<16xf32>
      %parallel_loop3A_854 = arith.constant 1 : i32
      %parallel_loop3A_855 = arith.index_cast %parallel_loop3A_854 : i32 to index
      %parallel_loop3A_856 = arith.index_cast %parallel_loop3A_686 : i32 to index
      %parallel_loop3A_857 = arith.index_cast %parallel_loop3A_814 : i32 to index
      %parallel_loop3A_858 = tpu.vector_load %arg9[%parallel_loop3A_855, %parallel_loop3A_856, %parallel_loop3A_857] {strides = array<i32>} : memref<2x8x1024xf32, #tpu.memory_space<vmem>>, vector<1x1x16xf32>,
      %parallel_loop3A_859 = vector.shape_cast %parallel_loop3A_858 : vector<1x1x16xf32> to vector<16xf32>
      %parallel_loop3A_860 = arith.select %parallel_loop3A_830, %parallel_loop3A_853, %parallel_loop3A_859 : vector<16xi1>, vector<16xf32>
      %parallel_loop3A_861 = arith.constant 1 : i32
      %parallel_loop3A_862 = arith.index_cast %parallel_loop3A_861 : i32 to index
      %parallel_loop3A_863 = arith.index_cast %parallel_loop3A_686 : i32 to index
      %parallel_loop3A_864 = arith.index_cast %parallel_loop3A_814 : i32 to index
      %parallel_loop3A_865 = tpu.vector_load %arg14[%parallel_loop3A_862, %parallel_loop3A_863, %parallel_loop3A_864] {strides = array<i32>} : memref<2x8x1024xf32, #tpu.memory_space<vmem>>, vector<1x1x16xf32>,
      %parallel_loop3A_866 = vector.shape_cast %parallel_loop3A_865 : vector<1x1x16xf32> to vector<16xf32>
      %parallel_loop3A_867 = vector.shape_cast %parallel_loop3A_860 : vector<16xf32> to vector<1x1x16xf32>
      tpu.vector_store %arg14[%parallel_loop3A_862, %parallel_loop3A_863, %parallel_loop3A_864], %parallel_loop3A_867 {strides = array<i32>} : memref<2x8x1024xf32, #tpu.memory_space<vmem>>, vector<1x1x16xf32>,
      %parallel_loop3A_868 = arith.constant 16 : i32
      %parallel_loop3A_869 = arith.muli %parallel_loop3A_688, %parallel_loop3A_868 : i32
      %parallel_loop3A_870 = arith.constant 768 : i32
      %parallel_loop3A_871 = arith.addi %parallel_loop3A_870, %parallel_loop3A_869 : i32
      %parallel_loop3A_872 = arith.constant 16777216 : i32
      %parallel_loop3A_873 = vector.broadcast %parallel_loop3A_872 : i32 to vector<16xi32>
      %parallel_loop3A_874 = arith.andi %parallel_loop3A_696, %parallel_loop3A_873 : vector<16xi32>
      %parallel_loop3A_875 = arith.constant 1 : i32
      %parallel_loop3A_876 = arith.index_cast %parallel_loop3A_875 : i32 to index
      %parallel_loop3A_877 = arith.index_cast %parallel_loop3A_686 : i32 to index
      %parallel_loop3A_878 = arith.index_cast %parallel_loop3A_871 : i32 to index
      %parallel_loop3A_879 = tpu.vector_load %arg13[%parallel_loop3A_876, %parallel_loop3A_877, %parallel_loop3A_878] {strides = array<i32>} : memref<2x8x1024xf32, #tpu.memory_space<vmem>>, vector<1x1x16xf32>,
      %parallel_loop3A_880 = vector.shape_cast %parallel_loop3A_879 : vector<1x1x16xf32> to vector<16xf32>
      %parallel_loop3A_881 = arith.constant 0 : i32
      %parallel_loop3A_882 = vector.broadcast %parallel_loop3A_881 : i32 to vector<16xi32>
      %parallel_loop3A_883 = arith.cmpi ne, %parallel_loop3A_874, %parallel_loop3A_882 : vector<16xi32>
      %parallel_loop3A_884 = arith.constant 5.000000e-01 : f32
      %parallel_loop3A_885 = vector.broadcast %parallel_loop3A_884 : f32 to vector<16xf32>
      %parallel_loop3A_886 = arith.cmpf olt, %parallel_loop3A_880, %parallel_loop3A_885 : vector<16xf32>
      %parallel_loop3A_887 = arith.andi %parallel_loop3A_883, %parallel_loop3A_886 : vector<16xi1>
      %parallel_loop3A_888 = arith.constant 1 : i32
      %parallel_loop3A_889 = arith.index_cast %parallel_loop3A_888 : i32 to index
      %parallel_loop3A_890 = arith.index_cast %parallel_loop3A_686 : i32 to index
      %parallel_loop3A_891 = arith.index_cast %parallel_loop3A_871 : i32 to index
      %parallel_loop3A_892 = tpu.vector_load %arg11[%parallel_loop3A_889, %parallel_loop3A_890, %parallel_loop3A_891] {strides = array<i32>} : memref<2x8x1024xi32, #tpu.memory_space<vmem>>, vector<1x1x16xi32>,
      %parallel_loop3A_893 = vector.shape_cast %parallel_loop3A_892 : vector<1x1x16xi32> to vector<16xi32>
      %parallel_loop3A_894 = arith.constant 0 : i32
      %parallel_loop3A_895 = vector.broadcast %parallel_loop3A_894 : i32 to vector<16xi32>
      %parallel_loop3A_896 = arith.cmpi slt, %parallel_loop3A_893, %parallel_loop3A_895 : vector<16xi32>
      %parallel_loop3A_897 = arith.constant 16 : i32
      %parallel_loop3A_898 = vector.broadcast %parallel_loop3A_897 : i32 to vector<16xi32>
      %parallel_loop3A_899 = arith.addi %parallel_loop3A_893, %parallel_loop3A_898 : vector<16xi32>
      %parallel_loop3A_900 = arith.select %parallel_loop3A_896, %parallel_loop3A_899, %parallel_loop3A_893 : vector<16xi1>, vector<16xi32>
      %parallel_loop3A_901 = vector.shape_cast %parallel_loop3A_900 : vector<16xi32> to vector<16x1xi32>
      %parallel_loop3A_902 = vector.shape_cast %parallel_loop3A_901 : vector<16x1xi32> to vector<16xi32>
      %parallel_loop3A_903 = tpu.dynamic_gather %get3A_635[%parallel_loop3A_902] in [0] : vector<16xf32>, vector<16xi32> -> vector<16xf32>
      %parallel_loop3A_904 = arith.constant 1 : i32
      %parallel_loop3A_905 = arith.index_cast %parallel_loop3A_904 : i32 to index
      %parallel_loop3A_906 = arith.index_cast %parallel_loop3A_686 : i32 to index
      %parallel_loop3A_907 = arith.index_cast %parallel_loop3A_871 : i32 to index
      %parallel_loop3A_908 = tpu.vector_load %arg10[%parallel_loop3A_905, %parallel_loop3A_906, %parallel_loop3A_907] {strides = array<i32>} : memref<2x8x1024xf32, #tpu.memory_space<vmem>>, vector<1x1x16xf32>,
      %parallel_loop3A_909 = vector.shape_cast %parallel_loop3A_908 : vector<1x1x16xf32> to vector<16xf32>
      %parallel_loop3A_910 = arith.addf %parallel_loop3A_909, %parallel_loop3A_903 : vector<16xf32>
      %parallel_loop3A_911 = arith.constant 1 : i32
      %parallel_loop3A_912 = arith.index_cast %parallel_loop3A_911 : i32 to index
      %parallel_loop3A_913 = arith.index_cast %parallel_loop3A_686 : i32 to index
      %parallel_loop3A_914 = arith.index_cast %parallel_loop3A_871 : i32 to index
      %parallel_loop3A_915 = tpu.vector_load %arg9[%parallel_loop3A_912, %parallel_loop3A_913, %parallel_loop3A_914] {strides = array<i32>} : memref<2x8x1024xf32, #tpu.memory_space<vmem>>, vector<1x1x16xf32>,
      %parallel_loop3A_916 = vector.shape_cast %parallel_loop3A_915 : vector<1x1x16xf32> to vector<16xf32>
      %parallel_loop3A_917 = arith.select %parallel_loop3A_887, %parallel_loop3A_910, %parallel_loop3A_916 : vector<16xi1>, vector<16xf32>
      %parallel_loop3A_918 = arith.constant 1 : i32
      %parallel_loop3A_919 = arith.index_cast %parallel_loop3A_918 : i32 to index
      %parallel_loop3A_920 = arith.index_cast %parallel_loop3A_686 : i32 to index
      %parallel_loop3A_921 = arith.index_cast %parallel_loop3A_871 : i32 to index
      %parallel_loop3A_922 = tpu.vector_load %arg14[%parallel_loop3A_919, %parallel_loop3A_920, %parallel_loop3A_921] {strides = array<i32>} : memref<2x8x1024xf32, #tpu.memory_space<vmem>>, vector<1x1x16xf32>,
      %parallel_loop3A_923 = vector.shape_cast %parallel_loop3A_922 : vector<1x1x16xf32> to vector<16xf32>
      %parallel_loop3A_924 = vector.shape_cast %parallel_loop3A_917 : vector<16xf32> to vector<1x1x16xf32>
      tpu.vector_store %arg14[%parallel_loop3A_919, %parallel_loop3A_920, %parallel_loop3A_921], %parallel_loop3A_924 {strides = array<i32>} : memref<2x8x1024xf32, #tpu.memory_space<vmem>>, vector<1x1x16xf32>,
    } {sc.loop_unroll_factor = 2 : i64, sc.parallel_access}
    %add3A_639 = arith.constant 504 : i32
    %add3A_640 = arith.addi %mul3A_2, %add3A_639 : i32
    %dma_start3A_641 = arith.constant 1 : i32
    %dma_start3A_642 = arith.constant 0 : i32
    %dma_start3A_643 = arith.constant 0 : i32
    %dma_start3A_644 = tpu.memref_slice %arg14[%dma_start3A_641, %dma_start3A_642, %dma_start3A_643] : memref<2x8x1024xf32, #tpu.memory_space<vmem>> -> memref<1x8x1024xf32, #tpu.memory_space<vmem>>
    %dma_start3A_645 = tpu.memref_squeeze %dma_start3A_644 : memref<1x8x1024xf32, #tpu.memory_space<vmem>> -> memref<8x1024xf32, #tpu.memory_space<vmem>>
    %dma_start3A_646 = arith.constant 0 : i32
    %dma_start3A_647 = tpu.memref_slice %arg8[%add3A_640, %dma_start3A_646] : memref<16384x1024xf32, #tpu.memory_space<hbm>> -> memref<8x1024xf32, #tpu.memory_space<hbm>>
    %dma_start3A_648 = arith.constant 0 : i32
    %dma_start3A_649 = tpu.memref_slice %arg8[%add3A_640, %dma_start3A_648] : memref<16384x1024xf32, #tpu.memory_space<hbm>> -> memref<8x1024xf32, #tpu.memory_space<hbm>>
    %dma_start3A_650 = arith.constant 0 : i32
    %dma_start3A_651 = arith.constant 0 : i32
    %dma_start3A_652 = tpu.memref_slice %arg14[%dma_start3A_641, %dma_start3A_650, %dma_start3A_651] : memref<2x8x1024xf32, #tpu.memory_space<vmem>> -> memref<1x8x1024xf32, #tpu.memory_space<vmem>>
    %dma_start3A_653 = tpu.memref_squeeze %dma_start3A_652 : memref<1x8x1024xf32, #tpu.memory_space<vmem>> -> memref<8x1024xf32, #tpu.memory_space<vmem>>
    tpu.enqueue_dma source(%dma_start3A_653 : memref<8x1024xf32, #tpu.memory_space<vmem>>) target(%dma_start3A_649 : memref<8x1024xf32, #tpu.memory_space<hbm>>) target_semaphore(%arg19 : memref<!tpu.dma_semaphore, #tpu.memory_space<semaphore_mem>>)
    %add3A_654 = arith.constant 496 : i32
    %add3A_655 = arith.addi %mul3A_2, %add3A_654 : i32
    %dma_wait3A_656 = arith.constant 0 : i32
    %dma_wait3A_657 = arith.constant 0 : i32
    %dma_wait3A_658 = arith.constant 0 : i32
    %dma_wait3A_659 = tpu.memref_slice %arg14[%dma_wait3A_656, %dma_wait3A_657, %dma_wait3A_658] : memref<2x8x1024xf32, #tpu.memory_space<vmem>> -> memref<1x8x1024xf32, #tpu.memory_space<vmem>>
    %dma_wait3A_660 = tpu.memref_squeeze %dma_wait3A_659 : memref<1x8x1024xf32, #tpu.memory_space<vmem>> -> memref<8x1024xf32, #tpu.memory_space<vmem>>
    %dma_wait3A_661 = arith.constant 0 : i32
    %dma_wait3A_662 = tpu.memref_slice %arg8[%add3A_655, %dma_wait3A_661] : memref<16384x1024xf32, #tpu.memory_space<hbm>> -> memref<8x1024xf32, #tpu.memory_space<hbm>>
    %dma_wait3A_663 = arith.constant 0 : i32
    %dma_wait3A_664 = tpu.memref_slice %arg8[%add3A_655, %dma_wait3A_663] : memref<16384x1024xf32, #tpu.memory_space<hbm>> -> memref<8x1024xf32, #tpu.memory_space<hbm>>
    %dma_wait3A_665 = arith.constant 0 : i32
    %dma_wait3A_666 = arith.constant 0 : i32
    %dma_wait3A_667 = tpu.memref_slice %arg14[%dma_wait3A_656, %dma_wait3A_665, %dma_wait3A_666] : memref<2x8x1024xf32, #tpu.memory_space<vmem>> -> memref<1x8x1024xf32, #tpu.memory_space<vmem>>
    %dma_wait3A_668 = tpu.memref_squeeze %dma_wait3A_667 : memref<1x8x1024xf32, #tpu.memory_space<vmem>> -> memref<8x1024xf32, #tpu.memory_space<vmem>>
    tpu.wait_dma2 semaphore(%arg18 : memref<!tpu.dma_semaphore, #tpu.memory_space<semaphore_mem>>) src(%dma_wait3A_668 : memref<8x1024xf32, #tpu.memory_space<vmem>>) dst(%dma_wait3A_664 : memref<8x1024xf32, #tpu.memory_space<hbm>>)
    %add3A_669 = arith.constant 504 : i32
    %add3A_670 = arith.addi %mul3A_2, %add3A_669 : i32
    %dma_wait3A_671 = arith.constant 1 : i32
    %dma_wait3A_672 = arith.constant 0 : i32
    %dma_wait3A_673 = arith.constant 0 : i32
    %dma_wait3A_674 = tpu.memref_slice %arg14[%dma_wait3A_671, %dma_wait3A_672, %dma_wait3A_673] : memref<2x8x1024xf32, #tpu.memory_space<vmem>> -> memref<1x8x1024xf32, #tpu.memory_space<vmem>>
    %dma_wait3A_675 = tpu.memref_squeeze %dma_wait3A_674 : memref<1x8x1024xf32, #tpu.memory_space<vmem>> -> memref<8x1024xf32, #tpu.memory_space<vmem>>
    %dma_wait3A_676 = arith.constant 0 : i32
    %dma_wait3A_677 = tpu.memref_slice %arg8[%add3A_670, %dma_wait3A_676] : memref<16384x1024xf32, #tpu.memory_space<hbm>> -> memref<8x1024xf32, #tpu.memory_space<hbm>>
    %dma_wait3A_678 = arith.constant 0 : i32
    %dma_wait3A_679 = tpu.memref_slice %arg8[%add3A_670, %dma_wait3A_678] : memref<16384x1024xf32, #tpu.memory_space<hbm>> -> memref<8x1024xf32, #tpu.memory_space<hbm>>
    %dma_wait3A_680 = arith.constant 0 : i32
    %dma_wait3A_681 = arith.constant 0 : i32
    %dma_wait3A_682 = tpu.memref_slice %arg14[%dma_wait3A_671, %dma_wait3A_680, %dma_wait3A_681] : memref<2x8x1024xf32, #tpu.memory_space<vmem>> -> memref<1x8x1024xf32, #tpu.memory_space<vmem>>
    %dma_wait3A_683 = tpu.memref_squeeze %dma_wait3A_682 : memref<1x8x1024xf32, #tpu.memory_space<vmem>> -> memref<8x1024xf32, #tpu.memory_space<vmem>>
    tpu.wait_dma2 semaphore(%arg19 : memref<!tpu.dma_semaphore, #tpu.memory_space<semaphore_mem>>) src(%dma_wait3A_683 : memref<8x1024xf32, #tpu.memory_space<vmem>>) dst(%dma_wait3A_679 : memref<8x1024xf32, #tpu.memory_space<hbm>>)
    return
  }
}

</mosaic_0001>

<sc_bundles>
// kernel: kernel.3.cloned.1.call-start
scs
__scs_entry_jumppad:
0x0: {  	(pc) =	sbr.rel $0x88, $3  }
0x1: {  	(tag) =	ssettag $0x0;
	lr =	simm.s32 $0x1  }
0x2: {  	[smem:$0x3F9B] =	sst lr;
	_ =	strace $0xD0000000  }
0x3: {  	_ = 	snop  }
0x4: {  	_ = 	snop  }
0x5: {  	_ = 	snop  }
0x6: {  	_ = 	snop  }
0x7: {  	_ = 	snop  }
__scs_overlays_trampoline_lowered:
0x8: {  	[smem:$0x3FAA] =	sst s0  }
0x9: {  	[smem:$0x3FAB] =	sst s1  }
0xa: {  	[smem:$0x3FAC] =	sst s2  }
0xb: {  	[smem:$0x3FAD] =	sst s3  }
0xc: {  	[smem:$0x3FAE] =	sst s4  }
0xd: {  	[smem:$0x3FAF] =	sst s5  }
0xe: {  	[smem:$0x3FB0] =	sst s6  }
0xf: {  	[smem:$0x3FB1] =	sst s7  }
0x10: {  	[smem:$0x3FB2] =	sst s8  }
0x11: {  	[smem:$0x3FB3] =	sst s9;
	s0 =	simm.s32 @!p0 $0x0  }
0x12: {  	s1 =	sld [smem:$0x3F99];
	s0 =	simm.s32 @p0 $0x1  }
0x13: {  	[smem:$0x3FB4] =	sst s0;
	s0 =	simm.s32 @!p1 $0x0  }
0x14: {  	s2 =	sld [smem:$0x3F98];
	s0 =	simm.s32 @p1 $0x1  }
0x15: {  	[smem:$0x3FB5] =	sst s0;
	s0 =	simm.s32 @!p2 $0x0  }
0x16: {  	s3 =	sld [smem:$0x3FDB];
	s0 =	simm.s32 @p2 $0x1  }
0x17: {  	s4 =	simm.s32 $0x1BF5;
	[smem:$0x3FB7] =	sst s0  }
0x18: {  	s0 =	sld [smem:$0x3F9A];
	_ =	swait.ge [sflag:s4], $0x0  }
0x19: {  	s7 =	sld [smem:$0x3F9B]  }
0x1a: {  	s8 =	sadd.s32 $0xFFFFE003, lr  }
0x1b: {  	s9 =	sadd.s32 $0xFFFFFEF7, lr;
	s5 =	simm.s32 $0xFFFFFFFF;
	p2 =	slt.u32 s8, $0xFFFFF086  }
0x1c: {  	p1 =	slt.u32 s9, $0xF7A;
	s5 =	simm.s32 @!p2 $0x0  }
0x1d: {  	s5 =	simm.s32 @p1 $0x1;
	p0 =	seq.s32 s7, s2  }
0x1e: {  	s7 =	smul.u32 @!p0 $0xF7A, s2;
	p2 =	seq.s32 @!p0 s5, $0x0  }
0x1f: {  	s9 =	smul.u32 $0xF7A, s1;
	s8 =	simm.s32 @!p0 $0x1BF5;
	p2 =	por !p2, p0  }
0x20: {  	[sflag:s8] =	ssyncset.s32 @!p0 $0xFFFFF086;
	s6 =	sadd.s32 @!p0 s3, s7;
	s7 =	simm.s32 @!p0 $0x108  }
0x21: {  	s3 =	sadd.s32 s3, s9;
	s6 =	sadd.s32 @!p0 $0x88, s6;
	s7 =	simm.s32 @p2 $0x1082  }
0x22: {  	[simem:s7], [sflag:s8] =	dma.local @!p0 [hbm:s6], $0xF7A  }
0x23: {  	s9 =	sor.u32 $0xD0000000, s2;
	s6 =	simm.s32 $0x108;
	_ =	swait.ge @!p0 [sflag:s8], $0x0  }
0x24: {  	s3 =	sadd.s32 $0x88, s3;
	s6 =	simm.s32 @!p1 $0x1082;
	[sflag:s4] =	ssyncset.s32 $0xFFFFF086  }
0x25: {  	[simem:s6], [sflag:s4] =	dma.local [hbm:s3], $0xF7A  }
0x26: {  	[smem:$0x3F9B] =	sst s1;
	(tag) =	ssettag s2;
	_ =	strace s9  }
0x27: {  	s1 =	sld [smem:$0x3FAB]  }
0x28: {  	s2 =	sld [smem:$0x3FAC]  }
0x29: {  	s4 =	sld [smem:$0x3FAE]  }
0x2a: {  	p0 =	seq.s32 s5, $0x0;
	s5 =	sld [smem:$0x3FAF]  }
0x2b: {  	s6 =	sld [smem:$0x3FB0]  }
0x2c: {  	s7 =	sld [smem:$0x3FB1]  }
0x2d: {  	s3 =	simm.s32 $0x108;
	s8 =	sld [smem:$0x3FB2]  }
0x2e: {  	s3 =	simm.s32 @!p0 $0x1082;
	s9 =	sld [smem:$0x3FB3]  }
0x2f: {  	lr =	sadd.s32 s0, s3;
	s0 =	sld [smem:$0x3FAA]  }
0x30: {  	s3 =	sld [smem:$0x3FAD]  }
0x31: {  	[smem:$0x3FB6] =	sst s10  }
0x32: {  	s10 =	sld [smem:$0x3FB4];
	_ =	sdelay $0x3  }
0x33: {  	p0 =	seq.s32 s10, $0x1;
	s10 =	sld [smem:$0x3FB6];
	_ =	sdelay $0x3  }
0x34: {  	[smem:$0x3FB6] =	sst s10  }
0x35: {  	s10 =	sld [smem:$0x3FB5];
	_ =	sdelay $0x3  }
0x36: {  	p1 =	seq.s32 s10, $0x1;
	s10 =	sld [smem:$0x3FB6];
	_ =	sdelay $0x3  }
0x37: {  	[smem:$0x3FB6] =	sst s10  }
0x38: {  	s10 =	sld [smem:$0x3FB7]  }
0x39: {  	_ = 	snop;
	(pc) =	sbr.ind lr, $3  }
0x3a: {  	_ = 	snop  }
0x3b: {  	_ = 	snop  }
0x3c: {  	p2 =	seq.s32 s10, $0x1;
	s10 =	sld [smem:$0x3FB6]  }
0x3d: {  	_ =	shalt  }
0x3e: {  	_ =	shalt  }
0x3f: {  	_ =	shalt  }
0x40: {  	_ =	shalt  }
0x41: {  	_ =	shalt  }
0x42: {  	_ =	shalt  }
0x43: {  	_ =	shalt  }
0x44: {  	_ =	shalt  }
0x45: {  	_ =	shalt  }
0x46: {  	_ =	shalt  }
0x47: {  	_ =	shalt  }
0x48: {  	_ =	shalt  }
0x49: {  	_ =	shalt  }
0x4a: {  	_ =	shalt  }
0x4b: {  	_ =	shalt  }
0x4c: {  	_ =	shalt  }
0x4d: {  	_ =	shalt  }
0x4e: {  	_ =	shalt  }
0x4f: {  	_ =	shalt  }
0x50: {  	_ =	shalt  }
0x51: {  	_ =	shalt  }
0x52: {  	_ =	shalt  }
0x53: {  	_ =	shalt  }
0x54: {  	_ =	shalt  }
0x55: {  	_ =	shalt  }
0x56: {  	_ =	shalt  }
0x57: {  	_ =	shalt  }
0x58: {  	_ =	shalt  }
0x59: {  	_ =	shalt  }
0x5a: {  	_ =	shalt  }
0x5b: {  	_ =	shalt  }
0x5c: {  	_ =	shalt  }
0x5d: {  	_ =	shalt  }
0x5e: {  	_ =	shalt  }
0x5f: {  	_ =	shalt  }
0x60: {  	_ =	shalt  }
0x61: {  	_ =	shalt  }
0x62: {  	_ =	shalt  }
0x63: {  	_ =	shalt  }
0x64: {  	_ =	shalt  }
0x65: {  	_ =	shalt  }
0x66: {  	_ =	shalt  }
0x67: {  	_ =	shalt  }
0x68: {  	_ =	shalt  }
0x69: {  	_ =	shalt  }
0x6a: {  	_ =	shalt  }
0x6b: {  	_ =	shalt  }
0x6c: {  	_ =	shalt  }
0x6d: {  	_ =	shalt  }
0x6e: {  	_ =	shalt  }
0x6f: {  	_ =	shalt  }
0x70: {  	_ =	shalt  }
0x71: {  	_ =	shalt  }
0x72: {  	_ =	shalt  }
0x73: {  	_ =	shalt  }
0x74: {  	_ =	shalt  }
0x75: {  	_ =	shalt  }
0x76: {  	_ =	shalt  }
0x77: {  	_ =	shalt  }
0x78: {  	_ =	shalt  }
0x79: {  	_ =	shalt  }
0x7a: {  	_ =	shalt  }
0x7b: {  	_ =	shalt  }
0x7c: {  	_ =	shalt  }
0x7d: {  	_ =	shalt  }
0x7e: {  	_ =	shalt  }
0x7f: {  	_ =	shalt  }
0x80: {  	_ =	shalt  }
0x81: {  	_ =	shalt  }
0x82: {  	_ =	shalt  }
0x83: {  	_ =	shalt  }
0x84: {  	_ =	shalt  }
0x85: {  	_ =	shalt  }
0x86: {  	_ =	shalt  }
0x87: {  	_ =	shalt  }
.Lfunc_end0:
.L_simem_size_0:
called_computation_lowered:
.L_overlay_start_0:
0x88: {  	s2 =	sld [smem:$0x3FD9]  }
0x89: {  	s3 =	sld [smem:$0x3FFE];
	_ =	sdelay $0x1  }
0x8a: {  	s1 =	srdreg.scid  }
0x8b: {  	s0 =	sand.u32 $0x1, s1  }
0x8c: {  	s17 =	sshll.u32 s0, $0xA;
	s2 =	sadd.s32 s3, s2  }
0x8d: {  	s2 =	sadd.s32 s2, s17  }
0x8e: {  	[smem:$0x3FC2] =	sst s2  }
0x8f: {  	_ = 	snop  }
0x90: {  	s2 =	sld [smem:$0x3FC9]  }
0x91: {  	s18 =	sld [smem:$0x3FC8]  }
0x92: {  	s4 =	sld [smem:$0x3FC7]  }
0x93: {  	s5 =	sld [smem:$0x3FC5]  }
0x94: {  	s6 =	sld [smem:$0x3FD0];
	(tm) =	ssettm $0x1  }
0x95: {  	s7 =	sld [smem:$0x3FFB];
	_ =	sdelay $0x3  }
0x96: {  	_ =	strace s7  }
0x97: {  	s7 =	sld [smem:$0x3FFC];
	_ =	sdelay $0x3  }
0x98: {  	_ =	strace s7  }
0x99: {  	s7 =	sld [smem:$0x3FFD];
	_ =	sdelay $0x3  }
0x9a: {  	_ =	strace s7  }
0x9b: {  	_ =	strace $0x8FFFFFFF  }
0x9c: {  	s19 =	sld [smem:$0x3FDB];
	_ =	sdelay $0x1  }
0x9d: {  	s8 =	simm.s32 $_scs_section_size  }
0x9e: {  	s9 =	simm.s32 $_size__tile_overlayer_lowered;
	s10 =	simm.s32 $_tile_overlayer_lowered  }
0x9f: {  	s22 =	simm.s32 $0x1BFF;
	s21 =	sshll.u32 s10, $0x1;
	s7 =	sadd.s32 s8, s19  }
0xa0: {  	s11 =	simm.s32 $0x0;
	s20 =	sshll.u32 s9, $0x1;
	s9 =	sadd.s32 s21, s7  }
0xa1: {  	[timem:s11], [sflag:s22] =	dma.local [hbm:s9], s20  }
0xa2: {  	_ =	swait.ge [sflag:s22], s20  }
0xa3: {  	s8 =	ssub.s32 $0x0, s20;
	[sflag:s22] =	ssyncset.done $0x0  }
0xa4: {  	[sflag:s22] =	ssyncadd.s32 s8;
	_ =	sdelay $0x1  }
0xa5: {  	s23 =	simm.s32 $0x1B8B  }
0xa6: {  	_ =	swait.ge [sflag:s23], $0x1  }
0xa7: {  	[sflag:s23] =	ssyncset.done $0x0  }
0xa8: {  	s25 =	simm.s32 $0x1B8E;
	s24 =	sld [smem:$0x3FFE];
	[sflag:s23] =	ssyncadd.s32 $0xFFFFFFFF  }
0xa9: {  	s26 =	simm.s32 $execute0_lowered;
	[smem:$0x3FD2] =	sst s25  }
0xaa: {  	s9 =	sshll.u32 s26, $0x1;
	_ =	strace $0x80000046;
	[dreg:$0x1] =	wrdreg $0xFFFFFFFF  }
0xab: {  	s28 =	simm.s32 $_size_execute0_lowered;
	s7 =	sadd.s32 s7, s9;
	[dreg:$0x0] =	wrdreg $0x0  }
0xac: {  	s9 =	sshll.u32 s28, $0x1;
	[dreg:$0x2] =	wrdreg s7  }
0xad: {  	[dreg:$0x3] =	wrdreg s9  }
0xae: {  	[dreg:$0x4] =	wrdreg $0xC0  }
0xaf: {  	_ =	task [dreg:s11], $0x5FFFF  }
0xb0: {  	[dreg:$0x1] =	wrdreg $0xFFFFFFFF  }
0xb1: {  	[dreg:$0x0] =	wrdreg $0x60  }
0xb2: {  	[dreg:$0x2] =	wrdreg s2  }
0xb3: {  	[dreg:$0x3] =	wrdreg s18  }
0xb4: {  	[dreg:$0x4] =	wrdreg s4  }
0xb5: {  	[dreg:$0x5] =	wrdreg s24  }
0xb6: {  	[dreg:$0x6] =	wrdreg s5  }
0xb7: {  	[dreg:$0x7] =	wrdreg s6  }
0xb8: {  	[dreg:$0x8] =	wrdreg $0x9  }
0xb9: {  	_ =	task.clear_ibuf [dreg:s11], $0x9FFFF;
	_ =	strace $0x90000046  }
0xba: {  	s29 =	simm.s32 $0x9;
	_ =	strace $0x80000048  }
0xbb: {  	_ =	swait.ge [sflag:s29], $0x1  }
0xbc: {  	[sflag:s29] =	ssyncadd.s32 $0xFFFFFFFF  }
0xbd: {  	_ =	strace $0x90000048  }
0xbe: {  	_ =	sfence  }
0xbf: {  	s30 =	sld [smem:$0x0];
	_ =	sdelay $0x2  }
0xc0: {  	s31 =	sshll.u32 s1, $0xD;
	s1 =	sshrl.u32 s1, $0x2  }
0xc1: {  	s3 =	sand.u32 $0x4000, s31;
	s1 =	sadd.s32 s1, s30  }
0xc2: {  	s0 =	sor.u32 s3, s0;
	s1 =	sshll.u32 s1, $0x11  }
0xc3: {  	s0 =	sor.u32 s1, s0  }
0xc4: {  	s0 =	sadd.s32 $0x8F2B, s0  }
0xc5: {  	[sflag:s0] =	ssyncadd.remote.s32 $0x1  }
0xc6: {  	_ =	sfence.sel $0xFFFF  }
0xc7: {  	[dreg:$0x0] =	wrdreg $0xFFFFFFFF;
	(pc) =	sbr.abs _section_cstart, $3  }
0xc8: {  	[dreg:$0x1] =	wrdreg $0xFFFFFFFF  }
0xc9: {  	_ =	task.clear_ibuf [dreg:s11], $0x2FFFF;
	_ =	strace $0x9FFFFFFF  }
0xca: {  	(tm) =	ssettm $0x7FFFFFFF  }
0xcb: {  	_ =	shalt  }
tec
execute0_lowered:
.L_overlay_start_1:
0x0: {  	(tag) =	ssettag $0x1  }
0x1: {  	s1 =	rddreg [dreg:$0x0]  }
0x2: {  	s2 =	rddreg [dreg:$0x1]  }
0x3: {  	s14 =	rddreg [dreg:$0x2]  }
0x4: {  	s0 =	rddreg [dreg:$0x3]  }
0x5: {  	s15 =	rddreg [dreg:$0x4];
	s5 =	srdreg.scid  }
0x6: {  	s7 =	simm.s32 $0x0;
	s3 =	stileid.u32;
	s5 =	sand.u32 $0x1, s5  }
0x7: {  	[smem:$0x7FF] =	sst s7;
	s9 =	sshll.u32 s3, $0x9;
	s8 =	sshll.u32 s5, $0xD  }
0x8: {  	s4 =	rddreg [dreg:$0x5];
	_ =	strace $0x80000047;
	s11 =	sor.u32 s9, s8  }
0x9: {  	s8 =	sadd.s32 $0x600, s0;
	s0 =	sadd.s32 $0x80600, s0;
	s10 =	sshll.u32 s11, $0x7  }
0xa: {  	s5 =	ssub.s32 $0x2, s5;
	[dreg:$0x7] =	wrdreg s0;
	s13 =	sadd.s32 s1, s10  }
0xb: {  	s12 =	sshrl.u32 s5, $0x1;
	s16 =	sadd.s32 s2, s10;
	[dreg:$0x8] =	wrdreg s13  }
0xc: {  	s0 =	ssub.s32 s5, s12;
	s17 =	sadd.s32 s14, s10;
	[dreg:$0x9] =	wrdreg s16  }
0xd: {  	s20 =	sshll.u32 s11, $0x5;
	s19 =	sadd.s32 s15, s10;
	[dreg:$0xa] =	wrdreg s17  }
0xe: {  	s18 =	sshrl.u32 s11, $0x3;
	s21 =	sadd.s32 s8, s20;
	[dreg:$0xb] =	wrdreg s19  }
0xf: {  	s12 =	sor.u32 $0x1, s18;
	s0 =	smax.u32 s0, $0x1;
	[dreg:$0xc] =	wrdreg s21  }
0x10: {  	s22 =	sshll.u32 s12, $0x8;
	s16 =	sadd.s32 s4, s10;
	[smem:$0x7FB] =	sst s0  }
0x11: {  	s12 =	sshll.u32 s12, $0xA;
	s23 =	sadd.s32 s8, s22;
	[dreg:$0xe] =	wrdreg s16  }
0x12: {  	s13 =	sor.u32 $0x2, s18;
	s9 =	sadd.s32 s1, s12;
	[dreg:$0xd] =	wrdreg s23  }
0x13: {  	s24 =	sshll.u32 s13, $0xA;
	s10 =	sadd.s32 s2, s12;
	[dreg:$0x14] =	wrdreg s9  }
0x14: {  	s3 =	sshll.u32 s13, $0x8;
	s13 =	sadd.s32 s14, s12;
	[dreg:$0x15] =	wrdreg s10  }
0x15: {  	s5 =	sor.u32 $0x3, s18;
	s17 =	sadd.s32 s15, s12;
	[dreg:$0x16] =	wrdreg s13  }
0x16: {  	s19 =	sshll.u32 s5, $0xA;
	s18 =	sadd.s32 s4, s12;
	[dreg:$0x17] =	wrdreg s17  }
0x17: {  	s21 =	sadd.s32 s2, s19;
	[dreg:$0x18] =	wrdreg s18  }
0x18: {  	s22 =	sadd.s32 s14, s19;
	[dreg:$0x1a] =	wrdreg s21  }
0x19: {  	s25 =	sadd.s32 s1, s24;
	[dreg:$0x1b] =	wrdreg s22  }
0x1a: {  	s29 =	simm.s32 $0x2;
	s26 =	sadd.s32 s2, s24;
	[dreg:$0xf] =	wrdreg s25  }
0x1b: {  	s31 =	simm.s32 $0x3;
	s28 =	sadd.s32 s14, s24;
	[dreg:$0x10] =	wrdreg s26  }
0x1c: {  	s20 =	sshll.u32 s5, $0x8;
	s30 =	sadd.s32 s15, s24;
	[dreg:$0x11] =	wrdreg s28  }
0x1d: {  	s5 =	smov.u32 s15;
	s6 =	sadd.s32 s8, s3;
	[dreg:$0x12] =	wrdreg s30  }
0x1e: {  	s3 =	smov.u32 s1;
	s1 =	sadd.s32 s1, s19;
	[dreg:$0x13] =	wrdreg s6  }
0x1f: {  	s0 =	simm.s32 $0x4;
	s23 =	sadd.s32 s15, s19;
	[dreg:$0x19] =	wrdreg s1  }
0x20: {  	s9 =	smov.u32 s4;
	s24 =	sadd.s32 s8, s20;
	[dreg:$0x1c] =	wrdreg s23  }
0x21: {  	s4 =	smov.u32 s14;
	[dreg:$0x1d] =	wrdreg s24;
	s25 =	sor.u32 $0x10, s11  }
0x22: {  	s10 =	sor.u32 $0x18, s11;
	s26 =	sor.u32 $0x20, s11;
	[dreg:$0x1e] =	wrdreg s25  }
0x23: {  	s6 =	smov.u32 s2;
	s28 =	sadd.s32 $0xF800, s16;
	[dreg:$0x1f] =	wrdreg s26  }
0x24: {  	s11 =	sor.u32 $0x28, s11;
	s30 =	sadd.s32 $0xFC00, s16;
	[smem:$0x7FC] =	sst s28  }
0x25: {  	s2 =	simm.s32 $0x0;
	[smem:$0x7FD] =	sst s30;
	s26 =	simm.s32 $0x1  }
.LBB2_1:
0x26: {  	[smem:$0x7FA] =	sst s2  }
0x27: {  	s1 =	rddreg [dreg:$0x7];
	s19 =	simm.s32 $0x15000;
	s20 =	simm.s32 $0x5  }
0x28: {  	[tilespmem:s19], [sflag:$0x5] =	stream.linear.gather [hbm4b:s1+s7], $0x80, $0x38;
	[tilespmem:$0x15080] =	vst v63  }
0x29: {  	_ =	swait.ge [sflag:s20], $0x80  }
0x2a: {  	[sflag:s20] =	ssyncset.done $0x0  }
0x2b: {  	s21 =	rddreg [dreg:$0x8];
	[sflag:s20] =	ssyncadd.s32 $0xFFFFFF80  }
0x2c: {  	[tilespmem:s7], [sflag:$0x1] =	stream.linear.gather [hbm4b:s21+s7], $0x2000, $0x38;
	[tilespmem:$0x15080] =	vst v63  }
0x2d: {  	s23 =	simm.s32 $0x4000;
	s22 =	rddreg [dreg:$0x9]  }
0x2e: {  	[tilespmem:s23], [sflag:$0x1] =	stream.linear.gather [hbm4b:s22+s7], $0x2000, $0x38;
	[tilespmem:$0x15080] =	vst v63  }
0x2f: {  	s25 =	simm.s32 $0x8000;
	s24 =	rddreg [dreg:$0xa]  }
0x30: {  	[tilespmem:s25], [sflag:$0x1] =	stream.linear.gather [hbm4b:s24+s7], $0x2000, $0x38;
	[tilespmem:$0x15080] =	vst v63  }
0x31: {  	s30 =	simm.s32 $0xD000;
	s28 =	rddreg [dreg:$0xb]  }
0x32: {  	[tilespmem:s30], [sflag:$0x1] =	stream.linear.gather [hbm4b:s28+s7], $0x2000, $0x38;
	[tilespmem:$0x15080] =	vst v63  }
0x33: {  	s13 =	simm.s32 $0xC000;
	s12 =	rddreg [dreg:$0xc]  }
0x34: {  	[tilespmem:s13], [sflag:$0x1] =	stream.linear.gather [hbm4b:s12+s7], $0x800, $0x38;
	[tilespmem:$0x15080] =	vst v63  }
0x35: {  	s15 =	simm.s32 $0x2000;
	s14 =	rddreg [dreg:$0x14]  }
0x36: {  	[tilespmem:s15], [sflag:$0x2] =	stream.linear.gather [hbm4b:s14+s7], $0x2000, $0x38;
	[tilespmem:$0x15080] =	vst v63  }
0x37: {  	s17 =	simm.s32 $0x6000;
	s16 =	rddreg [dreg:$0x15]  }
0x38: {  	[tilespmem:s17], [sflag:$0x2] =	stream.linear.gather [hbm4b:s16+s7], $0x2000, $0x38;
	[tilespmem:$0x15080] =	vst v63  }
0x39: {  	s19 =	simm.s32 $0xA000;
	s18 =	rddreg [dreg:$0x16]  }
0x3a: {  	[tilespmem:s19], [sflag:$0x2] =	stream.linear.gather [hbm4b:s18+s7], $0x2000, $0x38;
	[tilespmem:$0x15080] =	vst v63  }
0x3b: {  	s20 =	rddreg [dreg:$0x17];
	s21 =	simm.s32 $0xF000  }
0x3c: {  	[tilespmem:s21], [sflag:$0x2] =	stream.linear.gather [hbm4b:s20+s7], $0x2000, $0x38;
	[tilespmem:$0x15080] =	vst v63  }
0x3d: {  	s22 =	rddreg [dreg:$0xd];
	s23 =	simm.s32 $0xC800  }
0x3e: {  	[tilespmem:s23], [sflag:$0x2] =	stream.linear.gather [hbm4b:s22+s7], $0x800, $0x38;
	[tilespmem:$0x15080] =	vst v63  }
0x3f: {  	_ =	swait.ge [sflag:s26], $0x2000  }
0x40: {  	[sflag:s26] =	ssyncset.done $0x0  }
0x41: {  	[sflag:s26] =	ssyncadd.s32 $0xFFFFE000  }
0x42: {  	_ =	swait.ge [sflag:s26], $0x2000  }
0x43: {  	[sflag:s26] =	ssyncset.done $0x0  }
0x44: {  	[sflag:s26] =	ssyncadd.s32 $0xFFFFE000  }
0x45: {  	_ =	swait.ge [sflag:s26], $0x2000  }
0x46: {  	[sflag:s26] =	ssyncset.done $0x0  }
0x47: {  	[sflag:s26] =	ssyncadd.s32 $0xFFFFE000  }
0x48: {  	_ =	swait.ge [sflag:s26], $0x2000  }
0x49: {  	[sflag:s26] =	ssyncset.done $0x0  }
0x4a: {  	[sflag:s26] =	ssyncadd.s32 $0xFFFFE000  }
0x4b: {  	s12 =	sand.u32 $0x400, s7;
	_ =	swait.ge [sflag:s26], $0x800  }
0x4c: {  	s15 =	sand.u32 $0x60, s7;
	s14 =	sand.u32 $0x380, s7;
	[sflag:s26] =	ssyncset.done $0x0  }
0x4d: {  	s12 =	sor.u32 s14, s12;
	s13 =	sor.u32 $0x10, s15;
	[sflag:s26] =	ssyncadd.s32 $0xFFFFF800  }
0x4e: {  	s16 =	sor.u32 s13, s12;
	v0 =	vld [tilespmem:$0x15000]  }
0x4f: {  	s17 =	sor.u32 $0xC000, s12;
	v2 =	vld [tilespmem:s16+$0xD000]  }
0x50: {  	s13 =	sor.u32 s13, s17;
	v3 =	vld [tilespmem:s16+$0x8000]  }
0x51: {  	v1 =	vld [tilespmem:s13+$0x0]  }
0x52: {  	v4 =	vld [tilespmem:s16+$0x4000];
	_ =	sdelay $0x1  }
0x53: {  	s13 =	sor.u32 s15, s12;
	v5 =	vld [tilespmem:s16+$0x0]  }
0x54: {  	s12 =	sand.u32 $0xE0, s7;
	v6 =	vld [tilespmem:s13+$0x8000];
	v3 =	vperm.xlane v0, v3  }
0x55: {  	v8 =	vld [tilespmem:s13+$0x8800];
	s18 =	sor.u32 $0x110, s12;
	v7 =	vand.u32 $0x1, v1  }
0x56: {  	v11 =	vld [tilespmem:s13+$0x4000];
	s19 =	sshll.u32 s18, $0x3;
	vm0 =	vlt.f32 v2, $5.000000000e-01;
	vm1 =	veq.s32 v7, $0x1;
	v3 =	vadd.f32 v4, v3  }
0x57: {  	v13 =	vld [tilespmem:s13+$0xD800];
	s24 =	sor.u32 s19, s18;
	vm0 =	vmand vm0, vm1  }
0x58: {  	s15 =	sor.u32 s15, s17;
	v15 =	vld [tilespmem:s13+$0x4800];
	s25 =	sand.u32 $0xC70, s24;
	v3 =	vsel vm0, v3, v5  }
0x59: {  	v7 =	vld [tilespmem:s15+$0x0];
	s15 =	sor.u32 s14, s25;
	[tilespmem:s16+$0x11000] =	vst v3  }
0x5a: {  	v3 =	vld [tilespmem:s15+$0x8000]  }
0x5b: {  	v9 =	vld [tilespmem:s15+$0xD000]  }
0x5c: {  	v10 =	vld [tilespmem:s15+$0x4000]  }
0x5d: {  	v2 =	vld [tilespmem:s13+$0x9000]  }
0x5e: {  	v12 =	vld [tilespmem:s15+$0x0]  }
0x5f: {  	v4 =	vld [tilespmem:s13+$0x9800];
	v3 =	vperm.xlane v0, v3  }
0x60: {  	s28 =	sor.u32 $0x210, s12;
	v14 =	vand.u32 $0x100, v1;
	v6 =	vperm.xlane v0, v6;
	v8 =	vperm.xlane v0, v8;
	v5 =	vld [tilespmem:s13+$0xD000]  }
0x61: {  	v63 =	vld [tilespmem:s13+$0xE800];
	s30 =	sshll.u32 s28, $0x3;
	vm0 =	vne.s32 v14, $0x0;
	vm1 =	vlt.f32 v9, $5.000000000e-01;
	v3 =	vadd.f32 v10, v3  }
0x62: {  	s16 =	sor.u32 s30, s28;
	v16 =	vperm.xlane v0, v2;
	v61 =	vand.u32 $0x1, v7;
	v9 =	vld [tilespmem:s13+$0xE000];
	vm0 =	vmand vm0, vm1  }
0x63: {  	v17 =	vld [tilespmem:s13+$0x5800];
	s16 =	sand.u32 $0x1470, s16;
	v2 =	vand.u32 $0x1000000, v7;
	v10 =	vand.u32 $0x100, v7;
	v3 =	vsel vm0, v3, v12  }
0x64: {  	v62 =	vld [tilespmem:s13+$0x5000];
	vm2 =	veq.s32 v61, $0x1;
	s19 =	sor.u32 s14, s16;
	vm1 =	vne.s32 v10, $0x0;
	v10 =	vand.u32 $0x10000, v7;
	[tilespmem:s15+$0x11000] =	vst v3  }
0x65: {  	v4 =	vperm.xlane v0, v4;
	vm3 =	vne.s32 v10, $0x0;
	vm0 =	vlt.f32 v5, $5.000000000e-01;
	v10 =	vld [tilespmem:s19+$0x8000]  }
0x66: {  	vm4 =	vne.s32 v2, $0x0;
	vm0 =	vmand vm0, vm2;
	vm2 =	vlt.f32 v13, $5.000000000e-01;
	v7 =	vld [tilespmem:s19+$0xD000]  }
0x67: {  	v2 =	vadd.f32 v11, v6;
	vm1 =	vmand vm1, vm2;
	vm2 =	vlt.f32 v9, $5.000000000e-01;
	v9 =	vld [tilespmem:s19+$0x4000]  }
0x68: {  	s17 =	simm.s32 $0x100;
	v6 =	vld [tilespmem:s13+$0x0];
	v4 =	vadd.f32 v17, v4;
	vm3 =	vmand vm3, vm2;
	vm2 =	vlt.f32 v63, $5.000000000e-01  }
0x69: {  	s18 =	simm.s32 $0x10;
	s16 =	simm.s32 $0x20;
	v5 =	vadd.f32 v62, v16;
	s15 =	simm.s32 $0x0;
	v3 =	vadd.f32 v15, v8;
	v8 =	vld [tilespmem:s19+$0x0];
	vm2 =	vmand vm4, vm2  }
.LBB2_2:
0x6a: {  	s21 =	sand.u32 $0x60, s16;
	s20 =	sand.u32 $0x400, s17;
	s22 =	sand.u32 $0x380, s18;
	v11 =	vld [tilespmem:s13+$0x800];
	v10 =	vperm.xlane v0, v10  }
0x6b: {  	v13 =	vand.u32 $0x10000, v1;
	s12 =	sor.u32 $0x310, s12;
	s23 =	sor.u32 s22, s20;
	s24 =	sor.u32 $0x10, s21;
	v12 =	vld [tilespmem:s13+$0x1000]  }
0x6c: {  	vm4 =	vne.s32 v13, $0x0;
	vm5 =	vlt.f32 v7, $5.000000000e-01;
	s28 =	sshll.u32 s12, $0x3;
	s25 =	sor.u32 s21, s23;
	s20 =	sor.u32 s24, s23;
	v14 =	vld [tilespmem:s13+$0x1800];
	v7 =	vadd.f32 v9, v10  }
0x6d: {  	s23 =	sor.u32 $0xC000, s23;
	s12 =	sor.u32 s28, s12;
	v9 =	vld [tilespmem:s20+$0xD000];
	v2 =	vsel vm0, v2, v6;
	vm0 =	vmand vm4, vm5  }
0x6e: {  	s15 =	sadd.s32 $0x2, s15;
	s24 =	sor.u32 s24, s23;
	s12 =	sand.u32 $0x1C70, s12;
	v6 =	vld [tilespmem:s20+$0x8000];
	[tilespmem:s13+$0x11000] =	vst v2;
	v2 =	vsel vm0, v7, v8  }
0x6f: {  	p0 =	slt.u32 s15, $0x7E;
	s21 =	sor.u32 s21, s23;
	v7 =	vld [tilespmem:s24+$0x0];
	v3 =	vsel vm1, v3, v11;
	[tilespmem:s19+$0x11000] =	vst v2;
	s19 =	sor.u32 s14, s12  }
0x70: {  	s14 =	smov.u32 s22;
	[tilespmem:s13+$0x11800] =	vst v3;
	v2 =	vsel vm3, v5, v12;
	v3 =	vld [tilespmem:s19+$0x8000]  }
0x71: {  	[tilespmem:s13+$0x12000] =	vst v2;
	v2 =	vsel vm2, v4, v14;
	v4 =	vld [tilespmem:s19+$0xD000]  }
0x72: {  	[tilespmem:s13+$0x12800] =	vst v2;
	v2 =	vld [tilespmem:s19+$0x4000];
	s13 =	smov.u32 s25  }
0x73: {  	v5 =	vld [tilespmem:s20+$0x4000]  }
0x74: {  	v8 =	vld [tilespmem:s19+$0x0]  }
0x75: {  	vm0 =	vlt.f32 v9, $5.000000000e-01;
	v9 =	vld [tilespmem:s20+$0x0];
	v3 =	vperm.xlane v0, v3  }
0x76: {  	s12 =	sand.u32 $0xE0, s16;
	v12 =	vand.u32 $0x1000000, v1;
	v6 =	vperm.xlane v0, v6;
	v11 =	vand.u32 $0x1, v7;
	v1 =	vmovc v7;
	v10 =	vld [tilespmem:s13+$0x8000]  }
0x77: {  	s22 =	sor.u32 $0x110, s12;
	vm1 =	vne.s32 v12, $0x0;
	vm2 =	vlt.f32 v4, $5.000000000e-01;
	v7 =	vld [tilespmem:s13+$0x8800];
	v2 =	vadd.f32 v2, v3  }
0x78: {  	s23 =	sshll.u32 s22, $0x3;
	vm3 =	veq.s32 v11, $0x1;
	vm1 =	vmand vm1, vm2;
	v3 =	vld [tilespmem:s13+$0x9000];
	v4 =	vadd.f32 v5, v6  }
0x79: {  	s22 =	sor.u32 s23, s22;
	vm0 =	vmand vm0, vm3;
	v5 =	vld [tilespmem:s13+$0x9800];
	v2 =	vsel vm1, v2, v8  }
0x7a: {  	v6 =	vld [tilespmem:s21+$0x0];
	v4 =	vsel vm0, v4, v9;
	s21 =	sand.u32 $0xC70, s22;
	[tilespmem:s19+$0x11000] =	vst v2  }
0x7b: {  	v2 =	vld [tilespmem:s13+$0xD000];
	v8 =	vperm.xlane v0, v10;
	[tilespmem:s20+$0x11000] =	vst v4;
	s19 =	sor.u32 s14, s21  }
0x7c: {  	v4 =	vperm.xlane v0, v7;
	v7 =	vld [tilespmem:s19+$0x8000]  }
0x7d: {  	v9 =	vperm.xlane v0, v3;
	v3 =	vld [tilespmem:s19+$0xD000]  }
0x7e: {  	v11 =	vperm.xlane v0, v5;
	v5 =	vld [tilespmem:s19+$0x4000]  }
0x7f: {  	v10 =	vand.u32 $0x1, v6;
	v12 =	vld [tilespmem:s13+$0x4000];
	v13 =	vand.u32 $0x100, v6;
	v14 =	vand.u32 $0x10000, v6  }
0x80: {  	v6 =	vand.u32 $0x1000000, v6;
	vm0 =	veq.s32 v10, $0x1;
	vm1 =	vne.s32 v13, $0x0;
	v10 =	vld [tilespmem:s19+$0x0]  }
0x81: {  	vm3 =	vne.s32 v14, $0x0;
	vm2 =	vne.s32 v6, $0x0;
	v13 =	vld [tilespmem:s13+$0xD800];
	v6 =	vperm.xlane v0, v7  }
0x82: {  	s20 =	sor.u32 $0x210, s12;
	vm4 =	vlt.f32 v2, $5.000000000e-01;
	v2 =	vand.u32 $0x100, v1;
	v7 =	vld [tilespmem:s13+$0x4800]  }
0x83: {  	s21 =	sshll.u32 s20, $0x3;
	vm5 =	vne.s32 v2, $0x0;
	vm6 =	vlt.f32 v3, $5.000000000e-01;
	v14 =	vld [tilespmem:s13+$0xE000];
	v3 =	vadd.f32 v5, v6  }
0x84: {  	s20 =	sor.u32 s21, s20;
	vm0 =	vmand vm4, vm0;
	vm4 =	vmand vm5, vm6;
	v2 =	vadd.f32 v12, v8;
	v5 =	vld [tilespmem:s13+$0x5000]  }
0x85: {  	s20 =	sand.u32 $0x1470, s20;
	v8 =	vld [tilespmem:s13+$0xE800];
	v3 =	vsel vm4, v3, v10  }
0x86: {  	vm4 =	vlt.f32 v13, $5.000000000e-01;
	v12 =	vld [tilespmem:s13+$0x5800];
	[tilespmem:s19+$0x11000] =	vst v3;
	s19 =	sor.u32 s14, s20  }
.Ltmp0:
0x87: {  	vm1 =	vmand vm1, vm4;
	v3 =	vadd.f32 v7, v4;
	v10 =	vld [tilespmem:s19+$0x8000];
	(pc) =	sbr.rel @p0 .LBB2_2-.Ltmp0, $4  }
0x88: {  	vm4 =	vlt.f32 v14, $5.000000000e-01;
	v7 =	vld [tilespmem:s19+$0xD000]  }
0x89: {  	vm3 =	vmand vm3, vm4;
	v5 =	vadd.f32 v5, v9;
	v9 =	vld [tilespmem:s19+$0x4000]  }
0x8a: {  	v6 =	vld [tilespmem:s13+$0x0];
	vm4 =	vlt.f32 v8, $5.000000000e-01  }
0x8b: {  	s17 =	sadd.s32 $0x100, s17;
	s18 =	sadd.s32 $0x10, s18;
	s16 =	sadd.s32 $0x20, s16;
	vm2 =	vmand vm2, vm4;
	v4 =	vadd.f32 v12, v11;
	v8 =	vld [tilespmem:s19+$0x0]  }
0x8c: {  	v10 =	vperm.xlane v0, v10  }
0x8d: {  	v11 =	vand.u32 $0x10000, v1;
	s12 =	sor.u32 $0x310, s12  }
0x8e: {  	vm4 =	vne.s32 v11, $0x0;
	vm5 =	vlt.f32 v7, $5.000000000e-01;
	s15 =	sshll.u32 s12, $0x3;
	v7 =	vadd.f32 v9, v10  }
0x8f: {  	vm4 =	vmand vm4, vm5;
	s12 =	sor.u32 s15, s12  }
0x90: {  	v12 =	vld [tilespmem:s13+$0x1800];
	s12 =	sand.u32 $0x1C70, s12;
	v7 =	vsel vm4, v7, v8  }
0x91: {  	v9 =	vld [tilespmem:s13+$0x800];
	s12 =	sor.u32 s14, s12;
	[tilespmem:s19+$0x11000] =	vst v7  }
0x92: {  	v7 =	vld [tilespmem:s12+$0x8000]  }
0x93: {  	v10 =	vld [tilespmem:s12+$0xD000]  }
0x94: {  	v11 =	vld [tilespmem:s12+$0x4000]  }
0x95: {  	v8 =	vld [tilespmem:s13+$0x1000]  }
0x96: {  	v13 =	vld [tilespmem:s12+$0x0]  }
0x97: {  	v1 =	vand.u32 $0x1000000, v1;
	v2 =	vsel vm0, v2, v6;
	v0 =	vperm.xlane v0, v7  }
0x98: {  	vm0 =	vne.s32 v1, $0x0;
	[tilespmem:s13+$0x11000] =	vst v2;
	v1 =	vsel vm2, v4, v12  }
0x99: {  	[tilespmem:s13+$0x12800] =	vst v1;
	v2 =	vsel vm1, v3, v9;
	vm1 =	vlt.f32 v10, $5.000000000e-01;
	v0 =	vadd.f32 v11, v0  }
0x9a: {  	[tilespmem:s13+$0x11800] =	vst v2;
	v3 =	vsel vm3, v5, v8;
	vm0 =	vmand vm0, vm1  }
0x9b: {  	[tilespmem:s13+$0x12000] =	vst v3;
	v0 =	vsel vm0, v0, v13  }
0x9c: {  	[tilespmem:s12+$0x11000] =	vst v0  }
0x9d: {  	s30 =	simm.s32 $0x0;
	s2 =	simm.s32 $0x11000;
	s1 =	rddreg [dreg:$0xe]  }
0x9e: {  	[hbm4b:s1+s30] =	stream.linear.scatter [tilespmem:s2], [sflag:$0x3], $0x2000, $0x38;
	[tilespmem:$0x15080] =	vst v63  }
0x9f: {  	s2 =	rddreg [dreg:$0xf]  }
0xa0: {  	[tilespmem:s30], [sflag:$0x1] =	stream.linear.gather [hbm4b:s2+s30], $0x2000, $0x38;
	[tilespmem:$0x15080] =	vst v63  }
0xa1: {  	s14 =	simm.s32 $0x4000;
	s13 =	rddreg [dreg:$0x10]  }
0xa2: {  	[tilespmem:s14], [sflag:$0x1] =	stream.linear.gather [hbm4b:s13+s30], $0x2000, $0x38;
	[tilespmem:$0x15080] =	vst v63  }
0xa3: {  	s16 =	simm.s32 $0x8000;
	s15 =	rddreg [dreg:$0x11]  }
0xa4: {  	[tilespmem:s16], [sflag:$0x1] =	stream.linear.gather [hbm4b:s15+s30], $0x2000, $0x38;
	[tilespmem:$0x15080] =	vst v63  }
0xa5: {  	s18 =	simm.s32 $0xD000;
	s17 =	rddreg [dreg:$0x12]  }
0xa6: {  	[tilespmem:s18], [sflag:$0x1] =	stream.linear.gather [hbm4b:s17+s30], $0x2000, $0x38;
	[tilespmem:$0x15080] =	vst v63  }
0xa7: {  	s20 =	simm.s32 $0xC000;
	s19 =	rddreg [dreg:$0x13]  }
0xa8: {  	[tilespmem:s20], [sflag:$0x1] =	stream.linear.gather [hbm4b:s19+s30], $0x800, $0x38;
	[tilespmem:$0x15080] =	vst v63  }
0xa9: {  	_ =	swait.ge [sflag:s29], $0x2000  }
0xaa: {  	[sflag:s29] =	ssyncset.done $0x0  }
0xab: {  	[sflag:s29] =	ssyncadd.s32 $0xFFFFE000  }
0xac: {  	_ =	swait.ge [sflag:s29], $0x2000  }
0xad: {  	[sflag:s29] =	ssyncset.done $0x0  }
0xae: {  	[sflag:s29] =	ssyncadd.s32 $0xFFFFE000  }
0xaf: {  	_ =	swait.ge [sflag:s29], $0x2000  }
0xb0: {  	[sflag:s29] =	ssyncset.done $0x0  }
0xb1: {  	[sflag:s29] =	ssyncadd.s32 $0xFFFFE000  }
0xb2: {  	_ =	swait.ge [sflag:s29], $0x2000  }
0xb3: {  	[sflag:s29] =	ssyncset.done $0x0  }
0xb4: {  	[sflag:s29] =	ssyncadd.s32 $0xFFFFE000  }
0xb5: {  	s21 =	sand.u32 $0x60, s30;
	_ =	swait.ge [sflag:s29], $0x800  }
0xb6: {  	s22 =	sand.u32 $0x400, s30;
	s14 =	sand.u32 $0x380, s30;
	[sflag:s29] =	ssyncset.done $0x0  }
0xb7: {  	s13 =	sor.u32 s14, s22;
	s16 =	sor.u32 $0x10, s21;
	[sflag:s29] =	ssyncadd.s32 $0xFFFFF800  }
0xb8: {  	s17 =	sor.u32 s16, s13;
	v0 =	vld [tilespmem:$0x15000]  }
0xb9: {  	s18 =	sor.u32 $0xC800, s13;
	v2 =	vld [tilespmem:s17+$0xF000]  }
0xba: {  	s16 =	sor.u32 s16, s18;
	v3 =	vld [tilespmem:s17+$0xA000]  }
0xbb: {  	v1 =	vld [tilespmem:s16+$0x0]  }
0xbc: {  	v4 =	vld [tilespmem:s17+$0x6000];
	_ =	sdelay $0x1  }
0xbd: {  	s13 =	sor.u32 s21, s13;
	v5 =	vld [tilespmem:s17+$0x2000]  }
0xbe: {  	s12 =	sand.u32 $0xE0, s30;
	v6 =	vld [tilespmem:s13+$0xA000];
	v3 =	vperm.xlane v0, v3  }
0xbf: {  	s23 =	sor.u32 $0x110, s12;
	v8 =	vld [tilespmem:s13+$0xA800];
	v7 =	vand.u32 $0x1, v1  }
0xc0: {  	s24 =	sshll.u32 s23, $0x3;
	v11 =	vld [tilespmem:s13+$0x6000];
	vm0 =	vlt.f32 v2, $5.000000000e-01;
	vm1 =	veq.s32 v7, $0x1;
	v3 =	vadd.f32 v4, v3  }
0xc1: {  	s16 =	sor.u32 s24, s23;
	v60 =	vld [tilespmem:s13+$0xF800];
	vm0 =	vmand vm0, vm1  }
0xc2: {  	s15 =	sor.u32 s21, s18;
	v15 =	vld [tilespmem:s13+$0x6800];
	s25 =	sand.u32 $0xC70, s16;
	v3 =	vsel vm0, v3, v5  }
0xc3: {  	v7 =	vld [tilespmem:s15+$0x0];
	s15 =	sor.u32 s14, s25;
	[tilespmem:s17+$0x13000] =	vst v3  }
0xc4: {  	v3 =	vld [tilespmem:s15+$0xA000]  }
0xc5: {  	v9 =	vld [tilespmem:s15+$0xF000]  }
0xc6: {  	v10 =	vld [tilespmem:s15+$0x6000]  }
0xc7: {  	v2 =	vld [tilespmem:s13+$0xB000]  }
0xc8: {  	v59 =	vld [tilespmem:s15+$0x2000]  }
0xc9: {  	v4 =	vld [tilespmem:s13+$0xB800];
	v3 =	vperm.xlane v0, v3  }
0xca: {  	s28 =	sor.u32 $0x210, s12;
	v14 =	vand.u32 $0x100, v1;
	v6 =	vperm.xlane v0, v6;
	v8 =	vperm.xlane v0, v8;
	v5 =	vld [tilespmem:s13+$0xF000]  }
0xcb: {  	s30 =	sshll.u32 s28, $0x3;
	v63 =	vld [tilespmem:s13+$0x10800];
	vm0 =	vne.s32 v14, $0x0;
	vm1 =	vlt.f32 v9, $5.000000000e-01;
	v3 =	vadd.f32 v10, v3  }
0xcc: {  	s16 =	sor.u32 s30, s28;
	v16 =	vperm.xlane v0, v2;
	v61 =	vand.u32 $0x1, v7;
	v9 =	vld [tilespmem:s13+$0x10000];
	vm0 =	vmand vm0, vm1  }
0xcd: {  	v17 =	vld [tilespmem:s13+$0x7800];
	s16 =	sand.u32 $0x1470, s16;
	v2 =	vand.u32 $0x1000000, v7;
	v10 =	vand.u32 $0x100, v7;
	v3 =	vsel vm0, v3, v59  }
0xce: {  	v62 =	vld [tilespmem:s13+$0x7000];
	s19 =	sor.u32 s14, s16;
	vm2 =	veq.s32 v61, $0x1;
	vm1 =	vne.s32 v10, $0x0;
	v10 =	vand.u32 $0x10000, v7;
	[tilespmem:s15+$0x13000] =	vst v3  }
0xcf: {  	v4 =	vperm.xlane v0, v4;
	vm3 =	vne.s32 v10, $0x0;
	vm0 =	vlt.f32 v5, $5.000000000e-01;
	v10 =	vld [tilespmem:s19+$0xA000]  }
0xd0: {  	vm4 =	vne.s32 v2, $0x0;
	vm0 =	vmand vm0, vm2;
	vm2 =	vlt.f32 v60, $5.000000000e-01;
	v7 =	vld [tilespmem:s19+$0xF000]  }
0xd1: {  	v2 =	vadd.f32 v11, v6;
	vm1 =	vmand vm1, vm2;
	vm2 =	vlt.f32 v9, $5.000000000e-01;
	v9 =	vld [tilespmem:s19+$0x6000]  }
0xd2: {  	s18 =	simm.s32 $0x10;
	v6 =	vld [tilespmem:s13+$0x2000];
	v4 =	vadd.f32 v17, v4;
	vm3 =	vmand vm3, vm2;
	vm2 =	vlt.f32 v63, $5.000000000e-01  }
0xd3: {  	s16 =	simm.s32 $0x20;
	s17 =	simm.s32 $0x100;
	v5 =	vadd.f32 v62, v16;
	s15 =	simm.s32 $0x0;
	v3 =	vadd.f32 v15, v8;
	v8 =	vld [tilespmem:s19+$0x2000];
	vm2 =	vmand vm4, vm2  }
.LBB2_4:
0xd4: {  	s21 =	sand.u32 $0x60, s16;
	s20 =	sand.u32 $0x400, s17;
	s22 =	sand.u32 $0x380, s18;
	v11 =	vld [tilespmem:s13+$0x2800];
	v10 =	vperm.xlane v0, v10  }
0xd5: {  	v13 =	vand.u32 $0x10000, v1;
	s12 =	sor.u32 $0x310, s12;
	s23 =	sor.u32 s22, s20;
	s24 =	sor.u32 $0x10, s21;
	v12 =	vld [tilespmem:s13+$0x3000]  }
0xd6: {  	vm4 =	vne.s32 v13, $0x0;
	vm5 =	vlt.f32 v7, $5.000000000e-01;
	s28 =	sshll.u32 s12, $0x3;
	s25 =	sor.u32 s21, s23;
	s20 =	sor.u32 s24, s23;
	v14 =	vld [tilespmem:s13+$0x3800];
	v7 =	vadd.f32 v9, v10  }
0xd7: {  	s23 =	sor.u32 $0xC800, s23;
	s12 =	sor.u32 s28, s12;
	v9 =	vld [tilespmem:s20+$0xF000];
	v2 =	vsel vm0, v2, v6;
	vm0 =	vmand vm4, vm5  }
0xd8: {  	s15 =	sadd.s32 $0x2, s15;
	s24 =	sor.u32 s24, s23;
	s12 =	sand.u32 $0x1C70, s12;
	v6 =	vld [tilespmem:s20+$0xA000];
	[tilespmem:s13+$0x13000] =	vst v2;
	v2 =	vsel vm0, v7, v8  }
0xd9: {  	p0 =	slt.u32 s15, $0x7E;
	s21 =	sor.u32 s21, s23;
	v7 =	vld [tilespmem:s24+$0x0];
	v3 =	vsel vm1, v3, v11;
	[tilespmem:s19+$0x13000] =	vst v2;
	s19 =	sor.u32 s14, s12  }
0xda: {  	s14 =	smov.u32 s22;
	[tilespmem:s13+$0x13800] =	vst v3;
	v2 =	vsel vm3, v5, v12;
	v3 =	vld [tilespmem:s19+$0xA000]  }
0xdb: {  	[tilespmem:s13+$0x14000] =	vst v2;
	v2 =	vsel vm2, v4, v14;
	v4 =	vld [tilespmem:s19+$0xF000]  }
0xdc: {  	[tilespmem:s13+$0x14800] =	vst v2;
	v2 =	vld [tilespmem:s19+$0x6000];
	s13 =	smov.u32 s25  }
0xdd: {  	v5 =	vld [tilespmem:s20+$0x6000]  }
0xde: {  	v8 =	vld [tilespmem:s19+$0x2000]  }
0xdf: {  	vm0 =	vlt.f32 v9, $5.000000000e-01;
	v9 =	vld [tilespmem:s20+$0x2000];
	v3 =	vperm.xlane v0, v3  }
0xe0: {  	s12 =	sand.u32 $0xE0, s16;
	v12 =	vand.u32 $0x1000000, v1;
	v6 =	vperm.xlane v0, v6;
	v11 =	vand.u32 $0x1, v7;
	v1 =	vmovc v7;
	v10 =	vld [tilespmem:s13+$0xA000]  }
0xe1: {  	s22 =	sor.u32 $0x110, s12;
	vm1 =	vne.s32 v12, $0x0;
	vm2 =	vlt.f32 v4, $5.000000000e-01;
	v7 =	vld [tilespmem:s13+$0xA800];
	v2 =	vadd.f32 v2, v3  }
0xe2: {  	s23 =	sshll.u32 s22, $0x3;
	vm3 =	veq.s32 v11, $0x1;
	vm1 =	vmand vm1, vm2;
	v3 =	vld [tilespmem:s13+$0xB000];
	v4 =	vadd.f32 v5, v6  }
0xe3: {  	s22 =	sor.u32 s23, s22;
	vm0 =	vmand vm0, vm3;
	v5 =	vld [tilespmem:s13+$0xB800];
	v2 =	vsel vm1, v2, v8  }
0xe4: {  	v6 =	vld [tilespmem:s21+$0x0];
	v4 =	vsel vm0, v4, v9;
	s21 =	sand.u32 $0xC70, s22;
	[tilespmem:s19+$0x13000] =	vst v2  }
0xe5: {  	v2 =	vld [tilespmem:s13+$0xF000];
	v8 =	vperm.xlane v0, v10;
	[tilespmem:s20+$0x13000] =	vst v4;
	s19 =	sor.u32 s14, s21  }
0xe6: {  	v4 =	vperm.xlane v0, v7;
	v7 =	vld [tilespmem:s19+$0xA000]  }
0xe7: {  	v9 =	vperm.xlane v0, v3;
	v3 =	vld [tilespmem:s19+$0xF000]  }
0xe8: {  	v11 =	vperm.xlane v0, v5;
	v5 =	vld [tilespmem:s19+$0x6000]  }
0xe9: {  	v10 =	vand.u32 $0x1, v6;
	v12 =	vld [tilespmem:s13+$0x6000];
	v13 =	vand.u32 $0x100, v6;
	v14 =	vand.u32 $0x10000, v6  }
0xea: {  	v6 =	vand.u32 $0x1000000, v6;
	vm0 =	veq.s32 v10, $0x1;
	vm1 =	vne.s32 v13, $0x0;
	v10 =	vld [tilespmem:s19+$0x2000]  }
0xeb: {  	vm3 =	vne.s32 v14, $0x0;
	vm2 =	vne.s32 v6, $0x0;
	v13 =	vld [tilespmem:s13+$0xF800];
	v6 =	vperm.xlane v0, v7  }
0xec: {  	s20 =	sor.u32 $0x210, s12;
	vm4 =	vlt.f32 v2, $5.000000000e-01;
	v2 =	vand.u32 $0x100, v1;
	v7 =	vld [tilespmem:s13+$0x6800]  }
0xed: {  	s21 =	sshll.u32 s20, $0x3;
	vm5 =	vne.s32 v2, $0x0;
	vm6 =	vlt.f32 v3, $5.000000000e-01;
	v14 =	vld [tilespmem:s13+$0x10000];
	v3 =	vadd.f32 v5, v6  }
0xee: {  	s20 =	sor.u32 s21, s20;
	vm0 =	vmand vm4, vm0;
	vm4 =	vmand vm5, vm6;
	v2 =	vadd.f32 v12, v8;
	v5 =	vld [tilespmem:s13+$0x7000]  }
0xef: {  	s20 =	sand.u32 $0x1470, s20;
	v8 =	vld [tilespmem:s13+$0x10800];
	v3 =	vsel vm4, v3, v10  }
0xf0: {  	vm4 =	vlt.f32 v13, $5.000000000e-01;
	v12 =	vld [tilespmem:s13+$0x7800];
	[tilespmem:s19+$0x13000] =	vst v3;
	s19 =	sor.u32 s14, s20  }
.Ltmp1:
0xf1: {  	vm1 =	vmand vm1, vm4;
	v3 =	vadd.f32 v7, v4;
	v10 =	vld [tilespmem:s19+$0xA000];
	(pc) =	sbr.rel @p0 .LBB2_4-.Ltmp1, $4  }
0xf2: {  	vm4 =	vlt.f32 v14, $5.000000000e-01;
	v7 =	vld [tilespmem:s19+$0xF000]  }
0xf3: {  	vm3 =	vmand vm3, vm4;
	v5 =	vadd.f32 v5, v9;
	v9 =	vld [tilespmem:s19+$0x6000]  }
0xf4: {  	v6 =	vld [tilespmem:s13+$0x2000];
	vm4 =	vlt.f32 v8, $5.000000000e-01  }
0xf5: {  	s17 =	sadd.s32 $0x100, s17;
	s18 =	sadd.s32 $0x10, s18;
	s16 =	sadd.s32 $0x20, s16;
	vm2 =	vmand vm2, vm4;
	v4 =	vadd.f32 v12, v11;
	v8 =	vld [tilespmem:s19+$0x2000]  }
0xf6: {  	v10 =	vperm.xlane v0, v10  }
0xf7: {  	v11 =	vand.u32 $0x10000, v1;
	s12 =	sor.u32 $0x310, s12  }
0xf8: {  	vm4 =	vne.s32 v11, $0x0;
	vm5 =	vlt.f32 v7, $5.000000000e-01;
	s15 =	sshll.u32 s12, $0x3;
	v54 =	vadd.f32 v9, v10  }
0xf9: {  	vm4 =	vmand vm4, vm5;
	s12 =	sor.u32 s15, s12  }
0xfa: {  	v55 =	vld [tilespmem:s13+$0x2800];
	s12 =	sand.u32 $0x1C70, s12;
	v7 =	vsel vm4, v54, v8  }
0xfb: {  	v56 =	vld [tilespmem:s13+$0x3000];
	s12 =	sor.u32 s14, s12;
	[tilespmem:s19+$0x13000] =	vst v7  }
0xfc: {  	v7 =	vld [tilespmem:s12+$0xA000]  }
0xfd: {  	v57 =	vld [tilespmem:s12+$0xF000]  }
0xfe: {  	v58 =	vld [tilespmem:s12+$0x6000]  }
0xff: {  	v12 =	vld [tilespmem:s13+$0x3800]  }
0x100: {  	v13 =	vld [tilespmem:s12+$0x2000]  }
0x101: {  	v62 =	vand.u32 $0x1000000, v1;
	v2 =	vsel vm0, v2, v6;
	v59 =	vperm.xlane v0, v7  }
0x102: {  	vm14 =	vne.s32 v62, $0x0;
	[tilespmem:s13+$0x13000] =	vst v2;
	v60 =	vsel vm1, v3, v55  }
0x103: {  	v61 =	vsel vm3, v5, v56;
	[tilespmem:s13+$0x13800] =	vst v60;
	vm15 =	vlt.f32 v57, $5.000000000e-01;
	v0 =	vadd.f32 v58, v59  }
0x104: {  	v63 =	vsel vm2, v4, v12;
	[tilespmem:s13+$0x14000] =	vst v61;
	vm0 =	vmand vm14, vm15  }
0x105: {  	[tilespmem:s13+$0x14800] =	vst v63;
	v0 =	vsel vm0, v0, v13  }
0x106: {  	[tilespmem:s12+$0x13000] =	vst v0  }
0x107: {  	s2 =	simm.s32 $0x13000;
	s13 =	simm.s32 $0x0;
	s1 =	rddreg [dreg:$0x18]  }
0x108: {  	[hbm4b:s1+s13] =	stream.linear.scatter [tilespmem:s2], [sflag:$0x4], $0x2000, $0x38;
	[tilespmem:$0x15080] =	vst v63  }
0x109: {  	s19 =	simm.s32 $0x2000;
	s18 =	rddreg [dreg:$0x19]  }
0x10a: {  	[tilespmem:s19], [sflag:$0x2] =	stream.linear.gather [hbm4b:s18+s13], $0x2000, $0x38;
	[tilespmem:$0x15080] =	vst v63  }
0x10b: {  	s21 =	simm.s32 $0x6000;
	s20 =	rddreg [dreg:$0x1a]  }
0x10c: {  	[tilespmem:s21], [sflag:$0x2] =	stream.linear.gather [hbm4b:s20+s13], $0x2000, $0x38;
	[tilespmem:$0x15080] =	vst v63  }
0x10d: {  	s23 =	simm.s32 $0xA000;
	s22 =	rddreg [dreg:$0x1b]  }
0x10e: {  	[tilespmem:s23], [sflag:$0x2] =	stream.linear.gather [hbm4b:s22+s13], $0x2000, $0x38;
	[tilespmem:$0x15080] =	vst v63  }
0x10f: {  	s25 =	simm.s32 $0xF000;
	s24 =	rddreg [dreg:$0x1c]  }
0x110: {  	[tilespmem:s25], [sflag:$0x2] =	stream.linear.gather [hbm4b:s24+s13], $0x2000, $0x38;
	[tilespmem:$0x15080] =	vst v63  }
0x111: {  	s30 =	simm.s32 $0xC800;
	s14 =	simm.s32 $0x0;
	s28 =	rddreg [dreg:$0x1d]  }
0x112: {  	[tilespmem:s30], [sflag:$0x2] =	stream.linear.gather [hbm4b:s28+s13], $0x800, $0x38;
	[tilespmem:$0x15080] =	vst v63  }
.LBB2_6:
0x113: {  	_ =	swait.ge [sflag:s31], $0x2000  }
0x114: {  	[sflag:s31] =	ssyncset.done $0x0  }
0x115: {  	[sflag:s31] =	ssyncadd.s32 $0xFFFFE000  }
0x116: {  	_ =	swait.ge [sflag:s26], $0x2000  }
0x117: {  	[sflag:s26] =	ssyncset.done $0x0  }
0x118: {  	[sflag:s26] =	ssyncadd.s32 $0xFFFFE000  }
0x119: {  	_ =	swait.ge [sflag:s26], $0x2000  }
0x11a: {  	[sflag:s26] =	ssyncset.done $0x0  }
0x11b: {  	[sflag:s26] =	ssyncadd.s32 $0xFFFFE000  }
0x11c: {  	_ =	swait.ge [sflag:s26], $0x2000  }
0x11d: {  	[sflag:s26] =	ssyncset.done $0x0  }
0x11e: {  	[sflag:s26] =	ssyncadd.s32 $0xFFFFE000  }
0x11f: {  	_ =	swait.ge [sflag:s26], $0x2000  }
0x120: {  	[sflag:s26] =	ssyncset.done $0x0  }
0x121: {  	[sflag:s26] =	ssyncadd.s32 $0xFFFFE000  }
0x122: {  	s17 =	sand.u32 $0x60, s13;
	_ =	swait.ge [sflag:s26], $0x800  }
0x123: {  	s12 =	sand.u32 $0x400, s13;
	s16 =	sand.u32 $0x380, s13;
	[sflag:s26] =	ssyncset.done $0x0  }
0x124: {  	s12 =	sor.u32 s16, s12;
	s15 =	sor.u32 $0x10, s17;
	[sflag:s26] =	ssyncadd.s32 $0xFFFFF800  }
0x125: {  	s18 =	sor.u32 s15, s12;
	v0 =	vld [tilespmem:$0x15000]  }
0x126: {  	s19 =	sor.u32 $0xC000, s12;
	v2 =	vld [tilespmem:s18+$0xD000]  }
0x127: {  	s15 =	sor.u32 s15, s19;
	v3 =	vld [tilespmem:s18+$0x8000]  }
0x128: {  	v1 =	vld [tilespmem:s15+$0x0]  }
0x129: {  	v4 =	vld [tilespmem:s18+$0x4000];
	_ =	sdelay $0x1  }
0x12a: {  	s15 =	sor.u32 s17, s12;
	v5 =	vld [tilespmem:s18+$0x0]  }
0x12b: {  	s12 =	sand.u32 $0xE0, s13;
	v6 =	vld [tilespmem:s15+$0x8000];
	v3 =	vperm.xlane v0, v3  }
0x12c: {  	v8 =	vld [tilespmem:s15+$0x8800];
	s20 =	sor.u32 $0x110, s12;
	v7 =	vand.u32 $0x1, v1  }
0x12d: {  	v11 =	vld [tilespmem:s15+$0x4000];
	s21 =	sshll.u32 s20, $0x3;
	vm0 =	vlt.f32 v2, $5.000000000e-01;
	vm1 =	veq.s32 v7, $0x1;
	v3 =	vadd.f32 v4, v3  }
0x12e: {  	v13 =	vld [tilespmem:s15+$0xD800];
	s24 =	sor.u32 s21, s20;
	vm0 =	vmand vm0, vm1  }
0x12f: {  	s17 =	sor.u32 s17, s19;
	v15 =	vld [tilespmem:s15+$0x4800];
	s25 =	sand.u32 $0xC70, s24;
	v3 =	vsel vm0, v3, v5  }
0x130: {  	v7 =	vld [tilespmem:s17+$0x0];
	s17 =	sor.u32 s16, s25;
	[tilespmem:s18+$0x11000] =	vst v3  }
0x131: {  	v3 =	vld [tilespmem:s17+$0x8000]  }
0x132: {  	v9 =	vld [tilespmem:s17+$0xD000]  }
0x133: {  	v10 =	vld [tilespmem:s17+$0x4000]  }
0x134: {  	v2 =	vld [tilespmem:s15+$0x9000]  }
0x135: {  	v12 =	vld [tilespmem:s17+$0x0]  }
0x136: {  	v4 =	vld [tilespmem:s15+$0x9800];
	v3 =	vperm.xlane v0, v3  }
0x137: {  	s28 =	sor.u32 $0x210, s12;
	v14 =	vand.u32 $0x100, v1;
	v6 =	vperm.xlane v0, v6;
	v8 =	vperm.xlane v0, v8;
	v5 =	vld [tilespmem:s15+$0xD000]  }
0x138: {  	v63 =	vld [tilespmem:s15+$0xE800];
	s30 =	sshll.u32 s28, $0x3;
	vm0 =	vne.s32 v14, $0x0;
	vm1 =	vlt.f32 v9, $5.000000000e-01;
	v3 =	vadd.f32 v10, v3  }
0x139: {  	s18 =	sor.u32 s30, s28;
	v16 =	vperm.xlane v0, v2;
	v61 =	vand.u32 $0x1, v7;
	v9 =	vld [tilespmem:s15+$0xE000];
	vm0 =	vmand vm0, vm1  }
0x13a: {  	v17 =	vld [tilespmem:s15+$0x5800];
	s18 =	sand.u32 $0x1470, s18;
	v2 =	vand.u32 $0x1000000, v7;
	v10 =	vand.u32 $0x100, v7;
	v3 =	vsel vm0, v3, v12  }
0x13b: {  	v62 =	vld [tilespmem:s15+$0x5000];
	vm2 =	veq.s32 v61, $0x1;
	s21 =	sor.u32 s16, s18;
	vm1 =	vne.s32 v10, $0x0;
	v10 =	vand.u32 $0x10000, v7;
	[tilespmem:s17+$0x11000] =	vst v3  }
0x13c: {  	v4 =	vperm.xlane v0, v4;
	vm3 =	vne.s32 v10, $0x0;
	vm0 =	vlt.f32 v5, $5.000000000e-01;
	v10 =	vld [tilespmem:s21+$0x8000]  }
0x13d: {  	vm4 =	vne.s32 v2, $0x0;
	vm0 =	vmand vm0, vm2;
	vm2 =	vlt.f32 v13, $5.000000000e-01;
	v7 =	vld [tilespmem:s21+$0xD000]  }
0x13e: {  	v2 =	vadd.f32 v11, v6;
	vm1 =	vmand vm1, vm2;
	vm2 =	vlt.f32 v9, $5.000000000e-01;
	v9 =	vld [tilespmem:s21+$0x4000]  }
0x13f: {  	s19 =	simm.s32 $0x100;
	v6 =	vld [tilespmem:s15+$0x0];
	v4 =	vadd.f32 v17, v4;
	vm3 =	vmand vm3, vm2;
	vm2 =	vlt.f32 v63, $5.000000000e-01  }
0x140: {  	s20 =	simm.s32 $0x10;
	s18 =	simm.s32 $0x20;
	v5 =	vadd.f32 v62, v16;
	s17 =	simm.s32 $0x0;
	v3 =	vadd.f32 v15, v8;
	v8 =	vld [tilespmem:s21+$0x0];
	vm2 =	vmand vm4, vm2  }
.LBB2_7:
0x141: {  	s23 =	sand.u32 $0x60, s18;
	s22 =	sand.u32 $0x400, s19;
	s24 =	sand.u32 $0x380, s20;
	v11 =	vld [tilespmem:s15+$0x800];
	v10 =	vperm.xlane v0, v10  }
0x142: {  	v13 =	vand.u32 $0x10000, v1;
	s12 =	sor.u32 $0x310, s12;
	s25 =	sor.u32 s24, s22;
	s28 =	sor.u32 $0x10, s23;
	v12 =	vld [tilespmem:s15+$0x1000]  }
0x143: {  	vm4 =	vne.s32 v13, $0x0;
	vm5 =	vlt.f32 v7, $5.000000000e-01;
	s1 =	sshll.u32 s12, $0x3;
	s30 =	sor.u32 s23, s25;
	s22 =	sor.u32 s28, s25;
	v14 =	vld [tilespmem:s15+$0x1800];
	v7 =	vadd.f32 v9, v10  }
0x144: {  	s25 =	sor.u32 $0xC000, s25;
	s1 =	sor.u32 s1, s12;
	v9 =	vld [tilespmem:s22+$0xD000];
	v2 =	vsel vm0, v2, v6;
	vm0 =	vmand vm4, vm5  }
0x145: {  	s17 =	sadd.s32 $0x2, s17;
	s12 =	sor.u32 s28, s25;
	s1 =	sand.u32 $0x1C70, s1;
	v6 =	vld [tilespmem:s22+$0x8000];
	[tilespmem:s15+$0x11000] =	vst v2;
	v2 =	vsel vm0, v7, v8  }
0x146: {  	p0 =	slt.u32 s17, $0x7E;
	s23 =	sor.u32 s23, s25;
	s1 =	sor.u32 s16, s1;
	v7 =	vld [tilespmem:s12+$0x0];
	v3 =	vsel vm1, v3, v11;
	[tilespmem:s21+$0x11000] =	vst v2  }
0x147: {  	s16 =	smov.u32 s24;
	[tilespmem:s15+$0x11800] =	vst v3;
	v2 =	vsel vm3, v5, v12;
	v3 =	vld [tilespmem:s1+$0x8000]  }
0x148: {  	[tilespmem:s15+$0x12000] =	vst v2;
	v2 =	vsel vm2, v4, v14;
	v4 =	vld [tilespmem:s1+$0xD000]  }
0x149: {  	[tilespmem:s15+$0x12800] =	vst v2;
	v2 =	vld [tilespmem:s1+$0x4000];
	s15 =	smov.u32 s30  }
0x14a: {  	v5 =	vld [tilespmem:s22+$0x4000]  }
0x14b: {  	v8 =	vld [tilespmem:s1+$0x0]  }
0x14c: {  	vm0 =	vlt.f32 v9, $5.000000000e-01;
	v9 =	vld [tilespmem:s22+$0x0];
	v3 =	vperm.xlane v0, v3  }
0x14d: {  	s12 =	sand.u32 $0xE0, s18;
	v12 =	vand.u32 $0x1000000, v1;
	v6 =	vperm.xlane v0, v6;
	v11 =	vand.u32 $0x1, v7;
	v1 =	vmovc v7;
	v10 =	vld [tilespmem:s15+$0x8000]  }
0x14e: {  	s21 =	sor.u32 $0x110, s12;
	vm1 =	vne.s32 v12, $0x0;
	vm2 =	vlt.f32 v4, $5.000000000e-01;
	v7 =	vld [tilespmem:s15+$0x8800];
	v2 =	vadd.f32 v2, v3  }
0x14f: {  	s24 =	sshll.u32 s21, $0x3;
	vm3 =	veq.s32 v11, $0x1;
	vm1 =	vmand vm1, vm2;
	v3 =	vld [tilespmem:s15+$0x9000];
	v4 =	vadd.f32 v5, v6  }
0x150: {  	s21 =	sor.u32 s24, s21;
	vm0 =	vmand vm0, vm3;
	v5 =	vld [tilespmem:s15+$0x9800];
	v2 =	vsel vm1, v2, v8  }
0x151: {  	s21 =	sand.u32 $0xC70, s21;
	v6 =	vld [tilespmem:s23+$0x0];
	v4 =	vsel vm0, v4, v9;
	[tilespmem:s1+$0x11000] =	vst v2  }
0x152: {  	s1 =	sor.u32 s16, s21;
	v2 =	vld [tilespmem:s15+$0xD000];
	v8 =	vperm.xlane v0, v10;
	[tilespmem:s22+$0x11000] =	vst v4  }
0x153: {  	v4 =	vperm.xlane v0, v7;
	v7 =	vld [tilespmem:s1+$0x8000]  }
0x154: {  	v9 =	vperm.xlane v0, v3;
	v3 =	vld [tilespmem:s1+$0xD000]  }
0x155: {  	v11 =	vperm.xlane v0, v5;
	v5 =	vld [tilespmem:s1+$0x4000]  }
0x156: {  	v10 =	vand.u32 $0x1, v6;
	v12 =	vld [tilespmem:s15+$0x4000];
	v13 =	vand.u32 $0x100, v6;
	v14 =	vand.u32 $0x10000, v6  }
0x157: {  	v6 =	vand.u32 $0x1000000, v6;
	vm0 =	veq.s32 v10, $0x1;
	vm1 =	vne.s32 v13, $0x0;
	v10 =	vld [tilespmem:s1+$0x0]  }
0x158: {  	vm3 =	vne.s32 v14, $0x0;
	vm2 =	vne.s32 v6, $0x0;
	v13 =	vld [tilespmem:s15+$0xD800];
	v6 =	vperm.xlane v0, v7  }
0x159: {  	s21 =	sor.u32 $0x210, s12;
	vm4 =	vlt.f32 v2, $5.000000000e-01;
	v2 =	vand.u32 $0x100, v1;
	v7 =	vld [tilespmem:s15+$0x4800]  }
0x15a: {  	s22 =	sshll.u32 s21, $0x3;
	vm5 =	vne.s32 v2, $0x0;
	vm6 =	vlt.f32 v3, $5.000000000e-01;
	v14 =	vld [tilespmem:s15+$0xE000];
	v3 =	vadd.f32 v5, v6  }
0x15b: {  	s21 =	sor.u32 s22, s21;
	vm0 =	vmand vm4, vm0;
	vm4 =	vmand vm5, vm6;
	v2 =	vadd.f32 v12, v8;
	v5 =	vld [tilespmem:s15+$0x5000]  }
0x15c: {  	s21 =	sand.u32 $0x1470, s21;
	v8 =	vld [tilespmem:s15+$0xE800];
	v3 =	vsel vm4, v3, v10  }
0x15d: {  	s21 =	sor.u32 s16, s21;
	vm4 =	vlt.f32 v13, $5.000000000e-01;
	v12 =	vld [tilespmem:s15+$0x5800];
	[tilespmem:s1+$0x11000] =	vst v3  }
.Ltmp2:
0x15e: {  	vm1 =	vmand vm1, vm4;
	v3 =	vadd.f32 v7, v4;
	v10 =	vld [tilespmem:s21+$0x8000];
	(pc) =	sbr.rel @p0 .LBB2_7-.Ltmp2, $4  }
0x15f: {  	vm4 =	vlt.f32 v14, $5.000000000e-01;
	v7 =	vld [tilespmem:s21+$0xD000]  }
0x160: {  	vm3 =	vmand vm3, vm4;
	v5 =	vadd.f32 v5, v9;
	v9 =	vld [tilespmem:s21+$0x4000]  }
0x161: {  	v6 =	vld [tilespmem:s15+$0x0];
	vm4 =	vlt.f32 v8, $5.000000000e-01  }
0x162: {  	s19 =	sadd.s32 $0x100, s19;
	s20 =	sadd.s32 $0x10, s20;
	s18 =	sadd.s32 $0x20, s18;
	vm2 =	vmand vm2, vm4;
	v4 =	vadd.f32 v12, v11;
	v8 =	vld [tilespmem:s21+$0x0]  }
0x163: {  	v10 =	vperm.xlane v0, v10  }
0x164: {  	v11 =	vand.u32 $0x10000, v1;
	s1 =	sor.u32 $0x310, s12  }
0x165: {  	vm4 =	vne.s32 v11, $0x0;
	vm5 =	vlt.f32 v7, $5.000000000e-01;
	s12 =	sshll.u32 s1, $0x3;
	v7 =	vadd.f32 v9, v10  }
0x166: {  	vm4 =	vmand vm4, vm5;
	s1 =	sor.u32 s12, s1  }
0x167: {  	v9 =	vld [tilespmem:s15+$0x800];
	s1 =	sand.u32 $0x1C70, s1;
	v7 =	vsel vm4, v7, v8  }
0x168: {  	v8 =	vld [tilespmem:s15+$0x1000];
	s1 =	sor.u32 s16, s1;
	[tilespmem:s21+$0x11000] =	vst v7  }
0x169: {  	v7 =	vld [tilespmem:s1+$0x8000]  }
0x16a: {  	v10 =	vld [tilespmem:s1+$0xD000]  }
0x16b: {  	v11 =	vld [tilespmem:s1+$0x4000]  }
0x16c: {  	v12 =	vld [tilespmem:s15+$0x1800];
	v2 =	vsel vm0, v2, v6  }
0x16d: {  	[tilespmem:s15+$0x11000] =	vst v2;
	v13 =	vld [tilespmem:s1+$0x0];
	v2 =	vsel vm1, v3, v9  }
0x16e: {  	[tilespmem:s15+$0x11800] =	vst v2;
	v3 =	vsel vm3, v5, v8;
	v0 =	vperm.xlane v0, v7  }
0x16f: {  	v1 =	vand.u32 $0x1000000, v1;
	[tilespmem:s15+$0x12000] =	vst v3  }
0x170: {  	vm0 =	vne.s32 v1, $0x0;
	s16 =	sshll.u32 s14, $0x4;
	vm1 =	vlt.f32 v10, $5.000000000e-01;
	s2 =	rddreg [dreg:$0x1e];
	v0 =	vadd.f32 v11, v0  }
0x171: {  	v1 =	vsel vm2, v4, v12;
	vm0 =	vmand vm0, vm1;
	s20 =	sadd.s32 s16, s2  }
0x172: {  	[tilespmem:s15+$0x12800] =	vst v1;
	s12 =	sshll.u32 s20, $0x7;
	v0 =	vsel vm0, v0, v13  }
0x173: {  	s17 =	simm.s32 $0x0;
	s22 =	simm.s32 $0x11000;
	s21 =	sadd.s32 s9, s12;
	[tilespmem:s1+$0x11000] =	vst v0  }
0x174: {  	[hbm4b:s21+s17] =	stream.linear.scatter [tilespmem:s22], [sflag:$0x3], $0x2000, $0x38;
	[tilespmem:$0x15080] =	vst v63  }
0x175: {  	s23 =	rddreg [dreg:$0x1f]  }
0x176: {  	s1 =	sadd.s32 s16, s23  }
0x177: {  	s24 =	sshll.u32 s1, $0x7  }
0x178: {  	s25 =	sadd.s32 s3, s24  }
0x179: {  	[tilespmem:s17], [sflag:$0x1] =	stream.linear.gather [hbm4b:s25+s17], $0x2000, $0x38;
	[tilespmem:$0x15080] =	vst v63  }
0x17a: {  	s30 =	simm.s32 $0x4000;
	s28 =	sadd.s32 s6, s24  }
0x17b: {  	[tilespmem:s30], [sflag:$0x1] =	stream.linear.gather [hbm4b:s28+s17], $0x2000, $0x38;
	[tilespmem:$0x15080] =	vst v63  }
0x17c: {  	s18 =	simm.s32 $0x8000;
	s2 =	sadd.s32 s4, s24  }
0x17d: {  	[tilespmem:s18], [sflag:$0x1] =	stream.linear.gather [hbm4b:s2+s17], $0x2000, $0x38;
	[tilespmem:$0x15080] =	vst v63  }
0x17e: {  	s19 =	simm.s32 $0xD000;
	s1 =	sshll.u32 s1, $0x5;
	s12 =	sadd.s32 s5, s24  }
0x17f: {  	[tilespmem:s19], [sflag:$0x1] =	stream.linear.gather [hbm4b:s12+s17], $0x2000, $0x38;
	[tilespmem:$0x15080] =	vst v63  }
0x180: {  	s20 =	simm.s32 $0xC000;
	s1 =	sadd.s32 s8, s1  }
0x181: {  	[tilespmem:s20], [sflag:$0x1] =	stream.linear.gather [hbm4b:s1+s17], $0x800, $0x38;
	[tilespmem:$0x15080] =	vst v63  }
0x182: {  	_ =	swait.ge [sflag:s0], $0x2000  }
0x183: {  	[sflag:s0] =	ssyncset.done $0x0  }
0x184: {  	[sflag:s0] =	ssyncadd.s32 $0xFFFFE000  }
0x185: {  	_ =	swait.ge [sflag:s29], $0x2000  }
0x186: {  	[sflag:s29] =	ssyncset.done $0x0  }
0x187: {  	[sflag:s29] =	ssyncadd.s32 $0xFFFFE000  }
0x188: {  	_ =	swait.ge [sflag:s29], $0x2000  }
0x189: {  	[sflag:s29] =	ssyncset.done $0x0  }
0x18a: {  	[sflag:s29] =	ssyncadd.s32 $0xFFFFE000  }
0x18b: {  	_ =	swait.ge [sflag:s29], $0x2000  }
0x18c: {  	[sflag:s29] =	ssyncset.done $0x0  }
0x18d: {  	[sflag:s29] =	ssyncadd.s32 $0xFFFFE000  }
0x18e: {  	_ =	swait.ge [sflag:s29], $0x2000  }
0x18f: {  	[sflag:s29] =	ssyncset.done $0x0  }
0x190: {  	[sflag:s29] =	ssyncadd.s32 $0xFFFFE000  }
0x191: {  	s21 =	sand.u32 $0x60, s17;
	_ =	swait.ge [sflag:s29], $0x800  }
0x192: {  	s22 =	sand.u32 $0x400, s17;
	s12 =	sand.u32 $0x380, s17;
	[sflag:s29] =	ssyncset.done $0x0  }
0x193: {  	s18 =	sor.u32 $0x10, s21;
	s15 =	sor.u32 s12, s22;
	[sflag:s29] =	ssyncadd.s32 $0xFFFFF800  }
0x194: {  	s19 =	sor.u32 s18, s15;
	v0 =	vld [tilespmem:$0x15000]  }
0x195: {  	s20 =	sor.u32 $0xC800, s15;
	v2 =	vld [tilespmem:s19+$0xF000]  }
0x196: {  	s18 =	sor.u32 s18, s20;
	v3 =	vld [tilespmem:s19+$0xA000]  }
0x197: {  	v1 =	vld [tilespmem:s18+$0x0]  }
0x198: {  	v4 =	vld [tilespmem:s19+$0x6000];
	_ =	sdelay $0x1  }
0x199: {  	s15 =	sor.u32 s21, s15;
	v5 =	vld [tilespmem:s19+$0x2000]  }
0x19a: {  	s17 =	sand.u32 $0xE0, s17;
	v6 =	vld [tilespmem:s15+$0xA000];
	v3 =	vperm.xlane v0, v3  }
0x19b: {  	s23 =	sor.u32 $0x110, s17;
	v8 =	vld [tilespmem:s15+$0xA800];
	v7 =	vand.u32 $0x1, v1  }
0x19c: {  	s24 =	sshll.u32 s23, $0x3;
	v11 =	vld [tilespmem:s15+$0x6000];
	vm0 =	vlt.f32 v2, $5.000000000e-01;
	vm1 =	veq.s32 v7, $0x1;
	v3 =	vadd.f32 v4, v3  }
0x19d: {  	s18 =	sor.u32 s24, s23;
	v60 =	vld [tilespmem:s15+$0xF800];
	vm0 =	vmand vm0, vm1  }
0x19e: {  	s1 =	sor.u32 s21, s20;
	v15 =	vld [tilespmem:s15+$0x6800];
	s25 =	sand.u32 $0xC70, s18;
	v3 =	vsel vm0, v3, v5  }
0x19f: {  	v7 =	vld [tilespmem:s1+$0x0];
	s1 =	sor.u32 s12, s25;
	[tilespmem:s19+$0x13000] =	vst v3  }
0x1a0: {  	v3 =	vld [tilespmem:s1+$0xA000]  }
0x1a1: {  	v9 =	vld [tilespmem:s1+$0xF000]  }
0x1a2: {  	v10 =	vld [tilespmem:s1+$0x6000]  }
0x1a3: {  	v2 =	vld [tilespmem:s15+$0xB000]  }
0x1a4: {  	v59 =	vld [tilespmem:s1+$0x2000]  }
0x1a5: {  	v4 =	vld [tilespmem:s15+$0xB800];
	v3 =	vperm.xlane v0, v3  }
0x1a6: {  	s28 =	sor.u32 $0x210, s17;
	v14 =	vand.u32 $0x100, v1;
	v6 =	vperm.xlane v0, v6;
	v8 =	vperm.xlane v0, v8;
	v5 =	vld [tilespmem:s15+$0xF000]  }
0x1a7: {  	s30 =	sshll.u32 s28, $0x3;
	v63 =	vld [tilespmem:s15+$0x10800];
	vm0 =	vne.s32 v14, $0x0;
	vm1 =	vlt.f32 v9, $5.000000000e-01;
	v3 =	vadd.f32 v10, v3  }
0x1a8: {  	s18 =	sor.u32 s30, s28;
	v16 =	vperm.xlane v0, v2;
	v61 =	vand.u32 $0x1, v7;
	v9 =	vld [tilespmem:s15+$0x10000];
	vm0 =	vmand vm0, vm1  }
0x1a9: {  	v17 =	vld [tilespmem:s15+$0x7800];
	s18 =	sand.u32 $0x1470, s18;
	v2 =	vand.u32 $0x1000000, v7;
	v10 =	vand.u32 $0x100, v7;
	v3 =	vsel vm0, v3, v59  }
0x1aa: {  	v62 =	vld [tilespmem:s15+$0x7000];
	s22 =	sor.u32 s12, s18;
	vm2 =	veq.s32 v61, $0x1;
	vm1 =	vne.s32 v10, $0x0;
	v10 =	vand.u32 $0x10000, v7;
	[tilespmem:s1+$0x13000] =	vst v3  }
0x1ab: {  	v4 =	vperm.xlane v0, v4;
	vm3 =	vne.s32 v10, $0x0;
	vm0 =	vlt.f32 v5, $5.000000000e-01;
	v10 =	vld [tilespmem:s22+$0xA000]  }
0x1ac: {  	vm4 =	vne.s32 v2, $0x0;
	vm0 =	vmand vm0, vm2;
	vm2 =	vlt.f32 v60, $5.000000000e-01;
	v7 =	vld [tilespmem:s22+$0xF000]  }
0x1ad: {  	v2 =	vadd.f32 v11, v6;
	vm1 =	vmand vm1, vm2;
	vm2 =	vlt.f32 v9, $5.000000000e-01;
	v9 =	vld [tilespmem:s22+$0x6000]  }
0x1ae: {  	s20 =	simm.s32 $0x100;
	v6 =	vld [tilespmem:s15+$0x2000];
	v4 =	vadd.f32 v17, v4;
	vm3 =	vmand vm3, vm2;
	vm2 =	vlt.f32 v63, $5.000000000e-01  }
0x1af: {  	s21 =	simm.s32 $0x10;
	s18 =	simm.s32 $0x0;
	s19 =	simm.s32 $0x20;
	v5 =	vadd.f32 v62, v16;
	v3 =	vadd.f32 v15, v8;
	v8 =	vld [tilespmem:s22+$0x2000];
	vm2 =	vmand vm4, vm2  }
.LBB2_9:
0x1b0: {  	s1 =	sand.u32 $0x60, s19;
	s23 =	sand.u32 $0x400, s20;
	s24 =	sand.u32 $0x380, s21;
	v11 =	vld [tilespmem:s15+$0x2800];
	v10 =	vperm.xlane v0, v10  }
0x1b1: {  	v13 =	vand.u32 $0x10000, v1;
	s17 =	sor.u32 $0x310, s17;
	s25 =	sor.u32 s24, s23;
	s28 =	sor.u32 $0x10, s1;
	v12 =	vld [tilespmem:s15+$0x3000]  }
0x1b2: {  	vm4 =	vne.s32 v13, $0x0;
	vm5 =	vlt.f32 v7, $5.000000000e-01;
	s2 =	sshll.u32 s17, $0x3;
	s30 =	sor.u32 s1, s25;
	s23 =	sor.u32 s28, s25;
	v14 =	vld [tilespmem:s15+$0x3800];
	v7 =	vadd.f32 v9, v10  }
0x1b3: {  	s25 =	sor.u32 $0xC800, s25;
	s2 =	sor.u32 s2, s17;
	v9 =	vld [tilespmem:s23+$0xF000];
	v2 =	vsel vm0, v2, v6;
	vm0 =	vmand vm4, vm5  }
0x1b4: {  	s18 =	sadd.s32 $0x2, s18;
	s17 =	sor.u32 s28, s25;
	s2 =	sand.u32 $0x1C70, s2;
	v6 =	vld [tilespmem:s23+$0xA000];
	[tilespmem:s15+$0x13000] =	vst v2;
	v2 =	vsel vm0, v7, v8  }
0x1b5: {  	p0 =	slt.u32 s18, $0x7E;
	s1 =	sor.u32 s1, s25;
	s2 =	sor.u32 s12, s2;
	v7 =	vld [tilespmem:s17+$0x0];
	v3 =	vsel vm1, v3, v11;
	[tilespmem:s22+$0x13000] =	vst v2  }
0x1b6: {  	s12 =	smov.u32 s24;
	[tilespmem:s15+$0x13800] =	vst v3;
	v2 =	vsel vm3, v5, v12;
	v3 =	vld [tilespmem:s2+$0xA000]  }
0x1b7: {  	[tilespmem:s15+$0x14000] =	vst v2;
	v2 =	vsel vm2, v4, v14;
	v4 =	vld [tilespmem:s2+$0xF000]  }
0x1b8: {  	[tilespmem:s15+$0x14800] =	vst v2;
	v2 =	vld [tilespmem:s2+$0x6000];
	s15 =	smov.u32 s30  }
0x1b9: {  	v5 =	vld [tilespmem:s23+$0x6000]  }
0x1ba: {  	v8 =	vld [tilespmem:s2+$0x2000]  }
0x1bb: {  	vm0 =	vlt.f32 v9, $5.000000000e-01;
	v9 =	vld [tilespmem:s23+$0x2000];
	v3 =	vperm.xlane v0, v3  }
0x1bc: {  	s17 =	sand.u32 $0xE0, s19;
	v12 =	vand.u32 $0x1000000, v1;
	v6 =	vperm.xlane v0, v6;
	v11 =	vand.u32 $0x1, v7;
	v1 =	vmovc v7;
	v10 =	vld [tilespmem:s15+$0xA000]  }
0x1bd: {  	s22 =	sor.u32 $0x110, s17;
	vm1 =	vne.s32 v12, $0x0;
	vm2 =	vlt.f32 v4, $5.000000000e-01;
	v7 =	vld [tilespmem:s15+$0xA800];
	v2 =	vadd.f32 v2, v3  }
0x1be: {  	s24 =	sshll.u32 s22, $0x3;
	vm3 =	veq.s32 v11, $0x1;
	vm1 =	vmand vm1, vm2;
	v3 =	vld [tilespmem:s15+$0xB000];
	v4 =	vadd.f32 v5, v6  }
0x1bf: {  	s22 =	sor.u32 s24, s22;
	vm0 =	vmand vm0, vm3;
	v5 =	vld [tilespmem:s15+$0xB800];
	v2 =	vsel vm1, v2, v8  }
0x1c0: {  	v6 =	vld [tilespmem:s1+$0x0];
	v4 =	vsel vm0, v4, v9;
	s1 =	sand.u32 $0xC70, s22;
	[tilespmem:s2+$0x13000] =	vst v2  }
0x1c1: {  	v2 =	vld [tilespmem:s15+$0xF000];
	v8 =	vperm.xlane v0, v10;
	[tilespmem:s23+$0x13000] =	vst v4;
	s1 =	sor.u32 s12, s1  }
0x1c2: {  	v4 =	vperm.xlane v0, v7;
	v7 =	vld [tilespmem:s1+$0xA000]  }
0x1c3: {  	v9 =	vperm.xlane v0, v3;
	v3 =	vld [tilespmem:s1+$0xF000]  }
0x1c4: {  	v11 =	vperm.xlane v0, v5;
	v5 =	vld [tilespmem:s1+$0x6000]  }
0x1c5: {  	v10 =	vand.u32 $0x1, v6;
	v12 =	vld [tilespmem:s15+$0x6000];
	v13 =	vand.u32 $0x100, v6;
	v14 =	vand.u32 $0x10000, v6  }
0x1c6: {  	v6 =	vand.u32 $0x1000000, v6;
	vm0 =	veq.s32 v10, $0x1;
	vm1 =	vne.s32 v13, $0x0;
	v10 =	vld [tilespmem:s1+$0x2000]  }
0x1c7: {  	vm3 =	vne.s32 v14, $0x0;
	vm2 =	vne.s32 v6, $0x0;
	v13 =	vld [tilespmem:s15+$0xF800];
	v6 =	vperm.xlane v0, v7  }
0x1c8: {  	s2 =	sor.u32 $0x210, s17;
	vm4 =	vlt.f32 v2, $5.000000000e-01;
	v2 =	vand.u32 $0x100, v1;
	v7 =	vld [tilespmem:s15+$0x6800]  }
0x1c9: {  	s22 =	sshll.u32 s2, $0x3;
	vm5 =	vne.s32 v2, $0x0;
	vm6 =	vlt.f32 v3, $5.000000000e-01;
	v14 =	vld [tilespmem:s15+$0x10000];
	v3 =	vadd.f32 v5, v6  }
0x1ca: {  	s2 =	sor.u32 s22, s2;
	vm0 =	vmand vm4, vm0;
	vm4 =	vmand vm5, vm6;
	v2 =	vadd.f32 v12, v8;
	v5 =	vld [tilespmem:s15+$0x7000]  }
0x1cb: {  	s2 =	sand.u32 $0x1470, s2;
	v8 =	vld [tilespmem:s15+$0x10800];
	v3 =	vsel vm4, v3, v10  }
0x1cc: {  	s22 =	sor.u32 s12, s2;
	vm4 =	vlt.f32 v13, $5.000000000e-01;
	v12 =	vld [tilespmem:s15+$0x7800];
	[tilespmem:s1+$0x13000] =	vst v3  }
.Ltmp3:
0x1cd: {  	vm1 =	vmand vm1, vm4;
	v3 =	vadd.f32 v7, v4;
	v10 =	vld [tilespmem:s22+$0xA000];
	(pc) =	sbr.rel @p0 .LBB2_9-.Ltmp3, $4  }
0x1ce: {  	vm4 =	vlt.f32 v14, $5.000000000e-01;
	v7 =	vld [tilespmem:s22+$0xF000]  }
0x1cf: {  	vm3 =	vmand vm3, vm4;
	v5 =	vadd.f32 v5, v9;
	v9 =	vld [tilespmem:s22+$0x6000]  }
0x1d0: {  	v6 =	vld [tilespmem:s15+$0x2000];
	vm4 =	vlt.f32 v8, $5.000000000e-01  }
0x1d1: {  	s20 =	sadd.s32 $0x100, s20;
	s21 =	sadd.s32 $0x10, s21;
	s19 =	sadd.s32 $0x20, s19;
	vm2 =	vmand vm2, vm4;
	v4 =	vadd.f32 v12, v11;
	v8 =	vld [tilespmem:s22+$0x2000]  }
0x1d2: {  	v10 =	vperm.xlane v0, v10  }
0x1d3: {  	v11 =	vand.u32 $0x10000, v1;
	s1 =	sor.u32 $0x310, s17  }
0x1d4: {  	vm4 =	vne.s32 v11, $0x0;
	vm5 =	vlt.f32 v7, $5.000000000e-01;
	s2 =	sshll.u32 s1, $0x3;
	v54 =	vadd.f32 v9, v10  }
0x1d5: {  	vm4 =	vmand vm4, vm5;
	s1 =	sor.u32 s2, s1  }
0x1d6: {  	v55 =	vld [tilespmem:s15+$0x2800];
	s1 =	sand.u32 $0x1C70, s1;
	v7 =	vsel vm4, v54, v8  }
0x1d7: {  	v56 =	vld [tilespmem:s15+$0x3000];
	s1 =	sor.u32 s12, s1;
	[tilespmem:s22+$0x13000] =	vst v7  }
0x1d8: {  	v7 =	vld [tilespmem:s1+$0xA000]  }
0x1d9: {  	v57 =	vld [tilespmem:s1+$0xF000]  }
0x1da: {  	v58 =	vld [tilespmem:s1+$0x6000]  }
0x1db: {  	v12 =	vld [tilespmem:s15+$0x3800]  }
0x1dc: {  	v13 =	vld [tilespmem:s1+$0x2000]  }
0x1dd: {  	v62 =	vand.u32 $0x1000000, v1;
	v2 =	vsel vm0, v2, v6;
	v59 =	vperm.xlane v0, v7  }
0x1de: {  	vm14 =	vne.s32 v62, $0x0;
	[tilespmem:s15+$0x13000] =	vst v2;
	v60 =	vsel vm1, v3, v55  }
0x1df: {  	v61 =	vsel vm3, v5, v56;
	[tilespmem:s15+$0x13800] =	vst v60;
	vm15 =	vlt.f32 v57, $5.000000000e-01;
	v0 =	vadd.f32 v58, v59  }
0x1e0: {  	s12 =	sadd.s32 s16, s10;
	v63 =	vsel vm2, v4, v12;
	[tilespmem:s15+$0x14000] =	vst v61;
	vm0 =	vmand vm14, vm15  }
0x1e1: {  	s18 =	sadd.s32 s16, s11;
	s2 =	sshll.u32 s12, $0x7;
	[tilespmem:s15+$0x14800] =	vst v63;
	v0 =	vsel vm0, v0, v13  }
0x1e2: {  	s17 =	simm.s32 $0x13000;
	s19 =	sshll.u32 s18, $0x7;
	s15 =	sadd.s32 s9, s2;
	[tilespmem:s1+$0x13000] =	vst v0  }
0x1e3: {  	[hbm4b:s15+s7] =	stream.linear.scatter [tilespmem:s17], [sflag:$0x4], $0x2000, $0x38;
	[tilespmem:$0x15080] =	vst v63  }
0x1e4: {  	s21 =	simm.s32 $0x2000;
	s20 =	sadd.s32 s3, s19  }
0x1e5: {  	[tilespmem:s21], [sflag:$0x2] =	stream.linear.gather [hbm4b:s20+s7], $0x2000, $0x38;
	[tilespmem:$0x15080] =	vst v63  }
0x1e6: {  	s23 =	simm.s32 $0x6000;
	s14 =	sadd.s32 $0x1, s14;
	s22 =	sadd.s32 s6, s19  }
0x1e7: {  	[tilespmem:s23], [sflag:$0x2] =	stream.linear.gather [hbm4b:s22+s7], $0x2000, $0x38;
	[tilespmem:$0x15080] =	vst v63  }
0x1e8: {  	s25 =	simm.s32 $0xA000;
	p0 =	sne.s32 s14, $0x1E;
	s24 =	sadd.s32 s4, s19  }
0x1e9: {  	[tilespmem:s25], [sflag:$0x2] =	stream.linear.gather [hbm4b:s24+s7], $0x2000, $0x38;
	[tilespmem:$0x15080] =	vst v63  }
.Ltmp4:
0x1ea: {  	_ = 	snop;
	(pc) =	sbr.rel @p0 .LBB2_6-.Ltmp4, $4  }
0x1eb: {  	s28 =	simm.s32 $0xF000;
	s2 =	sadd.s32 s5, s19;
	s1 =	sshll.u32 s18, $0x5  }
0x1ec: {  	[tilespmem:s28], [sflag:$0x2] =	stream.linear.gather [hbm4b:s2+s7], $0x2000, $0x38;
	[tilespmem:$0x15080] =	vst v63  }
0x1ed: {  	s30 =	simm.s32 $0xC800;
	s1 =	sadd.s32 s8, s1  }
0x1ee: {  	[tilespmem:s30], [sflag:$0x2] =	stream.linear.gather [hbm4b:s1+s7], $0x800, $0x38;
	[tilespmem:$0x15080] =	vst v63  }
0x1ef: {  	_ =	swait.ge [sflag:s31], $0x2000  }
0x1f0: {  	[sflag:s31] =	ssyncset.done $0x0  }
0x1f1: {  	[sflag:s31] =	ssyncadd.s32 $0xFFFFE000  }
0x1f2: {  	_ =	swait.ge [sflag:s26], $0x2000  }
0x1f3: {  	[sflag:s26] =	ssyncset.done $0x0  }
0x1f4: {  	[sflag:s26] =	ssyncadd.s32 $0xFFFFE000  }
0x1f5: {  	_ =	swait.ge [sflag:s26], $0x2000  }
0x1f6: {  	[sflag:s26] =	ssyncset.done $0x0  }
0x1f7: {  	[sflag:s26] =	ssyncadd.s32 $0xFFFFE000  }
0x1f8: {  	_ =	swait.ge [sflag:s26], $0x2000  }
0x1f9: {  	[sflag:s26] =	ssyncset.done $0x0  }
0x1fa: {  	[sflag:s26] =	ssyncadd.s32 $0xFFFFE000  }
0x1fb: {  	_ =	swait.ge [sflag:s26], $0x2000  }
0x1fc: {  	[sflag:s26] =	ssyncset.done $0x0  }
0x1fd: {  	s1 =	simm.s32 $0x0;
	[sflag:s26] =	ssyncadd.s32 $0xFFFFE000  }
0x1fe: {  	s2 =	sand.u32 $0x60, s1;
	_ =	swait.ge [sflag:s26], $0x800  }
0x1ff: {  	s13 =	sand.u32 $0x400, s1;
	s12 =	sand.u32 $0x380, s1;
	[sflag:s26] =	ssyncset.done $0x0  }
0x200: {  	s13 =	sor.u32 s12, s13;
	s14 =	sor.u32 $0x10, s2;
	[sflag:s26] =	ssyncadd.s32 $0xFFFFF800  }
0x201: {  	s15 =	sor.u32 s14, s13;
	v0 =	vld [tilespmem:$0x15000]  }
0x202: {  	s16 =	sor.u32 $0xC000, s13;
	v2 =	vld [tilespmem:s15+$0xD000]  }
0x203: {  	s14 =	sor.u32 s14, s16;
	v3 =	vld [tilespmem:s15+$0x8000]  }
0x204: {  	v1 =	vld [tilespmem:s14+$0x0]  }
0x205: {  	v4 =	vld [tilespmem:s15+$0x4000];
	_ =	sdelay $0x1  }
0x206: {  	s13 =	sor.u32 s2, s13;
	v5 =	vld [tilespmem:s15+$0x0]  }
0x207: {  	v6 =	vld [tilespmem:s13+$0x8000];
	s14 =	sand.u32 $0xE0, s1;
	v3 =	vperm.xlane v0, v3  }
0x208: {  	v8 =	vld [tilespmem:s13+$0x8800];
	s1 =	sor.u32 $0x110, s14;
	v7 =	vand.u32 $0x1, v1  }
0x209: {  	v11 =	vld [tilespmem:s13+$0x4000];
	s17 =	sshll.u32 s1, $0x3;
	vm0 =	vlt.f32 v2, $5.000000000e-01;
	vm1 =	veq.s32 v7, $0x1;
	v3 =	vadd.f32 v4, v3  }
0x20a: {  	v13 =	vld [tilespmem:s13+$0xD800];
	s1 =	sor.u32 s17, s1;
	vm0 =	vmand vm0, vm1  }
0x20b: {  	v15 =	vld [tilespmem:s13+$0x4800];
	s1 =	sand.u32 $0xC70, s1;
	v3 =	vsel vm0, v3, v5  }
0x20c: {  	v2 =	vld [tilespmem:s13+$0x9000];
	s1 =	sor.u32 s12, s1;
	[tilespmem:s15+$0x11000] =	vst v3  }
0x20d: {  	v3 =	vld [tilespmem:s1+$0x8000]  }
0x20e: {  	v9 =	vld [tilespmem:s1+$0xD000]  }
0x20f: {  	s2 =	sor.u32 s2, s16;
	v10 =	vld [tilespmem:s1+$0x4000]  }
0x210: {  	v7 =	vld [tilespmem:s2+$0x0]  }
0x211: {  	v12 =	vld [tilespmem:s1+$0x0]  }
0x212: {  	v4 =	vld [tilespmem:s13+$0x9800];
	v3 =	vperm.xlane v0, v3  }
0x213: {  	s28 =	sor.u32 $0x210, s14;
	v14 =	vand.u32 $0x100, v1;
	v6 =	vperm.xlane v0, v6;
	v8 =	vperm.xlane v0, v8;
	v5 =	vld [tilespmem:s13+$0xD000]  }
0x214: {  	v63 =	vld [tilespmem:s13+$0xE800];
	s30 =	sshll.u32 s28, $0x3;
	vm0 =	vne.s32 v14, $0x0;
	vm1 =	vlt.f32 v9, $5.000000000e-01;
	v3 =	vadd.f32 v10, v3  }
0x215: {  	s2 =	sor.u32 s30, s28;
	v16 =	vperm.xlane v0, v2;
	v61 =	vand.u32 $0x1, v7;
	v9 =	vld [tilespmem:s13+$0xE000];
	vm0 =	vmand vm0, vm1  }
0x216: {  	v17 =	vld [tilespmem:s13+$0x5800];
	s2 =	sand.u32 $0x1470, s2;
	v2 =	vand.u32 $0x1000000, v7;
	v10 =	vand.u32 $0x100, v7;
	v3 =	vsel vm0, v3, v12  }
0x217: {  	v62 =	vld [tilespmem:s13+$0x5000];
	s19 =	sor.u32 s12, s2;
	vm2 =	veq.s32 v61, $0x1;
	vm1 =	vne.s32 v10, $0x0;
	v10 =	vand.u32 $0x10000, v7;
	[tilespmem:s1+$0x11000] =	vst v3  }
0x218: {  	v4 =	vperm.xlane v0, v4;
	vm3 =	vne.s32 v10, $0x0;
	vm0 =	vlt.f32 v5, $5.000000000e-01;
	v10 =	vld [tilespmem:s19+$0x8000]  }
0x219: {  	vm4 =	vne.s32 v2, $0x0;
	vm0 =	vmand vm0, vm2;
	vm2 =	vlt.f32 v13, $5.000000000e-01;
	v7 =	vld [tilespmem:s19+$0xD000]  }
0x21a: {  	v2 =	vadd.f32 v11, v6;
	vm1 =	vmand vm1, vm2;
	vm2 =	vlt.f32 v9, $5.000000000e-01;
	v9 =	vld [tilespmem:s19+$0x4000]  }
0x21b: {  	s18 =	simm.s32 $0x10;
	v6 =	vld [tilespmem:s13+$0x0];
	v4 =	vadd.f32 v17, v4;
	vm3 =	vmand vm3, vm2;
	vm2 =	vlt.f32 v63, $5.000000000e-01  }
0x21c: {  	s16 =	simm.s32 $0x20;
	s17 =	simm.s32 $0x100;
	s15 =	simm.s32 $0x0;
	v5 =	vadd.f32 v62, v16;
	v3 =	vadd.f32 v15, v8;
	v8 =	vld [tilespmem:s19+$0x0];
	vm2 =	vmand vm4, vm2  }
.LBB2_12:
0x21d: {  	s1 =	sand.u32 $0x60, s16;
	s2 =	sand.u32 $0x400, s17;
	s21 =	sand.u32 $0x380, s18;
	v11 =	vld [tilespmem:s13+$0x800];
	v10 =	vperm.xlane v0, v10  }
0x21e: {  	v13 =	vand.u32 $0x10000, v1;
	s14 =	sor.u32 $0x310, s14;
	s2 =	sor.u32 s21, s2;
	s22 =	sor.u32 $0x10, s1;
	v12 =	vld [tilespmem:s13+$0x1000]  }
0x21f: {  	vm4 =	vne.s32 v13, $0x0;
	vm5 =	vlt.f32 v7, $5.000000000e-01;
	s24 =	sshll.u32 s14, $0x3;
	s23 =	sor.u32 s1, s2;
	s20 =	sor.u32 s22, s2;
	v14 =	vld [tilespmem:s13+$0x1800];
	v7 =	vadd.f32 v9, v10  }
0x220: {  	s2 =	sor.u32 $0xC000, s2;
	s14 =	sor.u32 s24, s14;
	v9 =	vld [tilespmem:s20+$0xD000];
	v2 =	vsel vm0, v2, v6;
	vm0 =	vmand vm4, vm5  }
0x221: {  	s15 =	sadd.s32 $0x2, s15;
	s22 =	sor.u32 s22, s2;
	s14 =	sand.u32 $0x1C70, s14;
	v6 =	vld [tilespmem:s20+$0x8000];
	[tilespmem:s13+$0x11000] =	vst v2;
	v2 =	vsel vm0, v7, v8  }
0x222: {  	p0 =	slt.u32 s15, $0x7E;
	s1 =	sor.u32 s1, s2;
	s2 =	sor.u32 s12, s14;
	v7 =	vld [tilespmem:s22+$0x0];
	v3 =	vsel vm1, v3, v11;
	[tilespmem:s19+$0x11000] =	vst v2  }
0x223: {  	s12 =	smov.u32 s21;
	[tilespmem:s13+$0x11800] =	vst v3;
	v2 =	vsel vm3, v5, v12;
	v3 =	vld [tilespmem:s2+$0x8000]  }
0x224: {  	[tilespmem:s13+$0x12000] =	vst v2;
	v2 =	vsel vm2, v4, v14;
	v4 =	vld [tilespmem:s2+$0xD000]  }
0x225: {  	[tilespmem:s13+$0x12800] =	vst v2;
	v2 =	vld [tilespmem:s2+$0x4000];
	s13 =	smov.u32 s23  }
0x226: {  	v5 =	vld [tilespmem:s20+$0x4000]  }
0x227: {  	v8 =	vld [tilespmem:s2+$0x0]  }
0x228: {  	vm0 =	vlt.f32 v9, $5.000000000e-01;
	v9 =	vld [tilespmem:s20+$0x0];
	v3 =	vperm.xlane v0, v3  }
0x229: {  	s14 =	sand.u32 $0xE0, s16;
	v12 =	vand.u32 $0x1000000, v1;
	v6 =	vperm.xlane v0, v6;
	v11 =	vand.u32 $0x1, v7;
	v1 =	vmovc v7;
	v10 =	vld [tilespmem:s13+$0x8000]  }
0x22a: {  	s19 =	sor.u32 $0x110, s14;
	vm1 =	vne.s32 v12, $0x0;
	vm2 =	vlt.f32 v4, $5.000000000e-01;
	v7 =	vld [tilespmem:s13+$0x8800];
	v2 =	vadd.f32 v2, v3  }
0x22b: {  	s21 =	sshll.u32 s19, $0x3;
	vm3 =	veq.s32 v11, $0x1;
	vm1 =	vmand vm1, vm2;
	v3 =	vld [tilespmem:s13+$0x9000];
	v4 =	vadd.f32 v5, v6  }
0x22c: {  	s19 =	sor.u32 s21, s19;
	vm0 =	vmand vm0, vm3;
	v5 =	vld [tilespmem:s13+$0x9800];
	v2 =	vsel vm1, v2, v8  }
0x22d: {  	v6 =	vld [tilespmem:s1+$0x0];
	v4 =	vsel vm0, v4, v9;
	s1 =	sand.u32 $0xC70, s19;
	[tilespmem:s2+$0x11000] =	vst v2  }
0x22e: {  	v2 =	vld [tilespmem:s13+$0xD000];
	v8 =	vperm.xlane v0, v10;
	[tilespmem:s20+$0x11000] =	vst v4;
	s1 =	sor.u32 s12, s1  }
0x22f: {  	v4 =	vperm.xlane v0, v7;
	v7 =	vld [tilespmem:s1+$0x8000]  }
0x230: {  	v9 =	vperm.xlane v0, v3;
	v3 =	vld [tilespmem:s1+$0xD000]  }
0x231: {  	v11 =	vperm.xlane v0, v5;
	v5 =	vld [tilespmem:s1+$0x4000]  }
0x232: {  	v10 =	vand.u32 $0x1, v6;
	v12 =	vld [tilespmem:s13+$0x4000];
	v13 =	vand.u32 $0x100, v6;
	v14 =	vand.u32 $0x10000, v6  }
0x233: {  	v6 =	vand.u32 $0x1000000, v6;
	vm0 =	veq.s32 v10, $0x1;
	vm1 =	vne.s32 v13, $0x0;
	v10 =	vld [tilespmem:s1+$0x0]  }
0x234: {  	vm3 =	vne.s32 v14, $0x0;
	vm2 =	vne.s32 v6, $0x0;
	v13 =	vld [tilespmem:s13+$0xD800];
	v6 =	vperm.xlane v0, v7  }
0x235: {  	s2 =	sor.u32 $0x210, s14;
	vm4 =	vlt.f32 v2, $5.000000000e-01;
	v2 =	vand.u32 $0x100, v1;
	v7 =	vld [tilespmem:s13+$0x4800]  }
0x236: {  	s19 =	sshll.u32 s2, $0x3;
	vm5 =	vne.s32 v2, $0x0;
	vm6 =	vlt.f32 v3, $5.000000000e-01;
	v14 =	vld [tilespmem:s13+$0xE000];
	v3 =	vadd.f32 v5, v6  }
0x237: {  	s2 =	sor.u32 s19, s2;
	vm0 =	vmand vm4, vm0;
	vm4 =	vmand vm5, vm6;
	v2 =	vadd.f32 v12, v8;
	v5 =	vld [tilespmem:s13+$0x5000]  }
0x238: {  	s2 =	sand.u32 $0x1470, s2;
	v8 =	vld [tilespmem:s13+$0xE800];
	v3 =	vsel vm4, v3, v10  }
0x239: {  	s19 =	sor.u32 s12, s2;
	vm4 =	vlt.f32 v13, $5.000000000e-01;
	v12 =	vld [tilespmem:s13+$0x5800];
	[tilespmem:s1+$0x11000] =	vst v3  }
.Ltmp5:
0x23a: {  	vm1 =	vmand vm1, vm4;
	v3 =	vadd.f32 v7, v4;
	v10 =	vld [tilespmem:s19+$0x8000];
	(pc) =	sbr.rel @p0 .LBB2_12-.Ltmp5, $4  }
0x23b: {  	vm4 =	vlt.f32 v14, $5.000000000e-01;
	v7 =	vld [tilespmem:s19+$0xD000]  }
0x23c: {  	vm3 =	vmand vm3, vm4;
	v5 =	vadd.f32 v5, v9;
	v9 =	vld [tilespmem:s19+$0x4000]  }
0x23d: {  	v6 =	vld [tilespmem:s13+$0x0];
	vm4 =	vlt.f32 v8, $5.000000000e-01  }
0x23e: {  	s17 =	sadd.s32 $0x100, s17;
	s18 =	sadd.s32 $0x10, s18;
	s16 =	sadd.s32 $0x20, s16;
	vm2 =	vmand vm2, vm4;
	v4 =	vadd.f32 v12, v11;
	v8 =	vld [tilespmem:s19+$0x0]  }
0x23f: {  	v10 =	vperm.xlane v0, v10  }
0x240: {  	v11 =	vand.u32 $0x10000, v1;
	s1 =	sor.u32 $0x310, s14  }
0x241: {  	vm4 =	vne.s32 v11, $0x0;
	vm5 =	vlt.f32 v7, $5.000000000e-01;
	s2 =	sshll.u32 s1, $0x3;
	v7 =	vadd.f32 v9, v10  }
0x242: {  	vm4 =	vmand vm4, vm5;
	s1 =	sor.u32 s2, s1  }
0x243: {  	v12 =	vld [tilespmem:s13+$0x1800];
	s1 =	sand.u32 $0x1C70, s1;
	v7 =	vsel vm4, v7, v8  }
0x244: {  	v9 =	vld [tilespmem:s13+$0x800];
	s1 =	sor.u32 s12, s1;
	[tilespmem:s19+$0x11000] =	vst v7  }
0x245: {  	v7 =	vld [tilespmem:s1+$0x8000]  }
0x246: {  	v10 =	vld [tilespmem:s1+$0xD000]  }
0x247: {  	v11 =	vld [tilespmem:s1+$0x4000]  }
0x248: {  	v8 =	vld [tilespmem:s13+$0x1000]  }
0x249: {  	v13 =	vld [tilespmem:s1+$0x0]  }
0x24a: {  	v1 =	vand.u32 $0x1000000, v1;
	v2 =	vsel vm0, v2, v6;
	v0 =	vperm.xlane v0, v7  }
0x24b: {  	vm0 =	vne.s32 v1, $0x0;
	[tilespmem:s13+$0x11000] =	vst v2;
	v1 =	vsel vm2, v4, v12  }
0x24c: {  	[tilespmem:s13+$0x12800] =	vst v1;
	v2 =	vsel vm1, v3, v9;
	vm1 =	vlt.f32 v10, $5.000000000e-01;
	v0 =	vadd.f32 v11, v0  }
0x24d: {  	[tilespmem:s13+$0x11800] =	vst v2;
	v3 =	vsel vm3, v5, v8;
	vm0 =	vmand vm0, vm1  }
0x24e: {  	[tilespmem:s13+$0x12000] =	vst v3;
	v0 =	vsel vm0, v0, v13  }
0x24f: {  	[tilespmem:s1+$0x11000] =	vst v0  }
0x250: {  	s21 =	sld [smem:$0x7FC];
	_ =	sdelay $0x1  }
0x251: {  	s20 =	simm.s32 $0x0;
	s22 =	simm.s32 $0x11000  }
0x252: {  	[hbm4b:s21+s20] =	stream.linear.scatter [tilespmem:s22], [sflag:$0x3], $0x2000, $0x38;
	[tilespmem:$0x15080] =	vst v63  }
0x253: {  	_ =	swait.ge [sflag:s0], $0x2000  }
0x254: {  	[sflag:s0] =	ssyncset.done $0x0  }
0x255: {  	[sflag:s0] =	ssyncadd.s32 $0xFFFFE000  }
0x256: {  	_ =	swait.ge [sflag:s29], $0x2000  }
0x257: {  	[sflag:s29] =	ssyncset.done $0x0  }
0x258: {  	[sflag:s29] =	ssyncadd.s32 $0xFFFFE000  }
0x259: {  	_ =	swait.ge [sflag:s29], $0x2000  }
0x25a: {  	[sflag:s29] =	ssyncset.done $0x0  }
0x25b: {  	[sflag:s29] =	ssyncadd.s32 $0xFFFFE000  }
0x25c: {  	_ =	swait.ge [sflag:s29], $0x2000  }
0x25d: {  	[sflag:s29] =	ssyncset.done $0x0  }
0x25e: {  	[sflag:s29] =	ssyncadd.s32 $0xFFFFE000  }
0x25f: {  	_ =	swait.ge [sflag:s29], $0x2000  }
0x260: {  	[sflag:s29] =	ssyncset.done $0x0  }
0x261: {  	[sflag:s29] =	ssyncadd.s32 $0xFFFFE000  }
0x262: {  	s23 =	sand.u32 $0x60, s20;
	_ =	swait.ge [sflag:s29], $0x800  }
0x263: {  	s24 =	sand.u32 $0x400, s20;
	s12 =	sand.u32 $0x380, s20;
	[sflag:s29] =	ssyncset.done $0x0  }
0x264: {  	s25 =	sor.u32 $0x10, s23;
	s13 =	sor.u32 s12, s24;
	[sflag:s29] =	ssyncadd.s32 $0xFFFFF800  }
0x265: {  	s15 =	sor.u32 s25, s13;
	v0 =	vld [tilespmem:$0x15000]  }
0x266: {  	s16 =	sor.u32 $0xC800, s13;
	v2 =	vld [tilespmem:s15+$0xF000]  }
0x267: {  	s14 =	sor.u32 s25, s16;
	v3 =	vld [tilespmem:s15+$0xA000]  }
0x268: {  	v1 =	vld [tilespmem:s14+$0x0]  }
0x269: {  	v4 =	vld [tilespmem:s15+$0x6000];
	_ =	sdelay $0x1  }
0x26a: {  	s13 =	sor.u32 s23, s13;
	v5 =	vld [tilespmem:s15+$0x2000]  }
0x26b: {  	v6 =	vld [tilespmem:s13+$0xA000];
	s14 =	sand.u32 $0xE0, s20;
	v3 =	vperm.xlane v0, v3  }
0x26c: {  	v8 =	vld [tilespmem:s13+$0xA800];
	s1 =	sor.u32 $0x110, s14;
	v7 =	vand.u32 $0x1, v1  }
0x26d: {  	v11 =	vld [tilespmem:s13+$0x6000];
	s17 =	sshll.u32 s1, $0x3;
	vm0 =	vlt.f32 v2, $5.000000000e-01;
	vm1 =	veq.s32 v7, $0x1;
	v3 =	vadd.f32 v4, v3  }
0x26e: {  	v60 =	vld [tilespmem:s13+$0xF800];
	s1 =	sor.u32 s17, s1;
	vm0 =	vmand vm0, vm1  }
0x26f: {  	v15 =	vld [tilespmem:s13+$0x6800];
	s1 =	sand.u32 $0xC70, s1;
	v3 =	vsel vm0, v3, v5  }
0x270: {  	v2 =	vld [tilespmem:s13+$0xB000];
	s1 =	sor.u32 s12, s1;
	[tilespmem:s15+$0x13000] =	vst v3  }
0x271: {  	v3 =	vld [tilespmem:s1+$0xA000]  }
0x272: {  	v9 =	vld [tilespmem:s1+$0xF000]  }
0x273: {  	s2 =	sor.u32 s23, s16;
	v10 =	vld [tilespmem:s1+$0x6000]  }
0x274: {  	v7 =	vld [tilespmem:s2+$0x0]  }
0x275: {  	v59 =	vld [tilespmem:s1+$0x2000]  }
0x276: {  	v4 =	vld [tilespmem:s13+$0xB800];
	v3 =	vperm.xlane v0, v3  }
0x277: {  	s28 =	sor.u32 $0x210, s14;
	v14 =	vand.u32 $0x100, v1;
	v6 =	vperm.xlane v0, v6;
	v8 =	vperm.xlane v0, v8;
	v5 =	vld [tilespmem:s13+$0xF000]  }
0x278: {  	v63 =	vld [tilespmem:s13+$0x10800];
	s30 =	sshll.u32 s28, $0x3;
	vm0 =	vne.s32 v14, $0x0;
	vm1 =	vlt.f32 v9, $5.000000000e-01;
	v3 =	vadd.f32 v10, v3  }
0x279: {  	s2 =	sor.u32 s30, s28;
	v16 =	vperm.xlane v0, v2;
	v61 =	vand.u32 $0x1, v7;
	v9 =	vld [tilespmem:s13+$0x10000];
	vm0 =	vmand vm0, vm1  }
0x27a: {  	v17 =	vld [tilespmem:s13+$0x7800];
	s2 =	sand.u32 $0x1470, s2;
	v2 =	vand.u32 $0x1000000, v7;
	v10 =	vand.u32 $0x100, v7;
	v3 =	vsel vm0, v3, v59  }
0x27b: {  	v62 =	vld [tilespmem:s13+$0x7000];
	s19 =	sor.u32 s12, s2;
	vm2 =	veq.s32 v61, $0x1;
	vm1 =	vne.s32 v10, $0x0;
	v10 =	vand.u32 $0x10000, v7;
	[tilespmem:s1+$0x13000] =	vst v3  }
0x27c: {  	v4 =	vperm.xlane v0, v4;
	vm3 =	vne.s32 v10, $0x0;
	vm0 =	vlt.f32 v5, $5.000000000e-01;
	v10 =	vld [tilespmem:s19+$0xA000]  }
0x27d: {  	vm4 =	vne.s32 v2, $0x0;
	vm0 =	vmand vm0, vm2;
	vm2 =	vlt.f32 v60, $5.000000000e-01;
	v7 =	vld [tilespmem:s19+$0xF000]  }
0x27e: {  	v2 =	vadd.f32 v11, v6;
	vm1 =	vmand vm1, vm2;
	vm2 =	vlt.f32 v9, $5.000000000e-01;
	v9 =	vld [tilespmem:s19+$0x6000]  }
0x27f: {  	s18 =	simm.s32 $0x10;
	v6 =	vld [tilespmem:s13+$0x2000];
	v4 =	vadd.f32 v17, v4;
	vm3 =	vmand vm3, vm2;
	vm2 =	vlt.f32 v63, $5.000000000e-01  }
0x280: {  	s16 =	simm.s32 $0x20;
	s17 =	simm.s32 $0x100;
	s15 =	simm.s32 $0x0;
	v5 =	vadd.f32 v62, v16;
	v3 =	vadd.f32 v15, v8;
	v8 =	vld [tilespmem:s19+$0x2000];
	vm2 =	vmand vm4, vm2  }
.LBB2_14:
0x281: {  	s1 =	sand.u32 $0x60, s16;
	s2 =	sand.u32 $0x400, s17;
	s21 =	sand.u32 $0x380, s18;
	v11 =	vld [tilespmem:s13+$0x2800];
	v10 =	vperm.xlane v0, v10  }
0x282: {  	v13 =	vand.u32 $0x10000, v1;
	s14 =	sor.u32 $0x310, s14;
	s2 =	sor.u32 s21, s2;
	s22 =	sor.u32 $0x10, s1;
	v12 =	vld [tilespmem:s13+$0x3000]  }
0x283: {  	vm4 =	vne.s32 v13, $0x0;
	vm5 =	vlt.f32 v7, $5.000000000e-01;
	s24 =	sshll.u32 s14, $0x3;
	s23 =	sor.u32 s1, s2;
	s20 =	sor.u32 s22, s2;
	v14 =	vld [tilespmem:s13+$0x3800];
	v7 =	vadd.f32 v9, v10  }
0x284: {  	s2 =	sor.u32 $0xC800, s2;
	s14 =	sor.u32 s24, s14;
	v9 =	vld [tilespmem:s20+$0xF000];
	v2 =	vsel vm0, v2, v6;
	vm0 =	vmand vm4, vm5  }
0x285: {  	s15 =	sadd.s32 $0x2, s15;
	s22 =	sor.u32 s22, s2;
	s14 =	sand.u32 $0x1C70, s14;
	v6 =	vld [tilespmem:s20+$0xA000];
	[tilespmem:s13+$0x13000] =	vst v2;
	v2 =	vsel vm0, v7, v8  }
0x286: {  	p0 =	slt.u32 s15, $0x7E;
	s1 =	sor.u32 s1, s2;
	s2 =	sor.u32 s12, s14;
	v7 =	vld [tilespmem:s22+$0x0];
	v3 =	vsel vm1, v3, v11;
	[tilespmem:s19+$0x13000] =	vst v2  }
0x287: {  	s12 =	smov.u32 s21;
	[tilespmem:s13+$0x13800] =	vst v3;
	v2 =	vsel vm3, v5, v12;
	v3 =	vld [tilespmem:s2+$0xA000]  }
0x288: {  	[tilespmem:s13+$0x14000] =	vst v2;
	v2 =	vsel vm2, v4, v14;
	v4 =	vld [tilespmem:s2+$0xF000]  }
0x289: {  	[tilespmem:s13+$0x14800] =	vst v2;
	v2 =	vld [tilespmem:s2+$0x6000];
	s13 =	smov.u32 s23  }
0x28a: {  	v5 =	vld [tilespmem:s20+$0x6000]  }
0x28b: {  	v8 =	vld [tilespmem:s2+$0x2000]  }
0x28c: {  	vm0 =	vlt.f32 v9, $5.000000000e-01;
	v9 =	vld [tilespmem:s20+$0x2000];
	v3 =	vperm.xlane v0, v3  }
0x28d: {  	s14 =	sand.u32 $0xE0, s16;
	v12 =	vand.u32 $0x1000000, v1;
	v6 =	vperm.xlane v0, v6;
	v11 =	vand.u32 $0x1, v7;
	v1 =	vmovc v7;
	v10 =	vld [tilespmem:s13+$0xA000]  }
0x28e: {  	s19 =	sor.u32 $0x110, s14;
	vm1 =	vne.s32 v12, $0x0;
	vm2 =	vlt.f32 v4, $5.000000000e-01;
	v7 =	vld [tilespmem:s13+$0xA800];
	v2 =	vadd.f32 v2, v3  }
0x28f: {  	s21 =	sshll.u32 s19, $0x3;
	vm3 =	veq.s32 v11, $0x1;
	vm1 =	vmand vm1, vm2;
	v3 =	vld [tilespmem:s13+$0xB000];
	v4 =	vadd.f32 v5, v6  }
0x290: {  	s19 =	sor.u32 s21, s19;
	vm0 =	vmand vm0, vm3;
	v5 =	vld [tilespmem:s13+$0xB800];
	v2 =	vsel vm1, v2, v8  }
0x291: {  	v6 =	vld [tilespmem:s1+$0x0];
	v4 =	vsel vm0, v4, v9;
	s1 =	sand.u32 $0xC70, s19;
	[tilespmem:s2+$0x13000] =	vst v2  }
0x292: {  	v2 =	vld [tilespmem:s13+$0xF000];
	v8 =	vperm.xlane v0, v10;
	[tilespmem:s20+$0x13000] =	vst v4;
	s1 =	sor.u32 s12, s1  }
0x293: {  	v4 =	vperm.xlane v0, v7;
	v7 =	vld [tilespmem:s1+$0xA000]  }
0x294: {  	v9 =	vperm.xlane v0, v3;
	v3 =	vld [tilespmem:s1+$0xF000]  }
0x295: {  	v11 =	vperm.xlane v0, v5;
	v5 =	vld [tilespmem:s1+$0x6000]  }
0x296: {  	v10 =	vand.u32 $0x1, v6;
	v12 =	vld [tilespmem:s13+$0x6000];
	v13 =	vand.u32 $0x100, v6;
	v14 =	vand.u32 $0x10000, v6  }
0x297: {  	v6 =	vand.u32 $0x1000000, v6;
	vm0 =	veq.s32 v10, $0x1;
	vm1 =	vne.s32 v13, $0x0;
	v10 =	vld [tilespmem:s1+$0x2000]  }
0x298: {  	vm3 =	vne.s32 v14, $0x0;
	vm2 =	vne.s32 v6, $0x0;
	v13 =	vld [tilespmem:s13+$0xF800];
	v6 =	vperm.xlane v0, v7  }
0x299: {  	s2 =	sor.u32 $0x210, s14;
	vm4 =	vlt.f32 v2, $5.000000000e-01;
	v2 =	vand.u32 $0x100, v1;
	v7 =	vld [tilespmem:s13+$0x6800]  }
0x29a: {  	s19 =	sshll.u32 s2, $0x3;
	vm5 =	vne.s32 v2, $0x0;
	vm6 =	vlt.f32 v3, $5.000000000e-01;
	v14 =	vld [tilespmem:s13+$0x10000];
	v3 =	vadd.f32 v5, v6  }
0x29b: {  	s2 =	sor.u32 s19, s2;
	vm0 =	vmand vm4, vm0;
	vm4 =	vmand vm5, vm6;
	v2 =	vadd.f32 v12, v8;
	v5 =	vld [tilespmem:s13+$0x7000]  }
0x29c: {  	s2 =	sand.u32 $0x1470, s2;
	v8 =	vld [tilespmem:s13+$0x10800];
	v3 =	vsel vm4, v3, v10  }
0x29d: {  	s19 =	sor.u32 s12, s2;
	vm4 =	vlt.f32 v13, $5.000000000e-01;
	v12 =	vld [tilespmem:s13+$0x7800];
	[tilespmem:s1+$0x13000] =	vst v3  }
.Ltmp6:
0x29e: {  	vm1 =	vmand vm1, vm4;
	v3 =	vadd.f32 v7, v4;
	v10 =	vld [tilespmem:s19+$0xA000];
	(pc) =	sbr.rel @p0 .LBB2_14-.Ltmp6, $4  }
0x29f: {  	vm4 =	vlt.f32 v14, $5.000000000e-01;
	v7 =	vld [tilespmem:s19+$0xF000]  }
0x2a0: {  	vm3 =	vmand vm3, vm4;
	v5 =	vadd.f32 v5, v9;
	v9 =	vld [tilespmem:s19+$0x6000]  }
0x2a1: {  	v6 =	vld [tilespmem:s13+$0x2000];
	vm4 =	vlt.f32 v8, $5.000000000e-01  }
0x2a2: {  	s17 =	sadd.s32 $0x100, s17;
	s18 =	sadd.s32 $0x10, s18;
	s16 =	sadd.s32 $0x20, s16;
	vm2 =	vmand vm2, vm4;
	v4 =	vadd.f32 v12, v11;
	v8 =	vld [tilespmem:s19+$0x2000]  }
0x2a3: {  	v10 =	vperm.xlane v0, v10  }
0x2a4: {  	v11 =	vand.u32 $0x10000, v1;
	s1 =	sor.u32 $0x310, s14  }
0x2a5: {  	vm4 =	vne.s32 v11, $0x0;
	vm5 =	vlt.f32 v7, $5.000000000e-01;
	s2 =	sshll.u32 s1, $0x3;
	v54 =	vadd.f32 v9, v10  }
0x2a6: {  	vm4 =	vmand vm4, vm5;
	s1 =	sor.u32 s2, s1  }
0x2a7: {  	v55 =	vld [tilespmem:s13+$0x2800];
	s1 =	sand.u32 $0x1C70, s1;
	v7 =	vsel vm4, v54, v8  }
0x2a8: {  	v56 =	vld [tilespmem:s13+$0x3000];
	s1 =	sor.u32 s12, s1;
	[tilespmem:s19+$0x13000] =	vst v7  }
0x2a9: {  	v7 =	vld [tilespmem:s1+$0xA000]  }
0x2aa: {  	v57 =	vld [tilespmem:s1+$0xF000]  }
0x2ab: {  	v58 =	vld [tilespmem:s1+$0x6000]  }
0x2ac: {  	v12 =	vld [tilespmem:s13+$0x3800]  }
0x2ad: {  	v13 =	vld [tilespmem:s1+$0x2000]  }
0x2ae: {  	v62 =	vand.u32 $0x1000000, v1;
	v2 =	vsel vm0, v2, v6;
	v59 =	vperm.xlane v0, v7  }
0x2af: {  	vm14 =	vne.s32 v62, $0x0;
	[tilespmem:s13+$0x13000] =	vst v2;
	v60 =	vsel vm1, v3, v55  }
0x2b0: {  	v61 =	vsel vm3, v5, v56;
	[tilespmem:s13+$0x13800] =	vst v60;
	vm15 =	vlt.f32 v57, $5.000000000e-01;
	v0 =	vadd.f32 v58, v59  }
0x2b1: {  	v63 =	vsel vm2, v4, v12;
	[tilespmem:s13+$0x14000] =	vst v61;
	vm0 =	vmand vm14, vm15  }
0x2b2: {  	[tilespmem:s13+$0x14800] =	vst v63;
	v0 =	vsel vm0, v0, v13  }
0x2b3: {  	[tilespmem:s1+$0x13000] =	vst v0  }
0x2b4: {  	s1 =	sld [smem:$0x7FD];
	_ =	sdelay $0x1  }
0x2b5: {  	s25 =	simm.s32 $0x13000  }
0x2b6: {  	[hbm4b:s1+s7] =	stream.linear.scatter [tilespmem:s25], [sflag:$0x4], $0x2000, $0x38;
	[tilespmem:$0x15080] =	vst v63  }
0x2b7: {  	_ =	swait.ge [sflag:s31], $0x2000  }
0x2b8: {  	[sflag:s31] =	ssyncset.done $0x0  }
0x2b9: {  	[sflag:s31] =	ssyncadd.s32 $0xFFFFE000  }
0x2ba: {  	_ =	swait.ge [sflag:s0], $0x2000  }
0x2bb: {  	s28 =	sld [smem:$0x7FA]  }
0x2bc: {  	s30 =	sld [smem:$0x7FB];
	_ =	sdelay $0x1  }
0x2bd: {  	s2 =	sadd.s32 $0x1, s28  }
0x2be: {  	p0 =	sne.s32 s2, s30  }
.Ltmp7:
0x2bf: {  	_ = 	snop;
	(pc) =	sbr.rel @p0 .LBB2_1-.Ltmp7, $3  }
0x2c0: {  	_ =	sdelay $0x1  }
0x2c1: {  	[sflag:s0] =	ssyncset.done $0x0  }
0x2c2: {  	[sflag:s0] =	ssyncadd.s32 $0xFFFFE000  }
0x2c3: {  	_ =	sfence.sel $0x180000  }
0x2c4: {  	[bflag:$0x0] =	sbarrier.arrive $0xFFFF  }
0x2c5: {  	_ =	strace $0x90000047  }
0x2c6: {  	s0 =	stileid.u32;
	[bflag:$0x2] =	sbarrier.arrive $0xFFFF  }
0x2c7: {  	p0 =	sne.s32 s0, $0x0;
	s0 =	rddreg [dreg:$0x6]  }
0x2c8: {  	s0 =	sadd.s32 @!p0 $0x100000, s0  }
0x2c9: {  	[sflag:s0] =	ssyncadd.tile.s32 @!p0 $0x1;
	_ =	shalt  }
.Lfunc_end2:
_tile_overlayer_lowered:
.L_overlay_start_2:
0x2ca: {  	(tag) =	ssettag $0x2  }
0x2cb: {  	s0 =	rddreg [dreg:$0x0];
	s2 =	stileid.u32  }
0x2cc: {  	s1 =	rddreg [dreg:$0x1];
	p0 =	sne.s32 s2, $0x0  }
0x2cd: {  	s3 =	rddreg [dreg:$0x2];
	[bflag:$0x3] =	sbarrier.arrive $0xFFFF;
	s2 =	simm.s32 @!p0 $0x1C05  }
0x2ce: {  	[timem:s3], [sflag:s2] =	dma.local @!p0 [hbm:s0], s1  }
0x2cf: {  	s0 =	simm.s32 @!p0 $0x5  }
0x2d0: {  	_ =	swait.ge @!p0 [sflag:s0], s1  }
0x2d1: {  	s1 =	ssub.s32 @!p0 $0x0, s1;
	[sflag:s0] =	ssyncset.done @!p0 $0x0  }
0x2d2: {  	[sflag:s0] =	ssyncadd.s32 @!p0 s1  }
0x2d3: {  	[bflag:$0x3] =	sbarrier.arrive $0xFFFF  }
0x2d4: {  	_ =	shalt  }

</sc_bundles>
